<compile_context>
chip_gen: v7x
topology: tpu7x:2x2x1
jax: 0.10.2.dev20260603
libtpu: 0.0.44.dev20260713+nightly
codegen_flags: <defaults>
</compile_context>

<pallas_src>
import functools

import jax
import jax.numpy as jnp
from jax import lax
from jax.experimental import pallas as pl
from jax.experimental.pallas import tpu as pltpu
from jax.experimental.pallas import tpu_sc as plsc

NN = 100000
NE = 3200000
NB = 8
L = 16
EQ = NE // 4
BLK = 1600
NBLK = EQ // BLK
C = 128
CAP = 1760
NQ = NN // 4

_mesh = plsc.VectorSubcoreMesh(core_axis_name="c", subcore_axis_name="s")


@functools.partial(
    pl.kernel,
    out_type=(jax.ShapeDtypeStruct((NB * NN,), jnp.float32),
              jax.ShapeDtypeStruct((4 * NB * NN,), jnp.float32)),
    mesh=_mesh,
    scratch_types=[
        pltpu.VMEM((NN,), jnp.float32),
        pltpu.VMEM((2 * BLK,), jnp.int32),
        pltpu.VMEM((2 * BLK,), jnp.int32),
        pltpu.VMEM((2 * BLK,), jnp.int32),
        pltpu.VMEM((2 * BLK,), jnp.float32),
        pltpu.VMEM((CAP,), jnp.int32),
        pltpu.VMEM((CAP,), jnp.int32),
        pltpu.VMEM((CAP,), jnp.float32),
        pltpu.VMEM((C,), jnp.float32),
        pltpu.VMEM((BLK,), jnp.float32),
        pltpu.VMEM((4 * BLK,), jnp.float32),
        pltpu.VMEM((L,), jnp.int32),
        pltpu.SemaphoreType.DMA,
        pltpu.SemaphoreType.DMA,
    ],
    compiler_params=pltpu.CompilerParams(needs_layout_passes=False),
)
def _sc_traverse(hflat, heads_h, tails_h, types_h, wts_h, r16_h,
                 out_h, part_h,
                 acc, hb, tb, yb, wb, hix, ctl, cw, hv, ob, cb, rb,
                 sem0, sem1):
    c = lax.axis_index("c")
    s = lax.axis_index("s")
    bb = s // 4
    q = s % 4
    b = c * 4 + bb

    def zero(i, _):
        acc[pl.ds(i * L, L)] = jnp.zeros((L,), jnp.float32)
        return 0
    lax.fori_loop(0, NN // L, zero, 0)

    pltpu.sync_copy(r16_h.at[pl.ds(b * L, L)], rb)
    iot = lax.iota(jnp.int32, L)
    rsp = rb[...]
    bsp = jnp.full((L,), b * NN, jnp.int32)

    def process_chunk(base):
        pltpu.sync_copy(hflat.at[hix.at[pl.ds(base, C)]], hv)
        for j in range(C // L):
            t16 = ctl[pl.ds(base + j * L, L)]
            val = cw[pl.ds(base + j * L, L)] * hv[pl.ds(j * L, L)]
            chk = plsc.load_gather(acc, [t16])

            def rmw(ck):
                need = ck < val
                plsc.store_scatter(acc, [t16], jnp.maximum(ck, val),
                                   mask=need)
                return plsc.load_gather(acc, [t16])

            lax.while_loop(lambda ck: jnp.any(ck < val), rmw, chk)

    srcs = (heads_h, tails_h, types_h, wts_h)
    bufs = (hb, tb, yb, wb)

    def fire(k, boffset, sm):
        off = q * EQ + k * BLK
        for src, buf in zip(srcs, bufs):
            pltpu.async_copy(src.at[pl.ds(off, BLK)],
                             buf.at[pl.ds(boffset, BLK)], sm)

    def drain(sm):
        for src, buf in zip(srcs, bufs):
            pltpu.make_async_copy(src.at[pl.ds(0, BLK)],
                                  buf.at[pl.ds(0, BLK)], sm).wait()

    fire(0, 0, sem0)

    def block(k, fill):
        sl = k % 2
        o2 = sl * BLK

        @pl.when((k + 1 < NBLK) & (sl == 0))
        def _():
            fire(k + 1, BLK, sem1)

        @pl.when((k + 1 < NBLK) & (sl == 1))
        def _():
            fire(k + 1, 0, sem0)

        @pl.when(sl == 0)
        def _():
            drain(sem0)

        @pl.when(sl == 1)
        def _():
            drain(sem1)

        def one(base, fl):
            m = yb[pl.ds(base, L)] == rsp
            csum = plsc.cumsum(m.astype(jnp.int32))
            pos = jnp.full((L,), fl, jnp.int32) + csum - 1
            plsc.store_scatter(hix, [pos], hb[pl.ds(base, L)] + bsp, mask=m)
            plsc.store_scatter(ctl, [pos], tb[pl.ds(base, L)], mask=m)
            plsc.store_scatter(cw, [pos], wb[pl.ds(base, L)], mask=m)
            return fl + plsc.all_reduce_population_count(m)[0]

        def grp(g, fl):
            base = o2 + g * (2 * L)
            return one(base + L, one(base, fl))

        fill = lax.fori_loop(0, BLK // (2 * L), grp, fill)

        nch = fill // C

        def ch(j, _):
            process_chunk(j * C)
            return 0
        lax.fori_loop(0, nch, ch, 0)

        rem = fill - nch * C

        def mv(i, _):
            so = nch * C + i * L
            v = hix[pl.ds(so, L)]
            hix[pl.ds(i * L, L)] = v
            v = ctl[pl.ds(so, L)]
            ctl[pl.ds(i * L, L)] = v
            v = cw[pl.ds(so, L)]
            cw[pl.ds(i * L, L)] = v
            return 0
        lax.fori_loop(0, (rem + L - 1) // L, mv, 0)
        return rem

    fill = lax.fori_loop(0, NBLK, block, jnp.int32(0))

    fsp = jnp.full((L,), fill, jnp.int32)
    for i in range(C // L):
        lane = jnp.full((L,), i * L, jnp.int32) + iot
        pad = lane >= fsp
        hix[pl.ds(i * L, L)] = jnp.where(pad, bsp, hix[pl.ds(i * L, L)])
        ctl[pl.ds(i * L, L)] = jnp.where(pad, 0, ctl[pl.ds(i * L, L)])
        cw[pl.ds(i * L, L)] = jnp.where(pad, 0.0, cw[pl.ds(i * L, L)])
    process_chunk(0)

    pltpu.sync_copy(acc, part_h.at[pl.ds((b * 4 + q) * NN, NN)])
    plsc.subcore_barrier()

    node0 = q * NQ
    for st, sz in [(i * BLK, BLK) for i in range(15)] + [(15 * BLK, 1000)]:
        for c4 in range(4):
            pltpu.sync_copy(
                part_h.at[pl.ds((b * 4 + c4) * NN + node0 + st, sz)],
                cb.at[pl.ds(c4 * BLK, sz)])

        def cmb(i, _):
            o = i * L
            v = jnp.maximum(
                jnp.maximum(cb[pl.ds(o, L)], cb[pl.ds(BLK + o, L)]),
                jnp.maximum(cb[pl.ds(2 * BLK + o, L)],
                            cb[pl.ds(3 * BLK + o, L)]))
            ob[pl.ds(o, L)] = v
            return 0
        lax.fori_loop(0, sz // L, cmb, 0)
        if sz % L:
            o = sz - L
            v = jnp.maximum(
                jnp.maximum(cb[pl.ds(o, L)], cb[pl.ds(BLK + o, L)]),
                jnp.maximum(cb[pl.ds(2 * BLK + o, L)],
                            cb[pl.ds(3 * BLK + o, L)]))
            ob[pl.ds(o, L)] = v
        pltpu.sync_copy(ob.at[pl.ds(0, sz)],
                        out_h.at[pl.ds(b * NN + node0 + st, sz)])


def kernel(h_prob, edge_weight, edge_index, edge_type, r_index):
    hflat = h_prob.reshape(-1)
    heads = edge_index[0]
    tails = edge_index[1]
    r16 = jnp.repeat(r_index.astype(jnp.int32), L)
    out, _ = _sc_traverse(hflat, heads, tails, edge_type, edge_weight, r16)
    return out.reshape(NB, NN)

# --- scband reference (transcript-rebuilt; emitter-appended) ---
"""Pipeline reference for scband-symbolic-traversal-8443905704284 (READ-ONLY COPY).

The authoritative reference and input builder live on the scoring server;
editing this copy changes nothing except your own understanding.
"""

import jax, jax.numpy as jnp
import numpy as np

N_NODES = 100000
N_EDGES = 3200000
N_REL = 64
BATCH = 8


def setup_inputs(seed: int = 0):
    key = jax.random.key(seed)
    k1, k2, k3, k4, k5 = jax.random.split(key, 5)
    h_prob = jax.random.uniform(k1, (BATCH, N_NODES), dtype=jnp.float32)
    edge_weight = jax.random.uniform(k2, (N_EDGES,), dtype=jnp.float32)
    edge_index = jax.random.randint(k3, (2, N_EDGES), 0, N_NODES, dtype=jnp.int32)
    edge_type = jax.random.randint(k4, (N_EDGES,), 0, N_REL, dtype=jnp.int32)
    r_index = jax.random.randint(k5, (BATCH,), 0, N_REL, dtype=jnp.int32)
    return {
        "h_prob": h_prob,
        "edge_weight": edge_weight,
        "edge_index": edge_index,
        "edge_type": edge_type,
        "r_index": r_index,
    }


def reference(h_prob, edge_weight, edge_index, edge_type, r_index):
    # Symbolic traversal: for each batch query b with relation r_index[b],
    # select edges whose relation matches, build adjacency A[h, t] = w,
    # then t_prob[b, t] = max over matching edges (h -> t) of w * h_prob[b, h],
    # clamped to min 0 (max-product semiring spmm, as in generalized_spmm(sum='max')).
    heads = edge_index[0]
    tails = edge_index[1]
    num_nodes = h_prob.shape[1]

    def per_batch(hp, r):
        mask = (edge_type == r)
        msg = edge_weight * jnp.take(hp, heads)  # gather over head nodes
        vals = jnp.where(mask, msg, -jnp.inf)    # edges not matching relation r are identity for max
        t = jax.ops.segment_max(vals, tails, num_segments=num_nodes)  # scatter-max over tail nodes
        return jnp.clip(t, 0.0, None)            # clamp(min=0); also zeroes empty segments (-inf)

    t_prob = jax.vmap(per_batch, in_axes=(0, 0))(h_prob, r_index)
    return t_prob

if __name__ == "__main__":
    import jax
    _d = setup_inputs()
    print(jax.jit(kernel)(*tuple(_d.values())))

</pallas_src>

<mosaic_0001>
#map = affine_map<(d0, d1) -> (0)>
module attributes {stable_mosaic.version = 14 : i64} {
  func.func @_sc_traverse(%arg0: i32, %arg1: i32, %arg2: memref<800000xf32, #tpu.memory_space<hbm>>, %arg3: memref<3200000xi32, #tpu.memory_space<hbm>>, %arg4: memref<3200000xi32, #tpu.memory_space<hbm>>, %arg5: memref<3200000xi32, #tpu.memory_space<hbm>>, %arg6: memref<3200000xf32, #tpu.memory_space<hbm>>, %arg7: memref<128xi32, #tpu.memory_space<hbm>>, %arg8: memref<800000xf32, #tpu.memory_space<hbm>>, %arg9: memref<3200000xf32, #tpu.memory_space<hbm>>, %arg10: memref<100000xf32, #tpu.memory_space<vmem>>, %arg11: memref<3200xi32, #tpu.memory_space<vmem>>, %arg12: memref<3200xi32, #tpu.memory_space<vmem>>, %arg13: memref<3200xi32, #tpu.memory_space<vmem>>, %arg14: memref<3200xf32, #tpu.memory_space<vmem>>, %arg15: memref<1760xi32, #tpu.memory_space<vmem>>, %arg16: memref<1760xi32, #tpu.memory_space<vmem>>, %arg17: memref<1760xf32, #tpu.memory_space<vmem>>, %arg18: memref<128xf32, #tpu.memory_space<vmem>>, %arg19: memref<1600xf32, #tpu.memory_space<vmem>>, %arg20: memref<6400xf32, #tpu.memory_space<vmem>>, %arg21: memref<16xi32, #tpu.memory_space<vmem>>, %arg22: memref<!tpu.dma_semaphore, #tpu.memory_space<semaphore_mem>>, %arg23: memref<!tpu.dma_semaphore, #tpu.memory_space<semaphore_mem>>) attributes {dimension_semantics = [#tpu.dimension_semantics<core_parallel>, #tpu.dimension_semantics<subcore_parallel>], iteration_bounds = array<i64: 2, 16>, scalar_prefetch = 0 : i64, scratch_operands = 14 : i64, tpu.core_type = #tpu.core_type<sc_vector_subcore>, window_params = [{transform_indices = #map}, {transform_indices = #map}, {transform_indices = #map}, {transform_indices = #map}, {transform_indices = #map}, {transform_indices = #map}, {transform_indices = #map}, {transform_indices = #map}]} {
    %jit3A = arith.constant 4 : i32
    %div3A = arith.divsi %arg1, %jit3A : i32
    %sign3A = arith.constant 0 : i32
    %sign3A_0 = arith.cmpi sgt, %arg1, %sign3A : i32
    %sign3A_1 = arith.extui %sign3A_0 : i1 to i32
    %sign3A_2 = arith.constant 0 : i32
    %sign3A_3 = arith.cmpi slt, %arg1, %sign3A_2 : i32
    %sign3A_4 = arith.extui %sign3A_3 : i1 to i32
    %sign3A_5 = arith.subi %sign3A_1, %sign3A_4 : i32
    %sign3A_6 = arith.constant 0 : i32
    %sign3A_7 = arith.cmpi sgt, %jit3A, %sign3A_6 : i32
    %sign3A_8 = arith.extui %sign3A_7 : i1 to i32
    %sign3A_9 = arith.constant 0 : i32
    %sign3A_10 = arith.cmpi slt, %jit3A, %sign3A_9 : i32
    %sign3A_11 = arith.extui %sign3A_10 : i1 to i32
    %sign3A_12 = arith.subi %sign3A_8, %sign3A_11 : i32
    %ne3A = arith.cmpi ne, %sign3A_5, %sign3A_12 : i32
    %rem3A = arith.remsi %arg1, %jit3A : i32
    %ne3A_13 = arith.constant 0 : i32
    %ne3A_14 = arith.cmpi ne, %rem3A, %ne3A_13 : i32
    %and3A = arith.andi %ne3A, %ne3A_14 : i1
    %sub3A = arith.constant 1 : i32
    %sub3A_15 = arith.subi %div3A, %sub3A : i32
    %select_n3A = arith.select %and3A, %sub3A_15, %div3A : i32
    %jit3A_16 = arith.constant 4 : i32
    %eq3A = arith.constant 0 : i32
    %eq3A_17 = arith.cmpi eq, %jit3A_16, %eq3A : i32
    %jit3A_18 = arith.constant 1 : i32
    %select_n3A_19 = arith.select %eq3A_17, %jit3A_18, %jit3A_16 : i32
    %rem3A_20 = arith.remsi %arg1, %select_n3A_19 : i32
    %ne3A_21 = arith.constant 0 : i32
    %ne3A_22 = arith.cmpi ne, %rem3A_20, %ne3A_21 : i32
    %lt3A = arith.constant 0 : i32
    %lt3A_23 = arith.cmpi slt, %rem3A_20, %lt3A : i32
    %lt3A_24 = arith.constant 0 : i32
    %lt3A_25 = arith.cmpi slt, %select_n3A_19, %lt3A_24 : i32
    %ne3A_26 = arith.xori %lt3A_23, %lt3A_25 : i1
    %and3A_27 = arith.andi %ne3A_26, %ne3A_22 : i1
    %add3A = arith.addi %rem3A_20, %select_n3A_19 : i32
    %select_n3A_28 = arith.select %and3A_27, %add3A, %rem3A_20 : i32
    %mul3A = arith.constant 4 : i32
    %mul3A_29 = arith.muli %arg0, %mul3A : i32
    %add3A_30 = arith.addi %mul3A_29, %select_n3A : i32
    %scan3A = arith.constant 0 : i32
    %scan3A_31 = arith.constant 0 : i32
    %scan3A_32 = arith.constant 6250 : i32
    %scan3A_33 = arith.addi %scan3A_31, %scan3A_32 : i32
    %scan3A_34 = arith.constant 1 : i32
    %scan3A_35 = scf.for %scan3A_1116 = %scan3A_31 to %scan3A_33 step %scan3A_34 iter_args(%scan3A_1117 = %scan3A) -> (i32)  : i32 {
      %broadcast_in_dim3A_1118 = arith.constant 0.000000e+00 : f32
      %broadcast_in_dim3A_1119 = vector.broadcast %broadcast_in_dim3A_1118 : f32 to vector<16xf32>
      %mul3A_1120 = arith.constant 16 : i32
      %mul3A_1121 = arith.muli %scan3A_1116, %mul3A_1120 : i32
      %swap3A_1122 = arith.index_cast %mul3A_1121 : i32 to index
      %swap3A_1123 = tpu.vector_load %arg10[%swap3A_1122] {strides = array<i32>} : memref<100000xf32, #tpu.memory_space<vmem>>, vector<16xf32>,
      tpu.vector_store %arg10[%swap3A_1122], %broadcast_in_dim3A_1119 {strides = array<i32>} : memref<100000xf32, #tpu.memory_space<vmem>>, vector<16xf32>,
      %scan3A_1124 = arith.constant 0 : i32
      scf.yield %scan3A_1124 : i32
    }
    %scan3A_36 = arith.constant 6250 : i32
    %mul3A_37 = arith.constant 16 : i32
    %mul3A_38 = arith.muli %add3A_30, %mul3A_37 : i32
    "tpu.region"() ({
      %run_scoped3A = tpu.sem_alloc : memref<!tpu.dma_semaphore, #tpu.memory_space<semaphore_mem>>
      %dma_start3A_1116 = tpu.memref_slice %arg7[%mul3A_38] : memref<128xi32, #tpu.memory_space<hbm>> -> memref<16xi32, #tpu.memory_space<hbm>>
      %dma_start3A_1117 = tpu.memref_slice %arg7[%mul3A_38] : memref<128xi32, #tpu.memory_space<hbm>> -> memref<16xi32, #tpu.memory_space<hbm>>
      tpu.enqueue_dma source(%dma_start3A_1117 : memref<16xi32, #tpu.memory_space<hbm>>) target(%arg21 : memref<16xi32, #tpu.memory_space<vmem>>) target_semaphore(%run_scoped3A : memref<!tpu.dma_semaphore, #tpu.memory_space<semaphore_mem>>)
      %dma_wait3A = tpu.memref_slice %arg7[%mul3A_38] : memref<128xi32, #tpu.memory_space<hbm>> -> memref<16xi32, #tpu.memory_space<hbm>>
      %dma_wait3A_1118 = tpu.memref_slice %arg7[%mul3A_38] : memref<128xi32, #tpu.memory_space<hbm>> -> memref<16xi32, #tpu.memory_space<hbm>>
      tpu.wait_dma2 semaphore(%run_scoped3A : memref<!tpu.dma_semaphore, #tpu.memory_space<semaphore_mem>>) src(%dma_wait3A_1118 : memref<16xi32, #tpu.memory_space<hbm>>) dst(%arg21 : memref<16xi32, #tpu.memory_space<vmem>>)
      tpu.yield
    }) : () -> ()
    %iota3A = tpu.iota {dimensions = array<i32: 0>} : vector<16xi32>
    %get3A = arith.constant 0 : index
    %get3A_39 = tpu.vector_load %arg21[%get3A] {strides = array<i32>} : memref<16xi32, #tpu.memory_space<vmem>>, vector<16xi32>,
    %mul3A_40 = arith.constant 100000 : i32
    %mul3A_41 = arith.muli %add3A_30, %mul3A_40 : i32
    %broadcast_in_dim3A = vector.broadcast %mul3A_41 : i32 to vector<16xi32>
    %mul3A_42 = arith.constant 800000 : i32
    %mul3A_43 = arith.muli %select_n3A_28, %mul3A_42 : i32
    %add3A_44 = arith.constant 0 : i32
    %add3A_45 = arith.addi %mul3A_43, %add3A_44 : i32
    %dma_start3A = arith.constant 0 : i32
    %dma_start3A_46 = tpu.memref_slice %arg11[%dma_start3A] : memref<3200xi32, #tpu.memory_space<vmem>> -> memref<1600xi32, #tpu.memory_space<vmem>>
    %dma_start3A_47 = tpu.memref_slice %arg3[%add3A_45] : memref<3200000xi32, #tpu.memory_space<hbm>> -> memref<1600xi32, #tpu.memory_space<hbm>>
    %dma_start3A_48 = arith.constant 0 : i32
    %dma_start3A_49 = tpu.memref_slice %arg11[%dma_start3A_48] : memref<3200xi32, #tpu.memory_space<vmem>> -> memref<1600xi32, #tpu.memory_space<vmem>>
    %dma_start3A_50 = tpu.memref_slice %arg3[%add3A_45] : memref<3200000xi32, #tpu.memory_space<hbm>> -> memref<1600xi32, #tpu.memory_space<hbm>>
    tpu.enqueue_dma source(%dma_start3A_50 : memref<1600xi32, #tpu.memory_space<hbm>>) target(%dma_start3A_49 : memref<1600xi32, #tpu.memory_space<vmem>>) target_semaphore(%arg22 : memref<!tpu.dma_semaphore, #tpu.memory_space<semaphore_mem>>)
    %dma_start3A_51 = arith.constant 0 : i32
    %dma_start3A_52 = tpu.memref_slice %arg12[%dma_start3A_51] : memref<3200xi32, #tpu.memory_space<vmem>> -> memref<1600xi32, #tpu.memory_space<vmem>>
    %dma_start3A_53 = tpu.memref_slice %arg4[%add3A_45] : memref<3200000xi32, #tpu.memory_space<hbm>> -> memref<1600xi32, #tpu.memory_space<hbm>>
    %dma_start3A_54 = arith.constant 0 : i32
    %dma_start3A_55 = tpu.memref_slice %arg12[%dma_start3A_54] : memref<3200xi32, #tpu.memory_space<vmem>> -> memref<1600xi32, #tpu.memory_space<vmem>>
    %dma_start3A_56 = tpu.memref_slice %arg4[%add3A_45] : memref<3200000xi32, #tpu.memory_space<hbm>> -> memref<1600xi32, #tpu.memory_space<hbm>>
    tpu.enqueue_dma source(%dma_start3A_56 : memref<1600xi32, #tpu.memory_space<hbm>>) target(%dma_start3A_55 : memref<1600xi32, #tpu.memory_space<vmem>>) target_semaphore(%arg22 : memref<!tpu.dma_semaphore, #tpu.memory_space<semaphore_mem>>)
    %dma_start3A_57 = arith.constant 0 : i32
    %dma_start3A_58 = tpu.memref_slice %arg13[%dma_start3A_57] : memref<3200xi32, #tpu.memory_space<vmem>> -> memref<1600xi32, #tpu.memory_space<vmem>>
    %dma_start3A_59 = tpu.memref_slice %arg5[%add3A_45] : memref<3200000xi32, #tpu.memory_space<hbm>> -> memref<1600xi32, #tpu.memory_space<hbm>>
    %dma_start3A_60 = arith.constant 0 : i32
    %dma_start3A_61 = tpu.memref_slice %arg13[%dma_start3A_60] : memref<3200xi32, #tpu.memory_space<vmem>> -> memref<1600xi32, #tpu.memory_space<vmem>>
    %dma_start3A_62 = tpu.memref_slice %arg5[%add3A_45] : memref<3200000xi32, #tpu.memory_space<hbm>> -> memref<1600xi32, #tpu.memory_space<hbm>>
    tpu.enqueue_dma source(%dma_start3A_62 : memref<1600xi32, #tpu.memory_space<hbm>>) target(%dma_start3A_61 : memref<1600xi32, #tpu.memory_space<vmem>>) target_semaphore(%arg22 : memref<!tpu.dma_semaphore, #tpu.memory_space<semaphore_mem>>)
    %dma_start3A_63 = arith.constant 0 : i32
    %dma_start3A_64 = tpu.memref_slice %arg14[%dma_start3A_63] : memref<3200xf32, #tpu.memory_space<vmem>> -> memref<1600xf32, #tpu.memory_space<vmem>>
    %dma_start3A_65 = tpu.memref_slice %arg6[%add3A_45] : memref<3200000xf32, #tpu.memory_space<hbm>> -> memref<1600xf32, #tpu.memory_space<hbm>>
    %dma_start3A_66 = arith.constant 0 : i32
    %dma_start3A_67 = tpu.memref_slice %arg14[%dma_start3A_66] : memref<3200xf32, #tpu.memory_space<vmem>> -> memref<1600xf32, #tpu.memory_space<vmem>>
    %dma_start3A_68 = tpu.memref_slice %arg6[%add3A_45] : memref<3200000xf32, #tpu.memory_space<hbm>> -> memref<1600xf32, #tpu.memory_space<hbm>>
    tpu.enqueue_dma source(%dma_start3A_68 : memref<1600xf32, #tpu.memory_space<hbm>>) target(%dma_start3A_67 : memref<1600xf32, #tpu.memory_space<vmem>>) target_semaphore(%arg22 : memref<!tpu.dma_semaphore, #tpu.memory_space<semaphore_mem>>)
    %scan3A_69 = arith.constant 0 : i32
    %scan3A_70 = arith.constant 0 : i32
    %scan3A_71 = arith.constant 500 : i32
    %scan3A_72 = arith.addi %scan3A_70, %scan3A_71 : i32
    %scan3A_73 = arith.constant 1 : i32
    %scan3A_74 = scf.for %scan3A_1116 = %scan3A_70 to %scan3A_72 step %scan3A_73 iter_args(%scan3A_1117 = %scan3A_69) -> (i32)  : i32 {
      %jit3A_1118 = arith.constant 2 : i32
      %eq3A_1119 = arith.constant 0 : i32
      %eq3A_1120 = arith.cmpi eq, %jit3A_1118, %eq3A_1119 : i32
      %jit3A_1121 = arith.constant 1 : i32
      %select_n3A_1122 = arith.select %eq3A_1120, %jit3A_1121, %jit3A_1118 : i32
      %rem3A_1123 = arith.remsi %scan3A_1116, %select_n3A_1122 : i32
      %ne3A_1124 = arith.constant 0 : i32
      %ne3A_1125 = arith.cmpi ne, %rem3A_1123, %ne3A_1124 : i32
      %lt3A_1126 = arith.constant 0 : i32
      %lt3A_1127 = arith.cmpi slt, %rem3A_1123, %lt3A_1126 : i32
      %lt3A_1128 = arith.constant 0 : i32
      %lt3A_1129 = arith.cmpi slt, %select_n3A_1122, %lt3A_1128 : i32
      %ne3A_1130 = arith.xori %lt3A_1127, %lt3A_1129 : i1
      %and3A_1131 = arith.andi %ne3A_1130, %ne3A_1125 : i1
      %add3A_1132 = arith.addi %rem3A_1123, %select_n3A_1122 : i32
      %select_n3A_1133 = arith.select %and3A_1131, %add3A_1132, %rem3A_1123 : i32
      %mul3A_1134 = arith.constant 1600 : i32
      %mul3A_1135 = arith.muli %select_n3A_1133, %mul3A_1134 : i32
      %add3A_1136 = arith.constant 1 : i32
      %add3A_1137 = arith.addi %scan3A_1116, %add3A_1136 : i32
      %lt3A_1138 = arith.constant 500 : i32
      %lt3A_1139 = arith.cmpi slt, %add3A_1137, %lt3A_1138 : i32
      %eq3A_1140 = arith.constant 0 : i32
      %eq3A_1141 = arith.cmpi eq, %select_n3A_1133, %eq3A_1140 : i32
      %and3A_1142 = arith.andi %lt3A_1139, %eq3A_1141 : i1
      %convert_element_type3A = arith.extui %and3A_1142 : i1 to i32
      %cond3A = arith.constant 0 : i32
      %cond3A_1143 = arith.cmpi ne, %convert_element_type3A, %cond3A : i32
      scf.if %cond3A_1143 {
        %add3A_1249 = arith.constant 1 : i32
        %add3A_1250 = arith.addi %scan3A_1116, %add3A_1249 : i32
        %mul3A_1251 = arith.constant 800000 : i32
        %mul3A_1252 = arith.muli %select_n3A_28, %mul3A_1251 : i32
        %mul3A_1253 = arith.constant 1600 : i32
        %mul3A_1254 = arith.muli %add3A_1250, %mul3A_1253 : i32
        %add3A_1255 = arith.addi %mul3A_1252, %mul3A_1254 : i32
        %dma_start3A_1256 = arith.constant 1600 : i32
        %dma_start3A_1257 = tpu.memref_slice %arg11[%dma_start3A_1256] : memref<3200xi32, #tpu.memory_space<vmem>> -> memref<1600xi32, #tpu.memory_space<vmem>>
        %dma_start3A_1258 = tpu.memref_slice %arg3[%add3A_1255] : memref<3200000xi32, #tpu.memory_space<hbm>> -> memref<1600xi32, #tpu.memory_space<hbm>>
        %dma_start3A_1259 = arith.constant 1600 : i32
        %dma_start3A_1260 = tpu.memref_slice %arg11[%dma_start3A_1259] : memref<3200xi32, #tpu.memory_space<vmem>> -> memref<1600xi32, #tpu.memory_space<vmem>>
        %dma_start3A_1261 = tpu.memref_slice %arg3[%add3A_1255] : memref<3200000xi32, #tpu.memory_space<hbm>> -> memref<1600xi32, #tpu.memory_space<hbm>>
        tpu.enqueue_dma source(%dma_start3A_1261 : memref<1600xi32, #tpu.memory_space<hbm>>) target(%dma_start3A_1260 : memref<1600xi32, #tpu.memory_space<vmem>>) target_semaphore(%arg23 : memref<!tpu.dma_semaphore, #tpu.memory_space<semaphore_mem>>)
        %dma_start3A_1262 = arith.constant 1600 : i32
        %dma_start3A_1263 = tpu.memref_slice %arg12[%dma_start3A_1262] : memref<3200xi32, #tpu.memory_space<vmem>> -> memref<1600xi32, #tpu.memory_space<vmem>>
        %dma_start3A_1264 = tpu.memref_slice %arg4[%add3A_1255] : memref<3200000xi32, #tpu.memory_space<hbm>> -> memref<1600xi32, #tpu.memory_space<hbm>>
        %dma_start3A_1265 = arith.constant 1600 : i32
        %dma_start3A_1266 = tpu.memref_slice %arg12[%dma_start3A_1265] : memref<3200xi32, #tpu.memory_space<vmem>> -> memref<1600xi32, #tpu.memory_space<vmem>>
        %dma_start3A_1267 = tpu.memref_slice %arg4[%add3A_1255] : memref<3200000xi32, #tpu.memory_space<hbm>> -> memref<1600xi32, #tpu.memory_space<hbm>>
        tpu.enqueue_dma source(%dma_start3A_1267 : memref<1600xi32, #tpu.memory_space<hbm>>) target(%dma_start3A_1266 : memref<1600xi32, #tpu.memory_space<vmem>>) target_semaphore(%arg23 : memref<!tpu.dma_semaphore, #tpu.memory_space<semaphore_mem>>)
        %dma_start3A_1268 = arith.constant 1600 : i32
        %dma_start3A_1269 = tpu.memref_slice %arg13[%dma_start3A_1268] : memref<3200xi32, #tpu.memory_space<vmem>> -> memref<1600xi32, #tpu.memory_space<vmem>>
        %dma_start3A_1270 = tpu.memref_slice %arg5[%add3A_1255] : memref<3200000xi32, #tpu.memory_space<hbm>> -> memref<1600xi32, #tpu.memory_space<hbm>>
        %dma_start3A_1271 = arith.constant 1600 : i32
        %dma_start3A_1272 = tpu.memref_slice %arg13[%dma_start3A_1271] : memref<3200xi32, #tpu.memory_space<vmem>> -> memref<1600xi32, #tpu.memory_space<vmem>>
        %dma_start3A_1273 = tpu.memref_slice %arg5[%add3A_1255] : memref<3200000xi32, #tpu.memory_space<hbm>> -> memref<1600xi32, #tpu.memory_space<hbm>>
        tpu.enqueue_dma source(%dma_start3A_1273 : memref<1600xi32, #tpu.memory_space<hbm>>) target(%dma_start3A_1272 : memref<1600xi32, #tpu.memory_space<vmem>>) target_semaphore(%arg23 : memref<!tpu.dma_semaphore, #tpu.memory_space<semaphore_mem>>)
        %dma_start3A_1274 = arith.constant 1600 : i32
        %dma_start3A_1275 = tpu.memref_slice %arg14[%dma_start3A_1274] : memref<3200xf32, #tpu.memory_space<vmem>> -> memref<1600xf32, #tpu.memory_space<vmem>>
        %dma_start3A_1276 = tpu.memref_slice %arg6[%add3A_1255] : memref<3200000xf32, #tpu.memory_space<hbm>> -> memref<1600xf32, #tpu.memory_space<hbm>>
        %dma_start3A_1277 = arith.constant 1600 : i32
        %dma_start3A_1278 = tpu.memref_slice %arg14[%dma_start3A_1277] : memref<3200xf32, #tpu.memory_space<vmem>> -> memref<1600xf32, #tpu.memory_space<vmem>>
        %dma_start3A_1279 = tpu.memref_slice %arg6[%add3A_1255] : memref<3200000xf32, #tpu.memory_space<hbm>> -> memref<1600xf32, #tpu.memory_space<hbm>>
        tpu.enqueue_dma source(%dma_start3A_1279 : memref<1600xf32, #tpu.memory_space<hbm>>) target(%dma_start3A_1278 : memref<1600xf32, #tpu.memory_space<vmem>>) target_semaphore(%arg23 : memref<!tpu.dma_semaphore, #tpu.memory_space<semaphore_mem>>)
      } else {
      }
      %add3A_1144 = arith.constant 1 : i32
      %add3A_1145 = arith.addi %scan3A_1116, %add3A_1144 : i32
      %lt3A_1146 = arith.constant 500 : i32
      %lt3A_1147 = arith.cmpi slt, %add3A_1145, %lt3A_1146 : i32
      %eq3A_1148 = arith.constant 1 : i32
      %eq3A_1149 = arith.cmpi eq, %select_n3A_1133, %eq3A_1148 : i32
      %and3A_1150 = arith.andi %lt3A_1147, %eq3A_1149 : i1
      %convert_element_type3A_1151 = arith.extui %and3A_1150 : i1 to i32
      %cond3A_1152 = arith.constant 0 : i32
      %cond3A_1153 = arith.cmpi ne, %convert_element_type3A_1151, %cond3A_1152 : i32
      scf.if %cond3A_1153 {
        %add3A_1249 = arith.constant 1 : i32
        %add3A_1250 = arith.addi %scan3A_1116, %add3A_1249 : i32
        %mul3A_1251 = arith.constant 800000 : i32
        %mul3A_1252 = arith.muli %select_n3A_28, %mul3A_1251 : i32
        %mul3A_1253 = arith.constant 1600 : i32
        %mul3A_1254 = arith.muli %add3A_1250, %mul3A_1253 : i32
        %add3A_1255 = arith.addi %mul3A_1252, %mul3A_1254 : i32
        %dma_start3A_1256 = arith.constant 0 : i32
        %dma_start3A_1257 = tpu.memref_slice %arg11[%dma_start3A_1256] : memref<3200xi32, #tpu.memory_space<vmem>> -> memref<1600xi32, #tpu.memory_space<vmem>>
        %dma_start3A_1258 = tpu.memref_slice %arg3[%add3A_1255] : memref<3200000xi32, #tpu.memory_space<hbm>> -> memref<1600xi32, #tpu.memory_space<hbm>>
        %dma_start3A_1259 = arith.constant 0 : i32
        %dma_start3A_1260 = tpu.memref_slice %arg11[%dma_start3A_1259] : memref<3200xi32, #tpu.memory_space<vmem>> -> memref<1600xi32, #tpu.memory_space<vmem>>
        %dma_start3A_1261 = tpu.memref_slice %arg3[%add3A_1255] : memref<3200000xi32, #tpu.memory_space<hbm>> -> memref<1600xi32, #tpu.memory_space<hbm>>
        tpu.enqueue_dma source(%dma_start3A_1261 : memref<1600xi32, #tpu.memory_space<hbm>>) target(%dma_start3A_1260 : memref<1600xi32, #tpu.memory_space<vmem>>) target_semaphore(%arg22 : memref<!tpu.dma_semaphore, #tpu.memory_space<semaphore_mem>>)
        %dma_start3A_1262 = arith.constant 0 : i32
        %dma_start3A_1263 = tpu.memref_slice %arg12[%dma_start3A_1262] : memref<3200xi32, #tpu.memory_space<vmem>> -> memref<1600xi32, #tpu.memory_space<vmem>>
        %dma_start3A_1264 = tpu.memref_slice %arg4[%add3A_1255] : memref<3200000xi32, #tpu.memory_space<hbm>> -> memref<1600xi32, #tpu.memory_space<hbm>>
        %dma_start3A_1265 = arith.constant 0 : i32
        %dma_start3A_1266 = tpu.memref_slice %arg12[%dma_start3A_1265] : memref<3200xi32, #tpu.memory_space<vmem>> -> memref<1600xi32, #tpu.memory_space<vmem>>
        %dma_start3A_1267 = tpu.memref_slice %arg4[%add3A_1255] : memref<3200000xi32, #tpu.memory_space<hbm>> -> memref<1600xi32, #tpu.memory_space<hbm>>
        tpu.enqueue_dma source(%dma_start3A_1267 : memref<1600xi32, #tpu.memory_space<hbm>>) target(%dma_start3A_1266 : memref<1600xi32, #tpu.memory_space<vmem>>) target_semaphore(%arg22 : memref<!tpu.dma_semaphore, #tpu.memory_space<semaphore_mem>>)
        %dma_start3A_1268 = arith.constant 0 : i32
        %dma_start3A_1269 = tpu.memref_slice %arg13[%dma_start3A_1268] : memref<3200xi32, #tpu.memory_space<vmem>> -> memref<1600xi32, #tpu.memory_space<vmem>>
        %dma_start3A_1270 = tpu.memref_slice %arg5[%add3A_1255] : memref<3200000xi32, #tpu.memory_space<hbm>> -> memref<1600xi32, #tpu.memory_space<hbm>>
        %dma_start3A_1271 = arith.constant 0 : i32
        %dma_start3A_1272 = tpu.memref_slice %arg13[%dma_start3A_1271] : memref<3200xi32, #tpu.memory_space<vmem>> -> memref<1600xi32, #tpu.memory_space<vmem>>
        %dma_start3A_1273 = tpu.memref_slice %arg5[%add3A_1255] : memref<3200000xi32, #tpu.memory_space<hbm>> -> memref<1600xi32, #tpu.memory_space<hbm>>
        tpu.enqueue_dma source(%dma_start3A_1273 : memref<1600xi32, #tpu.memory_space<hbm>>) target(%dma_start3A_1272 : memref<1600xi32, #tpu.memory_space<vmem>>) target_semaphore(%arg22 : memref<!tpu.dma_semaphore, #tpu.memory_space<semaphore_mem>>)
        %dma_start3A_1274 = arith.constant 0 : i32
        %dma_start3A_1275 = tpu.memref_slice %arg14[%dma_start3A_1274] : memref<3200xf32, #tpu.memory_space<vmem>> -> memref<1600xf32, #tpu.memory_space<vmem>>
        %dma_start3A_1276 = tpu.memref_slice %arg6[%add3A_1255] : memref<3200000xf32, #tpu.memory_space<hbm>> -> memref<1600xf32, #tpu.memory_space<hbm>>
        %dma_start3A_1277 = arith.constant 0 : i32
        %dma_start3A_1278 = tpu.memref_slice %arg14[%dma_start3A_1277] : memref<3200xf32, #tpu.memory_space<vmem>> -> memref<1600xf32, #tpu.memory_space<vmem>>
        %dma_start3A_1279 = tpu.memref_slice %arg6[%add3A_1255] : memref<3200000xf32, #tpu.memory_space<hbm>> -> memref<1600xf32, #tpu.memory_space<hbm>>
        tpu.enqueue_dma source(%dma_start3A_1279 : memref<1600xf32, #tpu.memory_space<hbm>>) target(%dma_start3A_1278 : memref<1600xf32, #tpu.memory_space<vmem>>) target_semaphore(%arg22 : memref<!tpu.dma_semaphore, #tpu.memory_space<semaphore_mem>>)
      } else {
      }
      %eq3A_1154 = arith.constant 0 : i32
      %eq3A_1155 = arith.cmpi eq, %select_n3A_1133, %eq3A_1154 : i32
      %convert_element_type3A_1156 = arith.extui %eq3A_1155 : i1 to i32
      %cond3A_1157 = arith.constant 0 : i32
      %cond3A_1158 = arith.cmpi ne, %convert_element_type3A_1156, %cond3A_1157 : i32
      scf.if %cond3A_1158 {
        %dma_wait3A = arith.constant 0 : i32
        %dma_wait3A_1249 = tpu.memref_slice %arg11[%dma_wait3A] : memref<3200xi32, #tpu.memory_space<vmem>> -> memref<1600xi32, #tpu.memory_space<vmem>>
        %dma_wait3A_1250 = arith.constant 0 : i32
        %dma_wait3A_1251 = tpu.memref_slice %arg3[%dma_wait3A_1250] : memref<3200000xi32, #tpu.memory_space<hbm>> -> memref<1600xi32, #tpu.memory_space<hbm>>
        %dma_wait3A_1252 = arith.constant 0 : i32
        %dma_wait3A_1253 = tpu.memref_slice %arg11[%dma_wait3A_1252] : memref<3200xi32, #tpu.memory_space<vmem>> -> memref<1600xi32, #tpu.memory_space<vmem>>
        %dma_wait3A_1254 = arith.constant 0 : i32
        %dma_wait3A_1255 = tpu.memref_slice %arg3[%dma_wait3A_1254] : memref<3200000xi32, #tpu.memory_space<hbm>> -> memref<1600xi32, #tpu.memory_space<hbm>>
        tpu.wait_dma2 semaphore(%arg22 : memref<!tpu.dma_semaphore, #tpu.memory_space<semaphore_mem>>) src(%dma_wait3A_1255 : memref<1600xi32, #tpu.memory_space<hbm>>) dst(%dma_wait3A_1253 : memref<1600xi32, #tpu.memory_space<vmem>>)
        %dma_wait3A_1256 = arith.constant 0 : i32
        %dma_wait3A_1257 = tpu.memref_slice %arg12[%dma_wait3A_1256] : memref<3200xi32, #tpu.memory_space<vmem>> -> memref<1600xi32, #tpu.memory_space<vmem>>
        %dma_wait3A_1258 = arith.constant 0 : i32
        %dma_wait3A_1259 = tpu.memref_slice %arg4[%dma_wait3A_1258] : memref<3200000xi32, #tpu.memory_space<hbm>> -> memref<1600xi32, #tpu.memory_space<hbm>>
        %dma_wait3A_1260 = arith.constant 0 : i32
        %dma_wait3A_1261 = tpu.memref_slice %arg12[%dma_wait3A_1260] : memref<3200xi32, #tpu.memory_space<vmem>> -> memref<1600xi32, #tpu.memory_space<vmem>>
        %dma_wait3A_1262 = arith.constant 0 : i32
        %dma_wait3A_1263 = tpu.memref_slice %arg4[%dma_wait3A_1262] : memref<3200000xi32, #tpu.memory_space<hbm>> -> memref<1600xi32, #tpu.memory_space<hbm>>
        tpu.wait_dma2 semaphore(%arg22 : memref<!tpu.dma_semaphore, #tpu.memory_space<semaphore_mem>>) src(%dma_wait3A_1263 : memref<1600xi32, #tpu.memory_space<hbm>>) dst(%dma_wait3A_1261 : memref<1600xi32, #tpu.memory_space<vmem>>)
        %dma_wait3A_1264 = arith.constant 0 : i32
        %dma_wait3A_1265 = tpu.memref_slice %arg13[%dma_wait3A_1264] : memref<3200xi32, #tpu.memory_space<vmem>> -> memref<1600xi32, #tpu.memory_space<vmem>>
        %dma_wait3A_1266 = arith.constant 0 : i32
        %dma_wait3A_1267 = tpu.memref_slice %arg5[%dma_wait3A_1266] : memref<3200000xi32, #tpu.memory_space<hbm>> -> memref<1600xi32, #tpu.memory_space<hbm>>
        %dma_wait3A_1268 = arith.constant 0 : i32
        %dma_wait3A_1269 = tpu.memref_slice %arg13[%dma_wait3A_1268] : memref<3200xi32, #tpu.memory_space<vmem>> -> memref<1600xi32, #tpu.memory_space<vmem>>
        %dma_wait3A_1270 = arith.constant 0 : i32
        %dma_wait3A_1271 = tpu.memref_slice %arg5[%dma_wait3A_1270] : memref<3200000xi32, #tpu.memory_space<hbm>> -> memref<1600xi32, #tpu.memory_space<hbm>>
        tpu.wait_dma2 semaphore(%arg22 : memref<!tpu.dma_semaphore, #tpu.memory_space<semaphore_mem>>) src(%dma_wait3A_1271 : memref<1600xi32, #tpu.memory_space<hbm>>) dst(%dma_wait3A_1269 : memref<1600xi32, #tpu.memory_space<vmem>>)
        %dma_wait3A_1272 = arith.constant 0 : i32
        %dma_wait3A_1273 = tpu.memref_slice %arg14[%dma_wait3A_1272] : memref<3200xf32, #tpu.memory_space<vmem>> -> memref<1600xf32, #tpu.memory_space<vmem>>
        %dma_wait3A_1274 = arith.constant 0 : i32
        %dma_wait3A_1275 = tpu.memref_slice %arg6[%dma_wait3A_1274] : memref<3200000xf32, #tpu.memory_space<hbm>> -> memref<1600xf32, #tpu.memory_space<hbm>>
        %dma_wait3A_1276 = arith.constant 0 : i32
        %dma_wait3A_1277 = tpu.memref_slice %arg14[%dma_wait3A_1276] : memref<3200xf32, #tpu.memory_space<vmem>> -> memref<1600xf32, #tpu.memory_space<vmem>>
        %dma_wait3A_1278 = arith.constant 0 : i32
        %dma_wait3A_1279 = tpu.memref_slice %arg6[%dma_wait3A_1278] : memref<3200000xf32, #tpu.memory_space<hbm>> -> memref<1600xf32, #tpu.memory_space<hbm>>
        tpu.wait_dma2 semaphore(%arg22 : memref<!tpu.dma_semaphore, #tpu.memory_space<semaphore_mem>>) src(%dma_wait3A_1279 : memref<1600xf32, #tpu.memory_space<hbm>>) dst(%dma_wait3A_1277 : memref<1600xf32, #tpu.memory_space<vmem>>)
      } else {
      }
      %eq3A_1159 = arith.constant 1 : i32
      %eq3A_1160 = arith.cmpi eq, %select_n3A_1133, %eq3A_1159 : i32
      %convert_element_type3A_1161 = arith.extui %eq3A_1160 : i1 to i32
      %cond3A_1162 = arith.constant 0 : i32
      %cond3A_1163 = arith.cmpi ne, %convert_element_type3A_1161, %cond3A_1162 : i32
      scf.if %cond3A_1163 {
        %dma_wait3A = arith.constant 0 : i32
        %dma_wait3A_1249 = tpu.memref_slice %arg11[%dma_wait3A] : memref<3200xi32, #tpu.memory_space<vmem>> -> memref<1600xi32, #tpu.memory_space<vmem>>
        %dma_wait3A_1250 = arith.constant 0 : i32
        %dma_wait3A_1251 = tpu.memref_slice %arg3[%dma_wait3A_1250] : memref<3200000xi32, #tpu.memory_space<hbm>> -> memref<1600xi32, #tpu.memory_space<hbm>>
        %dma_wait3A_1252 = arith.constant 0 : i32
        %dma_wait3A_1253 = tpu.memref_slice %arg11[%dma_wait3A_1252] : memref<3200xi32, #tpu.memory_space<vmem>> -> memref<1600xi32, #tpu.memory_space<vmem>>
        %dma_wait3A_1254 = arith.constant 0 : i32
        %dma_wait3A_1255 = tpu.memref_slice %arg3[%dma_wait3A_1254] : memref<3200000xi32, #tpu.memory_space<hbm>> -> memref<1600xi32, #tpu.memory_space<hbm>>
        tpu.wait_dma2 semaphore(%arg23 : memref<!tpu.dma_semaphore, #tpu.memory_space<semaphore_mem>>) src(%dma_wait3A_1255 : memref<1600xi32, #tpu.memory_space<hbm>>) dst(%dma_wait3A_1253 : memref<1600xi32, #tpu.memory_space<vmem>>)
        %dma_wait3A_1256 = arith.constant 0 : i32
        %dma_wait3A_1257 = tpu.memref_slice %arg12[%dma_wait3A_1256] : memref<3200xi32, #tpu.memory_space<vmem>> -> memref<1600xi32, #tpu.memory_space<vmem>>
        %dma_wait3A_1258 = arith.constant 0 : i32
        %dma_wait3A_1259 = tpu.memref_slice %arg4[%dma_wait3A_1258] : memref<3200000xi32, #tpu.memory_space<hbm>> -> memref<1600xi32, #tpu.memory_space<hbm>>
        %dma_wait3A_1260 = arith.constant 0 : i32
        %dma_wait3A_1261 = tpu.memref_slice %arg12[%dma_wait3A_1260] : memref<3200xi32, #tpu.memory_space<vmem>> -> memref<1600xi32, #tpu.memory_space<vmem>>
        %dma_wait3A_1262 = arith.constant 0 : i32
        %dma_wait3A_1263 = tpu.memref_slice %arg4[%dma_wait3A_1262] : memref<3200000xi32, #tpu.memory_space<hbm>> -> memref<1600xi32, #tpu.memory_space<hbm>>
        tpu.wait_dma2 semaphore(%arg23 : memref<!tpu.dma_semaphore, #tpu.memory_space<semaphore_mem>>) src(%dma_wait3A_1263 : memref<1600xi32, #tpu.memory_space<hbm>>) dst(%dma_wait3A_1261 : memref<1600xi32, #tpu.memory_space<vmem>>)
        %dma_wait3A_1264 = arith.constant 0 : i32
        %dma_wait3A_1265 = tpu.memref_slice %arg13[%dma_wait3A_1264] : memref<3200xi32, #tpu.memory_space<vmem>> -> memref<1600xi32, #tpu.memory_space<vmem>>
        %dma_wait3A_1266 = arith.constant 0 : i32
        %dma_wait3A_1267 = tpu.memref_slice %arg5[%dma_wait3A_1266] : memref<3200000xi32, #tpu.memory_space<hbm>> -> memref<1600xi32, #tpu.memory_space<hbm>>
        %dma_wait3A_1268 = arith.constant 0 : i32
        %dma_wait3A_1269 = tpu.memref_slice %arg13[%dma_wait3A_1268] : memref<3200xi32, #tpu.memory_space<vmem>> -> memref<1600xi32, #tpu.memory_space<vmem>>
        %dma_wait3A_1270 = arith.constant 0 : i32
        %dma_wait3A_1271 = tpu.memref_slice %arg5[%dma_wait3A_1270] : memref<3200000xi32, #tpu.memory_space<hbm>> -> memref<1600xi32, #tpu.memory_space<hbm>>
        tpu.wait_dma2 semaphore(%arg23 : memref<!tpu.dma_semaphore, #tpu.memory_space<semaphore_mem>>) src(%dma_wait3A_1271 : memref<1600xi32, #tpu.memory_space<hbm>>) dst(%dma_wait3A_1269 : memref<1600xi32, #tpu.memory_space<vmem>>)
        %dma_wait3A_1272 = arith.constant 0 : i32
        %dma_wait3A_1273 = tpu.memref_slice %arg14[%dma_wait3A_1272] : memref<3200xf32, #tpu.memory_space<vmem>> -> memref<1600xf32, #tpu.memory_space<vmem>>
        %dma_wait3A_1274 = arith.constant 0 : i32
        %dma_wait3A_1275 = tpu.memref_slice %arg6[%dma_wait3A_1274] : memref<3200000xf32, #tpu.memory_space<hbm>> -> memref<1600xf32, #tpu.memory_space<hbm>>
        %dma_wait3A_1276 = arith.constant 0 : i32
        %dma_wait3A_1277 = tpu.memref_slice %arg14[%dma_wait3A_1276] : memref<3200xf32, #tpu.memory_space<vmem>> -> memref<1600xf32, #tpu.memory_space<vmem>>
        %dma_wait3A_1278 = arith.constant 0 : i32
        %dma_wait3A_1279 = tpu.memref_slice %arg6[%dma_wait3A_1278] : memref<3200000xf32, #tpu.memory_space<hbm>> -> memref<1600xf32, #tpu.memory_space<hbm>>
        tpu.wait_dma2 semaphore(%arg23 : memref<!tpu.dma_semaphore, #tpu.memory_space<semaphore_mem>>) src(%dma_wait3A_1279 : memref<1600xf32, #tpu.memory_space<hbm>>) dst(%dma_wait3A_1277 : memref<1600xf32, #tpu.memory_space<vmem>>)
      } else {
      }
      %scan3A_1164 = arith.constant 0 : i32
      %scan3A_1165 = arith.constant 50 : i32
      %scan3A_1166 = arith.addi %scan3A_1164, %scan3A_1165 : i32
      %scan3A_1167 = arith.constant 1 : i32
      %scan3A_1168 = scf.for %scan3A_1249 = %scan3A_1164 to %scan3A_1166 step %scan3A_1167 iter_args(%scan3A_1250 = %scan3A_1117) -> (i32)  : i32 {
        %mul3A_1251 = arith.constant 32 : i32
        %mul3A_1252 = arith.muli %scan3A_1249, %mul3A_1251 : i32
        %add3A_1253 = arith.addi %mul3A_1135, %mul3A_1252 : i32
        %add3A_1254 = arith.constant 16 : i32
        %add3A_1255 = arith.addi %add3A_1253, %add3A_1254 : i32
        %get3A_1256 = arith.index_cast %add3A_1253 : i32 to index
        %get3A_1257 = tpu.vector_load %arg13[%get3A_1256] {strides = array<i32>} : memref<3200xi32, #tpu.memory_space<vmem>>, vector<16xi32>,
        %eq3A_1258 = arith.cmpi eq, %get3A_1257, %get3A_39 : vector<16xi32>
        %convert_element_type3A_1259 = arith.extui %eq3A_1258 : vector<16xi1> to vector<16xi32>
        %broadcast_in_dim3A_1260 = arith.constant true
        %broadcast_in_dim3A_1261 = vector.broadcast %broadcast_in_dim3A_1260 : i1 to vector<16xi1>
        %masked_cumsum3A = tpu.scan <sum>, %convert_element_type3A_1259 masked %broadcast_in_dim3A_1261 : vector<16xi32>, vector<16xi1> -> vector<16xi32>
        %broadcast_in_dim3A_1262 = vector.broadcast %scan3A_1250 : i32 to vector<16xi32>
        %add3A_1263 = arith.addi %broadcast_in_dim3A_1262, %masked_cumsum3A : vector<16xi32>
        %sub3A_1264 = arith.constant 1 : i32
        %sub3A_1265 = vector.broadcast %sub3A_1264 : i32 to vector<16xi32>
        %sub3A_1266 = arith.subi %add3A_1263, %sub3A_1265 : vector<16xi32>
        %get3A_1267 = arith.index_cast %add3A_1253 : i32 to index
        %get3A_1268 = tpu.vector_load %arg11[%get3A_1267] {strides = array<i32>} : memref<3200xi32, #tpu.memory_space<vmem>>, vector<16xi32>,
        %add3A_1269 = arith.addi %get3A_1268, %broadcast_in_dim3A : vector<16xi32>
        tpu.vector_store_idx %arg15[%sub3A_1266], %add3A_1269 masked %eq3A_1258 : memref<1760xi32, #tpu.memory_space<vmem>>[vector<16xi32>], vector<16xi32>, vector<16xi1>
        %get3A_1270 = arith.index_cast %add3A_1253 : i32 to index
        %get3A_1271 = tpu.vector_load %arg12[%get3A_1270] {strides = array<i32>} : memref<3200xi32, #tpu.memory_space<vmem>>, vector<16xi32>,
        tpu.vector_store_idx %arg16[%sub3A_1266], %get3A_1271 masked %eq3A_1258 : memref<1760xi32, #tpu.memory_space<vmem>>[vector<16xi32>], vector<16xi32>, vector<16xi1>
        %get3A_1272 = arith.index_cast %add3A_1253 : i32 to index
        %get3A_1273 = tpu.vector_load %arg14[%get3A_1272] {strides = array<i32>} : memref<3200xf32, #tpu.memory_space<vmem>>, vector<16xf32>,
        tpu.vector_store_idx %arg17[%sub3A_1266], %get3A_1273 masked %eq3A_1258 : memref<1760xf32, #tpu.memory_space<vmem>>[vector<16xi32>], vector<16xf32>, vector<16xi1>
        %all_reduce_population_count3A = tpu.all_reduce %eq3A_1258 {dim = 0 : i64, kind = #tpu.reduction_kind<sum>} : vector<16xi1> -> vector<16xi32>
        %slice3A = vector.extract_strided_slice %all_reduce_population_count3A {offsets = [0], sizes = [1], strides = [1]} : vector<16xi32> to vector<1xi32>
        %squeeze3A = vector.extract %slice3A[0] : i32 from vector<1xi32>
        %add3A_1274 = arith.addi %scan3A_1250, %squeeze3A : i32
        %get3A_1275 = arith.index_cast %add3A_1255 : i32 to index
        %get3A_1276 = tpu.vector_load %arg13[%get3A_1275] {strides = array<i32>} : memref<3200xi32, #tpu.memory_space<vmem>>, vector<16xi32>,
        %eq3A_1277 = arith.cmpi eq, %get3A_1276, %get3A_39 : vector<16xi32>
        %convert_element_type3A_1278 = arith.extui %eq3A_1277 : vector<16xi1> to vector<16xi32>
        %broadcast_in_dim3A_1279 = arith.constant true
        %broadcast_in_dim3A_1280 = vector.broadcast %broadcast_in_dim3A_1279 : i1 to vector<16xi1>
        %masked_cumsum3A_1281 = tpu.scan <sum>, %convert_element_type3A_1278 masked %broadcast_in_dim3A_1280 : vector<16xi32>, vector<16xi1> -> vector<16xi32>
        %broadcast_in_dim3A_1282 = vector.broadcast %add3A_1274 : i32 to vector<16xi32>
        %add3A_1283 = arith.addi %broadcast_in_dim3A_1282, %masked_cumsum3A_1281 : vector<16xi32>
        %sub3A_1284 = arith.constant 1 : i32
        %sub3A_1285 = vector.broadcast %sub3A_1284 : i32 to vector<16xi32>
        %sub3A_1286 = arith.subi %add3A_1283, %sub3A_1285 : vector<16xi32>
        %get3A_1287 = arith.index_cast %add3A_1255 : i32 to index
        %get3A_1288 = tpu.vector_load %arg11[%get3A_1287] {strides = array<i32>} : memref<3200xi32, #tpu.memory_space<vmem>>, vector<16xi32>,
        %add3A_1289 = arith.addi %get3A_1288, %broadcast_in_dim3A : vector<16xi32>
        tpu.vector_store_idx %arg15[%sub3A_1286], %add3A_1289 masked %eq3A_1277 : memref<1760xi32, #tpu.memory_space<vmem>>[vector<16xi32>], vector<16xi32>, vector<16xi1>
        %get3A_1290 = arith.index_cast %add3A_1255 : i32 to index
        %get3A_1291 = tpu.vector_load %arg12[%get3A_1290] {strides = array<i32>} : memref<3200xi32, #tpu.memory_space<vmem>>, vector<16xi32>,
        tpu.vector_store_idx %arg16[%sub3A_1286], %get3A_1291 masked %eq3A_1277 : memref<1760xi32, #tpu.memory_space<vmem>>[vector<16xi32>], vector<16xi32>, vector<16xi1>
        %get3A_1292 = arith.index_cast %add3A_1255 : i32 to index
        %get3A_1293 = tpu.vector_load %arg14[%get3A_1292] {strides = array<i32>} : memref<3200xf32, #tpu.memory_space<vmem>>, vector<16xf32>,
        tpu.vector_store_idx %arg17[%sub3A_1286], %get3A_1293 masked %eq3A_1277 : memref<1760xf32, #tpu.memory_space<vmem>>[vector<16xi32>], vector<16xf32>, vector<16xi1>
        %all_reduce_population_count3A_1294 = tpu.all_reduce %eq3A_1277 {dim = 0 : i64, kind = #tpu.reduction_kind<sum>} : vector<16xi1> -> vector<16xi32>
        %slice3A_1295 = vector.extract_strided_slice %all_reduce_population_count3A_1294 {offsets = [0], sizes = [1], strides = [1]} : vector<16xi32> to vector<1xi32>
        %squeeze3A_1296 = vector.extract %slice3A_1295[0] : i32 from vector<1xi32>
        %add3A_1297 = arith.addi %add3A_1274, %squeeze3A_1296 : i32
        scf.yield %add3A_1297 : i32
      }
      %scan3A_1169 = arith.constant 50 : i32
      %jit3A_1170 = arith.constant 128 : i32
      %div3A_1171 = arith.divsi %scan3A_1168, %jit3A_1170 : i32
      %sign3A_1172 = arith.constant 0 : i32
      %sign3A_1173 = arith.cmpi sgt, %scan3A_1168, %sign3A_1172 : i32
      %sign3A_1174 = arith.extui %sign3A_1173 : i1 to i32
      %sign3A_1175 = arith.constant 0 : i32
      %sign3A_1176 = arith.cmpi slt, %scan3A_1168, %sign3A_1175 : i32
      %sign3A_1177 = arith.extui %sign3A_1176 : i1 to i32
      %sign3A_1178 = arith.subi %sign3A_1174, %sign3A_1177 : i32
      %sign3A_1179 = arith.constant 0 : i32
      %sign3A_1180 = arith.cmpi sgt, %jit3A_1170, %sign3A_1179 : i32
      %sign3A_1181 = arith.extui %sign3A_1180 : i1 to i32
      %sign3A_1182 = arith.constant 0 : i32
      %sign3A_1183 = arith.cmpi slt, %jit3A_1170, %sign3A_1182 : i32
      %sign3A_1184 = arith.extui %sign3A_1183 : i1 to i32
      %sign3A_1185 = arith.subi %sign3A_1181, %sign3A_1184 : i32
      %ne3A_1186 = arith.cmpi ne, %sign3A_1178, %sign3A_1185 : i32
      %rem3A_1187 = arith.remsi %scan3A_1168, %jit3A_1170 : i32
      %ne3A_1188 = arith.constant 0 : i32
      %ne3A_1189 = arith.cmpi ne, %rem3A_1187, %ne3A_1188 : i32
      %and3A_1190 = arith.andi %ne3A_1186, %ne3A_1189 : i1
      %sub3A_1191 = arith.constant 1 : i32
      %sub3A_1192 = arith.subi %div3A_1171, %sub3A_1191 : i32
      %select_n3A_1193 = arith.select %and3A_1190, %sub3A_1192, %div3A_1171 : i32
      %while3A_1194 = arith.constant 0 : i32
      %while3A_1195 = arith.constant 0 : i32
      %while3A_1196 = arith.subi %select_n3A_1193, %while3A_1194 : i32
      %while3A_1197 = arith.addi %while3A_1194, %while3A_1196 : i32
      %while3A_1198 = arith.constant 1 : i32
      %while3A_1199 = arith.divsi %while3A_1196, %while3A_1198 : i32
      %while3A_1200 = arith.muli %while3A_1199, %while3A_1198 : i32
      %while3A_1201 = arith.addi %while3A_1194, %while3A_1200 : i32
      %while3A_1202 = arith.constant 1 : i32
      %while3A_1203 = scf.for %while3A_1249 = %while3A_1194 to %while3A_1201 step %while3A_1202 iter_args(%while3A_1250 = %while3A_1195) -> (i32)  : i32 {
        %mul3A_1251 = arith.constant 128 : i32
        %mul3A_1252 = arith.muli %while3A_1249, %mul3A_1251 : i32
        "tpu.region"() ({
          %run_scoped3A = tpu.sem_alloc : memref<!tpu.dma_semaphore, #tpu.memory_space<semaphore_mem>>
          %dma_start3A_1358 = tpu.memref_slice %arg15[%mul3A_1252] : memref<1760xi32, #tpu.memory_space<vmem>> -> memref<128xi32, #tpu.memory_space<vmem>>
          %dma_start3A_1359 = arith.constant 0 : i32
          %dma_start3A_1360 = tpu.memref_slice %arg2[%dma_start3A_1359] : memref<800000xf32, #tpu.memory_space<hbm>> -> memref<800000xf32, #tpu.memory_space<hbm>>
          tpu.enqueue_indirect_dma source(%dma_start3A_1360 : memref<800000xf32, #tpu.memory_space<hbm>>) target(%arg18 : memref<128xf32, #tpu.memory_space<vmem>>) offsets(%dma_start3A_1358 : memref<128xi32, #tpu.memory_space<vmem>>) semaphore(%run_scoped3A : memref<!tpu.dma_semaphore, #tpu.memory_space<semaphore_mem>>)
          %dma_wait3A = tpu.memref_slice %arg15[%mul3A_1252] : memref<1760xi32, #tpu.memory_space<vmem>> -> memref<128xi32, #tpu.memory_space<vmem>>
          %dma_wait3A_1361 = arith.constant 0 : i32
          %dma_wait3A_1362 = tpu.memref_slice %arg2[%dma_wait3A_1361] : memref<800000xf32, #tpu.memory_space<hbm>> -> memref<800000xf32, #tpu.memory_space<hbm>>
          tpu.wait_indirect_dma semaphore(%run_scoped3A : memref<!tpu.dma_semaphore, #tpu.memory_space<semaphore_mem>>) src(%dma_wait3A_1362 : memref<800000xf32, #tpu.memory_space<hbm>>) dst(%arg18 : memref<128xf32, #tpu.memory_space<vmem>>)
          tpu.yield
        }) : () -> ()
        %add3A_1253 = arith.constant 0 : i32
        %add3A_1254 = arith.addi %mul3A_1252, %add3A_1253 : i32
        %get3A_1255 = arith.index_cast %add3A_1254 : i32 to index
        %get3A_1256 = tpu.vector_load %arg16[%get3A_1255] {strides = array<i32>} : memref<1760xi32, #tpu.memory_space<vmem>>, vector<16xi32>,
        %add3A_1257 = arith.constant 0 : i32
        %add3A_1258 = arith.addi %mul3A_1252, %add3A_1257 : i32
        %get3A_1259 = arith.index_cast %add3A_1258 : i32 to index
        %get3A_1260 = tpu.vector_load %arg17[%get3A_1259] {strides = array<i32>} : memref<1760xf32, #tpu.memory_space<vmem>>, vector<16xf32>,
        %get3A_1261 = arith.constant 0 : index
        %get3A_1262 = tpu.vector_load %arg18[%get3A_1261] {strides = array<i32>} : memref<128xf32, #tpu.memory_space<vmem>>, vector<16xf32>,
        %mul3A_1263 = arith.mulf %get3A_1260, %get3A_1262 : vector<16xf32>
        %gather3A_1264 = tpu.vector_load_idx %arg10[%get3A_1256] : memref<100000xf32, #tpu.memory_space<vmem>>[vector<16xi32>], vector<16xf32>,
        %while3A_1265 = scf.while (%while3A_1358 = %gather3A_1264) : (vector<16xf32>) -> vector<16xf32> {
          %lt3A_1359 = arith.cmpf olt, %while3A_1358, %mul3A_1263 : vector<16xf32>
          %reduce_or3A = arith.constant 1.000000e+00 : f32
          %reduce_or3A_1360 = arith.constant 0.000000e+00 : f32
          %reduce_or3A_1361 = vector.broadcast %reduce_or3A : f32 to vector<16xf32>
          %reduce_or3A_1362 = vector.broadcast %reduce_or3A_1360 : f32 to vector<16xf32>
          %reduce_or3A_1363 = arith.select %lt3A_1359, %reduce_or3A_1361, %reduce_or3A_1362 : vector<16xi1>, vector<16xf32>
          %reduce_or3A_1364 = arith.constant true
          %reduce_or3A_1365 = vector.broadcast %reduce_or3A_1364 : i1 to vector<16xi1>
          %reduce_or3A_1366 = tpu.scan <max>, %reduce_or3A_1363 masked %reduce_or3A_1365 : vector<16xf32>, vector<16xi1> -> vector<16xf32>
          %reduce_or3A_1367 = vector.extract %reduce_or3A_1366[15] : f32 from vector<16xf32>
          %reduce_or3A_1368 = arith.constant 0.000000e+00 : f32
          %reduce_or3A_1369 = arith.cmpf ogt, %reduce_or3A_1367, %reduce_or3A_1368 : f32
          scf.condition(%reduce_or3A_1369) %while3A_1358 : vector<16xf32>
        } do {
        ^bb0(%while3A_1358: vector<16xf32>):
          %lt3A_1359 = arith.cmpf olt, %while3A_1358, %mul3A_1263 : vector<16xf32>
          %max3A_1360 = arith.maximumf %while3A_1358, %mul3A_1263 : vector<16xf32>
          tpu.vector_store_idx %arg10[%get3A_1256], %max3A_1360 masked %lt3A_1359 : memref<100000xf32, #tpu.memory_space<vmem>>[vector<16xi32>], vector<16xf32>, vector<16xi1>
          %gather3A_1361 = tpu.vector_load_idx %arg10[%get3A_1256] : memref<100000xf32, #tpu.memory_space<vmem>>[vector<16xi32>], vector<16xf32>,
          scf.yield %gather3A_1361 : vector<16xf32>
        }
        %add3A_1266 = arith.constant 16 : i32
        %add3A_1267 = arith.addi %mul3A_1252, %add3A_1266 : i32
        %get3A_1268 = arith.index_cast %add3A_1267 : i32 to index
        %get3A_1269 = tpu.vector_load %arg16[%get3A_1268] {strides = array<i32>} : memref<1760xi32, #tpu.memory_space<vmem>>, vector<16xi32>,
        %add3A_1270 = arith.constant 16 : i32
        %add3A_1271 = arith.addi %mul3A_1252, %add3A_1270 : i32
        %get3A_1272 = arith.index_cast %add3A_1271 : i32 to index
        %get3A_1273 = tpu.vector_load %arg17[%get3A_1272] {strides = array<i32>} : memref<1760xf32, #tpu.memory_space<vmem>>, vector<16xf32>,
        %get3A_1274 = arith.constant 16 : index
        %get3A_1275 = tpu.vector_load %arg18[%get3A_1274] {strides = array<i32>} : memref<128xf32, #tpu.memory_space<vmem>>, vector<16xf32>,
        %mul3A_1276 = arith.mulf %get3A_1273, %get3A_1275 : vector<16xf32>
        %gather3A_1277 = tpu.vector_load_idx %arg10[%get3A_1269] : memref<100000xf32, #tpu.memory_space<vmem>>[vector<16xi32>], vector<16xf32>,
        %while3A_1278 = scf.while (%while3A_1358 = %gather3A_1277) : (vector<16xf32>) -> vector<16xf32> {
          %lt3A_1359 = arith.cmpf olt, %while3A_1358, %mul3A_1276 : vector<16xf32>
          %reduce_or3A = arith.constant 1.000000e+00 : f32
          %reduce_or3A_1360 = arith.constant 0.000000e+00 : f32
          %reduce_or3A_1361 = vector.broadcast %reduce_or3A : f32 to vector<16xf32>
          %reduce_or3A_1362 = vector.broadcast %reduce_or3A_1360 : f32 to vector<16xf32>
          %reduce_or3A_1363 = arith.select %lt3A_1359, %reduce_or3A_1361, %reduce_or3A_1362 : vector<16xi1>, vector<16xf32>
          %reduce_or3A_1364 = arith.constant true
          %reduce_or3A_1365 = vector.broadcast %reduce_or3A_1364 : i1 to vector<16xi1>
          %reduce_or3A_1366 = tpu.scan <max>, %reduce_or3A_1363 masked %reduce_or3A_1365 : vector<16xf32>, vector<16xi1> -> vector<16xf32>
          %reduce_or3A_1367 = vector.extract %reduce_or3A_1366[15] : f32 from vector<16xf32>
          %reduce_or3A_1368 = arith.constant 0.000000e+00 : f32
          %reduce_or3A_1369 = arith.cmpf ogt, %reduce_or3A_1367, %reduce_or3A_1368 : f32
          scf.condition(%reduce_or3A_1369) %while3A_1358 : vector<16xf32>
        } do {
        ^bb0(%while3A_1358: vector<16xf32>):
          %lt3A_1359 = arith.cmpf olt, %while3A_1358, %mul3A_1276 : vector<16xf32>
          %max3A_1360 = arith.maximumf %while3A_1358, %mul3A_1276 : vector<16xf32>
          tpu.vector_store_idx %arg10[%get3A_1269], %max3A_1360 masked %lt3A_1359 : memref<100000xf32, #tpu.memory_space<vmem>>[vector<16xi32>], vector<16xf32>, vector<16xi1>
          %gather3A_1361 = tpu.vector_load_idx %arg10[%get3A_1269] : memref<100000xf32, #tpu.memory_space<vmem>>[vector<16xi32>], vector<16xf32>,
          scf.yield %gather3A_1361 : vector<16xf32>
        }
        %add3A_1279 = arith.constant 32 : i32
        %add3A_1280 = arith.addi %mul3A_1252, %add3A_1279 : i32
        %get3A_1281 = arith.index_cast %add3A_1280 : i32 to index
        %get3A_1282 = tpu.vector_load %arg16[%get3A_1281] {strides = array<i32>} : memref<1760xi32, #tpu.memory_space<vmem>>, vector<16xi32>,
        %add3A_1283 = arith.constant 32 : i32
        %add3A_1284 = arith.addi %mul3A_1252, %add3A_1283 : i32
        %get3A_1285 = arith.index_cast %add3A_1284 : i32 to index
        %get3A_1286 = tpu.vector_load %arg17[%get3A_1285] {strides = array<i32>} : memref<1760xf32, #tpu.memory_space<vmem>>, vector<16xf32>,
        %get3A_1287 = arith.constant 32 : index
        %get3A_1288 = tpu.vector_load %arg18[%get3A_1287] {strides = array<i32>} : memref<128xf32, #tpu.memory_space<vmem>>, vector<16xf32>,
        %mul3A_1289 = arith.mulf %get3A_1286, %get3A_1288 : vector<16xf32>
        %gather3A_1290 = tpu.vector_load_idx %arg10[%get3A_1282] : memref<100000xf32, #tpu.memory_space<vmem>>[vector<16xi32>], vector<16xf32>,
        %while3A_1291 = scf.while (%while3A_1358 = %gather3A_1290) : (vector<16xf32>) -> vector<16xf32> {
          %lt3A_1359 = arith.cmpf olt, %while3A_1358, %mul3A_1289 : vector<16xf32>
          %reduce_or3A = arith.constant 1.000000e+00 : f32
          %reduce_or3A_1360 = arith.constant 0.000000e+00 : f32
          %reduce_or3A_1361 = vector.broadcast %reduce_or3A : f32 to vector<16xf32>
          %reduce_or3A_1362 = vector.broadcast %reduce_or3A_1360 : f32 to vector<16xf32>
          %reduce_or3A_1363 = arith.select %lt3A_1359, %reduce_or3A_1361, %reduce_or3A_1362 : vector<16xi1>, vector<16xf32>
          %reduce_or3A_1364 = arith.constant true
          %reduce_or3A_1365 = vector.broadcast %reduce_or3A_1364 : i1 to vector<16xi1>
          %reduce_or3A_1366 = tpu.scan <max>, %reduce_or3A_1363 masked %reduce_or3A_1365 : vector<16xf32>, vector<16xi1> -> vector<16xf32>
          %reduce_or3A_1367 = vector.extract %reduce_or3A_1366[15] : f32 from vector<16xf32>
          %reduce_or3A_1368 = arith.constant 0.000000e+00 : f32
          %reduce_or3A_1369 = arith.cmpf ogt, %reduce_or3A_1367, %reduce_or3A_1368 : f32
          scf.condition(%reduce_or3A_1369) %while3A_1358 : vector<16xf32>
        } do {
        ^bb0(%while3A_1358: vector<16xf32>):
          %lt3A_1359 = arith.cmpf olt, %while3A_1358, %mul3A_1289 : vector<16xf32>
          %max3A_1360 = arith.maximumf %while3A_1358, %mul3A_1289 : vector<16xf32>
          tpu.vector_store_idx %arg10[%get3A_1282], %max3A_1360 masked %lt3A_1359 : memref<100000xf32, #tpu.memory_space<vmem>>[vector<16xi32>], vector<16xf32>, vector<16xi1>
          %gather3A_1361 = tpu.vector_load_idx %arg10[%get3A_1282] : memref<100000xf32, #tpu.memory_space<vmem>>[vector<16xi32>], vector<16xf32>,
          scf.yield %gather3A_1361 : vector<16xf32>
        }
        %add3A_1292 = arith.constant 48 : i32
        %add3A_1293 = arith.addi %mul3A_1252, %add3A_1292 : i32
        %get3A_1294 = arith.index_cast %add3A_1293 : i32 to index
        %get3A_1295 = tpu.vector_load %arg16[%get3A_1294] {strides = array<i32>} : memref<1760xi32, #tpu.memory_space<vmem>>, vector<16xi32>,
        %add3A_1296 = arith.constant 48 : i32
        %add3A_1297 = arith.addi %mul3A_1252, %add3A_1296 : i32
        %get3A_1298 = arith.index_cast %add3A_1297 : i32 to index
        %get3A_1299 = tpu.vector_load %arg17[%get3A_1298] {strides = array<i32>} : memref<1760xf32, #tpu.memory_space<vmem>>, vector<16xf32>,
        %get3A_1300 = arith.constant 48 : index
        %get3A_1301 = tpu.vector_load %arg18[%get3A_1300] {strides = array<i32>} : memref<128xf32, #tpu.memory_space<vmem>>, vector<16xf32>,
        %mul3A_1302 = arith.mulf %get3A_1299, %get3A_1301 : vector<16xf32>
        %gather3A_1303 = tpu.vector_load_idx %arg10[%get3A_1295] : memref<100000xf32, #tpu.memory_space<vmem>>[vector<16xi32>], vector<16xf32>,
        %while3A_1304 = scf.while (%while3A_1358 = %gather3A_1303) : (vector<16xf32>) -> vector<16xf32> {
          %lt3A_1359 = arith.cmpf olt, %while3A_1358, %mul3A_1302 : vector<16xf32>
          %reduce_or3A = arith.constant 1.000000e+00 : f32
          %reduce_or3A_1360 = arith.constant 0.000000e+00 : f32
          %reduce_or3A_1361 = vector.broadcast %reduce_or3A : f32 to vector<16xf32>
          %reduce_or3A_1362 = vector.broadcast %reduce_or3A_1360 : f32 to vector<16xf32>
          %reduce_or3A_1363 = arith.select %lt3A_1359, %reduce_or3A_1361, %reduce_or3A_1362 : vector<16xi1>, vector<16xf32>
          %reduce_or3A_1364 = arith.constant true
          %reduce_or3A_1365 = vector.broadcast %reduce_or3A_1364 : i1 to vector<16xi1>
          %reduce_or3A_1366 = tpu.scan <max>, %reduce_or3A_1363 masked %reduce_or3A_1365 : vector<16xf32>, vector<16xi1> -> vector<16xf32>
          %reduce_or3A_1367 = vector.extract %reduce_or3A_1366[15] : f32 from vector<16xf32>
          %reduce_or3A_1368 = arith.constant 0.000000e+00 : f32
          %reduce_or3A_1369 = arith.cmpf ogt, %reduce_or3A_1367, %reduce_or3A_1368 : f32
          scf.condition(%reduce_or3A_1369) %while3A_1358 : vector<16xf32>
        } do {
        ^bb0(%while3A_1358: vector<16xf32>):
          %lt3A_1359 = arith.cmpf olt, %while3A_1358, %mul3A_1302 : vector<16xf32>
          %max3A_1360 = arith.maximumf %while3A_1358, %mul3A_1302 : vector<16xf32>
          tpu.vector_store_idx %arg10[%get3A_1295], %max3A_1360 masked %lt3A_1359 : memref<100000xf32, #tpu.memory_space<vmem>>[vector<16xi32>], vector<16xf32>, vector<16xi1>
          %gather3A_1361 = tpu.vector_load_idx %arg10[%get3A_1295] : memref<100000xf32, #tpu.memory_space<vmem>>[vector<16xi32>], vector<16xf32>,
          scf.yield %gather3A_1361 : vector<16xf32>
        }
        %add3A_1305 = arith.constant 64 : i32
        %add3A_1306 = arith.addi %mul3A_1252, %add3A_1305 : i32
        %get3A_1307 = arith.index_cast %add3A_1306 : i32 to index
        %get3A_1308 = tpu.vector_load %arg16[%get3A_1307] {strides = array<i32>} : memref<1760xi32, #tpu.memory_space<vmem>>, vector<16xi32>,
        %add3A_1309 = arith.constant 64 : i32
        %add3A_1310 = arith.addi %mul3A_1252, %add3A_1309 : i32
        %get3A_1311 = arith.index_cast %add3A_1310 : i32 to index
        %get3A_1312 = tpu.vector_load %arg17[%get3A_1311] {strides = array<i32>} : memref<1760xf32, #tpu.memory_space<vmem>>, vector<16xf32>,
        %get3A_1313 = arith.constant 64 : index
        %get3A_1314 = tpu.vector_load %arg18[%get3A_1313] {strides = array<i32>} : memref<128xf32, #tpu.memory_space<vmem>>, vector<16xf32>,
        %mul3A_1315 = arith.mulf %get3A_1312, %get3A_1314 : vector<16xf32>
        %gather3A_1316 = tpu.vector_load_idx %arg10[%get3A_1308] : memref<100000xf32, #tpu.memory_space<vmem>>[vector<16xi32>], vector<16xf32>,
        %while3A_1317 = scf.while (%while3A_1358 = %gather3A_1316) : (vector<16xf32>) -> vector<16xf32> {
          %lt3A_1359 = arith.cmpf olt, %while3A_1358, %mul3A_1315 : vector<16xf32>
          %reduce_or3A = arith.constant 1.000000e+00 : f32
          %reduce_or3A_1360 = arith.constant 0.000000e+00 : f32
          %reduce_or3A_1361 = vector.broadcast %reduce_or3A : f32 to vector<16xf32>
          %reduce_or3A_1362 = vector.broadcast %reduce_or3A_1360 : f32 to vector<16xf32>
          %reduce_or3A_1363 = arith.select %lt3A_1359, %reduce_or3A_1361, %reduce_or3A_1362 : vector<16xi1>, vector<16xf32>
          %reduce_or3A_1364 = arith.constant true
          %reduce_or3A_1365 = vector.broadcast %reduce_or3A_1364 : i1 to vector<16xi1>
          %reduce_or3A_1366 = tpu.scan <max>, %reduce_or3A_1363 masked %reduce_or3A_1365 : vector<16xf32>, vector<16xi1> -> vector<16xf32>
          %reduce_or3A_1367 = vector.extract %reduce_or3A_1366[15] : f32 from vector<16xf32>
          %reduce_or3A_1368 = arith.constant 0.000000e+00 : f32
          %reduce_or3A_1369 = arith.cmpf ogt, %reduce_or3A_1367, %reduce_or3A_1368 : f32
          scf.condition(%reduce_or3A_1369) %while3A_1358 : vector<16xf32>
        } do {
        ^bb0(%while3A_1358: vector<16xf32>):
          %lt3A_1359 = arith.cmpf olt, %while3A_1358, %mul3A_1315 : vector<16xf32>
          %max3A_1360 = arith.maximumf %while3A_1358, %mul3A_1315 : vector<16xf32>
          tpu.vector_store_idx %arg10[%get3A_1308], %max3A_1360 masked %lt3A_1359 : memref<100000xf32, #tpu.memory_space<vmem>>[vector<16xi32>], vector<16xf32>, vector<16xi1>
          %gather3A_1361 = tpu.vector_load_idx %arg10[%get3A_1308] : memref<100000xf32, #tpu.memory_space<vmem>>[vector<16xi32>], vector<16xf32>,
          scf.yield %gather3A_1361 : vector<16xf32>
        }
        %add3A_1318 = arith.constant 80 : i32
        %add3A_1319 = arith.addi %mul3A_1252, %add3A_1318 : i32
        %get3A_1320 = arith.index_cast %add3A_1319 : i32 to index
        %get3A_1321 = tpu.vector_load %arg16[%get3A_1320] {strides = array<i32>} : memref<1760xi32, #tpu.memory_space<vmem>>, vector<16xi32>,
        %add3A_1322 = arith.constant 80 : i32
        %add3A_1323 = arith.addi %mul3A_1252, %add3A_1322 : i32
        %get3A_1324 = arith.index_cast %add3A_1323 : i32 to index
        %get3A_1325 = tpu.vector_load %arg17[%get3A_1324] {strides = array<i32>} : memref<1760xf32, #tpu.memory_space<vmem>>, vector<16xf32>,
        %get3A_1326 = arith.constant 80 : index
        %get3A_1327 = tpu.vector_load %arg18[%get3A_1326] {strides = array<i32>} : memref<128xf32, #tpu.memory_space<vmem>>, vector<16xf32>,
        %mul3A_1328 = arith.mulf %get3A_1325, %get3A_1327 : vector<16xf32>
        %gather3A_1329 = tpu.vector_load_idx %arg10[%get3A_1321] : memref<100000xf32, #tpu.memory_space<vmem>>[vector<16xi32>], vector<16xf32>,
        %while3A_1330 = scf.while (%while3A_1358 = %gather3A_1329) : (vector<16xf32>) -> vector<16xf32> {
          %lt3A_1359 = arith.cmpf olt, %while3A_1358, %mul3A_1328 : vector<16xf32>
          %reduce_or3A = arith.constant 1.000000e+00 : f32
          %reduce_or3A_1360 = arith.constant 0.000000e+00 : f32
          %reduce_or3A_1361 = vector.broadcast %reduce_or3A : f32 to vector<16xf32>
          %reduce_or3A_1362 = vector.broadcast %reduce_or3A_1360 : f32 to vector<16xf32>
          %reduce_or3A_1363 = arith.select %lt3A_1359, %reduce_or3A_1361, %reduce_or3A_1362 : vector<16xi1>, vector<16xf32>
          %reduce_or3A_1364 = arith.constant true
          %reduce_or3A_1365 = vector.broadcast %reduce_or3A_1364 : i1 to vector<16xi1>
          %reduce_or3A_1366 = tpu.scan <max>, %reduce_or3A_1363 masked %reduce_or3A_1365 : vector<16xf32>, vector<16xi1> -> vector<16xf32>
          %reduce_or3A_1367 = vector.extract %reduce_or3A_1366[15] : f32 from vector<16xf32>
          %reduce_or3A_1368 = arith.constant 0.000000e+00 : f32
          %reduce_or3A_1369 = arith.cmpf ogt, %reduce_or3A_1367, %reduce_or3A_1368 : f32
          scf.condition(%reduce_or3A_1369) %while3A_1358 : vector<16xf32>
        } do {
        ^bb0(%while3A_1358: vector<16xf32>):
          %lt3A_1359 = arith.cmpf olt, %while3A_1358, %mul3A_1328 : vector<16xf32>
          %max3A_1360 = arith.maximumf %while3A_1358, %mul3A_1328 : vector<16xf32>
          tpu.vector_store_idx %arg10[%get3A_1321], %max3A_1360 masked %lt3A_1359 : memref<100000xf32, #tpu.memory_space<vmem>>[vector<16xi32>], vector<16xf32>, vector<16xi1>
          %gather3A_1361 = tpu.vector_load_idx %arg10[%get3A_1321] : memref<100000xf32, #tpu.memory_space<vmem>>[vector<16xi32>], vector<16xf32>,
          scf.yield %gather3A_1361 : vector<16xf32>
        }
        %add3A_1331 = arith.constant 96 : i32
        %add3A_1332 = arith.addi %mul3A_1252, %add3A_1331 : i32
        %get3A_1333 = arith.index_cast %add3A_1332 : i32 to index
        %get3A_1334 = tpu.vector_load %arg16[%get3A_1333] {strides = array<i32>} : memref<1760xi32, #tpu.memory_space<vmem>>, vector<16xi32>,
        %add3A_1335 = arith.constant 96 : i32
        %add3A_1336 = arith.addi %mul3A_1252, %add3A_1335 : i32
        %get3A_1337 = arith.index_cast %add3A_1336 : i32 to index
        %get3A_1338 = tpu.vector_load %arg17[%get3A_1337] {strides = array<i32>} : memref<1760xf32, #tpu.memory_space<vmem>>, vector<16xf32>,
        %get3A_1339 = arith.constant 96 : index
        %get3A_1340 = tpu.vector_load %arg18[%get3A_1339] {strides = array<i32>} : memref<128xf32, #tpu.memory_space<vmem>>, vector<16xf32>,
        %mul3A_1341 = arith.mulf %get3A_1338, %get3A_1340 : vector<16xf32>
        %gather3A_1342 = tpu.vector_load_idx %arg10[%get3A_1334] : memref<100000xf32, #tpu.memory_space<vmem>>[vector<16xi32>], vector<16xf32>,
        %while3A_1343 = scf.while (%while3A_1358 = %gather3A_1342) : (vector<16xf32>) -> vector<16xf32> {
          %lt3A_1359 = arith.cmpf olt, %while3A_1358, %mul3A_1341 : vector<16xf32>
          %reduce_or3A = arith.constant 1.000000e+00 : f32
          %reduce_or3A_1360 = arith.constant 0.000000e+00 : f32
          %reduce_or3A_1361 = vector.broadcast %reduce_or3A : f32 to vector<16xf32>
          %reduce_or3A_1362 = vector.broadcast %reduce_or3A_1360 : f32 to vector<16xf32>
          %reduce_or3A_1363 = arith.select %lt3A_1359, %reduce_or3A_1361, %reduce_or3A_1362 : vector<16xi1>, vector<16xf32>
          %reduce_or3A_1364 = arith.constant true
          %reduce_or3A_1365 = vector.broadcast %reduce_or3A_1364 : i1 to vector<16xi1>
          %reduce_or3A_1366 = tpu.scan <max>, %reduce_or3A_1363 masked %reduce_or3A_1365 : vector<16xf32>, vector<16xi1> -> vector<16xf32>
          %reduce_or3A_1367 = vector.extract %reduce_or3A_1366[15] : f32 from vector<16xf32>
          %reduce_or3A_1368 = arith.constant 0.000000e+00 : f32
          %reduce_or3A_1369 = arith.cmpf ogt, %reduce_or3A_1367, %reduce_or3A_1368 : f32
          scf.condition(%reduce_or3A_1369) %while3A_1358 : vector<16xf32>
        } do {
        ^bb0(%while3A_1358: vector<16xf32>):
          %lt3A_1359 = arith.cmpf olt, %while3A_1358, %mul3A_1341 : vector<16xf32>
          %max3A_1360 = arith.maximumf %while3A_1358, %mul3A_1341 : vector<16xf32>
          tpu.vector_store_idx %arg10[%get3A_1334], %max3A_1360 masked %lt3A_1359 : memref<100000xf32, #tpu.memory_space<vmem>>[vector<16xi32>], vector<16xf32>, vector<16xi1>
          %gather3A_1361 = tpu.vector_load_idx %arg10[%get3A_1334] : memref<100000xf32, #tpu.memory_space<vmem>>[vector<16xi32>], vector<16xf32>,
          scf.yield %gather3A_1361 : vector<16xf32>
        }
        %add3A_1344 = arith.constant 112 : i32
        %add3A_1345 = arith.addi %mul3A_1252, %add3A_1344 : i32
        %get3A_1346 = arith.index_cast %add3A_1345 : i32 to index
        %get3A_1347 = tpu.vector_load %arg16[%get3A_1346] {strides = array<i32>} : memref<1760xi32, #tpu.memory_space<vmem>>, vector<16xi32>,
        %add3A_1348 = arith.constant 112 : i32
        %add3A_1349 = arith.addi %mul3A_1252, %add3A_1348 : i32
        %get3A_1350 = arith.index_cast %add3A_1349 : i32 to index
        %get3A_1351 = tpu.vector_load %arg17[%get3A_1350] {strides = array<i32>} : memref<1760xf32, #tpu.memory_space<vmem>>, vector<16xf32>,
        %get3A_1352 = arith.constant 112 : index
        %get3A_1353 = tpu.vector_load %arg18[%get3A_1352] {strides = array<i32>} : memref<128xf32, #tpu.memory_space<vmem>>, vector<16xf32>,
        %mul3A_1354 = arith.mulf %get3A_1351, %get3A_1353 : vector<16xf32>
        %gather3A_1355 = tpu.vector_load_idx %arg10[%get3A_1347] : memref<100000xf32, #tpu.memory_space<vmem>>[vector<16xi32>], vector<16xf32>,
        %while3A_1356 = scf.while (%while3A_1358 = %gather3A_1355) : (vector<16xf32>) -> vector<16xf32> {
          %lt3A_1359 = arith.cmpf olt, %while3A_1358, %mul3A_1354 : vector<16xf32>
          %reduce_or3A = arith.constant 1.000000e+00 : f32
          %reduce_or3A_1360 = arith.constant 0.000000e+00 : f32
          %reduce_or3A_1361 = vector.broadcast %reduce_or3A : f32 to vector<16xf32>
          %reduce_or3A_1362 = vector.broadcast %reduce_or3A_1360 : f32 to vector<16xf32>
          %reduce_or3A_1363 = arith.select %lt3A_1359, %reduce_or3A_1361, %reduce_or3A_1362 : vector<16xi1>, vector<16xf32>
          %reduce_or3A_1364 = arith.constant true
          %reduce_or3A_1365 = vector.broadcast %reduce_or3A_1364 : i1 to vector<16xi1>
          %reduce_or3A_1366 = tpu.scan <max>, %reduce_or3A_1363 masked %reduce_or3A_1365 : vector<16xf32>, vector<16xi1> -> vector<16xf32>
          %reduce_or3A_1367 = vector.extract %reduce_or3A_1366[15] : f32 from vector<16xf32>
          %reduce_or3A_1368 = arith.constant 0.000000e+00 : f32
          %reduce_or3A_1369 = arith.cmpf ogt, %reduce_or3A_1367, %reduce_or3A_1368 : f32
          scf.condition(%reduce_or3A_1369) %while3A_1358 : vector<16xf32>
        } do {
        ^bb0(%while3A_1358: vector<16xf32>):
          %lt3A_1359 = arith.cmpf olt, %while3A_1358, %mul3A_1354 : vector<16xf32>
          %max3A_1360 = arith.maximumf %while3A_1358, %mul3A_1354 : vector<16xf32>
          tpu.vector_store_idx %arg10[%get3A_1347], %max3A_1360 masked %lt3A_1359 : memref<100000xf32, #tpu.memory_space<vmem>>[vector<16xi32>], vector<16xf32>, vector<16xi1>
          %gather3A_1361 = tpu.vector_load_idx %arg10[%get3A_1347] : memref<100000xf32, #tpu.memory_space<vmem>>[vector<16xi32>], vector<16xf32>,
          scf.yield %gather3A_1361 : vector<16xf32>
        }
        %while3A_1357 = arith.constant 0 : i32
        scf.yield %while3A_1357 : i32
      }
      %while3A_1204 = arith.constant 1 : i32
      %while3A_1205 = scf.for %while3A_1249 = %while3A_1201 to %while3A_1197 step %while3A_1204 iter_args(%while3A_1250 = %while3A_1203) -> (i32)  : i32 {
        %mul3A_1251 = arith.constant 128 : i32
        %mul3A_1252 = arith.muli %while3A_1249, %mul3A_1251 : i32
        "tpu.region"() ({
          %run_scoped3A = tpu.sem_alloc : memref<!tpu.dma_semaphore, #tpu.memory_space<semaphore_mem>>
          %dma_start3A_1358 = tpu.memref_slice %arg15[%mul3A_1252] : memref<1760xi32, #tpu.memory_space<vmem>> -> memref<128xi32, #tpu.memory_space<vmem>>
          %dma_start3A_1359 = arith.constant 0 : i32
          %dma_start3A_1360 = tpu.memref_slice %arg2[%dma_start3A_1359] : memref<800000xf32, #tpu.memory_space<hbm>> -> memref<800000xf32, #tpu.memory_space<hbm>>
          tpu.enqueue_indirect_dma source(%dma_start3A_1360 : memref<800000xf32, #tpu.memory_space<hbm>>) target(%arg18 : memref<128xf32, #tpu.memory_space<vmem>>) offsets(%dma_start3A_1358 : memref<128xi32, #tpu.memory_space<vmem>>) semaphore(%run_scoped3A : memref<!tpu.dma_semaphore, #tpu.memory_space<semaphore_mem>>)
          %dma_wait3A = tpu.memref_slice %arg15[%mul3A_1252] : memref<1760xi32, #tpu.memory_space<vmem>> -> memref<128xi32, #tpu.memory_space<vmem>>
          %dma_wait3A_1361 = arith.constant 0 : i32
          %dma_wait3A_1362 = tpu.memref_slice %arg2[%dma_wait3A_1361] : memref<800000xf32, #tpu.memory_space<hbm>> -> memref<800000xf32, #tpu.memory_space<hbm>>
          tpu.wait_indirect_dma semaphore(%run_scoped3A : memref<!tpu.dma_semaphore, #tpu.memory_space<semaphore_mem>>) src(%dma_wait3A_1362 : memref<800000xf32, #tpu.memory_space<hbm>>) dst(%arg18 : memref<128xf32, #tpu.memory_space<vmem>>)
          tpu.yield
        }) : () -> ()
        %add3A_1253 = arith.constant 0 : i32
        %add3A_1254 = arith.addi %mul3A_1252, %add3A_1253 : i32
        %get3A_1255 = arith.index_cast %add3A_1254 : i32 to index
        %get3A_1256 = tpu.vector_load %arg16[%get3A_1255] {strides = array<i32>} : memref<1760xi32, #tpu.memory_space<vmem>>, vector<16xi32>,
        %add3A_1257 = arith.constant 0 : i32
        %add3A_1258 = arith.addi %mul3A_1252, %add3A_1257 : i32
        %get3A_1259 = arith.index_cast %add3A_1258 : i32 to index
        %get3A_1260 = tpu.vector_load %arg17[%get3A_1259] {strides = array<i32>} : memref<1760xf32, #tpu.memory_space<vmem>>, vector<16xf32>,
        %get3A_1261 = arith.constant 0 : index
        %get3A_1262 = tpu.vector_load %arg18[%get3A_1261] {strides = array<i32>} : memref<128xf32, #tpu.memory_space<vmem>>, vector<16xf32>,
        %mul3A_1263 = arith.mulf %get3A_1260, %get3A_1262 : vector<16xf32>
        %gather3A_1264 = tpu.vector_load_idx %arg10[%get3A_1256] : memref<100000xf32, #tpu.memory_space<vmem>>[vector<16xi32>], vector<16xf32>,
        %while3A_1265 = scf.while (%while3A_1358 = %gather3A_1264) : (vector<16xf32>) -> vector<16xf32> {
          %lt3A_1359 = arith.cmpf olt, %while3A_1358, %mul3A_1263 : vector<16xf32>
          %reduce_or3A = arith.constant 1.000000e+00 : f32
          %reduce_or3A_1360 = arith.constant 0.000000e+00 : f32
          %reduce_or3A_1361 = vector.broadcast %reduce_or3A : f32 to vector<16xf32>
          %reduce_or3A_1362 = vector.broadcast %reduce_or3A_1360 : f32 to vector<16xf32>
          %reduce_or3A_1363 = arith.select %lt3A_1359, %reduce_or3A_1361, %reduce_or3A_1362 : vector<16xi1>, vector<16xf32>
          %reduce_or3A_1364 = arith.constant true
          %reduce_or3A_1365 = vector.broadcast %reduce_or3A_1364 : i1 to vector<16xi1>
          %reduce_or3A_1366 = tpu.scan <max>, %reduce_or3A_1363 masked %reduce_or3A_1365 : vector<16xf32>, vector<16xi1> -> vector<16xf32>
          %reduce_or3A_1367 = vector.extract %reduce_or3A_1366[15] : f32 from vector<16xf32>
          %reduce_or3A_1368 = arith.constant 0.000000e+00 : f32
          %reduce_or3A_1369 = arith.cmpf ogt, %reduce_or3A_1367, %reduce_or3A_1368 : f32
          scf.condition(%reduce_or3A_1369) %while3A_1358 : vector<16xf32>
        } do {
        ^bb0(%while3A_1358: vector<16xf32>):
          %lt3A_1359 = arith.cmpf olt, %while3A_1358, %mul3A_1263 : vector<16xf32>
          %max3A_1360 = arith.maximumf %while3A_1358, %mul3A_1263 : vector<16xf32>
          tpu.vector_store_idx %arg10[%get3A_1256], %max3A_1360 masked %lt3A_1359 : memref<100000xf32, #tpu.memory_space<vmem>>[vector<16xi32>], vector<16xf32>, vector<16xi1>
          %gather3A_1361 = tpu.vector_load_idx %arg10[%get3A_1256] : memref<100000xf32, #tpu.memory_space<vmem>>[vector<16xi32>], vector<16xf32>,
          scf.yield %gather3A_1361 : vector<16xf32>
        }
        %add3A_1266 = arith.constant 16 : i32
        %add3A_1267 = arith.addi %mul3A_1252, %add3A_1266 : i32
        %get3A_1268 = arith.index_cast %add3A_1267 : i32 to index
        %get3A_1269 = tpu.vector_load %arg16[%get3A_1268] {strides = array<i32>} : memref<1760xi32, #tpu.memory_space<vmem>>, vector<16xi32>,
        %add3A_1270 = arith.constant 16 : i32
        %add3A_1271 = arith.addi %mul3A_1252, %add3A_1270 : i32
        %get3A_1272 = arith.index_cast %add3A_1271 : i32 to index
        %get3A_1273 = tpu.vector_load %arg17[%get3A_1272] {strides = array<i32>} : memref<1760xf32, #tpu.memory_space<vmem>>, vector<16xf32>,
        %get3A_1274 = arith.constant 16 : index
        %get3A_1275 = tpu.vector_load %arg18[%get3A_1274] {strides = array<i32>} : memref<128xf32, #tpu.memory_space<vmem>>, vector<16xf32>,
        %mul3A_1276 = arith.mulf %get3A_1273, %get3A_1275 : vector<16xf32>
        %gather3A_1277 = tpu.vector_load_idx %arg10[%get3A_1269] : memref<100000xf32, #tpu.memory_space<vmem>>[vector<16xi32>], vector<16xf32>,
        %while3A_1278 = scf.while (%while3A_1358 = %gather3A_1277) : (vector<16xf32>) -> vector<16xf32> {
          %lt3A_1359 = arith.cmpf olt, %while3A_1358, %mul3A_1276 : vector<16xf32>
          %reduce_or3A = arith.constant 1.000000e+00 : f32
          %reduce_or3A_1360 = arith.constant 0.000000e+00 : f32
          %reduce_or3A_1361 = vector.broadcast %reduce_or3A : f32 to vector<16xf32>
          %reduce_or3A_1362 = vector.broadcast %reduce_or3A_1360 : f32 to vector<16xf32>
          %reduce_or3A_1363 = arith.select %lt3A_1359, %reduce_or3A_1361, %reduce_or3A_1362 : vector<16xi1>, vector<16xf32>
          %reduce_or3A_1364 = arith.constant true
          %reduce_or3A_1365 = vector.broadcast %reduce_or3A_1364 : i1 to vector<16xi1>
          %reduce_or3A_1366 = tpu.scan <max>, %reduce_or3A_1363 masked %reduce_or3A_1365 : vector<16xf32>, vector<16xi1> -> vector<16xf32>
          %reduce_or3A_1367 = vector.extract %reduce_or3A_1366[15] : f32 from vector<16xf32>
          %reduce_or3A_1368 = arith.constant 0.000000e+00 : f32
          %reduce_or3A_1369 = arith.cmpf ogt, %reduce_or3A_1367, %reduce_or3A_1368 : f32
          scf.condition(%reduce_or3A_1369) %while3A_1358 : vector<16xf32>
        } do {
        ^bb0(%while3A_1358: vector<16xf32>):
          %lt3A_1359 = arith.cmpf olt, %while3A_1358, %mul3A_1276 : vector<16xf32>
          %max3A_1360 = arith.maximumf %while3A_1358, %mul3A_1276 : vector<16xf32>
          tpu.vector_store_idx %arg10[%get3A_1269], %max3A_1360 masked %lt3A_1359 : memref<100000xf32, #tpu.memory_space<vmem>>[vector<16xi32>], vector<16xf32>, vector<16xi1>
          %gather3A_1361 = tpu.vector_load_idx %arg10[%get3A_1269] : memref<100000xf32, #tpu.memory_space<vmem>>[vector<16xi32>], vector<16xf32>,
          scf.yield %gather3A_1361 : vector<16xf32>
        }
        %add3A_1279 = arith.constant 32 : i32
        %add3A_1280 = arith.addi %mul3A_1252, %add3A_1279 : i32
        %get3A_1281 = arith.index_cast %add3A_1280 : i32 to index
        %get3A_1282 = tpu.vector_load %arg16[%get3A_1281] {strides = array<i32>} : memref<1760xi32, #tpu.memory_space<vmem>>, vector<16xi32>,
        %add3A_1283 = arith.constant 32 : i32
        %add3A_1284 = arith.addi %mul3A_1252, %add3A_1283 : i32
        %get3A_1285 = arith.index_cast %add3A_1284 : i32 to index
        %get3A_1286 = tpu.vector_load %arg17[%get3A_1285] {strides = array<i32>} : memref<1760xf32, #tpu.memory_space<vmem>>, vector<16xf32>,
        %get3A_1287 = arith.constant 32 : index
        %get3A_1288 = tpu.vector_load %arg18[%get3A_1287] {strides = array<i32>} : memref<128xf32, #tpu.memory_space<vmem>>, vector<16xf32>,
        %mul3A_1289 = arith.mulf %get3A_1286, %get3A_1288 : vector<16xf32>
        %gather3A_1290 = tpu.vector_load_idx %arg10[%get3A_1282] : memref<100000xf32, #tpu.memory_space<vmem>>[vector<16xi32>], vector<16xf32>,
        %while3A_1291 = scf.while (%while3A_1358 = %gather3A_1290) : (vector<16xf32>) -> vector<16xf32> {
          %lt3A_1359 = arith.cmpf olt, %while3A_1358, %mul3A_1289 : vector<16xf32>
          %reduce_or3A = arith.constant 1.000000e+00 : f32
          %reduce_or3A_1360 = arith.constant 0.000000e+00 : f32
          %reduce_or3A_1361 = vector.broadcast %reduce_or3A : f32 to vector<16xf32>
          %reduce_or3A_1362 = vector.broadcast %reduce_or3A_1360 : f32 to vector<16xf32>
          %reduce_or3A_1363 = arith.select %lt3A_1359, %reduce_or3A_1361, %reduce_or3A_1362 : vector<16xi1>, vector<16xf32>
          %reduce_or3A_1364 = arith.constant true
          %reduce_or3A_1365 = vector.broadcast %reduce_or3A_1364 : i1 to vector<16xi1>
          %reduce_or3A_1366 = tpu.scan <max>, %reduce_or3A_1363 masked %reduce_or3A_1365 : vector<16xf32>, vector<16xi1> -> vector<16xf32>
          %reduce_or3A_1367 = vector.extract %reduce_or3A_1366[15] : f32 from vector<16xf32>
          %reduce_or3A_1368 = arith.constant 0.000000e+00 : f32
          %reduce_or3A_1369 = arith.cmpf ogt, %reduce_or3A_1367, %reduce_or3A_1368 : f32
          scf.condition(%reduce_or3A_1369) %while3A_1358 : vector<16xf32>
        } do {
        ^bb0(%while3A_1358: vector<16xf32>):
          %lt3A_1359 = arith.cmpf olt, %while3A_1358, %mul3A_1289 : vector<16xf32>
          %max3A_1360 = arith.maximumf %while3A_1358, %mul3A_1289 : vector<16xf32>
          tpu.vector_store_idx %arg10[%get3A_1282], %max3A_1360 masked %lt3A_1359 : memref<100000xf32, #tpu.memory_space<vmem>>[vector<16xi32>], vector<16xf32>, vector<16xi1>
          %gather3A_1361 = tpu.vector_load_idx %arg10[%get3A_1282] : memref<100000xf32, #tpu.memory_space<vmem>>[vector<16xi32>], vector<16xf32>,
          scf.yield %gather3A_1361 : vector<16xf32>
        }
        %add3A_1292 = arith.constant 48 : i32
        %add3A_1293 = arith.addi %mul3A_1252, %add3A_1292 : i32
        %get3A_1294 = arith.index_cast %add3A_1293 : i32 to index
        %get3A_1295 = tpu.vector_load %arg16[%get3A_1294] {strides = array<i32>} : memref<1760xi32, #tpu.memory_space<vmem>>, vector<16xi32>,
        %add3A_1296 = arith.constant 48 : i32
        %add3A_1297 = arith.addi %mul3A_1252, %add3A_1296 : i32
        %get3A_1298 = arith.index_cast %add3A_1297 : i32 to index
        %get3A_1299 = tpu.vector_load %arg17[%get3A_1298] {strides = array<i32>} : memref<1760xf32, #tpu.memory_space<vmem>>, vector<16xf32>,
        %get3A_1300 = arith.constant 48 : index
        %get3A_1301 = tpu.vector_load %arg18[%get3A_1300] {strides = array<i32>} : memref<128xf32, #tpu.memory_space<vmem>>, vector<16xf32>,
        %mul3A_1302 = arith.mulf %get3A_1299, %get3A_1301 : vector<16xf32>
        %gather3A_1303 = tpu.vector_load_idx %arg10[%get3A_1295] : memref<100000xf32, #tpu.memory_space<vmem>>[vector<16xi32>], vector<16xf32>,
        %while3A_1304 = scf.while (%while3A_1358 = %gather3A_1303) : (vector<16xf32>) -> vector<16xf32> {
          %lt3A_1359 = arith.cmpf olt, %while3A_1358, %mul3A_1302 : vector<16xf32>
          %reduce_or3A = arith.constant 1.000000e+00 : f32
          %reduce_or3A_1360 = arith.constant 0.000000e+00 : f32
          %reduce_or3A_1361 = vector.broadcast %reduce_or3A : f32 to vector<16xf32>
          %reduce_or3A_1362 = vector.broadcast %reduce_or3A_1360 : f32 to vector<16xf32>
          %reduce_or3A_1363 = arith.select %lt3A_1359, %reduce_or3A_1361, %reduce_or3A_1362 : vector<16xi1>, vector<16xf32>
          %reduce_or3A_1364 = arith.constant true
          %reduce_or3A_1365 = vector.broadcast %reduce_or3A_1364 : i1 to vector<16xi1>
          %reduce_or3A_1366 = tpu.scan <max>, %reduce_or3A_1363 masked %reduce_or3A_1365 : vector<16xf32>, vector<16xi1> -> vector<16xf32>
          %reduce_or3A_1367 = vector.extract %reduce_or3A_1366[15] : f32 from vector<16xf32>
          %reduce_or3A_1368 = arith.constant 0.000000e+00 : f32
          %reduce_or3A_1369 = arith.cmpf ogt, %reduce_or3A_1367, %reduce_or3A_1368 : f32
          scf.condition(%reduce_or3A_1369) %while3A_1358 : vector<16xf32>
        } do {
        ^bb0(%while3A_1358: vector<16xf32>):
          %lt3A_1359 = arith.cmpf olt, %while3A_1358, %mul3A_1302 : vector<16xf32>
          %max3A_1360 = arith.maximumf %while3A_1358, %mul3A_1302 : vector<16xf32>
          tpu.vector_store_idx %arg10[%get3A_1295], %max3A_1360 masked %lt3A_1359 : memref<100000xf32, #tpu.memory_space<vmem>>[vector<16xi32>], vector<16xf32>, vector<16xi1>
          %gather3A_1361 = tpu.vector_load_idx %arg10[%get3A_1295] : memref<100000xf32, #tpu.memory_space<vmem>>[vector<16xi32>], vector<16xf32>,
          scf.yield %gather3A_1361 : vector<16xf32>
        }
        %add3A_1305 = arith.constant 64 : i32
        %add3A_1306 = arith.addi %mul3A_1252, %add3A_1305 : i32
        %get3A_1307 = arith.index_cast %add3A_1306 : i32 to index
        %get3A_1308 = tpu.vector_load %arg16[%get3A_1307] {strides = array<i32>} : memref<1760xi32, #tpu.memory_space<vmem>>, vector<16xi32>,
        %add3A_1309 = arith.constant 64 : i32
        %add3A_1310 = arith.addi %mul3A_1252, %add3A_1309 : i32
        %get3A_1311 = arith.index_cast %add3A_1310 : i32 to index
        %get3A_1312 = tpu.vector_load %arg17[%get3A_1311] {strides = array<i32>} : memref<1760xf32, #tpu.memory_space<vmem>>, vector<16xf32>,
        %get3A_1313 = arith.constant 64 : index
        %get3A_1314 = tpu.vector_load %arg18[%get3A_1313] {strides = array<i32>} : memref<128xf32, #tpu.memory_space<vmem>>, vector<16xf32>,
        %mul3A_1315 = arith.mulf %get3A_1312, %get3A_1314 : vector<16xf32>
        %gather3A_1316 = tpu.vector_load_idx %arg10[%get3A_1308] : memref<100000xf32, #tpu.memory_space<vmem>>[vector<16xi32>], vector<16xf32>,
        %while3A_1317 = scf.while (%while3A_1358 = %gather3A_1316) : (vector<16xf32>) -> vector<16xf32> {
          %lt3A_1359 = arith.cmpf olt, %while3A_1358, %mul3A_1315 : vector<16xf32>
          %reduce_or3A = arith.constant 1.000000e+00 : f32
          %reduce_or3A_1360 = arith.constant 0.000000e+00 : f32
          %reduce_or3A_1361 = vector.broadcast %reduce_or3A : f32 to vector<16xf32>
          %reduce_or3A_1362 = vector.broadcast %reduce_or3A_1360 : f32 to vector<16xf32>
          %reduce_or3A_1363 = arith.select %lt3A_1359, %reduce_or3A_1361, %reduce_or3A_1362 : vector<16xi1>, vector<16xf32>
          %reduce_or3A_1364 = arith.constant true
          %reduce_or3A_1365 = vector.broadcast %reduce_or3A_1364 : i1 to vector<16xi1>
          %reduce_or3A_1366 = tpu.scan <max>, %reduce_or3A_1363 masked %reduce_or3A_1365 : vector<16xf32>, vector<16xi1> -> vector<16xf32>
          %reduce_or3A_1367 = vector.extract %reduce_or3A_1366[15] : f32 from vector<16xf32>
          %reduce_or3A_1368 = arith.constant 0.000000e+00 : f32
          %reduce_or3A_1369 = arith.cmpf ogt, %reduce_or3A_1367, %reduce_or3A_1368 : f32
          scf.condition(%reduce_or3A_1369) %while3A_1358 : vector<16xf32>
        } do {
        ^bb0(%while3A_1358: vector<16xf32>):
          %lt3A_1359 = arith.cmpf olt, %while3A_1358, %mul3A_1315 : vector<16xf32>
          %max3A_1360 = arith.maximumf %while3A_1358, %mul3A_1315 : vector<16xf32>
          tpu.vector_store_idx %arg10[%get3A_1308], %max3A_1360 masked %lt3A_1359 : memref<100000xf32, #tpu.memory_space<vmem>>[vector<16xi32>], vector<16xf32>, vector<16xi1>
          %gather3A_1361 = tpu.vector_load_idx %arg10[%get3A_1308] : memref<100000xf32, #tpu.memory_space<vmem>>[vector<16xi32>], vector<16xf32>,
          scf.yield %gather3A_1361 : vector<16xf32>
        }
        %add3A_1318 = arith.constant 80 : i32
        %add3A_1319 = arith.addi %mul3A_1252, %add3A_1318 : i32
        %get3A_1320 = arith.index_cast %add3A_1319 : i32 to index
        %get3A_1321 = tpu.vector_load %arg16[%get3A_1320] {strides = array<i32>} : memref<1760xi32, #tpu.memory_space<vmem>>, vector<16xi32>,
        %add3A_1322 = arith.constant 80 : i32
        %add3A_1323 = arith.addi %mul3A_1252, %add3A_1322 : i32
        %get3A_1324 = arith.index_cast %add3A_1323 : i32 to index
        %get3A_1325 = tpu.vector_load %arg17[%get3A_1324] {strides = array<i32>} : memref<1760xf32, #tpu.memory_space<vmem>>, vector<16xf32>,
        %get3A_1326 = arith.constant 80 : index
        %get3A_1327 = tpu.vector_load %arg18[%get3A_1326] {strides = array<i32>} : memref<128xf32, #tpu.memory_space<vmem>>, vector<16xf32>,
        %mul3A_1328 = arith.mulf %get3A_1325, %get3A_1327 : vector<16xf32>
        %gather3A_1329 = tpu.vector_load_idx %arg10[%get3A_1321] : memref<100000xf32, #tpu.memory_space<vmem>>[vector<16xi32>], vector<16xf32>,
        %while3A_1330 = scf.while (%while3A_1358 = %gather3A_1329) : (vector<16xf32>) -> vector<16xf32> {
          %lt3A_1359 = arith.cmpf olt, %while3A_1358, %mul3A_1328 : vector<16xf32>
          %reduce_or3A = arith.constant 1.000000e+00 : f32
          %reduce_or3A_1360 = arith.constant 0.000000e+00 : f32
          %reduce_or3A_1361 = vector.broadcast %reduce_or3A : f32 to vector<16xf32>
          %reduce_or3A_1362 = vector.broadcast %reduce_or3A_1360 : f32 to vector<16xf32>
          %reduce_or3A_1363 = arith.select %lt3A_1359, %reduce_or3A_1361, %reduce_or3A_1362 : vector<16xi1>, vector<16xf32>
          %reduce_or3A_1364 = arith.constant true
          %reduce_or3A_1365 = vector.broadcast %reduce_or3A_1364 : i1 to vector<16xi1>
          %reduce_or3A_1366 = tpu.scan <max>, %reduce_or3A_1363 masked %reduce_or3A_1365 : vector<16xf32>, vector<16xi1> -> vector<16xf32>
          %reduce_or3A_1367 = vector.extract %reduce_or3A_1366[15] : f32 from vector<16xf32>
          %reduce_or3A_1368 = arith.constant 0.000000e+00 : f32
          %reduce_or3A_1369 = arith.cmpf ogt, %reduce_or3A_1367, %reduce_or3A_1368 : f32
          scf.condition(%reduce_or3A_1369) %while3A_1358 : vector<16xf32>
        } do {
        ^bb0(%while3A_1358: vector<16xf32>):
          %lt3A_1359 = arith.cmpf olt, %while3A_1358, %mul3A_1328 : vector<16xf32>
          %max3A_1360 = arith.maximumf %while3A_1358, %mul3A_1328 : vector<16xf32>
          tpu.vector_store_idx %arg10[%get3A_1321], %max3A_1360 masked %lt3A_1359 : memref<100000xf32, #tpu.memory_space<vmem>>[vector<16xi32>], vector<16xf32>, vector<16xi1>
          %gather3A_1361 = tpu.vector_load_idx %arg10[%get3A_1321] : memref<100000xf32, #tpu.memory_space<vmem>>[vector<16xi32>], vector<16xf32>,
          scf.yield %gather3A_1361 : vector<16xf32>
        }
        %add3A_1331 = arith.constant 96 : i32
        %add3A_1332 = arith.addi %mul3A_1252, %add3A_1331 : i32
        %get3A_1333 = arith.index_cast %add3A_1332 : i32 to index
        %get3A_1334 = tpu.vector_load %arg16[%get3A_1333] {strides = array<i32>} : memref<1760xi32, #tpu.memory_space<vmem>>, vector<16xi32>,
        %add3A_1335 = arith.constant 96 : i32
        %add3A_1336 = arith.addi %mul3A_1252, %add3A_1335 : i32
        %get3A_1337 = arith.index_cast %add3A_1336 : i32 to index
        %get3A_1338 = tpu.vector_load %arg17[%get3A_1337] {strides = array<i32>} : memref<1760xf32, #tpu.memory_space<vmem>>, vector<16xf32>,
        %get3A_1339 = arith.constant 96 : index
        %get3A_1340 = tpu.vector_load %arg18[%get3A_1339] {strides = array<i32>} : memref<128xf32, #tpu.memory_space<vmem>>, vector<16xf32>,
        %mul3A_1341 = arith.mulf %get3A_1338, %get3A_1340 : vector<16xf32>
        %gather3A_1342 = tpu.vector_load_idx %arg10[%get3A_1334] : memref<100000xf32, #tpu.memory_space<vmem>>[vector<16xi32>], vector<16xf32>,
        %while3A_1343 = scf.while (%while3A_1358 = %gather3A_1342) : (vector<16xf32>) -> vector<16xf32> {
          %lt3A_1359 = arith.cmpf olt, %while3A_1358, %mul3A_1341 : vector<16xf32>
          %reduce_or3A = arith.constant 1.000000e+00 : f32
          %reduce_or3A_1360 = arith.constant 0.000000e+00 : f32
          %reduce_or3A_1361 = vector.broadcast %reduce_or3A : f32 to vector<16xf32>
          %reduce_or3A_1362 = vector.broadcast %reduce_or3A_1360 : f32 to vector<16xf32>
          %reduce_or3A_1363 = arith.select %lt3A_1359, %reduce_or3A_1361, %reduce_or3A_1362 : vector<16xi1>, vector<16xf32>
          %reduce_or3A_1364 = arith.constant true
          %reduce_or3A_1365 = vector.broadcast %reduce_or3A_1364 : i1 to vector<16xi1>
          %reduce_or3A_1366 = tpu.scan <max>, %reduce_or3A_1363 masked %reduce_or3A_1365 : vector<16xf32>, vector<16xi1> -> vector<16xf32>
          %reduce_or3A_1367 = vector.extract %reduce_or3A_1366[15] : f32 from vector<16xf32>
          %reduce_or3A_1368 = arith.constant 0.000000e+00 : f32
          %reduce_or3A_1369 = arith.cmpf ogt, %reduce_or3A_1367, %reduce_or3A_1368 : f32
          scf.condition(%reduce_or3A_1369) %while3A_1358 : vector<16xf32>
        } do {
        ^bb0(%while3A_1358: vector<16xf32>):
          %lt3A_1359 = arith.cmpf olt, %while3A_1358, %mul3A_1341 : vector<16xf32>
          %max3A_1360 = arith.maximumf %while3A_1358, %mul3A_1341 : vector<16xf32>
          tpu.vector_store_idx %arg10[%get3A_1334], %max3A_1360 masked %lt3A_1359 : memref<100000xf32, #tpu.memory_space<vmem>>[vector<16xi32>], vector<16xf32>, vector<16xi1>
          %gather3A_1361 = tpu.vector_load_idx %arg10[%get3A_1334] : memref<100000xf32, #tpu.memory_space<vmem>>[vector<16xi32>], vector<16xf32>,
          scf.yield %gather3A_1361 : vector<16xf32>
        }
        %add3A_1344 = arith.constant 112 : i32
        %add3A_1345 = arith.addi %mul3A_1252, %add3A_1344 : i32
        %get3A_1346 = arith.index_cast %add3A_1345 : i32 to index
        %get3A_1347 = tpu.vector_load %arg16[%get3A_1346] {strides = array<i32>} : memref<1760xi32, #tpu.memory_space<vmem>>, vector<16xi32>,
        %add3A_1348 = arith.constant 112 : i32
        %add3A_1349 = arith.addi %mul3A_1252, %add3A_1348 : i32
        %get3A_1350 = arith.index_cast %add3A_1349 : i32 to index
        %get3A_1351 = tpu.vector_load %arg17[%get3A_1350] {strides = array<i32>} : memref<1760xf32, #tpu.memory_space<vmem>>, vector<16xf32>,
        %get3A_1352 = arith.constant 112 : index
        %get3A_1353 = tpu.vector_load %arg18[%get3A_1352] {strides = array<i32>} : memref<128xf32, #tpu.memory_space<vmem>>, vector<16xf32>,
        %mul3A_1354 = arith.mulf %get3A_1351, %get3A_1353 : vector<16xf32>
        %gather3A_1355 = tpu.vector_load_idx %arg10[%get3A_1347] : memref<100000xf32, #tpu.memory_space<vmem>>[vector<16xi32>], vector<16xf32>,
        %while3A_1356 = scf.while (%while3A_1358 = %gather3A_1355) : (vector<16xf32>) -> vector<16xf32> {
          %lt3A_1359 = arith.cmpf olt, %while3A_1358, %mul3A_1354 : vector<16xf32>
          %reduce_or3A = arith.constant 1.000000e+00 : f32
          %reduce_or3A_1360 = arith.constant 0.000000e+00 : f32
          %reduce_or3A_1361 = vector.broadcast %reduce_or3A : f32 to vector<16xf32>
          %reduce_or3A_1362 = vector.broadcast %reduce_or3A_1360 : f32 to vector<16xf32>
          %reduce_or3A_1363 = arith.select %lt3A_1359, %reduce_or3A_1361, %reduce_or3A_1362 : vector<16xi1>, vector<16xf32>
          %reduce_or3A_1364 = arith.constant true
          %reduce_or3A_1365 = vector.broadcast %reduce_or3A_1364 : i1 to vector<16xi1>
          %reduce_or3A_1366 = tpu.scan <max>, %reduce_or3A_1363 masked %reduce_or3A_1365 : vector<16xf32>, vector<16xi1> -> vector<16xf32>
          %reduce_or3A_1367 = vector.extract %reduce_or3A_1366[15] : f32 from vector<16xf32>
          %reduce_or3A_1368 = arith.constant 0.000000e+00 : f32
          %reduce_or3A_1369 = arith.cmpf ogt, %reduce_or3A_1367, %reduce_or3A_1368 : f32
          scf.condition(%reduce_or3A_1369) %while3A_1358 : vector<16xf32>
        } do {
        ^bb0(%while3A_1358: vector<16xf32>):
          %lt3A_1359 = arith.cmpf olt, %while3A_1358, %mul3A_1354 : vector<16xf32>
          %max3A_1360 = arith.maximumf %while3A_1358, %mul3A_1354 : vector<16xf32>
          tpu.vector_store_idx %arg10[%get3A_1347], %max3A_1360 masked %lt3A_1359 : memref<100000xf32, #tpu.memory_space<vmem>>[vector<16xi32>], vector<16xf32>, vector<16xi1>
          %gather3A_1361 = tpu.vector_load_idx %arg10[%get3A_1347] : memref<100000xf32, #tpu.memory_space<vmem>>[vector<16xi32>], vector<16xf32>,
          scf.yield %gather3A_1361 : vector<16xf32>
        }
        %while3A_1357 = arith.constant 0 : i32
        scf.yield %while3A_1357 : i32
      }
      %mul3A_1206 = arith.constant 128 : i32
      %mul3A_1207 = arith.muli %select_n3A_1193, %mul3A_1206 : i32
      %sub3A_1208 = arith.subi %scan3A_1168, %mul3A_1207 : i32
      %add3A_1209 = arith.constant 16 : i32
      %add3A_1210 = arith.addi %sub3A_1208, %add3A_1209 : i32
      %sub3A_1211 = arith.constant 1 : i32
      %sub3A_1212 = arith.subi %add3A_1210, %sub3A_1211 : i32
      %jit3A_1213 = arith.constant 16 : i32
      %div3A_1214 = arith.divsi %sub3A_1212, %jit3A_1213 : i32
      %sign3A_1215 = arith.constant 0 : i32
      %sign3A_1216 = arith.cmpi sgt, %sub3A_1212, %sign3A_1215 : i32
      %sign3A_1217 = arith.extui %sign3A_1216 : i1 to i32
      %sign3A_1218 = arith.constant 0 : i32
      %sign3A_1219 = arith.cmpi slt, %sub3A_1212, %sign3A_1218 : i32
      %sign3A_1220 = arith.extui %sign3A_1219 : i1 to i32
      %sign3A_1221 = arith.subi %sign3A_1217, %sign3A_1220 : i32
      %sign3A_1222 = arith.constant 0 : i32
      %sign3A_1223 = arith.cmpi sgt, %jit3A_1213, %sign3A_1222 : i32
      %sign3A_1224 = arith.extui %sign3A_1223 : i1 to i32
      %sign3A_1225 = arith.constant 0 : i32
      %sign3A_1226 = arith.cmpi slt, %jit3A_1213, %sign3A_1225 : i32
      %sign3A_1227 = arith.extui %sign3A_1226 : i1 to i32
      %sign3A_1228 = arith.subi %sign3A_1224, %sign3A_1227 : i32
      %ne3A_1229 = arith.cmpi ne, %sign3A_1221, %sign3A_1228 : i32
      %rem3A_1230 = arith.remsi %sub3A_1212, %jit3A_1213 : i32
      %ne3A_1231 = arith.constant 0 : i32
      %ne3A_1232 = arith.cmpi ne, %rem3A_1230, %ne3A_1231 : i32
      %and3A_1233 = arith.andi %ne3A_1229, %ne3A_1232 : i1
      %sub3A_1234 = arith.constant 1 : i32
      %sub3A_1235 = arith.subi %div3A_1214, %sub3A_1234 : i32
      %select_n3A_1236 = arith.select %and3A_1233, %sub3A_1235, %div3A_1214 : i32
      %while3A_1237 = arith.constant 0 : i32
      %while3A_1238 = arith.constant 0 : i32
      %while3A_1239 = arith.subi %select_n3A_1236, %while3A_1237 : i32
      %while3A_1240 = arith.addi %while3A_1237, %while3A_1239 : i32
      %while3A_1241 = arith.constant 1 : i32
      %while3A_1242 = arith.divsi %while3A_1239, %while3A_1241 : i32
      %while3A_1243 = arith.muli %while3A_1242, %while3A_1241 : i32
      %while3A_1244 = arith.addi %while3A_1237, %while3A_1243 : i32
      %while3A_1245 = arith.constant 1 : i32
      %while3A_1246 = scf.for %while3A_1249 = %while3A_1237 to %while3A_1244 step %while3A_1245 iter_args(%while3A_1250 = %while3A_1238) -> (i32)  : i32 {
        %mul3A_1251 = arith.constant 128 : i32
        %mul3A_1252 = arith.muli %select_n3A_1193, %mul3A_1251 : i32
        %mul3A_1253 = arith.constant 16 : i32
        %mul3A_1254 = arith.muli %while3A_1249, %mul3A_1253 : i32
        %add3A_1255 = arith.addi %mul3A_1252, %mul3A_1254 : i32
        %get3A_1256 = arith.index_cast %add3A_1255 : i32 to index
        %get3A_1257 = tpu.vector_load %arg15[%get3A_1256] {strides = array<i32>} : memref<1760xi32, #tpu.memory_space<vmem>>, vector<16xi32>,
        %mul3A_1258 = arith.constant 16 : i32
        %mul3A_1259 = arith.muli %while3A_1249, %mul3A_1258 : i32
        %swap3A_1260 = arith.index_cast %mul3A_1259 : i32 to index
        %swap3A_1261 = tpu.vector_load %arg15[%swap3A_1260] {strides = array<i32>} : memref<1760xi32, #tpu.memory_space<vmem>>, vector<16xi32>,
        tpu.vector_store %arg15[%swap3A_1260], %get3A_1257 {strides = array<i32>} : memref<1760xi32, #tpu.memory_space<vmem>>, vector<16xi32>,
        %get3A_1262 = arith.index_cast %add3A_1255 : i32 to index
        %get3A_1263 = tpu.vector_load %arg16[%get3A_1262] {strides = array<i32>} : memref<1760xi32, #tpu.memory_space<vmem>>, vector<16xi32>,
        %mul3A_1264 = arith.constant 16 : i32
        %mul3A_1265 = arith.muli %while3A_1249, %mul3A_1264 : i32
        %swap3A_1266 = arith.index_cast %mul3A_1265 : i32 to index
        %swap3A_1267 = tpu.vector_load %arg16[%swap3A_1266] {strides = array<i32>} : memref<1760xi32, #tpu.memory_space<vmem>>, vector<16xi32>,
        tpu.vector_store %arg16[%swap3A_1266], %get3A_1263 {strides = array<i32>} : memref<1760xi32, #tpu.memory_space<vmem>>, vector<16xi32>,
        %get3A_1268 = arith.index_cast %add3A_1255 : i32 to index
        %get3A_1269 = tpu.vector_load %arg17[%get3A_1268] {strides = array<i32>} : memref<1760xf32, #tpu.memory_space<vmem>>, vector<16xf32>,
        %mul3A_1270 = arith.constant 16 : i32
        %mul3A_1271 = arith.muli %while3A_1249, %mul3A_1270 : i32
        %swap3A_1272 = arith.index_cast %mul3A_1271 : i32 to index
        %swap3A_1273 = tpu.vector_load %arg17[%swap3A_1272] {strides = array<i32>} : memref<1760xf32, #tpu.memory_space<vmem>>, vector<16xf32>,
        tpu.vector_store %arg17[%swap3A_1272], %get3A_1269 {strides = array<i32>} : memref<1760xf32, #tpu.memory_space<vmem>>, vector<16xf32>,
        %while3A_1274 = arith.constant 0 : i32
        scf.yield %while3A_1274 : i32
      }
      %while3A_1247 = arith.constant 1 : i32
      %while3A_1248 = scf.for %while3A_1249 = %while3A_1244 to %while3A_1240 step %while3A_1247 iter_args(%while3A_1250 = %while3A_1246) -> (i32)  : i32 {
        %mul3A_1251 = arith.constant 128 : i32
        %mul3A_1252 = arith.muli %select_n3A_1193, %mul3A_1251 : i32
        %mul3A_1253 = arith.constant 16 : i32
        %mul3A_1254 = arith.muli %while3A_1249, %mul3A_1253 : i32
        %add3A_1255 = arith.addi %mul3A_1252, %mul3A_1254 : i32
        %get3A_1256 = arith.index_cast %add3A_1255 : i32 to index
        %get3A_1257 = tpu.vector_load %arg15[%get3A_1256] {strides = array<i32>} : memref<1760xi32, #tpu.memory_space<vmem>>, vector<16xi32>,
        %mul3A_1258 = arith.constant 16 : i32
        %mul3A_1259 = arith.muli %while3A_1249, %mul3A_1258 : i32
        %swap3A_1260 = arith.index_cast %mul3A_1259 : i32 to index
        %swap3A_1261 = tpu.vector_load %arg15[%swap3A_1260] {strides = array<i32>} : memref<1760xi32, #tpu.memory_space<vmem>>, vector<16xi32>,
        tpu.vector_store %arg15[%swap3A_1260], %get3A_1257 {strides = array<i32>} : memref<1760xi32, #tpu.memory_space<vmem>>, vector<16xi32>,
        %get3A_1262 = arith.index_cast %add3A_1255 : i32 to index
        %get3A_1263 = tpu.vector_load %arg16[%get3A_1262] {strides = array<i32>} : memref<1760xi32, #tpu.memory_space<vmem>>, vector<16xi32>,
        %mul3A_1264 = arith.constant 16 : i32
        %mul3A_1265 = arith.muli %while3A_1249, %mul3A_1264 : i32
        %swap3A_1266 = arith.index_cast %mul3A_1265 : i32 to index
        %swap3A_1267 = tpu.vector_load %arg16[%swap3A_1266] {strides = array<i32>} : memref<1760xi32, #tpu.memory_space<vmem>>, vector<16xi32>,
        tpu.vector_store %arg16[%swap3A_1266], %get3A_1263 {strides = array<i32>} : memref<1760xi32, #tpu.memory_space<vmem>>, vector<16xi32>,
        %get3A_1268 = arith.index_cast %add3A_1255 : i32 to index
        %get3A_1269 = tpu.vector_load %arg17[%get3A_1268] {strides = array<i32>} : memref<1760xf32, #tpu.memory_space<vmem>>, vector<16xf32>,
        %mul3A_1270 = arith.constant 16 : i32
        %mul3A_1271 = arith.muli %while3A_1249, %mul3A_1270 : i32
        %swap3A_1272 = arith.index_cast %mul3A_1271 : i32 to index
        %swap3A_1273 = tpu.vector_load %arg17[%swap3A_1272] {strides = array<i32>} : memref<1760xf32, #tpu.memory_space<vmem>>, vector<16xf32>,
        tpu.vector_store %arg17[%swap3A_1272], %get3A_1269 {strides = array<i32>} : memref<1760xf32, #tpu.memory_space<vmem>>, vector<16xf32>,
        %while3A_1274 = arith.constant 0 : i32
        scf.yield %while3A_1274 : i32
      }
      scf.yield %sub3A_1208 : i32
    }
    %scan3A_75 = arith.constant 500 : i32
    %broadcast_in_dim3A_76 = vector.broadcast %scan3A_74 : i32 to vector<16xi32>
    %broadcast_in_dim3A_77 = arith.constant 0 : i32
    %broadcast_in_dim3A_78 = vector.broadcast %broadcast_in_dim3A_77 : i32 to vector<16xi32>
    %add3A_79 = arith.addi %broadcast_in_dim3A_78, %iota3A : vector<16xi32>
    %ge3A = arith.cmpi sge, %add3A_79, %broadcast_in_dim3A_76 : vector<16xi32>
    %get3A_80 = arith.constant 0 : index
    %get3A_81 = tpu.vector_load %arg15[%get3A_80] {strides = array<i32>} : memref<1760xi32, #tpu.memory_space<vmem>>, vector<16xi32>,
    %select_n3A_82 = arith.select %ge3A, %broadcast_in_dim3A, %get3A_81 : vector<16xi1>, vector<16xi32>
    %swap3A = arith.constant 0 : index
    %swap3A_83 = tpu.vector_load %arg15[%swap3A] {strides = array<i32>} : memref<1760xi32, #tpu.memory_space<vmem>>, vector<16xi32>,
    tpu.vector_store %arg15[%swap3A], %select_n3A_82 {strides = array<i32>} : memref<1760xi32, #tpu.memory_space<vmem>>, vector<16xi32>,
    %get3A_84 = arith.constant 0 : index
    %get3A_85 = tpu.vector_load %arg16[%get3A_84] {strides = array<i32>} : memref<1760xi32, #tpu.memory_space<vmem>>, vector<16xi32>,
    %jit3A_86 = arith.constant 0 : i32
    %broadcast_in_dim3A_87 = vector.broadcast %jit3A_86 : i32 to vector<16xi32>
    %select_n3A_88 = arith.select %ge3A, %broadcast_in_dim3A_87, %get3A_85 : vector<16xi1>, vector<16xi32>
    %swap3A_89 = arith.constant 0 : index
    %swap3A_90 = tpu.vector_load %arg16[%swap3A_89] {strides = array<i32>} : memref<1760xi32, #tpu.memory_space<vmem>>, vector<16xi32>,
    tpu.vector_store %arg16[%swap3A_89], %select_n3A_88 {strides = array<i32>} : memref<1760xi32, #tpu.memory_space<vmem>>, vector<16xi32>,
    %get3A_91 = arith.constant 0 : index
    %get3A_92 = tpu.vector_load %arg17[%get3A_91] {strides = array<i32>} : memref<1760xf32, #tpu.memory_space<vmem>>, vector<16xf32>,
    %jit3A_93 = arith.constant 0.000000e+00 : f32
    %broadcast_in_dim3A_94 = vector.broadcast %jit3A_93 : f32 to vector<16xf32>
    %select_n3A_95 = arith.select %ge3A, %broadcast_in_dim3A_94, %get3A_92 : vector<16xi1>, vector<16xf32>
    %swap3A_96 = arith.constant 0 : index
    %swap3A_97 = tpu.vector_load %arg17[%swap3A_96] {strides = array<i32>} : memref<1760xf32, #tpu.memory_space<vmem>>, vector<16xf32>,
    tpu.vector_store %arg17[%swap3A_96], %select_n3A_95 {strides = array<i32>} : memref<1760xf32, #tpu.memory_space<vmem>>, vector<16xf32>,
    %broadcast_in_dim3A_98 = arith.constant 16 : i32
    %broadcast_in_dim3A_99 = vector.broadcast %broadcast_in_dim3A_98 : i32 to vector<16xi32>
    %add3A_100 = arith.addi %broadcast_in_dim3A_99, %iota3A : vector<16xi32>
    %ge3A_101 = arith.cmpi sge, %add3A_100, %broadcast_in_dim3A_76 : vector<16xi32>
    %get3A_102 = arith.constant 16 : index
    %get3A_103 = tpu.vector_load %arg15[%get3A_102] {strides = array<i32>} : memref<1760xi32, #tpu.memory_space<vmem>>, vector<16xi32>,
    %select_n3A_104 = arith.select %ge3A_101, %broadcast_in_dim3A, %get3A_103 : vector<16xi1>, vector<16xi32>
    %swap3A_105 = arith.constant 16 : index
    %swap3A_106 = tpu.vector_load %arg15[%swap3A_105] {strides = array<i32>} : memref<1760xi32, #tpu.memory_space<vmem>>, vector<16xi32>,
    tpu.vector_store %arg15[%swap3A_105], %select_n3A_104 {strides = array<i32>} : memref<1760xi32, #tpu.memory_space<vmem>>, vector<16xi32>,
    %get3A_107 = arith.constant 16 : index
    %get3A_108 = tpu.vector_load %arg16[%get3A_107] {strides = array<i32>} : memref<1760xi32, #tpu.memory_space<vmem>>, vector<16xi32>,
    %jit3A_109 = arith.constant 0 : i32
    %broadcast_in_dim3A_110 = vector.broadcast %jit3A_109 : i32 to vector<16xi32>
    %select_n3A_111 = arith.select %ge3A_101, %broadcast_in_dim3A_110, %get3A_108 : vector<16xi1>, vector<16xi32>
    %swap3A_112 = arith.constant 16 : index
    %swap3A_113 = tpu.vector_load %arg16[%swap3A_112] {strides = array<i32>} : memref<1760xi32, #tpu.memory_space<vmem>>, vector<16xi32>,
    tpu.vector_store %arg16[%swap3A_112], %select_n3A_111 {strides = array<i32>} : memref<1760xi32, #tpu.memory_space<vmem>>, vector<16xi32>,
    %get3A_114 = arith.constant 16 : index
    %get3A_115 = tpu.vector_load %arg17[%get3A_114] {strides = array<i32>} : memref<1760xf32, #tpu.memory_space<vmem>>, vector<16xf32>,
    %jit3A_116 = arith.constant 0.000000e+00 : f32
    %broadcast_in_dim3A_117 = vector.broadcast %jit3A_116 : f32 to vector<16xf32>
    %select_n3A_118 = arith.select %ge3A_101, %broadcast_in_dim3A_117, %get3A_115 : vector<16xi1>, vector<16xf32>
    %swap3A_119 = arith.constant 16 : index
    %swap3A_120 = tpu.vector_load %arg17[%swap3A_119] {strides = array<i32>} : memref<1760xf32, #tpu.memory_space<vmem>>, vector<16xf32>,
    tpu.vector_store %arg17[%swap3A_119], %select_n3A_118 {strides = array<i32>} : memref<1760xf32, #tpu.memory_space<vmem>>, vector<16xf32>,
    %broadcast_in_dim3A_121 = arith.constant 32 : i32
    %broadcast_in_dim3A_122 = vector.broadcast %broadcast_in_dim3A_121 : i32 to vector<16xi32>
    %add3A_123 = arith.addi %broadcast_in_dim3A_122, %iota3A : vector<16xi32>
    %ge3A_124 = arith.cmpi sge, %add3A_123, %broadcast_in_dim3A_76 : vector<16xi32>
    %get3A_125 = arith.constant 32 : index
    %get3A_126 = tpu.vector_load %arg15[%get3A_125] {strides = array<i32>} : memref<1760xi32, #tpu.memory_space<vmem>>, vector<16xi32>,
    %select_n3A_127 = arith.select %ge3A_124, %broadcast_in_dim3A, %get3A_126 : vector<16xi1>, vector<16xi32>
    %swap3A_128 = arith.constant 32 : index
    %swap3A_129 = tpu.vector_load %arg15[%swap3A_128] {strides = array<i32>} : memref<1760xi32, #tpu.memory_space<vmem>>, vector<16xi32>,
    tpu.vector_store %arg15[%swap3A_128], %select_n3A_127 {strides = array<i32>} : memref<1760xi32, #tpu.memory_space<vmem>>, vector<16xi32>,
    %get3A_130 = arith.constant 32 : index
    %get3A_131 = tpu.vector_load %arg16[%get3A_130] {strides = array<i32>} : memref<1760xi32, #tpu.memory_space<vmem>>, vector<16xi32>,
    %jit3A_132 = arith.constant 0 : i32
    %broadcast_in_dim3A_133 = vector.broadcast %jit3A_132 : i32 to vector<16xi32>
    %select_n3A_134 = arith.select %ge3A_124, %broadcast_in_dim3A_133, %get3A_131 : vector<16xi1>, vector<16xi32>
    %swap3A_135 = arith.constant 32 : index
    %swap3A_136 = tpu.vector_load %arg16[%swap3A_135] {strides = array<i32>} : memref<1760xi32, #tpu.memory_space<vmem>>, vector<16xi32>,
    tpu.vector_store %arg16[%swap3A_135], %select_n3A_134 {strides = array<i32>} : memref<1760xi32, #tpu.memory_space<vmem>>, vector<16xi32>,
    %get3A_137 = arith.constant 32 : index
    %get3A_138 = tpu.vector_load %arg17[%get3A_137] {strides = array<i32>} : memref<1760xf32, #tpu.memory_space<vmem>>, vector<16xf32>,
    %jit3A_139 = arith.constant 0.000000e+00 : f32
    %broadcast_in_dim3A_140 = vector.broadcast %jit3A_139 : f32 to vector<16xf32>
    %select_n3A_141 = arith.select %ge3A_124, %broadcast_in_dim3A_140, %get3A_138 : vector<16xi1>, vector<16xf32>
    %swap3A_142 = arith.constant 32 : index
    %swap3A_143 = tpu.vector_load %arg17[%swap3A_142] {strides = array<i32>} : memref<1760xf32, #tpu.memory_space<vmem>>, vector<16xf32>,
    tpu.vector_store %arg17[%swap3A_142], %select_n3A_141 {strides = array<i32>} : memref<1760xf32, #tpu.memory_space<vmem>>, vector<16xf32>,
    %broadcast_in_dim3A_144 = arith.constant 48 : i32
    %broadcast_in_dim3A_145 = vector.broadcast %broadcast_in_dim3A_144 : i32 to vector<16xi32>
    %add3A_146 = arith.addi %broadcast_in_dim3A_145, %iota3A : vector<16xi32>
    %ge3A_147 = arith.cmpi sge, %add3A_146, %broadcast_in_dim3A_76 : vector<16xi32>
    %get3A_148 = arith.constant 48 : index
    %get3A_149 = tpu.vector_load %arg15[%get3A_148] {strides = array<i32>} : memref<1760xi32, #tpu.memory_space<vmem>>, vector<16xi32>,
    %select_n3A_150 = arith.select %ge3A_147, %broadcast_in_dim3A, %get3A_149 : vector<16xi1>, vector<16xi32>
    %swap3A_151 = arith.constant 48 : index
    %swap3A_152 = tpu.vector_load %arg15[%swap3A_151] {strides = array<i32>} : memref<1760xi32, #tpu.memory_space<vmem>>, vector<16xi32>,
    tpu.vector_store %arg15[%swap3A_151], %select_n3A_150 {strides = array<i32>} : memref<1760xi32, #tpu.memory_space<vmem>>, vector<16xi32>,
    %get3A_153 = arith.constant 48 : index
    %get3A_154 = tpu.vector_load %arg16[%get3A_153] {strides = array<i32>} : memref<1760xi32, #tpu.memory_space<vmem>>, vector<16xi32>,
    %jit3A_155 = arith.constant 0 : i32
    %broadcast_in_dim3A_156 = vector.broadcast %jit3A_155 : i32 to vector<16xi32>
    %select_n3A_157 = arith.select %ge3A_147, %broadcast_in_dim3A_156, %get3A_154 : vector<16xi1>, vector<16xi32>
    %swap3A_158 = arith.constant 48 : index
    %swap3A_159 = tpu.vector_load %arg16[%swap3A_158] {strides = array<i32>} : memref<1760xi32, #tpu.memory_space<vmem>>, vector<16xi32>,
    tpu.vector_store %arg16[%swap3A_158], %select_n3A_157 {strides = array<i32>} : memref<1760xi32, #tpu.memory_space<vmem>>, vector<16xi32>,
    %get3A_160 = arith.constant 48 : index
    %get3A_161 = tpu.vector_load %arg17[%get3A_160] {strides = array<i32>} : memref<1760xf32, #tpu.memory_space<vmem>>, vector<16xf32>,
    %jit3A_162 = arith.constant 0.000000e+00 : f32
    %broadcast_in_dim3A_163 = vector.broadcast %jit3A_162 : f32 to vector<16xf32>
    %select_n3A_164 = arith.select %ge3A_147, %broadcast_in_dim3A_163, %get3A_161 : vector<16xi1>, vector<16xf32>
    %swap3A_165 = arith.constant 48 : index
    %swap3A_166 = tpu.vector_load %arg17[%swap3A_165] {strides = array<i32>} : memref<1760xf32, #tpu.memory_space<vmem>>, vector<16xf32>,
    tpu.vector_store %arg17[%swap3A_165], %select_n3A_164 {strides = array<i32>} : memref<1760xf32, #tpu.memory_space<vmem>>, vector<16xf32>,
    %broadcast_in_dim3A_167 = arith.constant 64 : i32
    %broadcast_in_dim3A_168 = vector.broadcast %broadcast_in_dim3A_167 : i32 to vector<16xi32>
    %add3A_169 = arith.addi %broadcast_in_dim3A_168, %iota3A : vector<16xi32>
    %ge3A_170 = arith.cmpi sge, %add3A_169, %broadcast_in_dim3A_76 : vector<16xi32>
    %get3A_171 = arith.constant 64 : index
    %get3A_172 = tpu.vector_load %arg15[%get3A_171] {strides = array<i32>} : memref<1760xi32, #tpu.memory_space<vmem>>, vector<16xi32>,
    %select_n3A_173 = arith.select %ge3A_170, %broadcast_in_dim3A, %get3A_172 : vector<16xi1>, vector<16xi32>
    %swap3A_174 = arith.constant 64 : index
    %swap3A_175 = tpu.vector_load %arg15[%swap3A_174] {strides = array<i32>} : memref<1760xi32, #tpu.memory_space<vmem>>, vector<16xi32>,
    tpu.vector_store %arg15[%swap3A_174], %select_n3A_173 {strides = array<i32>} : memref<1760xi32, #tpu.memory_space<vmem>>, vector<16xi32>,
    %get3A_176 = arith.constant 64 : index
    %get3A_177 = tpu.vector_load %arg16[%get3A_176] {strides = array<i32>} : memref<1760xi32, #tpu.memory_space<vmem>>, vector<16xi32>,
    %jit3A_178 = arith.constant 0 : i32
    %broadcast_in_dim3A_179 = vector.broadcast %jit3A_178 : i32 to vector<16xi32>
    %select_n3A_180 = arith.select %ge3A_170, %broadcast_in_dim3A_179, %get3A_177 : vector<16xi1>, vector<16xi32>
    %swap3A_181 = arith.constant 64 : index
    %swap3A_182 = tpu.vector_load %arg16[%swap3A_181] {strides = array<i32>} : memref<1760xi32, #tpu.memory_space<vmem>>, vector<16xi32>,
    tpu.vector_store %arg16[%swap3A_181], %select_n3A_180 {strides = array<i32>} : memref<1760xi32, #tpu.memory_space<vmem>>, vector<16xi32>,
    %get3A_183 = arith.constant 64 : index
    %get3A_184 = tpu.vector_load %arg17[%get3A_183] {strides = array<i32>} : memref<1760xf32, #tpu.memory_space<vmem>>, vector<16xf32>,
    %jit3A_185 = arith.constant 0.000000e+00 : f32
    %broadcast_in_dim3A_186 = vector.broadcast %jit3A_185 : f32 to vector<16xf32>
    %select_n3A_187 = arith.select %ge3A_170, %broadcast_in_dim3A_186, %get3A_184 : vector<16xi1>, vector<16xf32>
    %swap3A_188 = arith.constant 64 : index
    %swap3A_189 = tpu.vector_load %arg17[%swap3A_188] {strides = array<i32>} : memref<1760xf32, #tpu.memory_space<vmem>>, vector<16xf32>,
    tpu.vector_store %arg17[%swap3A_188], %select_n3A_187 {strides = array<i32>} : memref<1760xf32, #tpu.memory_space<vmem>>, vector<16xf32>,
    %broadcast_in_dim3A_190 = arith.constant 80 : i32
    %broadcast_in_dim3A_191 = vector.broadcast %broadcast_in_dim3A_190 : i32 to vector<16xi32>
    %add3A_192 = arith.addi %broadcast_in_dim3A_191, %iota3A : vector<16xi32>
    %ge3A_193 = arith.cmpi sge, %add3A_192, %broadcast_in_dim3A_76 : vector<16xi32>
    %get3A_194 = arith.constant 80 : index
    %get3A_195 = tpu.vector_load %arg15[%get3A_194] {strides = array<i32>} : memref<1760xi32, #tpu.memory_space<vmem>>, vector<16xi32>,
    %select_n3A_196 = arith.select %ge3A_193, %broadcast_in_dim3A, %get3A_195 : vector<16xi1>, vector<16xi32>
    %swap3A_197 = arith.constant 80 : index
    %swap3A_198 = tpu.vector_load %arg15[%swap3A_197] {strides = array<i32>} : memref<1760xi32, #tpu.memory_space<vmem>>, vector<16xi32>,
    tpu.vector_store %arg15[%swap3A_197], %select_n3A_196 {strides = array<i32>} : memref<1760xi32, #tpu.memory_space<vmem>>, vector<16xi32>,
    %get3A_199 = arith.constant 80 : index
    %get3A_200 = tpu.vector_load %arg16[%get3A_199] {strides = array<i32>} : memref<1760xi32, #tpu.memory_space<vmem>>, vector<16xi32>,
    %jit3A_201 = arith.constant 0 : i32
    %broadcast_in_dim3A_202 = vector.broadcast %jit3A_201 : i32 to vector<16xi32>
    %select_n3A_203 = arith.select %ge3A_193, %broadcast_in_dim3A_202, %get3A_200 : vector<16xi1>, vector<16xi32>
    %swap3A_204 = arith.constant 80 : index
    %swap3A_205 = tpu.vector_load %arg16[%swap3A_204] {strides = array<i32>} : memref<1760xi32, #tpu.memory_space<vmem>>, vector<16xi32>,
    tpu.vector_store %arg16[%swap3A_204], %select_n3A_203 {strides = array<i32>} : memref<1760xi32, #tpu.memory_space<vmem>>, vector<16xi32>,
    %get3A_206 = arith.constant 80 : index
    %get3A_207 = tpu.vector_load %arg17[%get3A_206] {strides = array<i32>} : memref<1760xf32, #tpu.memory_space<vmem>>, vector<16xf32>,
    %jit3A_208 = arith.constant 0.000000e+00 : f32
    %broadcast_in_dim3A_209 = vector.broadcast %jit3A_208 : f32 to vector<16xf32>
    %select_n3A_210 = arith.select %ge3A_193, %broadcast_in_dim3A_209, %get3A_207 : vector<16xi1>, vector<16xf32>
    %swap3A_211 = arith.constant 80 : index
    %swap3A_212 = tpu.vector_load %arg17[%swap3A_211] {strides = array<i32>} : memref<1760xf32, #tpu.memory_space<vmem>>, vector<16xf32>,
    tpu.vector_store %arg17[%swap3A_211], %select_n3A_210 {strides = array<i32>} : memref<1760xf32, #tpu.memory_space<vmem>>, vector<16xf32>,
    %broadcast_in_dim3A_213 = arith.constant 96 : i32
    %broadcast_in_dim3A_214 = vector.broadcast %broadcast_in_dim3A_213 : i32 to vector<16xi32>
    %add3A_215 = arith.addi %broadcast_in_dim3A_214, %iota3A : vector<16xi32>
    %ge3A_216 = arith.cmpi sge, %add3A_215, %broadcast_in_dim3A_76 : vector<16xi32>
    %get3A_217 = arith.constant 96 : index
    %get3A_218 = tpu.vector_load %arg15[%get3A_217] {strides = array<i32>} : memref<1760xi32, #tpu.memory_space<vmem>>, vector<16xi32>,
    %select_n3A_219 = arith.select %ge3A_216, %broadcast_in_dim3A, %get3A_218 : vector<16xi1>, vector<16xi32>
    %swap3A_220 = arith.constant 96 : index
    %swap3A_221 = tpu.vector_load %arg15[%swap3A_220] {strides = array<i32>} : memref<1760xi32, #tpu.memory_space<vmem>>, vector<16xi32>,
    tpu.vector_store %arg15[%swap3A_220], %select_n3A_219 {strides = array<i32>} : memref<1760xi32, #tpu.memory_space<vmem>>, vector<16xi32>,
    %get3A_222 = arith.constant 96 : index
    %get3A_223 = tpu.vector_load %arg16[%get3A_222] {strides = array<i32>} : memref<1760xi32, #tpu.memory_space<vmem>>, vector<16xi32>,
    %jit3A_224 = arith.constant 0 : i32
    %broadcast_in_dim3A_225 = vector.broadcast %jit3A_224 : i32 to vector<16xi32>
    %select_n3A_226 = arith.select %ge3A_216, %broadcast_in_dim3A_225, %get3A_223 : vector<16xi1>, vector<16xi32>
    %swap3A_227 = arith.constant 96 : index
    %swap3A_228 = tpu.vector_load %arg16[%swap3A_227] {strides = array<i32>} : memref<1760xi32, #tpu.memory_space<vmem>>, vector<16xi32>,
    tpu.vector_store %arg16[%swap3A_227], %select_n3A_226 {strides = array<i32>} : memref<1760xi32, #tpu.memory_space<vmem>>, vector<16xi32>,
    %get3A_229 = arith.constant 96 : index
    %get3A_230 = tpu.vector_load %arg17[%get3A_229] {strides = array<i32>} : memref<1760xf32, #tpu.memory_space<vmem>>, vector<16xf32>,
    %jit3A_231 = arith.constant 0.000000e+00 : f32
    %broadcast_in_dim3A_232 = vector.broadcast %jit3A_231 : f32 to vector<16xf32>
    %select_n3A_233 = arith.select %ge3A_216, %broadcast_in_dim3A_232, %get3A_230 : vector<16xi1>, vector<16xf32>
    %swap3A_234 = arith.constant 96 : index
    %swap3A_235 = tpu.vector_load %arg17[%swap3A_234] {strides = array<i32>} : memref<1760xf32, #tpu.memory_space<vmem>>, vector<16xf32>,
    tpu.vector_store %arg17[%swap3A_234], %select_n3A_233 {strides = array<i32>} : memref<1760xf32, #tpu.memory_space<vmem>>, vector<16xf32>,
    %broadcast_in_dim3A_236 = arith.constant 112 : i32
    %broadcast_in_dim3A_237 = vector.broadcast %broadcast_in_dim3A_236 : i32 to vector<16xi32>
    %add3A_238 = arith.addi %broadcast_in_dim3A_237, %iota3A : vector<16xi32>
    %ge3A_239 = arith.cmpi sge, %add3A_238, %broadcast_in_dim3A_76 : vector<16xi32>
    %get3A_240 = arith.constant 112 : index
    %get3A_241 = tpu.vector_load %arg15[%get3A_240] {strides = array<i32>} : memref<1760xi32, #tpu.memory_space<vmem>>, vector<16xi32>,
    %select_n3A_242 = arith.select %ge3A_239, %broadcast_in_dim3A, %get3A_241 : vector<16xi1>, vector<16xi32>
    %swap3A_243 = arith.constant 112 : index
    %swap3A_244 = tpu.vector_load %arg15[%swap3A_243] {strides = array<i32>} : memref<1760xi32, #tpu.memory_space<vmem>>, vector<16xi32>,
    tpu.vector_store %arg15[%swap3A_243], %select_n3A_242 {strides = array<i32>} : memref<1760xi32, #tpu.memory_space<vmem>>, vector<16xi32>,
    %get3A_245 = arith.constant 112 : index
    %get3A_246 = tpu.vector_load %arg16[%get3A_245] {strides = array<i32>} : memref<1760xi32, #tpu.memory_space<vmem>>, vector<16xi32>,
    %jit3A_247 = arith.constant 0 : i32
    %broadcast_in_dim3A_248 = vector.broadcast %jit3A_247 : i32 to vector<16xi32>
    %select_n3A_249 = arith.select %ge3A_239, %broadcast_in_dim3A_248, %get3A_246 : vector<16xi1>, vector<16xi32>
    %swap3A_250 = arith.constant 112 : index
    %swap3A_251 = tpu.vector_load %arg16[%swap3A_250] {strides = array<i32>} : memref<1760xi32, #tpu.memory_space<vmem>>, vector<16xi32>,
    tpu.vector_store %arg16[%swap3A_250], %select_n3A_249 {strides = array<i32>} : memref<1760xi32, #tpu.memory_space<vmem>>, vector<16xi32>,
    %get3A_252 = arith.constant 112 : index
    %get3A_253 = tpu.vector_load %arg17[%get3A_252] {strides = array<i32>} : memref<1760xf32, #tpu.memory_space<vmem>>, vector<16xf32>,
    %jit3A_254 = arith.constant 0.000000e+00 : f32
    %broadcast_in_dim3A_255 = vector.broadcast %jit3A_254 : f32 to vector<16xf32>
    %select_n3A_256 = arith.select %ge3A_239, %broadcast_in_dim3A_255, %get3A_253 : vector<16xi1>, vector<16xf32>
    %swap3A_257 = arith.constant 112 : index
    %swap3A_258 = tpu.vector_load %arg17[%swap3A_257] {strides = array<i32>} : memref<1760xf32, #tpu.memory_space<vmem>>, vector<16xf32>,
    tpu.vector_store %arg17[%swap3A_257], %select_n3A_256 {strides = array<i32>} : memref<1760xf32, #tpu.memory_space<vmem>>, vector<16xf32>,
    "tpu.region"() ({
      %run_scoped3A = tpu.sem_alloc : memref<!tpu.dma_semaphore, #tpu.memory_space<semaphore_mem>>
      %dma_start3A_1116 = arith.constant 0 : i32
      %dma_start3A_1117 = tpu.memref_slice %arg15[%dma_start3A_1116] : memref<1760xi32, #tpu.memory_space<vmem>> -> memref<128xi32, #tpu.memory_space<vmem>>
      %dma_start3A_1118 = arith.constant 0 : i32
      %dma_start3A_1119 = tpu.memref_slice %arg2[%dma_start3A_1118] : memref<800000xf32, #tpu.memory_space<hbm>> -> memref<800000xf32, #tpu.memory_space<hbm>>
      tpu.enqueue_indirect_dma source(%dma_start3A_1119 : memref<800000xf32, #tpu.memory_space<hbm>>) target(%arg18 : memref<128xf32, #tpu.memory_space<vmem>>) offsets(%dma_start3A_1117 : memref<128xi32, #tpu.memory_space<vmem>>) semaphore(%run_scoped3A : memref<!tpu.dma_semaphore, #tpu.memory_space<semaphore_mem>>)
      %dma_wait3A = arith.constant 0 : i32
      %dma_wait3A_1120 = tpu.memref_slice %arg15[%dma_wait3A] : memref<1760xi32, #tpu.memory_space<vmem>> -> memref<128xi32, #tpu.memory_space<vmem>>
      %dma_wait3A_1121 = arith.constant 0 : i32
      %dma_wait3A_1122 = tpu.memref_slice %arg2[%dma_wait3A_1121] : memref<800000xf32, #tpu.memory_space<hbm>> -> memref<800000xf32, #tpu.memory_space<hbm>>
      tpu.wait_indirect_dma semaphore(%run_scoped3A : memref<!tpu.dma_semaphore, #tpu.memory_space<semaphore_mem>>) src(%dma_wait3A_1122 : memref<800000xf32, #tpu.memory_space<hbm>>) dst(%arg18 : memref<128xf32, #tpu.memory_space<vmem>>)
      tpu.yield
    }) : () -> ()
    %get3A_259 = arith.constant 0 : index
    %get3A_260 = tpu.vector_load %arg16[%get3A_259] {strides = array<i32>} : memref<1760xi32, #tpu.memory_space<vmem>>, vector<16xi32>,
    %get3A_261 = arith.constant 0 : index
    %get3A_262 = tpu.vector_load %arg17[%get3A_261] {strides = array<i32>} : memref<1760xf32, #tpu.memory_space<vmem>>, vector<16xf32>,
    %get3A_263 = arith.constant 0 : index
    %get3A_264 = tpu.vector_load %arg18[%get3A_263] {strides = array<i32>} : memref<128xf32, #tpu.memory_space<vmem>>, vector<16xf32>,
    %mul3A_265 = arith.mulf %get3A_262, %get3A_264 : vector<16xf32>
    %gather3A = tpu.vector_load_idx %arg10[%get3A_260] : memref<100000xf32, #tpu.memory_space<vmem>>[vector<16xi32>], vector<16xf32>,
    %while3A = scf.while (%while3A_1116 = %gather3A) : (vector<16xf32>) -> vector<16xf32> {
      %lt3A_1117 = arith.cmpf olt, %while3A_1116, %mul3A_265 : vector<16xf32>
      %reduce_or3A = arith.constant 1.000000e+00 : f32
      %reduce_or3A_1118 = arith.constant 0.000000e+00 : f32
      %reduce_or3A_1119 = vector.broadcast %reduce_or3A : f32 to vector<16xf32>
      %reduce_or3A_1120 = vector.broadcast %reduce_or3A_1118 : f32 to vector<16xf32>
      %reduce_or3A_1121 = arith.select %lt3A_1117, %reduce_or3A_1119, %reduce_or3A_1120 : vector<16xi1>, vector<16xf32>
      %reduce_or3A_1122 = arith.constant true
      %reduce_or3A_1123 = vector.broadcast %reduce_or3A_1122 : i1 to vector<16xi1>
      %reduce_or3A_1124 = tpu.scan <max>, %reduce_or3A_1121 masked %reduce_or3A_1123 : vector<16xf32>, vector<16xi1> -> vector<16xf32>
      %reduce_or3A_1125 = vector.extract %reduce_or3A_1124[15] : f32 from vector<16xf32>
      %reduce_or3A_1126 = arith.constant 0.000000e+00 : f32
      %reduce_or3A_1127 = arith.cmpf ogt, %reduce_or3A_1125, %reduce_or3A_1126 : f32
      scf.condition(%reduce_or3A_1127) %while3A_1116 : vector<16xf32>
    } do {
    ^bb0(%while3A_1116: vector<16xf32>):
      %lt3A_1117 = arith.cmpf olt, %while3A_1116, %mul3A_265 : vector<16xf32>
      %max3A_1118 = arith.maximumf %while3A_1116, %mul3A_265 : vector<16xf32>
      tpu.vector_store_idx %arg10[%get3A_260], %max3A_1118 masked %lt3A_1117 : memref<100000xf32, #tpu.memory_space<vmem>>[vector<16xi32>], vector<16xf32>, vector<16xi1>
      %gather3A_1119 = tpu.vector_load_idx %arg10[%get3A_260] : memref<100000xf32, #tpu.memory_space<vmem>>[vector<16xi32>], vector<16xf32>,
      scf.yield %gather3A_1119 : vector<16xf32>
    }
    %get3A_266 = arith.constant 16 : index
    %get3A_267 = tpu.vector_load %arg16[%get3A_266] {strides = array<i32>} : memref<1760xi32, #tpu.memory_space<vmem>>, vector<16xi32>,
    %get3A_268 = arith.constant 16 : index
    %get3A_269 = tpu.vector_load %arg17[%get3A_268] {strides = array<i32>} : memref<1760xf32, #tpu.memory_space<vmem>>, vector<16xf32>,
    %get3A_270 = arith.constant 16 : index
    %get3A_271 = tpu.vector_load %arg18[%get3A_270] {strides = array<i32>} : memref<128xf32, #tpu.memory_space<vmem>>, vector<16xf32>,
    %mul3A_272 = arith.mulf %get3A_269, %get3A_271 : vector<16xf32>
    %gather3A_273 = tpu.vector_load_idx %arg10[%get3A_267] : memref<100000xf32, #tpu.memory_space<vmem>>[vector<16xi32>], vector<16xf32>,
    %while3A_274 = scf.while (%while3A_1116 = %gather3A_273) : (vector<16xf32>) -> vector<16xf32> {
      %lt3A_1117 = arith.cmpf olt, %while3A_1116, %mul3A_272 : vector<16xf32>
      %reduce_or3A = arith.constant 1.000000e+00 : f32
      %reduce_or3A_1118 = arith.constant 0.000000e+00 : f32
      %reduce_or3A_1119 = vector.broadcast %reduce_or3A : f32 to vector<16xf32>
      %reduce_or3A_1120 = vector.broadcast %reduce_or3A_1118 : f32 to vector<16xf32>
      %reduce_or3A_1121 = arith.select %lt3A_1117, %reduce_or3A_1119, %reduce_or3A_1120 : vector<16xi1>, vector<16xf32>
      %reduce_or3A_1122 = arith.constant true
      %reduce_or3A_1123 = vector.broadcast %reduce_or3A_1122 : i1 to vector<16xi1>
      %reduce_or3A_1124 = tpu.scan <max>, %reduce_or3A_1121 masked %reduce_or3A_1123 : vector<16xf32>, vector<16xi1> -> vector<16xf32>
      %reduce_or3A_1125 = vector.extract %reduce_or3A_1124[15] : f32 from vector<16xf32>
      %reduce_or3A_1126 = arith.constant 0.000000e+00 : f32
      %reduce_or3A_1127 = arith.cmpf ogt, %reduce_or3A_1125, %reduce_or3A_1126 : f32
      scf.condition(%reduce_or3A_1127) %while3A_1116 : vector<16xf32>
    } do {
    ^bb0(%while3A_1116: vector<16xf32>):
      %lt3A_1117 = arith.cmpf olt, %while3A_1116, %mul3A_272 : vector<16xf32>
      %max3A_1118 = arith.maximumf %while3A_1116, %mul3A_272 : vector<16xf32>
      tpu.vector_store_idx %arg10[%get3A_267], %max3A_1118 masked %lt3A_1117 : memref<100000xf32, #tpu.memory_space<vmem>>[vector<16xi32>], vector<16xf32>, vector<16xi1>
      %gather3A_1119 = tpu.vector_load_idx %arg10[%get3A_267] : memref<100000xf32, #tpu.memory_space<vmem>>[vector<16xi32>], vector<16xf32>,
      scf.yield %gather3A_1119 : vector<16xf32>
    }
    %get3A_275 = arith.constant 32 : index
    %get3A_276 = tpu.vector_load %arg16[%get3A_275] {strides = array<i32>} : memref<1760xi32, #tpu.memory_space<vmem>>, vector<16xi32>,
    %get3A_277 = arith.constant 32 : index
    %get3A_278 = tpu.vector_load %arg17[%get3A_277] {strides = array<i32>} : memref<1760xf32, #tpu.memory_space<vmem>>, vector<16xf32>,
    %get3A_279 = arith.constant 32 : index
    %get3A_280 = tpu.vector_load %arg18[%get3A_279] {strides = array<i32>} : memref<128xf32, #tpu.memory_space<vmem>>, vector<16xf32>,
    %mul3A_281 = arith.mulf %get3A_278, %get3A_280 : vector<16xf32>
    %gather3A_282 = tpu.vector_load_idx %arg10[%get3A_276] : memref<100000xf32, #tpu.memory_space<vmem>>[vector<16xi32>], vector<16xf32>,
    %while3A_283 = scf.while (%while3A_1116 = %gather3A_282) : (vector<16xf32>) -> vector<16xf32> {
      %lt3A_1117 = arith.cmpf olt, %while3A_1116, %mul3A_281 : vector<16xf32>
      %reduce_or3A = arith.constant 1.000000e+00 : f32
      %reduce_or3A_1118 = arith.constant 0.000000e+00 : f32
      %reduce_or3A_1119 = vector.broadcast %reduce_or3A : f32 to vector<16xf32>
      %reduce_or3A_1120 = vector.broadcast %reduce_or3A_1118 : f32 to vector<16xf32>
      %reduce_or3A_1121 = arith.select %lt3A_1117, %reduce_or3A_1119, %reduce_or3A_1120 : vector<16xi1>, vector<16xf32>
      %reduce_or3A_1122 = arith.constant true
      %reduce_or3A_1123 = vector.broadcast %reduce_or3A_1122 : i1 to vector<16xi1>
      %reduce_or3A_1124 = tpu.scan <max>, %reduce_or3A_1121 masked %reduce_or3A_1123 : vector<16xf32>, vector<16xi1> -> vector<16xf32>
      %reduce_or3A_1125 = vector.extract %reduce_or3A_1124[15] : f32 from vector<16xf32>
      %reduce_or3A_1126 = arith.constant 0.000000e+00 : f32
      %reduce_or3A_1127 = arith.cmpf ogt, %reduce_or3A_1125, %reduce_or3A_1126 : f32
      scf.condition(%reduce_or3A_1127) %while3A_1116 : vector<16xf32>
    } do {
    ^bb0(%while3A_1116: vector<16xf32>):
      %lt3A_1117 = arith.cmpf olt, %while3A_1116, %mul3A_281 : vector<16xf32>
      %max3A_1118 = arith.maximumf %while3A_1116, %mul3A_281 : vector<16xf32>
      tpu.vector_store_idx %arg10[%get3A_276], %max3A_1118 masked %lt3A_1117 : memref<100000xf32, #tpu.memory_space<vmem>>[vector<16xi32>], vector<16xf32>, vector<16xi1>
      %gather3A_1119 = tpu.vector_load_idx %arg10[%get3A_276] : memref<100000xf32, #tpu.memory_space<vmem>>[vector<16xi32>], vector<16xf32>,
      scf.yield %gather3A_1119 : vector<16xf32>
    }
    %get3A_284 = arith.constant 48 : index
    %get3A_285 = tpu.vector_load %arg16[%get3A_284] {strides = array<i32>} : memref<1760xi32, #tpu.memory_space<vmem>>, vector<16xi32>,
    %get3A_286 = arith.constant 48 : index
    %get3A_287 = tpu.vector_load %arg17[%get3A_286] {strides = array<i32>} : memref<1760xf32, #tpu.memory_space<vmem>>, vector<16xf32>,
    %get3A_288 = arith.constant 48 : index
    %get3A_289 = tpu.vector_load %arg18[%get3A_288] {strides = array<i32>} : memref<128xf32, #tpu.memory_space<vmem>>, vector<16xf32>,
    %mul3A_290 = arith.mulf %get3A_287, %get3A_289 : vector<16xf32>
    %gather3A_291 = tpu.vector_load_idx %arg10[%get3A_285] : memref<100000xf32, #tpu.memory_space<vmem>>[vector<16xi32>], vector<16xf32>,
    %while3A_292 = scf.while (%while3A_1116 = %gather3A_291) : (vector<16xf32>) -> vector<16xf32> {
      %lt3A_1117 = arith.cmpf olt, %while3A_1116, %mul3A_290 : vector<16xf32>
      %reduce_or3A = arith.constant 1.000000e+00 : f32
      %reduce_or3A_1118 = arith.constant 0.000000e+00 : f32
      %reduce_or3A_1119 = vector.broadcast %reduce_or3A : f32 to vector<16xf32>
      %reduce_or3A_1120 = vector.broadcast %reduce_or3A_1118 : f32 to vector<16xf32>
      %reduce_or3A_1121 = arith.select %lt3A_1117, %reduce_or3A_1119, %reduce_or3A_1120 : vector<16xi1>, vector<16xf32>
      %reduce_or3A_1122 = arith.constant true
      %reduce_or3A_1123 = vector.broadcast %reduce_or3A_1122 : i1 to vector<16xi1>
      %reduce_or3A_1124 = tpu.scan <max>, %reduce_or3A_1121 masked %reduce_or3A_1123 : vector<16xf32>, vector<16xi1> -> vector<16xf32>
      %reduce_or3A_1125 = vector.extract %reduce_or3A_1124[15] : f32 from vector<16xf32>
      %reduce_or3A_1126 = arith.constant 0.000000e+00 : f32
      %reduce_or3A_1127 = arith.cmpf ogt, %reduce_or3A_1125, %reduce_or3A_1126 : f32
      scf.condition(%reduce_or3A_1127) %while3A_1116 : vector<16xf32>
    } do {
    ^bb0(%while3A_1116: vector<16xf32>):
      %lt3A_1117 = arith.cmpf olt, %while3A_1116, %mul3A_290 : vector<16xf32>
      %max3A_1118 = arith.maximumf %while3A_1116, %mul3A_290 : vector<16xf32>
      tpu.vector_store_idx %arg10[%get3A_285], %max3A_1118 masked %lt3A_1117 : memref<100000xf32, #tpu.memory_space<vmem>>[vector<16xi32>], vector<16xf32>, vector<16xi1>
      %gather3A_1119 = tpu.vector_load_idx %arg10[%get3A_285] : memref<100000xf32, #tpu.memory_space<vmem>>[vector<16xi32>], vector<16xf32>,
      scf.yield %gather3A_1119 : vector<16xf32>
    }
    %get3A_293 = arith.constant 64 : index
    %get3A_294 = tpu.vector_load %arg16[%get3A_293] {strides = array<i32>} : memref<1760xi32, #tpu.memory_space<vmem>>, vector<16xi32>,
    %get3A_295 = arith.constant 64 : index
    %get3A_296 = tpu.vector_load %arg17[%get3A_295] {strides = array<i32>} : memref<1760xf32, #tpu.memory_space<vmem>>, vector<16xf32>,
    %get3A_297 = arith.constant 64 : index
    %get3A_298 = tpu.vector_load %arg18[%get3A_297] {strides = array<i32>} : memref<128xf32, #tpu.memory_space<vmem>>, vector<16xf32>,
    %mul3A_299 = arith.mulf %get3A_296, %get3A_298 : vector<16xf32>
    %gather3A_300 = tpu.vector_load_idx %arg10[%get3A_294] : memref<100000xf32, #tpu.memory_space<vmem>>[vector<16xi32>], vector<16xf32>,
    %while3A_301 = scf.while (%while3A_1116 = %gather3A_300) : (vector<16xf32>) -> vector<16xf32> {
      %lt3A_1117 = arith.cmpf olt, %while3A_1116, %mul3A_299 : vector<16xf32>
      %reduce_or3A = arith.constant 1.000000e+00 : f32
      %reduce_or3A_1118 = arith.constant 0.000000e+00 : f32
      %reduce_or3A_1119 = vector.broadcast %reduce_or3A : f32 to vector<16xf32>
      %reduce_or3A_1120 = vector.broadcast %reduce_or3A_1118 : f32 to vector<16xf32>
      %reduce_or3A_1121 = arith.select %lt3A_1117, %reduce_or3A_1119, %reduce_or3A_1120 : vector<16xi1>, vector<16xf32>
      %reduce_or3A_1122 = arith.constant true
      %reduce_or3A_1123 = vector.broadcast %reduce_or3A_1122 : i1 to vector<16xi1>
      %reduce_or3A_1124 = tpu.scan <max>, %reduce_or3A_1121 masked %reduce_or3A_1123 : vector<16xf32>, vector<16xi1> -> vector<16xf32>
      %reduce_or3A_1125 = vector.extract %reduce_or3A_1124[15] : f32 from vector<16xf32>
      %reduce_or3A_1126 = arith.constant 0.000000e+00 : f32
      %reduce_or3A_1127 = arith.cmpf ogt, %reduce_or3A_1125, %reduce_or3A_1126 : f32
      scf.condition(%reduce_or3A_1127) %while3A_1116 : vector<16xf32>
    } do {
    ^bb0(%while3A_1116: vector<16xf32>):
      %lt3A_1117 = arith.cmpf olt, %while3A_1116, %mul3A_299 : vector<16xf32>
      %max3A_1118 = arith.maximumf %while3A_1116, %mul3A_299 : vector<16xf32>
      tpu.vector_store_idx %arg10[%get3A_294], %max3A_1118 masked %lt3A_1117 : memref<100000xf32, #tpu.memory_space<vmem>>[vector<16xi32>], vector<16xf32>, vector<16xi1>
      %gather3A_1119 = tpu.vector_load_idx %arg10[%get3A_294] : memref<100000xf32, #tpu.memory_space<vmem>>[vector<16xi32>], vector<16xf32>,
      scf.yield %gather3A_1119 : vector<16xf32>
    }
    %get3A_302 = arith.constant 80 : index
    %get3A_303 = tpu.vector_load %arg16[%get3A_302] {strides = array<i32>} : memref<1760xi32, #tpu.memory_space<vmem>>, vector<16xi32>,
    %get3A_304 = arith.constant 80 : index
    %get3A_305 = tpu.vector_load %arg17[%get3A_304] {strides = array<i32>} : memref<1760xf32, #tpu.memory_space<vmem>>, vector<16xf32>,
    %get3A_306 = arith.constant 80 : index
    %get3A_307 = tpu.vector_load %arg18[%get3A_306] {strides = array<i32>} : memref<128xf32, #tpu.memory_space<vmem>>, vector<16xf32>,
    %mul3A_308 = arith.mulf %get3A_305, %get3A_307 : vector<16xf32>
    %gather3A_309 = tpu.vector_load_idx %arg10[%get3A_303] : memref<100000xf32, #tpu.memory_space<vmem>>[vector<16xi32>], vector<16xf32>,
    %while3A_310 = scf.while (%while3A_1116 = %gather3A_309) : (vector<16xf32>) -> vector<16xf32> {
      %lt3A_1117 = arith.cmpf olt, %while3A_1116, %mul3A_308 : vector<16xf32>
      %reduce_or3A = arith.constant 1.000000e+00 : f32
      %reduce_or3A_1118 = arith.constant 0.000000e+00 : f32
      %reduce_or3A_1119 = vector.broadcast %reduce_or3A : f32 to vector<16xf32>
      %reduce_or3A_1120 = vector.broadcast %reduce_or3A_1118 : f32 to vector<16xf32>
      %reduce_or3A_1121 = arith.select %lt3A_1117, %reduce_or3A_1119, %reduce_or3A_1120 : vector<16xi1>, vector<16xf32>
      %reduce_or3A_1122 = arith.constant true
      %reduce_or3A_1123 = vector.broadcast %reduce_or3A_1122 : i1 to vector<16xi1>
      %reduce_or3A_1124 = tpu.scan <max>, %reduce_or3A_1121 masked %reduce_or3A_1123 : vector<16xf32>, vector<16xi1> -> vector<16xf32>
      %reduce_or3A_1125 = vector.extract %reduce_or3A_1124[15] : f32 from vector<16xf32>
      %reduce_or3A_1126 = arith.constant 0.000000e+00 : f32
      %reduce_or3A_1127 = arith.cmpf ogt, %reduce_or3A_1125, %reduce_or3A_1126 : f32
      scf.condition(%reduce_or3A_1127) %while3A_1116 : vector<16xf32>
    } do {
    ^bb0(%while3A_1116: vector<16xf32>):
      %lt3A_1117 = arith.cmpf olt, %while3A_1116, %mul3A_308 : vector<16xf32>
      %max3A_1118 = arith.maximumf %while3A_1116, %mul3A_308 : vector<16xf32>
      tpu.vector_store_idx %arg10[%get3A_303], %max3A_1118 masked %lt3A_1117 : memref<100000xf32, #tpu.memory_space<vmem>>[vector<16xi32>], vector<16xf32>, vector<16xi1>
      %gather3A_1119 = tpu.vector_load_idx %arg10[%get3A_303] : memref<100000xf32, #tpu.memory_space<vmem>>[vector<16xi32>], vector<16xf32>,
      scf.yield %gather3A_1119 : vector<16xf32>
    }
    %get3A_311 = arith.constant 96 : index
    %get3A_312 = tpu.vector_load %arg16[%get3A_311] {strides = array<i32>} : memref<1760xi32, #tpu.memory_space<vmem>>, vector<16xi32>,
    %get3A_313 = arith.constant 96 : index
    %get3A_314 = tpu.vector_load %arg17[%get3A_313] {strides = array<i32>} : memref<1760xf32, #tpu.memory_space<vmem>>, vector<16xf32>,
    %get3A_315 = arith.constant 96 : index
    %get3A_316 = tpu.vector_load %arg18[%get3A_315] {strides = array<i32>} : memref<128xf32, #tpu.memory_space<vmem>>, vector<16xf32>,
    %mul3A_317 = arith.mulf %get3A_314, %get3A_316 : vector<16xf32>
    %gather3A_318 = tpu.vector_load_idx %arg10[%get3A_312] : memref<100000xf32, #tpu.memory_space<vmem>>[vector<16xi32>], vector<16xf32>,
    %while3A_319 = scf.while (%while3A_1116 = %gather3A_318) : (vector<16xf32>) -> vector<16xf32> {
      %lt3A_1117 = arith.cmpf olt, %while3A_1116, %mul3A_317 : vector<16xf32>
      %reduce_or3A = arith.constant 1.000000e+00 : f32
      %reduce_or3A_1118 = arith.constant 0.000000e+00 : f32
      %reduce_or3A_1119 = vector.broadcast %reduce_or3A : f32 to vector<16xf32>
      %reduce_or3A_1120 = vector.broadcast %reduce_or3A_1118 : f32 to vector<16xf32>
      %reduce_or3A_1121 = arith.select %lt3A_1117, %reduce_or3A_1119, %reduce_or3A_1120 : vector<16xi1>, vector<16xf32>
      %reduce_or3A_1122 = arith.constant true
      %reduce_or3A_1123 = vector.broadcast %reduce_or3A_1122 : i1 to vector<16xi1>
      %reduce_or3A_1124 = tpu.scan <max>, %reduce_or3A_1121 masked %reduce_or3A_1123 : vector<16xf32>, vector<16xi1> -> vector<16xf32>
      %reduce_or3A_1125 = vector.extract %reduce_or3A_1124[15] : f32 from vector<16xf32>
      %reduce_or3A_1126 = arith.constant 0.000000e+00 : f32
      %reduce_or3A_1127 = arith.cmpf ogt, %reduce_or3A_1125, %reduce_or3A_1126 : f32
      scf.condition(%reduce_or3A_1127) %while3A_1116 : vector<16xf32>
    } do {
    ^bb0(%while3A_1116: vector<16xf32>):
      %lt3A_1117 = arith.cmpf olt, %while3A_1116, %mul3A_317 : vector<16xf32>
      %max3A_1118 = arith.maximumf %while3A_1116, %mul3A_317 : vector<16xf32>
      tpu.vector_store_idx %arg10[%get3A_312], %max3A_1118 masked %lt3A_1117 : memref<100000xf32, #tpu.memory_space<vmem>>[vector<16xi32>], vector<16xf32>, vector<16xi1>
      %gather3A_1119 = tpu.vector_load_idx %arg10[%get3A_312] : memref<100000xf32, #tpu.memory_space<vmem>>[vector<16xi32>], vector<16xf32>,
      scf.yield %gather3A_1119 : vector<16xf32>
    }
    %get3A_320 = arith.constant 112 : index
    %get3A_321 = tpu.vector_load %arg16[%get3A_320] {strides = array<i32>} : memref<1760xi32, #tpu.memory_space<vmem>>, vector<16xi32>,
    %get3A_322 = arith.constant 112 : index
    %get3A_323 = tpu.vector_load %arg17[%get3A_322] {strides = array<i32>} : memref<1760xf32, #tpu.memory_space<vmem>>, vector<16xf32>,
    %get3A_324 = arith.constant 112 : index
    %get3A_325 = tpu.vector_load %arg18[%get3A_324] {strides = array<i32>} : memref<128xf32, #tpu.memory_space<vmem>>, vector<16xf32>,
    %mul3A_326 = arith.mulf %get3A_323, %get3A_325 : vector<16xf32>
    %gather3A_327 = tpu.vector_load_idx %arg10[%get3A_321] : memref<100000xf32, #tpu.memory_space<vmem>>[vector<16xi32>], vector<16xf32>,
    %while3A_328 = scf.while (%while3A_1116 = %gather3A_327) : (vector<16xf32>) -> vector<16xf32> {
      %lt3A_1117 = arith.cmpf olt, %while3A_1116, %mul3A_326 : vector<16xf32>
      %reduce_or3A = arith.constant 1.000000e+00 : f32
      %reduce_or3A_1118 = arith.constant 0.000000e+00 : f32
      %reduce_or3A_1119 = vector.broadcast %reduce_or3A : f32 to vector<16xf32>
      %reduce_or3A_1120 = vector.broadcast %reduce_or3A_1118 : f32 to vector<16xf32>
      %reduce_or3A_1121 = arith.select %lt3A_1117, %reduce_or3A_1119, %reduce_or3A_1120 : vector<16xi1>, vector<16xf32>
      %reduce_or3A_1122 = arith.constant true
      %reduce_or3A_1123 = vector.broadcast %reduce_or3A_1122 : i1 to vector<16xi1>
      %reduce_or3A_1124 = tpu.scan <max>, %reduce_or3A_1121 masked %reduce_or3A_1123 : vector<16xf32>, vector<16xi1> -> vector<16xf32>
      %reduce_or3A_1125 = vector.extract %reduce_or3A_1124[15] : f32 from vector<16xf32>
      %reduce_or3A_1126 = arith.constant 0.000000e+00 : f32
      %reduce_or3A_1127 = arith.cmpf ogt, %reduce_or3A_1125, %reduce_or3A_1126 : f32
      scf.condition(%reduce_or3A_1127) %while3A_1116 : vector<16xf32>
    } do {
    ^bb0(%while3A_1116: vector<16xf32>):
      %lt3A_1117 = arith.cmpf olt, %while3A_1116, %mul3A_326 : vector<16xf32>
      %max3A_1118 = arith.maximumf %while3A_1116, %mul3A_326 : vector<16xf32>
      tpu.vector_store_idx %arg10[%get3A_321], %max3A_1118 masked %lt3A_1117 : memref<100000xf32, #tpu.memory_space<vmem>>[vector<16xi32>], vector<16xf32>, vector<16xi1>
      %gather3A_1119 = tpu.vector_load_idx %arg10[%get3A_321] : memref<100000xf32, #tpu.memory_space<vmem>>[vector<16xi32>], vector<16xf32>,
      scf.yield %gather3A_1119 : vector<16xf32>
    }
    %mul3A_329 = arith.constant 4 : i32
    %mul3A_330 = arith.muli %add3A_30, %mul3A_329 : i32
    %add3A_331 = arith.addi %mul3A_330, %select_n3A_28 : i32
    %mul3A_332 = arith.constant 100000 : i32
    %mul3A_333 = arith.muli %add3A_331, %mul3A_332 : i32
    "tpu.region"() ({
      %run_scoped3A = tpu.sem_alloc : memref<!tpu.dma_semaphore, #tpu.memory_space<semaphore_mem>>
      %dma_start3A_1116 = tpu.memref_slice %arg9[%mul3A_333] : memref<3200000xf32, #tpu.memory_space<hbm>> -> memref<100000xf32, #tpu.memory_space<hbm>>
      %dma_start3A_1117 = tpu.memref_slice %arg9[%mul3A_333] : memref<3200000xf32, #tpu.memory_space<hbm>> -> memref<100000xf32, #tpu.memory_space<hbm>>
      tpu.enqueue_dma source(%arg10 : memref<100000xf32, #tpu.memory_space<vmem>>) target(%dma_start3A_1117 : memref<100000xf32, #tpu.memory_space<hbm>>) target_semaphore(%run_scoped3A : memref<!tpu.dma_semaphore, #tpu.memory_space<semaphore_mem>>)
      %dma_wait3A = tpu.memref_slice %arg9[%mul3A_333] : memref<3200000xf32, #tpu.memory_space<hbm>> -> memref<100000xf32, #tpu.memory_space<hbm>>
      %dma_wait3A_1118 = tpu.memref_slice %arg9[%mul3A_333] : memref<3200000xf32, #tpu.memory_space<hbm>> -> memref<100000xf32, #tpu.memory_space<hbm>>
      tpu.wait_dma2 semaphore(%run_scoped3A : memref<!tpu.dma_semaphore, #tpu.memory_space<semaphore_mem>>) src(%arg10 : memref<100000xf32, #tpu.memory_space<vmem>>) dst(%dma_wait3A_1118 : memref<100000xf32, #tpu.memory_space<hbm>>)
      tpu.yield
    }) : () -> ()
    %barrier3A = arith.constant 0 : index
    tpu.barrier barrier_id(%barrier3A)
    %mul3A_334 = arith.constant 25000 : i32
    %mul3A_335 = arith.muli %select_n3A_28, %mul3A_334 : i32
    %mul3A_336 = arith.constant 4 : i32
    %mul3A_337 = arith.muli %add3A_30, %mul3A_336 : i32
    %add3A_338 = arith.constant 0 : i32
    %add3A_339 = arith.addi %mul3A_337, %add3A_338 : i32
    %mul3A_340 = arith.constant 100000 : i32
    %mul3A_341 = arith.muli %add3A_339, %mul3A_340 : i32
    %add3A_342 = arith.addi %mul3A_341, %mul3A_335 : i32
    %add3A_343 = arith.constant 0 : i32
    %add3A_344 = arith.addi %add3A_342, %add3A_343 : i32
    "tpu.region"() ({
      %run_scoped3A = tpu.sem_alloc : memref<!tpu.dma_semaphore, #tpu.memory_space<semaphore_mem>>
      %dma_start3A_1116 = arith.constant 0 : i32
      %dma_start3A_1117 = tpu.memref_slice %arg20[%dma_start3A_1116] : memref<6400xf32, #tpu.memory_space<vmem>> -> memref<1600xf32, #tpu.memory_space<vmem>>
      %dma_start3A_1118 = tpu.memref_slice %arg9[%add3A_344] : memref<3200000xf32, #tpu.memory_space<hbm>> -> memref<1600xf32, #tpu.memory_space<hbm>>
      %dma_start3A_1119 = arith.constant 0 : i32
      %dma_start3A_1120 = tpu.memref_slice %arg20[%dma_start3A_1119] : memref<6400xf32, #tpu.memory_space<vmem>> -> memref<1600xf32, #tpu.memory_space<vmem>>
      %dma_start3A_1121 = tpu.memref_slice %arg9[%add3A_344] : memref<3200000xf32, #tpu.memory_space<hbm>> -> memref<1600xf32, #tpu.memory_space<hbm>>
      tpu.enqueue_dma source(%dma_start3A_1121 : memref<1600xf32, #tpu.memory_space<hbm>>) target(%dma_start3A_1120 : memref<1600xf32, #tpu.memory_space<vmem>>) target_semaphore(%run_scoped3A : memref<!tpu.dma_semaphore, #tpu.memory_space<semaphore_mem>>)
      %dma_wait3A = arith.constant 0 : i32
      %dma_wait3A_1122 = tpu.memref_slice %arg20[%dma_wait3A] : memref<6400xf32, #tpu.memory_space<vmem>> -> memref<1600xf32, #tpu.memory_space<vmem>>
      %dma_wait3A_1123 = tpu.memref_slice %arg9[%add3A_344] : memref<3200000xf32, #tpu.memory_space<hbm>> -> memref<1600xf32, #tpu.memory_space<hbm>>
      %dma_wait3A_1124 = arith.constant 0 : i32
      %dma_wait3A_1125 = tpu.memref_slice %arg20[%dma_wait3A_1124] : memref<6400xf32, #tpu.memory_space<vmem>> -> memref<1600xf32, #tpu.memory_space<vmem>>
      %dma_wait3A_1126 = tpu.memref_slice %arg9[%add3A_344] : memref<3200000xf32, #tpu.memory_space<hbm>> -> memref<1600xf32, #tpu.memory_space<hbm>>
      tpu.wait_dma2 semaphore(%run_scoped3A : memref<!tpu.dma_semaphore, #tpu.memory_space<semaphore_mem>>) src(%dma_wait3A_1126 : memref<1600xf32, #tpu.memory_space<hbm>>) dst(%dma_wait3A_1125 : memref<1600xf32, #tpu.memory_space<vmem>>)
      tpu.yield
    }) : () -> ()
    %mul3A_345 = arith.constant 4 : i32
    %mul3A_346 = arith.muli %add3A_30, %mul3A_345 : i32
    %add3A_347 = arith.constant 1 : i32
    %add3A_348 = arith.addi %mul3A_346, %add3A_347 : i32
    %mul3A_349 = arith.constant 100000 : i32
    %mul3A_350 = arith.muli %add3A_348, %mul3A_349 : i32
    %add3A_351 = arith.addi %mul3A_350, %mul3A_335 : i32
    %add3A_352 = arith.constant 0 : i32
    %add3A_353 = arith.addi %add3A_351, %add3A_352 : i32
    "tpu.region"() ({
      %run_scoped3A = tpu.sem_alloc : memref<!tpu.dma_semaphore, #tpu.memory_space<semaphore_mem>>
      %dma_start3A_1116 = arith.constant 1600 : i32
      %dma_start3A_1117 = tpu.memref_slice %arg20[%dma_start3A_1116] : memref<6400xf32, #tpu.memory_space<vmem>> -> memref<1600xf32, #tpu.memory_space<vmem>>
      %dma_start3A_1118 = tpu.memref_slice %arg9[%add3A_353] : memref<3200000xf32, #tpu.memory_space<hbm>> -> memref<1600xf32, #tpu.memory_space<hbm>>
      %dma_start3A_1119 = arith.constant 1600 : i32
      %dma_start3A_1120 = tpu.memref_slice %arg20[%dma_start3A_1119] : memref<6400xf32, #tpu.memory_space<vmem>> -> memref<1600xf32, #tpu.memory_space<vmem>>
      %dma_start3A_1121 = tpu.memref_slice %arg9[%add3A_353] : memref<3200000xf32, #tpu.memory_space<hbm>> -> memref<1600xf32, #tpu.memory_space<hbm>>
      tpu.enqueue_dma source(%dma_start3A_1121 : memref<1600xf32, #tpu.memory_space<hbm>>) target(%dma_start3A_1120 : memref<1600xf32, #tpu.memory_space<vmem>>) target_semaphore(%run_scoped3A : memref<!tpu.dma_semaphore, #tpu.memory_space<semaphore_mem>>)
      %dma_wait3A = arith.constant 1600 : i32
      %dma_wait3A_1122 = tpu.memref_slice %arg20[%dma_wait3A] : memref<6400xf32, #tpu.memory_space<vmem>> -> memref<1600xf32, #tpu.memory_space<vmem>>
      %dma_wait3A_1123 = tpu.memref_slice %arg9[%add3A_353] : memref<3200000xf32, #tpu.memory_space<hbm>> -> memref<1600xf32, #tpu.memory_space<hbm>>
      %dma_wait3A_1124 = arith.constant 1600 : i32
      %dma_wait3A_1125 = tpu.memref_slice %arg20[%dma_wait3A_1124] : memref<6400xf32, #tpu.memory_space<vmem>> -> memref<1600xf32, #tpu.memory_space<vmem>>
      %dma_wait3A_1126 = tpu.memref_slice %arg9[%add3A_353] : memref<3200000xf32, #tpu.memory_space<hbm>> -> memref<1600xf32, #tpu.memory_space<hbm>>
      tpu.wait_dma2 semaphore(%run_scoped3A : memref<!tpu.dma_semaphore, #tpu.memory_space<semaphore_mem>>) src(%dma_wait3A_1126 : memref<1600xf32, #tpu.memory_space<hbm>>) dst(%dma_wait3A_1125 : memref<1600xf32, #tpu.memory_space<vmem>>)
      tpu.yield
    }) : () -> ()
    %mul3A_354 = arith.constant 4 : i32
    %mul3A_355 = arith.muli %add3A_30, %mul3A_354 : i32
    %add3A_356 = arith.constant 2 : i32
    %add3A_357 = arith.addi %mul3A_355, %add3A_356 : i32
    %mul3A_358 = arith.constant 100000 : i32
    %mul3A_359 = arith.muli %add3A_357, %mul3A_358 : i32
    %add3A_360 = arith.addi %mul3A_359, %mul3A_335 : i32
    %add3A_361 = arith.constant 0 : i32
    %add3A_362 = arith.addi %add3A_360, %add3A_361 : i32
    "tpu.region"() ({
      %run_scoped3A = tpu.sem_alloc : memref<!tpu.dma_semaphore, #tpu.memory_space<semaphore_mem>>
      %dma_start3A_1116 = arith.constant 3200 : i32
      %dma_start3A_1117 = tpu.memref_slice %arg20[%dma_start3A_1116] : memref<6400xf32, #tpu.memory_space<vmem>> -> memref<1600xf32, #tpu.memory_space<vmem>>
      %dma_start3A_1118 = tpu.memref_slice %arg9[%add3A_362] : memref<3200000xf32, #tpu.memory_space<hbm>> -> memref<1600xf32, #tpu.memory_space<hbm>>
      %dma_start3A_1119 = arith.constant 3200 : i32
      %dma_start3A_1120 = tpu.memref_slice %arg20[%dma_start3A_1119] : memref<6400xf32, #tpu.memory_space<vmem>> -> memref<1600xf32, #tpu.memory_space<vmem>>
      %dma_start3A_1121 = tpu.memref_slice %arg9[%add3A_362] : memref<3200000xf32, #tpu.memory_space<hbm>> -> memref<1600xf32, #tpu.memory_space<hbm>>
      tpu.enqueue_dma source(%dma_start3A_1121 : memref<1600xf32, #tpu.memory_space<hbm>>) target(%dma_start3A_1120 : memref<1600xf32, #tpu.memory_space<vmem>>) target_semaphore(%run_scoped3A : memref<!tpu.dma_semaphore, #tpu.memory_space<semaphore_mem>>)
      %dma_wait3A = arith.constant 3200 : i32
      %dma_wait3A_1122 = tpu.memref_slice %arg20[%dma_wait3A] : memref<6400xf32, #tpu.memory_space<vmem>> -> memref<1600xf32, #tpu.memory_space<vmem>>
      %dma_wait3A_1123 = tpu.memref_slice %arg9[%add3A_362] : memref<3200000xf32, #tpu.memory_space<hbm>> -> memref<1600xf32, #tpu.memory_space<hbm>>
      %dma_wait3A_1124 = arith.constant 3200 : i32
      %dma_wait3A_1125 = tpu.memref_slice %arg20[%dma_wait3A_1124] : memref<6400xf32, #tpu.memory_space<vmem>> -> memref<1600xf32, #tpu.memory_space<vmem>>
      %dma_wait3A_1126 = tpu.memref_slice %arg9[%add3A_362] : memref<3200000xf32, #tpu.memory_space<hbm>> -> memref<1600xf32, #tpu.memory_space<hbm>>
      tpu.wait_dma2 semaphore(%run_scoped3A : memref<!tpu.dma_semaphore, #tpu.memory_space<semaphore_mem>>) src(%dma_wait3A_1126 : memref<1600xf32, #tpu.memory_space<hbm>>) dst(%dma_wait3A_1125 : memref<1600xf32, #tpu.memory_space<vmem>>)
      tpu.yield
    }) : () -> ()
    %mul3A_363 = arith.constant 4 : i32
    %mul3A_364 = arith.muli %add3A_30, %mul3A_363 : i32
    %add3A_365 = arith.constant 3 : i32
    %add3A_366 = arith.addi %mul3A_364, %add3A_365 : i32
    %mul3A_367 = arith.constant 100000 : i32
    %mul3A_368 = arith.muli %add3A_366, %mul3A_367 : i32
    %add3A_369 = arith.addi %mul3A_368, %mul3A_335 : i32
    %add3A_370 = arith.constant 0 : i32
    %add3A_371 = arith.addi %add3A_369, %add3A_370 : i32
    "tpu.region"() ({
      %run_scoped3A = tpu.sem_alloc : memref<!tpu.dma_semaphore, #tpu.memory_space<semaphore_mem>>
      %dma_start3A_1116 = arith.constant 4800 : i32
      %dma_start3A_1117 = tpu.memref_slice %arg20[%dma_start3A_1116] : memref<6400xf32, #tpu.memory_space<vmem>> -> memref<1600xf32, #tpu.memory_space<vmem>>
      %dma_start3A_1118 = tpu.memref_slice %arg9[%add3A_371] : memref<3200000xf32, #tpu.memory_space<hbm>> -> memref<1600xf32, #tpu.memory_space<hbm>>
      %dma_start3A_1119 = arith.constant 4800 : i32
      %dma_start3A_1120 = tpu.memref_slice %arg20[%dma_start3A_1119] : memref<6400xf32, #tpu.memory_space<vmem>> -> memref<1600xf32, #tpu.memory_space<vmem>>
      %dma_start3A_1121 = tpu.memref_slice %arg9[%add3A_371] : memref<3200000xf32, #tpu.memory_space<hbm>> -> memref<1600xf32, #tpu.memory_space<hbm>>
      tpu.enqueue_dma source(%dma_start3A_1121 : memref<1600xf32, #tpu.memory_space<hbm>>) target(%dma_start3A_1120 : memref<1600xf32, #tpu.memory_space<vmem>>) target_semaphore(%run_scoped3A : memref<!tpu.dma_semaphore, #tpu.memory_space<semaphore_mem>>)
      %dma_wait3A = arith.constant 4800 : i32
      %dma_wait3A_1122 = tpu.memref_slice %arg20[%dma_wait3A] : memref<6400xf32, #tpu.memory_space<vmem>> -> memref<1600xf32, #tpu.memory_space<vmem>>
      %dma_wait3A_1123 = tpu.memref_slice %arg9[%add3A_371] : memref<3200000xf32, #tpu.memory_space<hbm>> -> memref<1600xf32, #tpu.memory_space<hbm>>
      %dma_wait3A_1124 = arith.constant 4800 : i32
      %dma_wait3A_1125 = tpu.memref_slice %arg20[%dma_wait3A_1124] : memref<6400xf32, #tpu.memory_space<vmem>> -> memref<1600xf32, #tpu.memory_space<vmem>>
      %dma_wait3A_1126 = tpu.memref_slice %arg9[%add3A_371] : memref<3200000xf32, #tpu.memory_space<hbm>> -> memref<1600xf32, #tpu.memory_space<hbm>>
      tpu.wait_dma2 semaphore(%run_scoped3A : memref<!tpu.dma_semaphore, #tpu.memory_space<semaphore_mem>>) src(%dma_wait3A_1126 : memref<1600xf32, #tpu.memory_space<hbm>>) dst(%dma_wait3A_1125 : memref<1600xf32, #tpu.memory_space<vmem>>)
      tpu.yield
    }) : () -> ()
    %scan3A_372 = arith.constant 0 : i32
    %scan3A_373 = arith.constant 0 : i32
    %scan3A_374 = arith.constant 100 : i32
    %scan3A_375 = arith.addi %scan3A_373, %scan3A_374 : i32
    %scan3A_376 = arith.constant 1 : i32
    %scan3A_377 = scf.for %scan3A_1116 = %scan3A_373 to %scan3A_375 step %scan3A_376 iter_args(%scan3A_1117 = %scan3A_372) -> (i32)  : i32 {
      %mul3A_1118 = arith.constant 16 : i32
      %mul3A_1119 = arith.muli %scan3A_1116, %mul3A_1118 : i32
      %get3A_1120 = arith.index_cast %mul3A_1119 : i32 to index
      %get3A_1121 = tpu.vector_load %arg20[%get3A_1120] {strides = array<i32>} : memref<6400xf32, #tpu.memory_space<vmem>>, vector<16xf32>,
      %add3A_1122 = arith.constant 1600 : i32
      %add3A_1123 = arith.addi %add3A_1122, %mul3A_1119 : i32
      %get3A_1124 = arith.index_cast %add3A_1123 : i32 to index
      %get3A_1125 = tpu.vector_load %arg20[%get3A_1124] {strides = array<i32>} : memref<6400xf32, #tpu.memory_space<vmem>>, vector<16xf32>,
      %max3A_1126 = arith.maximumf %get3A_1121, %get3A_1125 : vector<16xf32>
      %add3A_1127 = arith.constant 3200 : i32
      %add3A_1128 = arith.addi %add3A_1127, %mul3A_1119 : i32
      %get3A_1129 = arith.index_cast %add3A_1128 : i32 to index
      %get3A_1130 = tpu.vector_load %arg20[%get3A_1129] {strides = array<i32>} : memref<6400xf32, #tpu.memory_space<vmem>>, vector<16xf32>,
      %add3A_1131 = arith.constant 4800 : i32
      %add3A_1132 = arith.addi %add3A_1131, %mul3A_1119 : i32
      %get3A_1133 = arith.index_cast %add3A_1132 : i32 to index
      %get3A_1134 = tpu.vector_load %arg20[%get3A_1133] {strides = array<i32>} : memref<6400xf32, #tpu.memory_space<vmem>>, vector<16xf32>,
      %max3A_1135 = arith.maximumf %get3A_1130, %get3A_1134 : vector<16xf32>
      %max3A_1136 = arith.maximumf %max3A_1126, %max3A_1135 : vector<16xf32>
      %swap3A_1137 = arith.index_cast %mul3A_1119 : i32 to index
      %swap3A_1138 = tpu.vector_load %arg19[%swap3A_1137] {strides = array<i32>} : memref<1600xf32, #tpu.memory_space<vmem>>, vector<16xf32>,
      tpu.vector_store %arg19[%swap3A_1137], %max3A_1136 {strides = array<i32>} : memref<1600xf32, #tpu.memory_space<vmem>>, vector<16xf32>,
      %scan3A_1139 = arith.constant 0 : i32
      scf.yield %scan3A_1139 : i32
    }
    %scan3A_378 = arith.constant 100 : i32
    %mul3A_379 = arith.constant 100000 : i32
    %mul3A_380 = arith.muli %add3A_30, %mul3A_379 : i32
    %add3A_381 = arith.addi %mul3A_380, %mul3A_335 : i32
    %add3A_382 = arith.constant 0 : i32
    %add3A_383 = arith.addi %add3A_381, %add3A_382 : i32
    "tpu.region"() ({
      %run_scoped3A = tpu.sem_alloc : memref<!tpu.dma_semaphore, #tpu.memory_space<semaphore_mem>>
      %dma_start3A_1116 = arith.constant 0 : i32
      %dma_start3A_1117 = tpu.memref_slice %arg19[%dma_start3A_1116] : memref<1600xf32, #tpu.memory_space<vmem>> -> memref<1600xf32, #tpu.memory_space<vmem>>
      %dma_start3A_1118 = tpu.memref_slice %arg8[%add3A_383] : memref<800000xf32, #tpu.memory_space<hbm>> -> memref<1600xf32, #tpu.memory_space<hbm>>
      %dma_start3A_1119 = tpu.memref_slice %arg8[%add3A_383] : memref<800000xf32, #tpu.memory_space<hbm>> -> memref<1600xf32, #tpu.memory_space<hbm>>
      %dma_start3A_1120 = arith.constant 0 : i32
      %dma_start3A_1121 = tpu.memref_slice %arg19[%dma_start3A_1120] : memref<1600xf32, #tpu.memory_space<vmem>> -> memref<1600xf32, #tpu.memory_space<vmem>>
      tpu.enqueue_dma source(%dma_start3A_1121 : memref<1600xf32, #tpu.memory_space<vmem>>) target(%dma_start3A_1119 : memref<1600xf32, #tpu.memory_space<hbm>>) target_semaphore(%run_scoped3A : memref<!tpu.dma_semaphore, #tpu.memory_space<semaphore_mem>>)
      %dma_wait3A = arith.constant 0 : i32
      %dma_wait3A_1122 = tpu.memref_slice %arg19[%dma_wait3A] : memref<1600xf32, #tpu.memory_space<vmem>> -> memref<1600xf32, #tpu.memory_space<vmem>>
      %dma_wait3A_1123 = tpu.memref_slice %arg8[%add3A_383] : memref<800000xf32, #tpu.memory_space<hbm>> -> memref<1600xf32, #tpu.memory_space<hbm>>
      %dma_wait3A_1124 = tpu.memref_slice %arg8[%add3A_383] : memref<800000xf32, #tpu.memory_space<hbm>> -> memref<1600xf32, #tpu.memory_space<hbm>>
      %dma_wait3A_1125 = arith.constant 0 : i32
      %dma_wait3A_1126 = tpu.memref_slice %arg19[%dma_wait3A_1125] : memref<1600xf32, #tpu.memory_space<vmem>> -> memref<1600xf32, #tpu.memory_space<vmem>>
      tpu.wait_dma2 semaphore(%run_scoped3A : memref<!tpu.dma_semaphore, #tpu.memory_space<semaphore_mem>>) src(%dma_wait3A_1126 : memref<1600xf32, #tpu.memory_space<vmem>>) dst(%dma_wait3A_1124 : memref<1600xf32, #tpu.memory_space<hbm>>)
      tpu.yield
    }) : () -> ()
    %mul3A_384 = arith.constant 4 : i32
    %mul3A_385 = arith.muli %add3A_30, %mul3A_384 : i32
    %add3A_386 = arith.constant 0 : i32
    %add3A_387 = arith.addi %mul3A_385, %add3A_386 : i32
    %mul3A_388 = arith.constant 100000 : i32
    %mul3A_389 = arith.muli %add3A_387, %mul3A_388 : i32
    %add3A_390 = arith.addi %mul3A_389, %mul3A_335 : i32
    %add3A_391 = arith.constant 1600 : i32
    %add3A_392 = arith.addi %add3A_390, %add3A_391 : i32
    "tpu.region"() ({
      %run_scoped3A = tpu.sem_alloc : memref<!tpu.dma_semaphore, #tpu.memory_space<semaphore_mem>>
      %dma_start3A_1116 = arith.constant 0 : i32
      %dma_start3A_1117 = tpu.memref_slice %arg20[%dma_start3A_1116] : memref<6400xf32, #tpu.memory_space<vmem>> -> memref<1600xf32, #tpu.memory_space<vmem>>
      %dma_start3A_1118 = tpu.memref_slice %arg9[%add3A_392] : memref<3200000xf32, #tpu.memory_space<hbm>> -> memref<1600xf32, #tpu.memory_space<hbm>>
      %dma_start3A_1119 = arith.constant 0 : i32
      %dma_start3A_1120 = tpu.memref_slice %arg20[%dma_start3A_1119] : memref<6400xf32, #tpu.memory_space<vmem>> -> memref<1600xf32, #tpu.memory_space<vmem>>
      %dma_start3A_1121 = tpu.memref_slice %arg9[%add3A_392] : memref<3200000xf32, #tpu.memory_space<hbm>> -> memref<1600xf32, #tpu.memory_space<hbm>>
      tpu.enqueue_dma source(%dma_start3A_1121 : memref<1600xf32, #tpu.memory_space<hbm>>) target(%dma_start3A_1120 : memref<1600xf32, #tpu.memory_space<vmem>>) target_semaphore(%run_scoped3A : memref<!tpu.dma_semaphore, #tpu.memory_space<semaphore_mem>>)
      %dma_wait3A = arith.constant 0 : i32
      %dma_wait3A_1122 = tpu.memref_slice %arg20[%dma_wait3A] : memref<6400xf32, #tpu.memory_space<vmem>> -> memref<1600xf32, #tpu.memory_space<vmem>>
      %dma_wait3A_1123 = tpu.memref_slice %arg9[%add3A_392] : memref<3200000xf32, #tpu.memory_space<hbm>> -> memref<1600xf32, #tpu.memory_space<hbm>>
      %dma_wait3A_1124 = arith.constant 0 : i32
      %dma_wait3A_1125 = tpu.memref_slice %arg20[%dma_wait3A_1124] : memref<6400xf32, #tpu.memory_space<vmem>> -> memref<1600xf32, #tpu.memory_space<vmem>>
      %dma_wait3A_1126 = tpu.memref_slice %arg9[%add3A_392] : memref<3200000xf32, #tpu.memory_space<hbm>> -> memref<1600xf32, #tpu.memory_space<hbm>>
      tpu.wait_dma2 semaphore(%run_scoped3A : memref<!tpu.dma_semaphore, #tpu.memory_space<semaphore_mem>>) src(%dma_wait3A_1126 : memref<1600xf32, #tpu.memory_space<hbm>>) dst(%dma_wait3A_1125 : memref<1600xf32, #tpu.memory_space<vmem>>)
      tpu.yield
    }) : () -> ()
    %mul3A_393 = arith.constant 4 : i32
    %mul3A_394 = arith.muli %add3A_30, %mul3A_393 : i32
    %add3A_395 = arith.constant 1 : i32
    %add3A_396 = arith.addi %mul3A_394, %add3A_395 : i32
    %mul3A_397 = arith.constant 100000 : i32
    %mul3A_398 = arith.muli %add3A_396, %mul3A_397 : i32
    %add3A_399 = arith.addi %mul3A_398, %mul3A_335 : i32
    %add3A_400 = arith.constant 1600 : i32
    %add3A_401 = arith.addi %add3A_399, %add3A_400 : i32
    "tpu.region"() ({
      %run_scoped3A = tpu.sem_alloc : memref<!tpu.dma_semaphore, #tpu.memory_space<semaphore_mem>>
      %dma_start3A_1116 = arith.constant 1600 : i32
      %dma_start3A_1117 = tpu.memref_slice %arg20[%dma_start3A_1116] : memref<6400xf32, #tpu.memory_space<vmem>> -> memref<1600xf32, #tpu.memory_space<vmem>>
      %dma_start3A_1118 = tpu.memref_slice %arg9[%add3A_401] : memref<3200000xf32, #tpu.memory_space<hbm>> -> memref<1600xf32, #tpu.memory_space<hbm>>
      %dma_start3A_1119 = arith.constant 1600 : i32
      %dma_start3A_1120 = tpu.memref_slice %arg20[%dma_start3A_1119] : memref<6400xf32, #tpu.memory_space<vmem>> -> memref<1600xf32, #tpu.memory_space<vmem>>
      %dma_start3A_1121 = tpu.memref_slice %arg9[%add3A_401] : memref<3200000xf32, #tpu.memory_space<hbm>> -> memref<1600xf32, #tpu.memory_space<hbm>>
      tpu.enqueue_dma source(%dma_start3A_1121 : memref<1600xf32, #tpu.memory_space<hbm>>) target(%dma_start3A_1120 : memref<1600xf32, #tpu.memory_space<vmem>>) target_semaphore(%run_scoped3A : memref<!tpu.dma_semaphore, #tpu.memory_space<semaphore_mem>>)
      %dma_wait3A = arith.constant 1600 : i32
      %dma_wait3A_1122 = tpu.memref_slice %arg20[%dma_wait3A] : memref<6400xf32, #tpu.memory_space<vmem>> -> memref<1600xf32, #tpu.memory_space<vmem>>
      %dma_wait3A_1123 = tpu.memref_slice %arg9[%add3A_401] : memref<3200000xf32, #tpu.memory_space<hbm>> -> memref<1600xf32, #tpu.memory_space<hbm>>
      %dma_wait3A_1124 = arith.constant 1600 : i32
      %dma_wait3A_1125 = tpu.memref_slice %arg20[%dma_wait3A_1124] : memref<6400xf32, #tpu.memory_space<vmem>> -> memref<1600xf32, #tpu.memory_space<vmem>>
      %dma_wait3A_1126 = tpu.memref_slice %arg9[%add3A_401] : memref<3200000xf32, #tpu.memory_space<hbm>> -> memref<1600xf32, #tpu.memory_space<hbm>>
      tpu.wait_dma2 semaphore(%run_scoped3A : memref<!tpu.dma_semaphore, #tpu.memory_space<semaphore_mem>>) src(%dma_wait3A_1126 : memref<1600xf32, #tpu.memory_space<hbm>>) dst(%dma_wait3A_1125 : memref<1600xf32, #tpu.memory_space<vmem>>)
      tpu.yield
    }) : () -> ()
    %mul3A_402 = arith.constant 4 : i32
    %mul3A_403 = arith.muli %add3A_30, %mul3A_402 : i32
    %add3A_404 = arith.constant 2 : i32
    %add3A_405 = arith.addi %mul3A_403, %add3A_404 : i32
    %mul3A_406 = arith.constant 100000 : i32
    %mul3A_407 = arith.muli %add3A_405, %mul3A_406 : i32
    %add3A_408 = arith.addi %mul3A_407, %mul3A_335 : i32
    %add3A_409 = arith.constant 1600 : i32
    %add3A_410 = arith.addi %add3A_408, %add3A_409 : i32
    "tpu.region"() ({
      %run_scoped3A = tpu.sem_alloc : memref<!tpu.dma_semaphore, #tpu.memory_space<semaphore_mem>>
      %dma_start3A_1116 = arith.constant 3200 : i32
      %dma_start3A_1117 = tpu.memref_slice %arg20[%dma_start3A_1116] : memref<6400xf32, #tpu.memory_space<vmem>> -> memref<1600xf32, #tpu.memory_space<vmem>>
      %dma_start3A_1118 = tpu.memref_slice %arg9[%add3A_410] : memref<3200000xf32, #tpu.memory_space<hbm>> -> memref<1600xf32, #tpu.memory_space<hbm>>
      %dma_start3A_1119 = arith.constant 3200 : i32
      %dma_start3A_1120 = tpu.memref_slice %arg20[%dma_start3A_1119] : memref<6400xf32, #tpu.memory_space<vmem>> -> memref<1600xf32, #tpu.memory_space<vmem>>
      %dma_start3A_1121 = tpu.memref_slice %arg9[%add3A_410] : memref<3200000xf32, #tpu.memory_space<hbm>> -> memref<1600xf32, #tpu.memory_space<hbm>>
      tpu.enqueue_dma source(%dma_start3A_1121 : memref<1600xf32, #tpu.memory_space<hbm>>) target(%dma_start3A_1120 : memref<1600xf32, #tpu.memory_space<vmem>>) target_semaphore(%run_scoped3A : memref<!tpu.dma_semaphore, #tpu.memory_space<semaphore_mem>>)
      %dma_wait3A = arith.constant 3200 : i32
      %dma_wait3A_1122 = tpu.memref_slice %arg20[%dma_wait3A] : memref<6400xf32, #tpu.memory_space<vmem>> -> memref<1600xf32, #tpu.memory_space<vmem>>
      %dma_wait3A_1123 = tpu.memref_slice %arg9[%add3A_410] : memref<3200000xf32, #tpu.memory_space<hbm>> -> memref<1600xf32, #tpu.memory_space<hbm>>
      %dma_wait3A_1124 = arith.constant 3200 : i32
      %dma_wait3A_1125 = tpu.memref_slice %arg20[%dma_wait3A_1124] : memref<6400xf32, #tpu.memory_space<vmem>> -> memref<1600xf32, #tpu.memory_space<vmem>>
      %dma_wait3A_1126 = tpu.memref_slice %arg9[%add3A_410] : memref<3200000xf32, #tpu.memory_space<hbm>> -> memref<1600xf32, #tpu.memory_space<hbm>>
      tpu.wait_dma2 semaphore(%run_scoped3A : memref<!tpu.dma_semaphore, #tpu.memory_space<semaphore_mem>>) src(%dma_wait3A_1126 : memref<1600xf32, #tpu.memory_space<hbm>>) dst(%dma_wait3A_1125 : memref<1600xf32, #tpu.memory_space<vmem>>)
      tpu.yield
    }) : () -> ()
    %mul3A_411 = arith.constant 4 : i32
    %mul3A_412 = arith.muli %add3A_30, %mul3A_411 : i32
    %add3A_413 = arith.constant 3 : i32
    %add3A_414 = arith.addi %mul3A_412, %add3A_413 : i32
    %mul3A_415 = arith.constant 100000 : i32
    %mul3A_416 = arith.muli %add3A_414, %mul3A_415 : i32
    %add3A_417 = arith.addi %mul3A_416, %mul3A_335 : i32
    %add3A_418 = arith.constant 1600 : i32
    %add3A_419 = arith.addi %add3A_417, %add3A_418 : i32
    "tpu.region"() ({
      %run_scoped3A = tpu.sem_alloc : memref<!tpu.dma_semaphore, #tpu.memory_space<semaphore_mem>>
      %dma_start3A_1116 = arith.constant 4800 : i32
      %dma_start3A_1117 = tpu.memref_slice %arg20[%dma_start3A_1116] : memref<6400xf32, #tpu.memory_space<vmem>> -> memref<1600xf32, #tpu.memory_space<vmem>>
      %dma_start3A_1118 = tpu.memref_slice %arg9[%add3A_419] : memref<3200000xf32, #tpu.memory_space<hbm>> -> memref<1600xf32, #tpu.memory_space<hbm>>
      %dma_start3A_1119 = arith.constant 4800 : i32
      %dma_start3A_1120 = tpu.memref_slice %arg20[%dma_start3A_1119] : memref<6400xf32, #tpu.memory_space<vmem>> -> memref<1600xf32, #tpu.memory_space<vmem>>
      %dma_start3A_1121 = tpu.memref_slice %arg9[%add3A_419] : memref<3200000xf32, #tpu.memory_space<hbm>> -> memref<1600xf32, #tpu.memory_space<hbm>>
      tpu.enqueue_dma source(%dma_start3A_1121 : memref<1600xf32, #tpu.memory_space<hbm>>) target(%dma_start3A_1120 : memref<1600xf32, #tpu.memory_space<vmem>>) target_semaphore(%run_scoped3A : memref<!tpu.dma_semaphore, #tpu.memory_space<semaphore_mem>>)
      %dma_wait3A = arith.constant 4800 : i32
      %dma_wait3A_1122 = tpu.memref_slice %arg20[%dma_wait3A] : memref<6400xf32, #tpu.memory_space<vmem>> -> memref<1600xf32, #tpu.memory_space<vmem>>
      %dma_wait3A_1123 = tpu.memref_slice %arg9[%add3A_419] : memref<3200000xf32, #tpu.memory_space<hbm>> -> memref<1600xf32, #tpu.memory_space<hbm>>
      %dma_wait3A_1124 = arith.constant 4800 : i32
      %dma_wait3A_1125 = tpu.memref_slice %arg20[%dma_wait3A_1124] : memref<6400xf32, #tpu.memory_space<vmem>> -> memref<1600xf32, #tpu.memory_space<vmem>>
      %dma_wait3A_1126 = tpu.memref_slice %arg9[%add3A_419] : memref<3200000xf32, #tpu.memory_space<hbm>> -> memref<1600xf32, #tpu.memory_space<hbm>>
      tpu.wait_dma2 semaphore(%run_scoped3A : memref<!tpu.dma_semaphore, #tpu.memory_space<semaphore_mem>>) src(%dma_wait3A_1126 : memref<1600xf32, #tpu.memory_space<hbm>>) dst(%dma_wait3A_1125 : memref<1600xf32, #tpu.memory_space<vmem>>)
      tpu.yield
    }) : () -> ()
    %scan3A_420 = arith.constant 0 : i32
    %scan3A_421 = arith.constant 0 : i32
    %scan3A_422 = arith.constant 100 : i32
    %scan3A_423 = arith.addi %scan3A_421, %scan3A_422 : i32
    %scan3A_424 = arith.constant 1 : i32
    %scan3A_425 = scf.for %scan3A_1116 = %scan3A_421 to %scan3A_423 step %scan3A_424 iter_args(%scan3A_1117 = %scan3A_420) -> (i32)  : i32 {
      %mul3A_1118 = arith.constant 16 : i32
      %mul3A_1119 = arith.muli %scan3A_1116, %mul3A_1118 : i32
      %get3A_1120 = arith.index_cast %mul3A_1119 : i32 to index
      %get3A_1121 = tpu.vector_load %arg20[%get3A_1120] {strides = array<i32>} : memref<6400xf32, #tpu.memory_space<vmem>>, vector<16xf32>,
      %add3A_1122 = arith.constant 1600 : i32
      %add3A_1123 = arith.addi %add3A_1122, %mul3A_1119 : i32
      %get3A_1124 = arith.index_cast %add3A_1123 : i32 to index
      %get3A_1125 = tpu.vector_load %arg20[%get3A_1124] {strides = array<i32>} : memref<6400xf32, #tpu.memory_space<vmem>>, vector<16xf32>,
      %max3A_1126 = arith.maximumf %get3A_1121, %get3A_1125 : vector<16xf32>
      %add3A_1127 = arith.constant 3200 : i32
      %add3A_1128 = arith.addi %add3A_1127, %mul3A_1119 : i32
      %get3A_1129 = arith.index_cast %add3A_1128 : i32 to index
      %get3A_1130 = tpu.vector_load %arg20[%get3A_1129] {strides = array<i32>} : memref<6400xf32, #tpu.memory_space<vmem>>, vector<16xf32>,
      %add3A_1131 = arith.constant 4800 : i32
      %add3A_1132 = arith.addi %add3A_1131, %mul3A_1119 : i32
      %get3A_1133 = arith.index_cast %add3A_1132 : i32 to index
      %get3A_1134 = tpu.vector_load %arg20[%get3A_1133] {strides = array<i32>} : memref<6400xf32, #tpu.memory_space<vmem>>, vector<16xf32>,
      %max3A_1135 = arith.maximumf %get3A_1130, %get3A_1134 : vector<16xf32>
      %max3A_1136 = arith.maximumf %max3A_1126, %max3A_1135 : vector<16xf32>
      %swap3A_1137 = arith.index_cast %mul3A_1119 : i32 to index
      %swap3A_1138 = tpu.vector_load %arg19[%swap3A_1137] {strides = array<i32>} : memref<1600xf32, #tpu.memory_space<vmem>>, vector<16xf32>,
      tpu.vector_store %arg19[%swap3A_1137], %max3A_1136 {strides = array<i32>} : memref<1600xf32, #tpu.memory_space<vmem>>, vector<16xf32>,
      %scan3A_1139 = arith.constant 0 : i32
      scf.yield %scan3A_1139 : i32
    }
    %scan3A_426 = arith.constant 100 : i32
    %mul3A_427 = arith.constant 100000 : i32
    %mul3A_428 = arith.muli %add3A_30, %mul3A_427 : i32
    %add3A_429 = arith.addi %mul3A_428, %mul3A_335 : i32
    %add3A_430 = arith.constant 1600 : i32
    %add3A_431 = arith.addi %add3A_429, %add3A_430 : i32
    "tpu.region"() ({
      %run_scoped3A = tpu.sem_alloc : memref<!tpu.dma_semaphore, #tpu.memory_space<semaphore_mem>>
      %dma_start3A_1116 = arith.constant 0 : i32
      %dma_start3A_1117 = tpu.memref_slice %arg19[%dma_start3A_1116] : memref<1600xf32, #tpu.memory_space<vmem>> -> memref<1600xf32, #tpu.memory_space<vmem>>
      %dma_start3A_1118 = tpu.memref_slice %arg8[%add3A_431] : memref<800000xf32, #tpu.memory_space<hbm>> -> memref<1600xf32, #tpu.memory_space<hbm>>
      %dma_start3A_1119 = tpu.memref_slice %arg8[%add3A_431] : memref<800000xf32, #tpu.memory_space<hbm>> -> memref<1600xf32, #tpu.memory_space<hbm>>
      %dma_start3A_1120 = arith.constant 0 : i32
      %dma_start3A_1121 = tpu.memref_slice %arg19[%dma_start3A_1120] : memref<1600xf32, #tpu.memory_space<vmem>> -> memref<1600xf32, #tpu.memory_space<vmem>>
      tpu.enqueue_dma source(%dma_start3A_1121 : memref<1600xf32, #tpu.memory_space<vmem>>) target(%dma_start3A_1119 : memref<1600xf32, #tpu.memory_space<hbm>>) target_semaphore(%run_scoped3A : memref<!tpu.dma_semaphore, #tpu.memory_space<semaphore_mem>>)
      %dma_wait3A = arith.constant 0 : i32
      %dma_wait3A_1122 = tpu.memref_slice %arg19[%dma_wait3A] : memref<1600xf32, #tpu.memory_space<vmem>> -> memref<1600xf32, #tpu.memory_space<vmem>>
      %dma_wait3A_1123 = tpu.memref_slice %arg8[%add3A_431] : memref<800000xf32, #tpu.memory_space<hbm>> -> memref<1600xf32, #tpu.memory_space<hbm>>
      %dma_wait3A_1124 = tpu.memref_slice %arg8[%add3A_431] : memref<800000xf32, #tpu.memory_space<hbm>> -> memref<1600xf32, #tpu.memory_space<hbm>>
      %dma_wait3A_1125 = arith.constant 0 : i32
      %dma_wait3A_1126 = tpu.memref_slice %arg19[%dma_wait3A_1125] : memref<1600xf32, #tpu.memory_space<vmem>> -> memref<1600xf32, #tpu.memory_space<vmem>>
      tpu.wait_dma2 semaphore(%run_scoped3A : memref<!tpu.dma_semaphore, #tpu.memory_space<semaphore_mem>>) src(%dma_wait3A_1126 : memref<1600xf32, #tpu.memory_space<vmem>>) dst(%dma_wait3A_1124 : memref<1600xf32, #tpu.memory_space<hbm>>)
      tpu.yield
    }) : () -> ()
    %mul3A_432 = arith.constant 4 : i32
    %mul3A_433 = arith.muli %add3A_30, %mul3A_432 : i32
    %add3A_434 = arith.constant 0 : i32
    %add3A_435 = arith.addi %mul3A_433, %add3A_434 : i32
    %mul3A_436 = arith.constant 100000 : i32
    %mul3A_437 = arith.muli %add3A_435, %mul3A_436 : i32
    %add3A_438 = arith.addi %mul3A_437, %mul3A_335 : i32
    %add3A_439 = arith.constant 3200 : i32
    %add3A_440 = arith.addi %add3A_438, %add3A_439 : i32
    "tpu.region"() ({
      %run_scoped3A = tpu.sem_alloc : memref<!tpu.dma_semaphore, #tpu.memory_space<semaphore_mem>>
      %dma_start3A_1116 = arith.constant 0 : i32
      %dma_start3A_1117 = tpu.memref_slice %arg20[%dma_start3A_1116] : memref<6400xf32, #tpu.memory_space<vmem>> -> memref<1600xf32, #tpu.memory_space<vmem>>
      %dma_start3A_1118 = tpu.memref_slice %arg9[%add3A_440] : memref<3200000xf32, #tpu.memory_space<hbm>> -> memref<1600xf32, #tpu.memory_space<hbm>>
      %dma_start3A_1119 = arith.constant 0 : i32
      %dma_start3A_1120 = tpu.memref_slice %arg20[%dma_start3A_1119] : memref<6400xf32, #tpu.memory_space<vmem>> -> memref<1600xf32, #tpu.memory_space<vmem>>
      %dma_start3A_1121 = tpu.memref_slice %arg9[%add3A_440] : memref<3200000xf32, #tpu.memory_space<hbm>> -> memref<1600xf32, #tpu.memory_space<hbm>>
      tpu.enqueue_dma source(%dma_start3A_1121 : memref<1600xf32, #tpu.memory_space<hbm>>) target(%dma_start3A_1120 : memref<1600xf32, #tpu.memory_space<vmem>>) target_semaphore(%run_scoped3A : memref<!tpu.dma_semaphore, #tpu.memory_space<semaphore_mem>>)
      %dma_wait3A = arith.constant 0 : i32
      %dma_wait3A_1122 = tpu.memref_slice %arg20[%dma_wait3A] : memref<6400xf32, #tpu.memory_space<vmem>> -> memref<1600xf32, #tpu.memory_space<vmem>>
      %dma_wait3A_1123 = tpu.memref_slice %arg9[%add3A_440] : memref<3200000xf32, #tpu.memory_space<hbm>> -> memref<1600xf32, #tpu.memory_space<hbm>>
      %dma_wait3A_1124 = arith.constant 0 : i32
      %dma_wait3A_1125 = tpu.memref_slice %arg20[%dma_wait3A_1124] : memref<6400xf32, #tpu.memory_space<vmem>> -> memref<1600xf32, #tpu.memory_space<vmem>>
      %dma_wait3A_1126 = tpu.memref_slice %arg9[%add3A_440] : memref<3200000xf32, #tpu.memory_space<hbm>> -> memref<1600xf32, #tpu.memory_space<hbm>>
      tpu.wait_dma2 semaphore(%run_scoped3A : memref<!tpu.dma_semaphore, #tpu.memory_space<semaphore_mem>>) src(%dma_wait3A_1126 : memref<1600xf32, #tpu.memory_space<hbm>>) dst(%dma_wait3A_1125 : memref<1600xf32, #tpu.memory_space<vmem>>)
      tpu.yield
    }) : () -> ()
    %mul3A_441 = arith.constant 4 : i32
    %mul3A_442 = arith.muli %add3A_30, %mul3A_441 : i32
    %add3A_443 = arith.constant 1 : i32
    %add3A_444 = arith.addi %mul3A_442, %add3A_443 : i32
    %mul3A_445 = arith.constant 100000 : i32
    %mul3A_446 = arith.muli %add3A_444, %mul3A_445 : i32
    %add3A_447 = arith.addi %mul3A_446, %mul3A_335 : i32
    %add3A_448 = arith.constant 3200 : i32
    %add3A_449 = arith.addi %add3A_447, %add3A_448 : i32
    "tpu.region"() ({
      %run_scoped3A = tpu.sem_alloc : memref<!tpu.dma_semaphore, #tpu.memory_space<semaphore_mem>>
      %dma_start3A_1116 = arith.constant 1600 : i32
      %dma_start3A_1117 = tpu.memref_slice %arg20[%dma_start3A_1116] : memref<6400xf32, #tpu.memory_space<vmem>> -> memref<1600xf32, #tpu.memory_space<vmem>>
      %dma_start3A_1118 = tpu.memref_slice %arg9[%add3A_449] : memref<3200000xf32, #tpu.memory_space<hbm>> -> memref<1600xf32, #tpu.memory_space<hbm>>
      %dma_start3A_1119 = arith.constant 1600 : i32
      %dma_start3A_1120 = tpu.memref_slice %arg20[%dma_start3A_1119] : memref<6400xf32, #tpu.memory_space<vmem>> -> memref<1600xf32, #tpu.memory_space<vmem>>
      %dma_start3A_1121 = tpu.memref_slice %arg9[%add3A_449] : memref<3200000xf32, #tpu.memory_space<hbm>> -> memref<1600xf32, #tpu.memory_space<hbm>>
      tpu.enqueue_dma source(%dma_start3A_1121 : memref<1600xf32, #tpu.memory_space<hbm>>) target(%dma_start3A_1120 : memref<1600xf32, #tpu.memory_space<vmem>>) target_semaphore(%run_scoped3A : memref<!tpu.dma_semaphore, #tpu.memory_space<semaphore_mem>>)
      %dma_wait3A = arith.constant 1600 : i32
      %dma_wait3A_1122 = tpu.memref_slice %arg20[%dma_wait3A] : memref<6400xf32, #tpu.memory_space<vmem>> -> memref<1600xf32, #tpu.memory_space<vmem>>
      %dma_wait3A_1123 = tpu.memref_slice %arg9[%add3A_449] : memref<3200000xf32, #tpu.memory_space<hbm>> -> memref<1600xf32, #tpu.memory_space<hbm>>
      %dma_wait3A_1124 = arith.constant 1600 : i32
      %dma_wait3A_1125 = tpu.memref_slice %arg20[%dma_wait3A_1124] : memref<6400xf32, #tpu.memory_space<vmem>> -> memref<1600xf32, #tpu.memory_space<vmem>>
      %dma_wait3A_1126 = tpu.memref_slice %arg9[%add3A_449] : memref<3200000xf32, #tpu.memory_space<hbm>> -> memref<1600xf32, #tpu.memory_space<hbm>>
      tpu.wait_dma2 semaphore(%run_scoped3A : memref<!tpu.dma_semaphore, #tpu.memory_space<semaphore_mem>>) src(%dma_wait3A_1126 : memref<1600xf32, #tpu.memory_space<hbm>>) dst(%dma_wait3A_1125 : memref<1600xf32, #tpu.memory_space<vmem>>)
      tpu.yield
    }) : () -> ()
    %mul3A_450 = arith.constant 4 : i32
    %mul3A_451 = arith.muli %add3A_30, %mul3A_450 : i32
    %add3A_452 = arith.constant 2 : i32
    %add3A_453 = arith.addi %mul3A_451, %add3A_452 : i32
    %mul3A_454 = arith.constant 100000 : i32
    %mul3A_455 = arith.muli %add3A_453, %mul3A_454 : i32
    %add3A_456 = arith.addi %mul3A_455, %mul3A_335 : i32
    %add3A_457 = arith.constant 3200 : i32
    %add3A_458 = arith.addi %add3A_456, %add3A_457 : i32
    "tpu.region"() ({
      %run_scoped3A = tpu.sem_alloc : memref<!tpu.dma_semaphore, #tpu.memory_space<semaphore_mem>>
      %dma_start3A_1116 = arith.constant 3200 : i32
      %dma_start3A_1117 = tpu.memref_slice %arg20[%dma_start3A_1116] : memref<6400xf32, #tpu.memory_space<vmem>> -> memref<1600xf32, #tpu.memory_space<vmem>>
      %dma_start3A_1118 = tpu.memref_slice %arg9[%add3A_458] : memref<3200000xf32, #tpu.memory_space<hbm>> -> memref<1600xf32, #tpu.memory_space<hbm>>
      %dma_start3A_1119 = arith.constant 3200 : i32
      %dma_start3A_1120 = tpu.memref_slice %arg20[%dma_start3A_1119] : memref<6400xf32, #tpu.memory_space<vmem>> -> memref<1600xf32, #tpu.memory_space<vmem>>
      %dma_start3A_1121 = tpu.memref_slice %arg9[%add3A_458] : memref<3200000xf32, #tpu.memory_space<hbm>> -> memref<1600xf32, #tpu.memory_space<hbm>>
      tpu.enqueue_dma source(%dma_start3A_1121 : memref<1600xf32, #tpu.memory_space<hbm>>) target(%dma_start3A_1120 : memref<1600xf32, #tpu.memory_space<vmem>>) target_semaphore(%run_scoped3A : memref<!tpu.dma_semaphore, #tpu.memory_space<semaphore_mem>>)
      %dma_wait3A = arith.constant 3200 : i32
      %dma_wait3A_1122 = tpu.memref_slice %arg20[%dma_wait3A] : memref<6400xf32, #tpu.memory_space<vmem>> -> memref<1600xf32, #tpu.memory_space<vmem>>
      %dma_wait3A_1123 = tpu.memref_slice %arg9[%add3A_458] : memref<3200000xf32, #tpu.memory_space<hbm>> -> memref<1600xf32, #tpu.memory_space<hbm>>
      %dma_wait3A_1124 = arith.constant 3200 : i32
      %dma_wait3A_1125 = tpu.memref_slice %arg20[%dma_wait3A_1124] : memref<6400xf32, #tpu.memory_space<vmem>> -> memref<1600xf32, #tpu.memory_space<vmem>>
      %dma_wait3A_1126 = tpu.memref_slice %arg9[%add3A_458] : memref<3200000xf32, #tpu.memory_space<hbm>> -> memref<1600xf32, #tpu.memory_space<hbm>>
      tpu.wait_dma2 semaphore(%run_scoped3A : memref<!tpu.dma_semaphore, #tpu.memory_space<semaphore_mem>>) src(%dma_wait3A_1126 : memref<1600xf32, #tpu.memory_space<hbm>>) dst(%dma_wait3A_1125 : memref<1600xf32, #tpu.memory_space<vmem>>)
      tpu.yield
    }) : () -> ()
    %mul3A_459 = arith.constant 4 : i32
    %mul3A_460 = arith.muli %add3A_30, %mul3A_459 : i32
    %add3A_461 = arith.constant 3 : i32
    %add3A_462 = arith.addi %mul3A_460, %add3A_461 : i32
    %mul3A_463 = arith.constant 100000 : i32
    %mul3A_464 = arith.muli %add3A_462, %mul3A_463 : i32
    %add3A_465 = arith.addi %mul3A_464, %mul3A_335 : i32
    %add3A_466 = arith.constant 3200 : i32
    %add3A_467 = arith.addi %add3A_465, %add3A_466 : i32
    "tpu.region"() ({
      %run_scoped3A = tpu.sem_alloc : memref<!tpu.dma_semaphore, #tpu.memory_space<semaphore_mem>>
      %dma_start3A_1116 = arith.constant 4800 : i32
      %dma_start3A_1117 = tpu.memref_slice %arg20[%dma_start3A_1116] : memref<6400xf32, #tpu.memory_space<vmem>> -> memref<1600xf32, #tpu.memory_space<vmem>>
      %dma_start3A_1118 = tpu.memref_slice %arg9[%add3A_467] : memref<3200000xf32, #tpu.memory_space<hbm>> -> memref<1600xf32, #tpu.memory_space<hbm>>
      %dma_start3A_1119 = arith.constant 4800 : i32
      %dma_start3A_1120 = tpu.memref_slice %arg20[%dma_start3A_1119] : memref<6400xf32, #tpu.memory_space<vmem>> -> memref<1600xf32, #tpu.memory_space<vmem>>
      %dma_start3A_1121 = tpu.memref_slice %arg9[%add3A_467] : memref<3200000xf32, #tpu.memory_space<hbm>> -> memref<1600xf32, #tpu.memory_space<hbm>>
      tpu.enqueue_dma source(%dma_start3A_1121 : memref<1600xf32, #tpu.memory_space<hbm>>) target(%dma_start3A_1120 : memref<1600xf32, #tpu.memory_space<vmem>>) target_semaphore(%run_scoped3A : memref<!tpu.dma_semaphore, #tpu.memory_space<semaphore_mem>>)
      %dma_wait3A = arith.constant 4800 : i32
      %dma_wait3A_1122 = tpu.memref_slice %arg20[%dma_wait3A] : memref<6400xf32, #tpu.memory_space<vmem>> -> memref<1600xf32, #tpu.memory_space<vmem>>
      %dma_wait3A_1123 = tpu.memref_slice %arg9[%add3A_467] : memref<3200000xf32, #tpu.memory_space<hbm>> -> memref<1600xf32, #tpu.memory_space<hbm>>
      %dma_wait3A_1124 = arith.constant 4800 : i32
      %dma_wait3A_1125 = tpu.memref_slice %arg20[%dma_wait3A_1124] : memref<6400xf32, #tpu.memory_space<vmem>> -> memref<1600xf32, #tpu.memory_space<vmem>>
      %dma_wait3A_1126 = tpu.memref_slice %arg9[%add3A_467] : memref<3200000xf32, #tpu.memory_space<hbm>> -> memref<1600xf32, #tpu.memory_space<hbm>>
      tpu.wait_dma2 semaphore(%run_scoped3A : memref<!tpu.dma_semaphore, #tpu.memory_space<semaphore_mem>>) src(%dma_wait3A_1126 : memref<1600xf32, #tpu.memory_space<hbm>>) dst(%dma_wait3A_1125 : memref<1600xf32, #tpu.memory_space<vmem>>)
      tpu.yield
    }) : () -> ()
    %scan3A_468 = arith.constant 0 : i32
    %scan3A_469 = arith.constant 0 : i32
    %scan3A_470 = arith.constant 100 : i32
    %scan3A_471 = arith.addi %scan3A_469, %scan3A_470 : i32
    %scan3A_472 = arith.constant 1 : i32
    %scan3A_473 = scf.for %scan3A_1116 = %scan3A_469 to %scan3A_471 step %scan3A_472 iter_args(%scan3A_1117 = %scan3A_468) -> (i32)  : i32 {
      %mul3A_1118 = arith.constant 16 : i32
      %mul3A_1119 = arith.muli %scan3A_1116, %mul3A_1118 : i32
      %get3A_1120 = arith.index_cast %mul3A_1119 : i32 to index
      %get3A_1121 = tpu.vector_load %arg20[%get3A_1120] {strides = array<i32>} : memref<6400xf32, #tpu.memory_space<vmem>>, vector<16xf32>,
      %add3A_1122 = arith.constant 1600 : i32
      %add3A_1123 = arith.addi %add3A_1122, %mul3A_1119 : i32
      %get3A_1124 = arith.index_cast %add3A_1123 : i32 to index
      %get3A_1125 = tpu.vector_load %arg20[%get3A_1124] {strides = array<i32>} : memref<6400xf32, #tpu.memory_space<vmem>>, vector<16xf32>,
      %max3A_1126 = arith.maximumf %get3A_1121, %get3A_1125 : vector<16xf32>
      %add3A_1127 = arith.constant 3200 : i32
      %add3A_1128 = arith.addi %add3A_1127, %mul3A_1119 : i32
      %get3A_1129 = arith.index_cast %add3A_1128 : i32 to index
      %get3A_1130 = tpu.vector_load %arg20[%get3A_1129] {strides = array<i32>} : memref<6400xf32, #tpu.memory_space<vmem>>, vector<16xf32>,
      %add3A_1131 = arith.constant 4800 : i32
      %add3A_1132 = arith.addi %add3A_1131, %mul3A_1119 : i32
      %get3A_1133 = arith.index_cast %add3A_1132 : i32 to index
      %get3A_1134 = tpu.vector_load %arg20[%get3A_1133] {strides = array<i32>} : memref<6400xf32, #tpu.memory_space<vmem>>, vector<16xf32>,
      %max3A_1135 = arith.maximumf %get3A_1130, %get3A_1134 : vector<16xf32>
      %max3A_1136 = arith.maximumf %max3A_1126, %max3A_1135 : vector<16xf32>
      %swap3A_1137 = arith.index_cast %mul3A_1119 : i32 to index
      %swap3A_1138 = tpu.vector_load %arg19[%swap3A_1137] {strides = array<i32>} : memref<1600xf32, #tpu.memory_space<vmem>>, vector<16xf32>,
      tpu.vector_store %arg19[%swap3A_1137], %max3A_1136 {strides = array<i32>} : memref<1600xf32, #tpu.memory_space<vmem>>, vector<16xf32>,
      %scan3A_1139 = arith.constant 0 : i32
      scf.yield %scan3A_1139 : i32
    }
    %scan3A_474 = arith.constant 100 : i32
    %mul3A_475 = arith.constant 100000 : i32
    %mul3A_476 = arith.muli %add3A_30, %mul3A_475 : i32
    %add3A_477 = arith.addi %mul3A_476, %mul3A_335 : i32
    %add3A_478 = arith.constant 3200 : i32
    %add3A_479 = arith.addi %add3A_477, %add3A_478 : i32
    "tpu.region"() ({
      %run_scoped3A = tpu.sem_alloc : memref<!tpu.dma_semaphore, #tpu.memory_space<semaphore_mem>>
      %dma_start3A_1116 = arith.constant 0 : i32
      %dma_start3A_1117 = tpu.memref_slice %arg19[%dma_start3A_1116] : memref<1600xf32, #tpu.memory_space<vmem>> -> memref<1600xf32, #tpu.memory_space<vmem>>
      %dma_start3A_1118 = tpu.memref_slice %arg8[%add3A_479] : memref<800000xf32, #tpu.memory_space<hbm>> -> memref<1600xf32, #tpu.memory_space<hbm>>
      %dma_start3A_1119 = tpu.memref_slice %arg8[%add3A_479] : memref<800000xf32, #tpu.memory_space<hbm>> -> memref<1600xf32, #tpu.memory_space<hbm>>
      %dma_start3A_1120 = arith.constant 0 : i32
      %dma_start3A_1121 = tpu.memref_slice %arg19[%dma_start3A_1120] : memref<1600xf32, #tpu.memory_space<vmem>> -> memref<1600xf32, #tpu.memory_space<vmem>>
      tpu.enqueue_dma source(%dma_start3A_1121 : memref<1600xf32, #tpu.memory_space<vmem>>) target(%dma_start3A_1119 : memref<1600xf32, #tpu.memory_space<hbm>>) target_semaphore(%run_scoped3A : memref<!tpu.dma_semaphore, #tpu.memory_space<semaphore_mem>>)
      %dma_wait3A = arith.constant 0 : i32
      %dma_wait3A_1122 = tpu.memref_slice %arg19[%dma_wait3A] : memref<1600xf32, #tpu.memory_space<vmem>> -> memref<1600xf32, #tpu.memory_space<vmem>>
      %dma_wait3A_1123 = tpu.memref_slice %arg8[%add3A_479] : memref<800000xf32, #tpu.memory_space<hbm>> -> memref<1600xf32, #tpu.memory_space<hbm>>
      %dma_wait3A_1124 = tpu.memref_slice %arg8[%add3A_479] : memref<800000xf32, #tpu.memory_space<hbm>> -> memref<1600xf32, #tpu.memory_space<hbm>>
      %dma_wait3A_1125 = arith.constant 0 : i32
      %dma_wait3A_1126 = tpu.memref_slice %arg19[%dma_wait3A_1125] : memref<1600xf32, #tpu.memory_space<vmem>> -> memref<1600xf32, #tpu.memory_space<vmem>>
      tpu.wait_dma2 semaphore(%run_scoped3A : memref<!tpu.dma_semaphore, #tpu.memory_space<semaphore_mem>>) src(%dma_wait3A_1126 : memref<1600xf32, #tpu.memory_space<vmem>>) dst(%dma_wait3A_1124 : memref<1600xf32, #tpu.memory_space<hbm>>)
      tpu.yield
    }) : () -> ()
    %mul3A_480 = arith.constant 4 : i32
    %mul3A_481 = arith.muli %add3A_30, %mul3A_480 : i32
    %add3A_482 = arith.constant 0 : i32
    %add3A_483 = arith.addi %mul3A_481, %add3A_482 : i32
    %mul3A_484 = arith.constant 100000 : i32
    %mul3A_485 = arith.muli %add3A_483, %mul3A_484 : i32
    %add3A_486 = arith.addi %mul3A_485, %mul3A_335 : i32
    %add3A_487 = arith.constant 4800 : i32
    %add3A_488 = arith.addi %add3A_486, %add3A_487 : i32
    "tpu.region"() ({
      %run_scoped3A = tpu.sem_alloc : memref<!tpu.dma_semaphore, #tpu.memory_space<semaphore_mem>>
      %dma_start3A_1116 = arith.constant 0 : i32
      %dma_start3A_1117 = tpu.memref_slice %arg20[%dma_start3A_1116] : memref<6400xf32, #tpu.memory_space<vmem>> -> memref<1600xf32, #tpu.memory_space<vmem>>
      %dma_start3A_1118 = tpu.memref_slice %arg9[%add3A_488] : memref<3200000xf32, #tpu.memory_space<hbm>> -> memref<1600xf32, #tpu.memory_space<hbm>>
      %dma_start3A_1119 = arith.constant 0 : i32
      %dma_start3A_1120 = tpu.memref_slice %arg20[%dma_start3A_1119] : memref<6400xf32, #tpu.memory_space<vmem>> -> memref<1600xf32, #tpu.memory_space<vmem>>
      %dma_start3A_1121 = tpu.memref_slice %arg9[%add3A_488] : memref<3200000xf32, #tpu.memory_space<hbm>> -> memref<1600xf32, #tpu.memory_space<hbm>>
      tpu.enqueue_dma source(%dma_start3A_1121 : memref<1600xf32, #tpu.memory_space<hbm>>) target(%dma_start3A_1120 : memref<1600xf32, #tpu.memory_space<vmem>>) target_semaphore(%run_scoped3A : memref<!tpu.dma_semaphore, #tpu.memory_space<semaphore_mem>>)
      %dma_wait3A = arith.constant 0 : i32
      %dma_wait3A_1122 = tpu.memref_slice %arg20[%dma_wait3A] : memref<6400xf32, #tpu.memory_space<vmem>> -> memref<1600xf32, #tpu.memory_space<vmem>>
      %dma_wait3A_1123 = tpu.memref_slice %arg9[%add3A_488] : memref<3200000xf32, #tpu.memory_space<hbm>> -> memref<1600xf32, #tpu.memory_space<hbm>>
      %dma_wait3A_1124 = arith.constant 0 : i32
      %dma_wait3A_1125 = tpu.memref_slice %arg20[%dma_wait3A_1124] : memref<6400xf32, #tpu.memory_space<vmem>> -> memref<1600xf32, #tpu.memory_space<vmem>>
      %dma_wait3A_1126 = tpu.memref_slice %arg9[%add3A_488] : memref<3200000xf32, #tpu.memory_space<hbm>> -> memref<1600xf32, #tpu.memory_space<hbm>>
      tpu.wait_dma2 semaphore(%run_scoped3A : memref<!tpu.dma_semaphore, #tpu.memory_space<semaphore_mem>>) src(%dma_wait3A_1126 : memref<1600xf32, #tpu.memory_space<hbm>>) dst(%dma_wait3A_1125 : memref<1600xf32, #tpu.memory_space<vmem>>)
      tpu.yield
    }) : () -> ()
    %mul3A_489 = arith.constant 4 : i32
    %mul3A_490 = arith.muli %add3A_30, %mul3A_489 : i32
    %add3A_491 = arith.constant 1 : i32
    %add3A_492 = arith.addi %mul3A_490, %add3A_491 : i32
    %mul3A_493 = arith.constant 100000 : i32
    %mul3A_494 = arith.muli %add3A_492, %mul3A_493 : i32
    %add3A_495 = arith.addi %mul3A_494, %mul3A_335 : i32
    %add3A_496 = arith.constant 4800 : i32
    %add3A_497 = arith.addi %add3A_495, %add3A_496 : i32
    "tpu.region"() ({
      %run_scoped3A = tpu.sem_alloc : memref<!tpu.dma_semaphore, #tpu.memory_space<semaphore_mem>>
      %dma_start3A_1116 = arith.constant 1600 : i32
      %dma_start3A_1117 = tpu.memref_slice %arg20[%dma_start3A_1116] : memref<6400xf32, #tpu.memory_space<vmem>> -> memref<1600xf32, #tpu.memory_space<vmem>>
      %dma_start3A_1118 = tpu.memref_slice %arg9[%add3A_497] : memref<3200000xf32, #tpu.memory_space<hbm>> -> memref<1600xf32, #tpu.memory_space<hbm>>
      %dma_start3A_1119 = arith.constant 1600 : i32
      %dma_start3A_1120 = tpu.memref_slice %arg20[%dma_start3A_1119] : memref<6400xf32, #tpu.memory_space<vmem>> -> memref<1600xf32, #tpu.memory_space<vmem>>
      %dma_start3A_1121 = tpu.memref_slice %arg9[%add3A_497] : memref<3200000xf32, #tpu.memory_space<hbm>> -> memref<1600xf32, #tpu.memory_space<hbm>>
      tpu.enqueue_dma source(%dma_start3A_1121 : memref<1600xf32, #tpu.memory_space<hbm>>) target(%dma_start3A_1120 : memref<1600xf32, #tpu.memory_space<vmem>>) target_semaphore(%run_scoped3A : memref<!tpu.dma_semaphore, #tpu.memory_space<semaphore_mem>>)
      %dma_wait3A = arith.constant 1600 : i32
      %dma_wait3A_1122 = tpu.memref_slice %arg20[%dma_wait3A] : memref<6400xf32, #tpu.memory_space<vmem>> -> memref<1600xf32, #tpu.memory_space<vmem>>
      %dma_wait3A_1123 = tpu.memref_slice %arg9[%add3A_497] : memref<3200000xf32, #tpu.memory_space<hbm>> -> memref<1600xf32, #tpu.memory_space<hbm>>
      %dma_wait3A_1124 = arith.constant 1600 : i32
      %dma_wait3A_1125 = tpu.memref_slice %arg20[%dma_wait3A_1124] : memref<6400xf32, #tpu.memory_space<vmem>> -> memref<1600xf32, #tpu.memory_space<vmem>>
      %dma_wait3A_1126 = tpu.memref_slice %arg9[%add3A_497] : memref<3200000xf32, #tpu.memory_space<hbm>> -> memref<1600xf32, #tpu.memory_space<hbm>>
      tpu.wait_dma2 semaphore(%run_scoped3A : memref<!tpu.dma_semaphore, #tpu.memory_space<semaphore_mem>>) src(%dma_wait3A_1126 : memref<1600xf32, #tpu.memory_space<hbm>>) dst(%dma_wait3A_1125 : memref<1600xf32, #tpu.memory_space<vmem>>)
      tpu.yield
    }) : () -> ()
    %mul3A_498 = arith.constant 4 : i32
    %mul3A_499 = arith.muli %add3A_30, %mul3A_498 : i32
    %add3A_500 = arith.constant 2 : i32
    %add3A_501 = arith.addi %mul3A_499, %add3A_500 : i32
    %mul3A_502 = arith.constant 100000 : i32
    %mul3A_503 = arith.muli %add3A_501, %mul3A_502 : i32
    %add3A_504 = arith.addi %mul3A_503, %mul3A_335 : i32
    %add3A_505 = arith.constant 4800 : i32
    %add3A_506 = arith.addi %add3A_504, %add3A_505 : i32
    "tpu.region"() ({
      %run_scoped3A = tpu.sem_alloc : memref<!tpu.dma_semaphore, #tpu.memory_space<semaphore_mem>>
      %dma_start3A_1116 = arith.constant 3200 : i32
      %dma_start3A_1117 = tpu.memref_slice %arg20[%dma_start3A_1116] : memref<6400xf32, #tpu.memory_space<vmem>> -> memref<1600xf32, #tpu.memory_space<vmem>>
      %dma_start3A_1118 = tpu.memref_slice %arg9[%add3A_506] : memref<3200000xf32, #tpu.memory_space<hbm>> -> memref<1600xf32, #tpu.memory_space<hbm>>
      %dma_start3A_1119 = arith.constant 3200 : i32
      %dma_start3A_1120 = tpu.memref_slice %arg20[%dma_start3A_1119] : memref<6400xf32, #tpu.memory_space<vmem>> -> memref<1600xf32, #tpu.memory_space<vmem>>
      %dma_start3A_1121 = tpu.memref_slice %arg9[%add3A_506] : memref<3200000xf32, #tpu.memory_space<hbm>> -> memref<1600xf32, #tpu.memory_space<hbm>>
      tpu.enqueue_dma source(%dma_start3A_1121 : memref<1600xf32, #tpu.memory_space<hbm>>) target(%dma_start3A_1120 : memref<1600xf32, #tpu.memory_space<vmem>>) target_semaphore(%run_scoped3A : memref<!tpu.dma_semaphore, #tpu.memory_space<semaphore_mem>>)
      %dma_wait3A = arith.constant 3200 : i32
      %dma_wait3A_1122 = tpu.memref_slice %arg20[%dma_wait3A] : memref<6400xf32, #tpu.memory_space<vmem>> -> memref<1600xf32, #tpu.memory_space<vmem>>
      %dma_wait3A_1123 = tpu.memref_slice %arg9[%add3A_506] : memref<3200000xf32, #tpu.memory_space<hbm>> -> memref<1600xf32, #tpu.memory_space<hbm>>
      %dma_wait3A_1124 = arith.constant 3200 : i32
      %dma_wait3A_1125 = tpu.memref_slice %arg20[%dma_wait3A_1124] : memref<6400xf32, #tpu.memory_space<vmem>> -> memref<1600xf32, #tpu.memory_space<vmem>>
      %dma_wait3A_1126 = tpu.memref_slice %arg9[%add3A_506] : memref<3200000xf32, #tpu.memory_space<hbm>> -> memref<1600xf32, #tpu.memory_space<hbm>>
      tpu.wait_dma2 semaphore(%run_scoped3A : memref<!tpu.dma_semaphore, #tpu.memory_space<semaphore_mem>>) src(%dma_wait3A_1126 : memref<1600xf32, #tpu.memory_space<hbm>>) dst(%dma_wait3A_1125 : memref<1600xf32, #tpu.memory_space<vmem>>)
      tpu.yield
    }) : () -> ()
    %mul3A_507 = arith.constant 4 : i32
    %mul3A_508 = arith.muli %add3A_30, %mul3A_507 : i32
    %add3A_509 = arith.constant 3 : i32
    %add3A_510 = arith.addi %mul3A_508, %add3A_509 : i32
    %mul3A_511 = arith.constant 100000 : i32
    %mul3A_512 = arith.muli %add3A_510, %mul3A_511 : i32
    %add3A_513 = arith.addi %mul3A_512, %mul3A_335 : i32
    %add3A_514 = arith.constant 4800 : i32
    %add3A_515 = arith.addi %add3A_513, %add3A_514 : i32
    "tpu.region"() ({
      %run_scoped3A = tpu.sem_alloc : memref<!tpu.dma_semaphore, #tpu.memory_space<semaphore_mem>>
      %dma_start3A_1116 = arith.constant 4800 : i32
      %dma_start3A_1117 = tpu.memref_slice %arg20[%dma_start3A_1116] : memref<6400xf32, #tpu.memory_space<vmem>> -> memref<1600xf32, #tpu.memory_space<vmem>>
      %dma_start3A_1118 = tpu.memref_slice %arg9[%add3A_515] : memref<3200000xf32, #tpu.memory_space<hbm>> -> memref<1600xf32, #tpu.memory_space<hbm>>
      %dma_start3A_1119 = arith.constant 4800 : i32
      %dma_start3A_1120 = tpu.memref_slice %arg20[%dma_start3A_1119] : memref<6400xf32, #tpu.memory_space<vmem>> -> memref<1600xf32, #tpu.memory_space<vmem>>
      %dma_start3A_1121 = tpu.memref_slice %arg9[%add3A_515] : memref<3200000xf32, #tpu.memory_space<hbm>> -> memref<1600xf32, #tpu.memory_space<hbm>>
      tpu.enqueue_dma source(%dma_start3A_1121 : memref<1600xf32, #tpu.memory_space<hbm>>) target(%dma_start3A_1120 : memref<1600xf32, #tpu.memory_space<vmem>>) target_semaphore(%run_scoped3A : memref<!tpu.dma_semaphore, #tpu.memory_space<semaphore_mem>>)
      %dma_wait3A = arith.constant 4800 : i32
      %dma_wait3A_1122 = tpu.memref_slice %arg20[%dma_wait3A] : memref<6400xf32, #tpu.memory_space<vmem>> -> memref<1600xf32, #tpu.memory_space<vmem>>
      %dma_wait3A_1123 = tpu.memref_slice %arg9[%add3A_515] : memref<3200000xf32, #tpu.memory_space<hbm>> -> memref<1600xf32, #tpu.memory_space<hbm>>
      %dma_wait3A_1124 = arith.constant 4800 : i32
      %dma_wait3A_1125 = tpu.memref_slice %arg20[%dma_wait3A_1124] : memref<6400xf32, #tpu.memory_space<vmem>> -> memref<1600xf32, #tpu.memory_space<vmem>>
      %dma_wait3A_1126 = tpu.memref_slice %arg9[%add3A_515] : memref<3200000xf32, #tpu.memory_space<hbm>> -> memref<1600xf32, #tpu.memory_space<hbm>>
      tpu.wait_dma2 semaphore(%run_scoped3A : memref<!tpu.dma_semaphore, #tpu.memory_space<semaphore_mem>>) src(%dma_wait3A_1126 : memref<1600xf32, #tpu.memory_space<hbm>>) dst(%dma_wait3A_1125 : memref<1600xf32, #tpu.memory_space<vmem>>)
      tpu.yield
    }) : () -> ()
    %scan3A_516 = arith.constant 0 : i32
    %scan3A_517 = arith.constant 0 : i32
    %scan3A_518 = arith.constant 100 : i32
    %scan3A_519 = arith.addi %scan3A_517, %scan3A_518 : i32
    %scan3A_520 = arith.constant 1 : i32
    %scan3A_521 = scf.for %scan3A_1116 = %scan3A_517 to %scan3A_519 step %scan3A_520 iter_args(%scan3A_1117 = %scan3A_516) -> (i32)  : i32 {
      %mul3A_1118 = arith.constant 16 : i32
      %mul3A_1119 = arith.muli %scan3A_1116, %mul3A_1118 : i32
      %get3A_1120 = arith.index_cast %mul3A_1119 : i32 to index
      %get3A_1121 = tpu.vector_load %arg20[%get3A_1120] {strides = array<i32>} : memref<6400xf32, #tpu.memory_space<vmem>>, vector<16xf32>,
      %add3A_1122 = arith.constant 1600 : i32
      %add3A_1123 = arith.addi %add3A_1122, %mul3A_1119 : i32
      %get3A_1124 = arith.index_cast %add3A_1123 : i32 to index
      %get3A_1125 = tpu.vector_load %arg20[%get3A_1124] {strides = array<i32>} : memref<6400xf32, #tpu.memory_space<vmem>>, vector<16xf32>,
      %max3A_1126 = arith.maximumf %get3A_1121, %get3A_1125 : vector<16xf32>
      %add3A_1127 = arith.constant 3200 : i32
      %add3A_1128 = arith.addi %add3A_1127, %mul3A_1119 : i32
      %get3A_1129 = arith.index_cast %add3A_1128 : i32 to index
      %get3A_1130 = tpu.vector_load %arg20[%get3A_1129] {strides = array<i32>} : memref<6400xf32, #tpu.memory_space<vmem>>, vector<16xf32>,
      %add3A_1131 = arith.constant 4800 : i32
      %add3A_1132 = arith.addi %add3A_1131, %mul3A_1119 : i32
      %get3A_1133 = arith.index_cast %add3A_1132 : i32 to index
      %get3A_1134 = tpu.vector_load %arg20[%get3A_1133] {strides = array<i32>} : memref<6400xf32, #tpu.memory_space<vmem>>, vector<16xf32>,
      %max3A_1135 = arith.maximumf %get3A_1130, %get3A_1134 : vector<16xf32>
      %max3A_1136 = arith.maximumf %max3A_1126, %max3A_1135 : vector<16xf32>
      %swap3A_1137 = arith.index_cast %mul3A_1119 : i32 to index
      %swap3A_1138 = tpu.vector_load %arg19[%swap3A_1137] {strides = array<i32>} : memref<1600xf32, #tpu.memory_space<vmem>>, vector<16xf32>,
      tpu.vector_store %arg19[%swap3A_1137], %max3A_1136 {strides = array<i32>} : memref<1600xf32, #tpu.memory_space<vmem>>, vector<16xf32>,
      %scan3A_1139 = arith.constant 0 : i32
      scf.yield %scan3A_1139 : i32
    }
    %scan3A_522 = arith.constant 100 : i32
    %mul3A_523 = arith.constant 100000 : i32
    %mul3A_524 = arith.muli %add3A_30, %mul3A_523 : i32
    %add3A_525 = arith.addi %mul3A_524, %mul3A_335 : i32
    %add3A_526 = arith.constant 4800 : i32
    %add3A_527 = arith.addi %add3A_525, %add3A_526 : i32
    "tpu.region"() ({
      %run_scoped3A = tpu.sem_alloc : memref<!tpu.dma_semaphore, #tpu.memory_space<semaphore_mem>>
      %dma_start3A_1116 = arith.constant 0 : i32
      %dma_start3A_1117 = tpu.memref_slice %arg19[%dma_start3A_1116] : memref<1600xf32, #tpu.memory_space<vmem>> -> memref<1600xf32, #tpu.memory_space<vmem>>
      %dma_start3A_1118 = tpu.memref_slice %arg8[%add3A_527] : memref<800000xf32, #tpu.memory_space<hbm>> -> memref<1600xf32, #tpu.memory_space<hbm>>
      %dma_start3A_1119 = tpu.memref_slice %arg8[%add3A_527] : memref<800000xf32, #tpu.memory_space<hbm>> -> memref<1600xf32, #tpu.memory_space<hbm>>
      %dma_start3A_1120 = arith.constant 0 : i32
      %dma_start3A_1121 = tpu.memref_slice %arg19[%dma_start3A_1120] : memref<1600xf32, #tpu.memory_space<vmem>> -> memref<1600xf32, #tpu.memory_space<vmem>>
      tpu.enqueue_dma source(%dma_start3A_1121 : memref<1600xf32, #tpu.memory_space<vmem>>) target(%dma_start3A_1119 : memref<1600xf32, #tpu.memory_space<hbm>>) target_semaphore(%run_scoped3A : memref<!tpu.dma_semaphore, #tpu.memory_space<semaphore_mem>>)
      %dma_wait3A = arith.constant 0 : i32
      %dma_wait3A_1122 = tpu.memref_slice %arg19[%dma_wait3A] : memref<1600xf32, #tpu.memory_space<vmem>> -> memref<1600xf32, #tpu.memory_space<vmem>>
      %dma_wait3A_1123 = tpu.memref_slice %arg8[%add3A_527] : memref<800000xf32, #tpu.memory_space<hbm>> -> memref<1600xf32, #tpu.memory_space<hbm>>
      %dma_wait3A_1124 = tpu.memref_slice %arg8[%add3A_527] : memref<800000xf32, #tpu.memory_space<hbm>> -> memref<1600xf32, #tpu.memory_space<hbm>>
      %dma_wait3A_1125 = arith.constant 0 : i32
      %dma_wait3A_1126 = tpu.memref_slice %arg19[%dma_wait3A_1125] : memref<1600xf32, #tpu.memory_space<vmem>> -> memref<1600xf32, #tpu.memory_space<vmem>>
      tpu.wait_dma2 semaphore(%run_scoped3A : memref<!tpu.dma_semaphore, #tpu.memory_space<semaphore_mem>>) src(%dma_wait3A_1126 : memref<1600xf32, #tpu.memory_space<vmem>>) dst(%dma_wait3A_1124 : memref<1600xf32, #tpu.memory_space<hbm>>)
      tpu.yield
    }) : () -> ()
    %mul3A_528 = arith.constant 4 : i32
    %mul3A_529 = arith.muli %add3A_30, %mul3A_528 : i32
    %add3A_530 = arith.constant 0 : i32
    %add3A_531 = arith.addi %mul3A_529, %add3A_530 : i32
    %mul3A_532 = arith.constant 100000 : i32
    %mul3A_533 = arith.muli %add3A_531, %mul3A_532 : i32
    %add3A_534 = arith.addi %mul3A_533, %mul3A_335 : i32
    %add3A_535 = arith.constant 6400 : i32
    %add3A_536 = arith.addi %add3A_534, %add3A_535 : i32
    "tpu.region"() ({
      %run_scoped3A = tpu.sem_alloc : memref<!tpu.dma_semaphore, #tpu.memory_space<semaphore_mem>>
      %dma_start3A_1116 = arith.constant 0 : i32
      %dma_start3A_1117 = tpu.memref_slice %arg20[%dma_start3A_1116] : memref<6400xf32, #tpu.memory_space<vmem>> -> memref<1600xf32, #tpu.memory_space<vmem>>
      %dma_start3A_1118 = tpu.memref_slice %arg9[%add3A_536] : memref<3200000xf32, #tpu.memory_space<hbm>> -> memref<1600xf32, #tpu.memory_space<hbm>>
      %dma_start3A_1119 = arith.constant 0 : i32
      %dma_start3A_1120 = tpu.memref_slice %arg20[%dma_start3A_1119] : memref<6400xf32, #tpu.memory_space<vmem>> -> memref<1600xf32, #tpu.memory_space<vmem>>
      %dma_start3A_1121 = tpu.memref_slice %arg9[%add3A_536] : memref<3200000xf32, #tpu.memory_space<hbm>> -> memref<1600xf32, #tpu.memory_space<hbm>>
      tpu.enqueue_dma source(%dma_start3A_1121 : memref<1600xf32, #tpu.memory_space<hbm>>) target(%dma_start3A_1120 : memref<1600xf32, #tpu.memory_space<vmem>>) target_semaphore(%run_scoped3A : memref<!tpu.dma_semaphore, #tpu.memory_space<semaphore_mem>>)
      %dma_wait3A = arith.constant 0 : i32
      %dma_wait3A_1122 = tpu.memref_slice %arg20[%dma_wait3A] : memref<6400xf32, #tpu.memory_space<vmem>> -> memref<1600xf32, #tpu.memory_space<vmem>>
      %dma_wait3A_1123 = tpu.memref_slice %arg9[%add3A_536] : memref<3200000xf32, #tpu.memory_space<hbm>> -> memref<1600xf32, #tpu.memory_space<hbm>>
      %dma_wait3A_1124 = arith.constant 0 : i32
      %dma_wait3A_1125 = tpu.memref_slice %arg20[%dma_wait3A_1124] : memref<6400xf32, #tpu.memory_space<vmem>> -> memref<1600xf32, #tpu.memory_space<vmem>>
      %dma_wait3A_1126 = tpu.memref_slice %arg9[%add3A_536] : memref<3200000xf32, #tpu.memory_space<hbm>> -> memref<1600xf32, #tpu.memory_space<hbm>>
      tpu.wait_dma2 semaphore(%run_scoped3A : memref<!tpu.dma_semaphore, #tpu.memory_space<semaphore_mem>>) src(%dma_wait3A_1126 : memref<1600xf32, #tpu.memory_space<hbm>>) dst(%dma_wait3A_1125 : memref<1600xf32, #tpu.memory_space<vmem>>)
      tpu.yield
    }) : () -> ()
    %mul3A_537 = arith.constant 4 : i32
    %mul3A_538 = arith.muli %add3A_30, %mul3A_537 : i32
    %add3A_539 = arith.constant 1 : i32
    %add3A_540 = arith.addi %mul3A_538, %add3A_539 : i32
    %mul3A_541 = arith.constant 100000 : i32
    %mul3A_542 = arith.muli %add3A_540, %mul3A_541 : i32
    %add3A_543 = arith.addi %mul3A_542, %mul3A_335 : i32
    %add3A_544 = arith.constant 6400 : i32
    %add3A_545 = arith.addi %add3A_543, %add3A_544 : i32
    "tpu.region"() ({
      %run_scoped3A = tpu.sem_alloc : memref<!tpu.dma_semaphore, #tpu.memory_space<semaphore_mem>>
      %dma_start3A_1116 = arith.constant 1600 : i32
      %dma_start3A_1117 = tpu.memref_slice %arg20[%dma_start3A_1116] : memref<6400xf32, #tpu.memory_space<vmem>> -> memref<1600xf32, #tpu.memory_space<vmem>>
      %dma_start3A_1118 = tpu.memref_slice %arg9[%add3A_545] : memref<3200000xf32, #tpu.memory_space<hbm>> -> memref<1600xf32, #tpu.memory_space<hbm>>
      %dma_start3A_1119 = arith.constant 1600 : i32
      %dma_start3A_1120 = tpu.memref_slice %arg20[%dma_start3A_1119] : memref<6400xf32, #tpu.memory_space<vmem>> -> memref<1600xf32, #tpu.memory_space<vmem>>
      %dma_start3A_1121 = tpu.memref_slice %arg9[%add3A_545] : memref<3200000xf32, #tpu.memory_space<hbm>> -> memref<1600xf32, #tpu.memory_space<hbm>>
      tpu.enqueue_dma source(%dma_start3A_1121 : memref<1600xf32, #tpu.memory_space<hbm>>) target(%dma_start3A_1120 : memref<1600xf32, #tpu.memory_space<vmem>>) target_semaphore(%run_scoped3A : memref<!tpu.dma_semaphore, #tpu.memory_space<semaphore_mem>>)
      %dma_wait3A = arith.constant 1600 : i32
      %dma_wait3A_1122 = tpu.memref_slice %arg20[%dma_wait3A] : memref<6400xf32, #tpu.memory_space<vmem>> -> memref<1600xf32, #tpu.memory_space<vmem>>
      %dma_wait3A_1123 = tpu.memref_slice %arg9[%add3A_545] : memref<3200000xf32, #tpu.memory_space<hbm>> -> memref<1600xf32, #tpu.memory_space<hbm>>
      %dma_wait3A_1124 = arith.constant 1600 : i32
      %dma_wait3A_1125 = tpu.memref_slice %arg20[%dma_wait3A_1124] : memref<6400xf32, #tpu.memory_space<vmem>> -> memref<1600xf32, #tpu.memory_space<vmem>>
      %dma_wait3A_1126 = tpu.memref_slice %arg9[%add3A_545] : memref<3200000xf32, #tpu.memory_space<hbm>> -> memref<1600xf32, #tpu.memory_space<hbm>>
      tpu.wait_dma2 semaphore(%run_scoped3A : memref<!tpu.dma_semaphore, #tpu.memory_space<semaphore_mem>>) src(%dma_wait3A_1126 : memref<1600xf32, #tpu.memory_space<hbm>>) dst(%dma_wait3A_1125 : memref<1600xf32, #tpu.memory_space<vmem>>)
      tpu.yield
    }) : () -> ()
    %mul3A_546 = arith.constant 4 : i32
    %mul3A_547 = arith.muli %add3A_30, %mul3A_546 : i32
    %add3A_548 = arith.constant 2 : i32
    %add3A_549 = arith.addi %mul3A_547, %add3A_548 : i32
    %mul3A_550 = arith.constant 100000 : i32
    %mul3A_551 = arith.muli %add3A_549, %mul3A_550 : i32
    %add3A_552 = arith.addi %mul3A_551, %mul3A_335 : i32
    %add3A_553 = arith.constant 6400 : i32
    %add3A_554 = arith.addi %add3A_552, %add3A_553 : i32
    "tpu.region"() ({
      %run_scoped3A = tpu.sem_alloc : memref<!tpu.dma_semaphore, #tpu.memory_space<semaphore_mem>>
      %dma_start3A_1116 = arith.constant 3200 : i32
      %dma_start3A_1117 = tpu.memref_slice %arg20[%dma_start3A_1116] : memref<6400xf32, #tpu.memory_space<vmem>> -> memref<1600xf32, #tpu.memory_space<vmem>>
      %dma_start3A_1118 = tpu.memref_slice %arg9[%add3A_554] : memref<3200000xf32, #tpu.memory_space<hbm>> -> memref<1600xf32, #tpu.memory_space<hbm>>
      %dma_start3A_1119 = arith.constant 3200 : i32
      %dma_start3A_1120 = tpu.memref_slice %arg20[%dma_start3A_1119] : memref<6400xf32, #tpu.memory_space<vmem>> -> memref<1600xf32, #tpu.memory_space<vmem>>
      %dma_start3A_1121 = tpu.memref_slice %arg9[%add3A_554] : memref<3200000xf32, #tpu.memory_space<hbm>> -> memref<1600xf32, #tpu.memory_space<hbm>>
      tpu.enqueue_dma source(%dma_start3A_1121 : memref<1600xf32, #tpu.memory_space<hbm>>) target(%dma_start3A_1120 : memref<1600xf32, #tpu.memory_space<vmem>>) target_semaphore(%run_scoped3A : memref<!tpu.dma_semaphore, #tpu.memory_space<semaphore_mem>>)
      %dma_wait3A = arith.constant 3200 : i32
      %dma_wait3A_1122 = tpu.memref_slice %arg20[%dma_wait3A] : memref<6400xf32, #tpu.memory_space<vmem>> -> memref<1600xf32, #tpu.memory_space<vmem>>
      %dma_wait3A_1123 = tpu.memref_slice %arg9[%add3A_554] : memref<3200000xf32, #tpu.memory_space<hbm>> -> memref<1600xf32, #tpu.memory_space<hbm>>
      %dma_wait3A_1124 = arith.constant 3200 : i32
      %dma_wait3A_1125 = tpu.memref_slice %arg20[%dma_wait3A_1124] : memref<6400xf32, #tpu.memory_space<vmem>> -> memref<1600xf32, #tpu.memory_space<vmem>>
      %dma_wait3A_1126 = tpu.memref_slice %arg9[%add3A_554] : memref<3200000xf32, #tpu.memory_space<hbm>> -> memref<1600xf32, #tpu.memory_space<hbm>>
      tpu.wait_dma2 semaphore(%run_scoped3A : memref<!tpu.dma_semaphore, #tpu.memory_space<semaphore_mem>>) src(%dma_wait3A_1126 : memref<1600xf32, #tpu.memory_space<hbm>>) dst(%dma_wait3A_1125 : memref<1600xf32, #tpu.memory_space<vmem>>)
      tpu.yield
    }) : () -> ()
    %mul3A_555 = arith.constant 4 : i32
    %mul3A_556 = arith.muli %add3A_30, %mul3A_555 : i32
    %add3A_557 = arith.constant 3 : i32
    %add3A_558 = arith.addi %mul3A_556, %add3A_557 : i32
    %mul3A_559 = arith.constant 100000 : i32
    %mul3A_560 = arith.muli %add3A_558, %mul3A_559 : i32
    %add3A_561 = arith.addi %mul3A_560, %mul3A_335 : i32
    %add3A_562 = arith.constant 6400 : i32
    %add3A_563 = arith.addi %add3A_561, %add3A_562 : i32
    "tpu.region"() ({
      %run_scoped3A = tpu.sem_alloc : memref<!tpu.dma_semaphore, #tpu.memory_space<semaphore_mem>>
      %dma_start3A_1116 = arith.constant 4800 : i32
      %dma_start3A_1117 = tpu.memref_slice %arg20[%dma_start3A_1116] : memref<6400xf32, #tpu.memory_space<vmem>> -> memref<1600xf32, #tpu.memory_space<vmem>>
      %dma_start3A_1118 = tpu.memref_slice %arg9[%add3A_563] : memref<3200000xf32, #tpu.memory_space<hbm>> -> memref<1600xf32, #tpu.memory_space<hbm>>
      %dma_start3A_1119 = arith.constant 4800 : i32
      %dma_start3A_1120 = tpu.memref_slice %arg20[%dma_start3A_1119] : memref<6400xf32, #tpu.memory_space<vmem>> -> memref<1600xf32, #tpu.memory_space<vmem>>
      %dma_start3A_1121 = tpu.memref_slice %arg9[%add3A_563] : memref<3200000xf32, #tpu.memory_space<hbm>> -> memref<1600xf32, #tpu.memory_space<hbm>>
      tpu.enqueue_dma source(%dma_start3A_1121 : memref<1600xf32, #tpu.memory_space<hbm>>) target(%dma_start3A_1120 : memref<1600xf32, #tpu.memory_space<vmem>>) target_semaphore(%run_scoped3A : memref<!tpu.dma_semaphore, #tpu.memory_space<semaphore_mem>>)
      %dma_wait3A = arith.constant 4800 : i32
      %dma_wait3A_1122 = tpu.memref_slice %arg20[%dma_wait3A] : memref<6400xf32, #tpu.memory_space<vmem>> -> memref<1600xf32, #tpu.memory_space<vmem>>
      %dma_wait3A_1123 = tpu.memref_slice %arg9[%add3A_563] : memref<3200000xf32, #tpu.memory_space<hbm>> -> memref<1600xf32, #tpu.memory_space<hbm>>
      %dma_wait3A_1124 = arith.constant 4800 : i32
      %dma_wait3A_1125 = tpu.memref_slice %arg20[%dma_wait3A_1124] : memref<6400xf32, #tpu.memory_space<vmem>> -> memref<1600xf32, #tpu.memory_space<vmem>>
      %dma_wait3A_1126 = tpu.memref_slice %arg9[%add3A_563] : memref<3200000xf32, #tpu.memory_space<hbm>> -> memref<1600xf32, #tpu.memory_space<hbm>>
      tpu.wait_dma2 semaphore(%run_scoped3A : memref<!tpu.dma_semaphore, #tpu.memory_space<semaphore_mem>>) src(%dma_wait3A_1126 : memref<1600xf32, #tpu.memory_space<hbm>>) dst(%dma_wait3A_1125 : memref<1600xf32, #tpu.memory_space<vmem>>)
      tpu.yield
    }) : () -> ()
    %scan3A_564 = arith.constant 0 : i32
    %scan3A_565 = arith.constant 0 : i32
    %scan3A_566 = arith.constant 100 : i32
    %scan3A_567 = arith.addi %scan3A_565, %scan3A_566 : i32
    %scan3A_568 = arith.constant 1 : i32
    %scan3A_569 = scf.for %scan3A_1116 = %scan3A_565 to %scan3A_567 step %scan3A_568 iter_args(%scan3A_1117 = %scan3A_564) -> (i32)  : i32 {
      %mul3A_1118 = arith.constant 16 : i32
      %mul3A_1119 = arith.muli %scan3A_1116, %mul3A_1118 : i32
      %get3A_1120 = arith.index_cast %mul3A_1119 : i32 to index
      %get3A_1121 = tpu.vector_load %arg20[%get3A_1120] {strides = array<i32>} : memref<6400xf32, #tpu.memory_space<vmem>>, vector<16xf32>,
      %add3A_1122 = arith.constant 1600 : i32
      %add3A_1123 = arith.addi %add3A_1122, %mul3A_1119 : i32
      %get3A_1124 = arith.index_cast %add3A_1123 : i32 to index
      %get3A_1125 = tpu.vector_load %arg20[%get3A_1124] {strides = array<i32>} : memref<6400xf32, #tpu.memory_space<vmem>>, vector<16xf32>,
      %max3A_1126 = arith.maximumf %get3A_1121, %get3A_1125 : vector<16xf32>
      %add3A_1127 = arith.constant 3200 : i32
      %add3A_1128 = arith.addi %add3A_1127, %mul3A_1119 : i32
      %get3A_1129 = arith.index_cast %add3A_1128 : i32 to index
      %get3A_1130 = tpu.vector_load %arg20[%get3A_1129] {strides = array<i32>} : memref<6400xf32, #tpu.memory_space<vmem>>, vector<16xf32>,
      %add3A_1131 = arith.constant 4800 : i32
      %add3A_1132 = arith.addi %add3A_1131, %mul3A_1119 : i32
      %get3A_1133 = arith.index_cast %add3A_1132 : i32 to index
      %get3A_1134 = tpu.vector_load %arg20[%get3A_1133] {strides = array<i32>} : memref<6400xf32, #tpu.memory_space<vmem>>, vector<16xf32>,
      %max3A_1135 = arith.maximumf %get3A_1130, %get3A_1134 : vector<16xf32>
      %max3A_1136 = arith.maximumf %max3A_1126, %max3A_1135 : vector<16xf32>
      %swap3A_1137 = arith.index_cast %mul3A_1119 : i32 to index
      %swap3A_1138 = tpu.vector_load %arg19[%swap3A_1137] {strides = array<i32>} : memref<1600xf32, #tpu.memory_space<vmem>>, vector<16xf32>,
      tpu.vector_store %arg19[%swap3A_1137], %max3A_1136 {strides = array<i32>} : memref<1600xf32, #tpu.memory_space<vmem>>, vector<16xf32>,
      %scan3A_1139 = arith.constant 0 : i32
      scf.yield %scan3A_1139 : i32
    }
    %scan3A_570 = arith.constant 100 : i32
    %mul3A_571 = arith.constant 100000 : i32
    %mul3A_572 = arith.muli %add3A_30, %mul3A_571 : i32
    %add3A_573 = arith.addi %mul3A_572, %mul3A_335 : i32
    %add3A_574 = arith.constant 6400 : i32
    %add3A_575 = arith.addi %add3A_573, %add3A_574 : i32
    "tpu.region"() ({
      %run_scoped3A = tpu.sem_alloc : memref<!tpu.dma_semaphore, #tpu.memory_space<semaphore_mem>>
      %dma_start3A_1116 = arith.constant 0 : i32
      %dma_start3A_1117 = tpu.memref_slice %arg19[%dma_start3A_1116] : memref<1600xf32, #tpu.memory_space<vmem>> -> memref<1600xf32, #tpu.memory_space<vmem>>
      %dma_start3A_1118 = tpu.memref_slice %arg8[%add3A_575] : memref<800000xf32, #tpu.memory_space<hbm>> -> memref<1600xf32, #tpu.memory_space<hbm>>
      %dma_start3A_1119 = tpu.memref_slice %arg8[%add3A_575] : memref<800000xf32, #tpu.memory_space<hbm>> -> memref<1600xf32, #tpu.memory_space<hbm>>
      %dma_start3A_1120 = arith.constant 0 : i32
      %dma_start3A_1121 = tpu.memref_slice %arg19[%dma_start3A_1120] : memref<1600xf32, #tpu.memory_space<vmem>> -> memref<1600xf32, #tpu.memory_space<vmem>>
      tpu.enqueue_dma source(%dma_start3A_1121 : memref<1600xf32, #tpu.memory_space<vmem>>) target(%dma_start3A_1119 : memref<1600xf32, #tpu.memory_space<hbm>>) target_semaphore(%run_scoped3A : memref<!tpu.dma_semaphore, #tpu.memory_space<semaphore_mem>>)
      %dma_wait3A = arith.constant 0 : i32
      %dma_wait3A_1122 = tpu.memref_slice %arg19[%dma_wait3A] : memref<1600xf32, #tpu.memory_space<vmem>> -> memref<1600xf32, #tpu.memory_space<vmem>>
      %dma_wait3A_1123 = tpu.memref_slice %arg8[%add3A_575] : memref<800000xf32, #tpu.memory_space<hbm>> -> memref<1600xf32, #tpu.memory_space<hbm>>
      %dma_wait3A_1124 = tpu.memref_slice %arg8[%add3A_575] : memref<800000xf32, #tpu.memory_space<hbm>> -> memref<1600xf32, #tpu.memory_space<hbm>>
      %dma_wait3A_1125 = arith.constant 0 : i32
      %dma_wait3A_1126 = tpu.memref_slice %arg19[%dma_wait3A_1125] : memref<1600xf32, #tpu.memory_space<vmem>> -> memref<1600xf32, #tpu.memory_space<vmem>>
      tpu.wait_dma2 semaphore(%run_scoped3A : memref<!tpu.dma_semaphore, #tpu.memory_space<semaphore_mem>>) src(%dma_wait3A_1126 : memref<1600xf32, #tpu.memory_space<vmem>>) dst(%dma_wait3A_1124 : memref<1600xf32, #tpu.memory_space<hbm>>)
      tpu.yield
    }) : () -> ()
    %mul3A_576 = arith.constant 4 : i32
    %mul3A_577 = arith.muli %add3A_30, %mul3A_576 : i32
    %add3A_578 = arith.constant 0 : i32
    %add3A_579 = arith.addi %mul3A_577, %add3A_578 : i32
    %mul3A_580 = arith.constant 100000 : i32
    %mul3A_581 = arith.muli %add3A_579, %mul3A_580 : i32
    %add3A_582 = arith.addi %mul3A_581, %mul3A_335 : i32
    %add3A_583 = arith.constant 8000 : i32
    %add3A_584 = arith.addi %add3A_582, %add3A_583 : i32
    "tpu.region"() ({
      %run_scoped3A = tpu.sem_alloc : memref<!tpu.dma_semaphore, #tpu.memory_space<semaphore_mem>>
      %dma_start3A_1116 = arith.constant 0 : i32
      %dma_start3A_1117 = tpu.memref_slice %arg20[%dma_start3A_1116] : memref<6400xf32, #tpu.memory_space<vmem>> -> memref<1600xf32, #tpu.memory_space<vmem>>
      %dma_start3A_1118 = tpu.memref_slice %arg9[%add3A_584] : memref<3200000xf32, #tpu.memory_space<hbm>> -> memref<1600xf32, #tpu.memory_space<hbm>>
      %dma_start3A_1119 = arith.constant 0 : i32
      %dma_start3A_1120 = tpu.memref_slice %arg20[%dma_start3A_1119] : memref<6400xf32, #tpu.memory_space<vmem>> -> memref<1600xf32, #tpu.memory_space<vmem>>
      %dma_start3A_1121 = tpu.memref_slice %arg9[%add3A_584] : memref<3200000xf32, #tpu.memory_space<hbm>> -> memref<1600xf32, #tpu.memory_space<hbm>>
      tpu.enqueue_dma source(%dma_start3A_1121 : memref<1600xf32, #tpu.memory_space<hbm>>) target(%dma_start3A_1120 : memref<1600xf32, #tpu.memory_space<vmem>>) target_semaphore(%run_scoped3A : memref<!tpu.dma_semaphore, #tpu.memory_space<semaphore_mem>>)
      %dma_wait3A = arith.constant 0 : i32
      %dma_wait3A_1122 = tpu.memref_slice %arg20[%dma_wait3A] : memref<6400xf32, #tpu.memory_space<vmem>> -> memref<1600xf32, #tpu.memory_space<vmem>>
      %dma_wait3A_1123 = tpu.memref_slice %arg9[%add3A_584] : memref<3200000xf32, #tpu.memory_space<hbm>> -> memref<1600xf32, #tpu.memory_space<hbm>>
      %dma_wait3A_1124 = arith.constant 0 : i32
      %dma_wait3A_1125 = tpu.memref_slice %arg20[%dma_wait3A_1124] : memref<6400xf32, #tpu.memory_space<vmem>> -> memref<1600xf32, #tpu.memory_space<vmem>>
      %dma_wait3A_1126 = tpu.memref_slice %arg9[%add3A_584] : memref<3200000xf32, #tpu.memory_space<hbm>> -> memref<1600xf32, #tpu.memory_space<hbm>>
      tpu.wait_dma2 semaphore(%run_scoped3A : memref<!tpu.dma_semaphore, #tpu.memory_space<semaphore_mem>>) src(%dma_wait3A_1126 : memref<1600xf32, #tpu.memory_space<hbm>>) dst(%dma_wait3A_1125 : memref<1600xf32, #tpu.memory_space<vmem>>)
      tpu.yield
    }) : () -> ()
    %mul3A_585 = arith.constant 4 : i32
    %mul3A_586 = arith.muli %add3A_30, %mul3A_585 : i32
    %add3A_587 = arith.constant 1 : i32
    %add3A_588 = arith.addi %mul3A_586, %add3A_587 : i32
    %mul3A_589 = arith.constant 100000 : i32
    %mul3A_590 = arith.muli %add3A_588, %mul3A_589 : i32
    %add3A_591 = arith.addi %mul3A_590, %mul3A_335 : i32
    %add3A_592 = arith.constant 8000 : i32
    %add3A_593 = arith.addi %add3A_591, %add3A_592 : i32
    "tpu.region"() ({
      %run_scoped3A = tpu.sem_alloc : memref<!tpu.dma_semaphore, #tpu.memory_space<semaphore_mem>>
      %dma_start3A_1116 = arith.constant 1600 : i32
      %dma_start3A_1117 = tpu.memref_slice %arg20[%dma_start3A_1116] : memref<6400xf32, #tpu.memory_space<vmem>> -> memref<1600xf32, #tpu.memory_space<vmem>>
      %dma_start3A_1118 = tpu.memref_slice %arg9[%add3A_593] : memref<3200000xf32, #tpu.memory_space<hbm>> -> memref<1600xf32, #tpu.memory_space<hbm>>
      %dma_start3A_1119 = arith.constant 1600 : i32
      %dma_start3A_1120 = tpu.memref_slice %arg20[%dma_start3A_1119] : memref<6400xf32, #tpu.memory_space<vmem>> -> memref<1600xf32, #tpu.memory_space<vmem>>
      %dma_start3A_1121 = tpu.memref_slice %arg9[%add3A_593] : memref<3200000xf32, #tpu.memory_space<hbm>> -> memref<1600xf32, #tpu.memory_space<hbm>>
      tpu.enqueue_dma source(%dma_start3A_1121 : memref<1600xf32, #tpu.memory_space<hbm>>) target(%dma_start3A_1120 : memref<1600xf32, #tpu.memory_space<vmem>>) target_semaphore(%run_scoped3A : memref<!tpu.dma_semaphore, #tpu.memory_space<semaphore_mem>>)
      %dma_wait3A = arith.constant 1600 : i32
      %dma_wait3A_1122 = tpu.memref_slice %arg20[%dma_wait3A] : memref<6400xf32, #tpu.memory_space<vmem>> -> memref<1600xf32, #tpu.memory_space<vmem>>
      %dma_wait3A_1123 = tpu.memref_slice %arg9[%add3A_593] : memref<3200000xf32, #tpu.memory_space<hbm>> -> memref<1600xf32, #tpu.memory_space<hbm>>
      %dma_wait3A_1124 = arith.constant 1600 : i32
      %dma_wait3A_1125 = tpu.memref_slice %arg20[%dma_wait3A_1124] : memref<6400xf32, #tpu.memory_space<vmem>> -> memref<1600xf32, #tpu.memory_space<vmem>>
      %dma_wait3A_1126 = tpu.memref_slice %arg9[%add3A_593] : memref<3200000xf32, #tpu.memory_space<hbm>> -> memref<1600xf32, #tpu.memory_space<hbm>>
      tpu.wait_dma2 semaphore(%run_scoped3A : memref<!tpu.dma_semaphore, #tpu.memory_space<semaphore_mem>>) src(%dma_wait3A_1126 : memref<1600xf32, #tpu.memory_space<hbm>>) dst(%dma_wait3A_1125 : memref<1600xf32, #tpu.memory_space<vmem>>)
      tpu.yield
    }) : () -> ()
    %mul3A_594 = arith.constant 4 : i32
    %mul3A_595 = arith.muli %add3A_30, %mul3A_594 : i32
    %add3A_596 = arith.constant 2 : i32
    %add3A_597 = arith.addi %mul3A_595, %add3A_596 : i32
    %mul3A_598 = arith.constant 100000 : i32
    %mul3A_599 = arith.muli %add3A_597, %mul3A_598 : i32
    %add3A_600 = arith.addi %mul3A_599, %mul3A_335 : i32
    %add3A_601 = arith.constant 8000 : i32
    %add3A_602 = arith.addi %add3A_600, %add3A_601 : i32
    "tpu.region"() ({
      %run_scoped3A = tpu.sem_alloc : memref<!tpu.dma_semaphore, #tpu.memory_space<semaphore_mem>>
      %dma_start3A_1116 = arith.constant 3200 : i32
      %dma_start3A_1117 = tpu.memref_slice %arg20[%dma_start3A_1116] : memref<6400xf32, #tpu.memory_space<vmem>> -> memref<1600xf32, #tpu.memory_space<vmem>>
      %dma_start3A_1118 = tpu.memref_slice %arg9[%add3A_602] : memref<3200000xf32, #tpu.memory_space<hbm>> -> memref<1600xf32, #tpu.memory_space<hbm>>
      %dma_start3A_1119 = arith.constant 3200 : i32
      %dma_start3A_1120 = tpu.memref_slice %arg20[%dma_start3A_1119] : memref<6400xf32, #tpu.memory_space<vmem>> -> memref<1600xf32, #tpu.memory_space<vmem>>
      %dma_start3A_1121 = tpu.memref_slice %arg9[%add3A_602] : memref<3200000xf32, #tpu.memory_space<hbm>> -> memref<1600xf32, #tpu.memory_space<hbm>>
      tpu.enqueue_dma source(%dma_start3A_1121 : memref<1600xf32, #tpu.memory_space<hbm>>) target(%dma_start3A_1120 : memref<1600xf32, #tpu.memory_space<vmem>>) target_semaphore(%run_scoped3A : memref<!tpu.dma_semaphore, #tpu.memory_space<semaphore_mem>>)
      %dma_wait3A = arith.constant 3200 : i32
      %dma_wait3A_1122 = tpu.memref_slice %arg20[%dma_wait3A] : memref<6400xf32, #tpu.memory_space<vmem>> -> memref<1600xf32, #tpu.memory_space<vmem>>
      %dma_wait3A_1123 = tpu.memref_slice %arg9[%add3A_602] : memref<3200000xf32, #tpu.memory_space<hbm>> -> memref<1600xf32, #tpu.memory_space<hbm>>
      %dma_wait3A_1124 = arith.constant 3200 : i32
      %dma_wait3A_1125 = tpu.memref_slice %arg20[%dma_wait3A_1124] : memref<6400xf32, #tpu.memory_space<vmem>> -> memref<1600xf32, #tpu.memory_space<vmem>>
      %dma_wait3A_1126 = tpu.memref_slice %arg9[%add3A_602] : memref<3200000xf32, #tpu.memory_space<hbm>> -> memref<1600xf32, #tpu.memory_space<hbm>>
      tpu.wait_dma2 semaphore(%run_scoped3A : memref<!tpu.dma_semaphore, #tpu.memory_space<semaphore_mem>>) src(%dma_wait3A_1126 : memref<1600xf32, #tpu.memory_space<hbm>>) dst(%dma_wait3A_1125 : memref<1600xf32, #tpu.memory_space<vmem>>)
      tpu.yield
    }) : () -> ()
    %mul3A_603 = arith.constant 4 : i32
    %mul3A_604 = arith.muli %add3A_30, %mul3A_603 : i32
    %add3A_605 = arith.constant 3 : i32
    %add3A_606 = arith.addi %mul3A_604, %add3A_605 : i32
    %mul3A_607 = arith.constant 100000 : i32
    %mul3A_608 = arith.muli %add3A_606, %mul3A_607 : i32
    %add3A_609 = arith.addi %mul3A_608, %mul3A_335 : i32
    %add3A_610 = arith.constant 8000 : i32
    %add3A_611 = arith.addi %add3A_609, %add3A_610 : i32
    "tpu.region"() ({
      %run_scoped3A = tpu.sem_alloc : memref<!tpu.dma_semaphore, #tpu.memory_space<semaphore_mem>>
      %dma_start3A_1116 = arith.constant 4800 : i32
      %dma_start3A_1117 = tpu.memref_slice %arg20[%dma_start3A_1116] : memref<6400xf32, #tpu.memory_space<vmem>> -> memref<1600xf32, #tpu.memory_space<vmem>>
      %dma_start3A_1118 = tpu.memref_slice %arg9[%add3A_611] : memref<3200000xf32, #tpu.memory_space<hbm>> -> memref<1600xf32, #tpu.memory_space<hbm>>
      %dma_start3A_1119 = arith.constant 4800 : i32
      %dma_start3A_1120 = tpu.memref_slice %arg20[%dma_start3A_1119] : memref<6400xf32, #tpu.memory_space<vmem>> -> memref<1600xf32, #tpu.memory_space<vmem>>
      %dma_start3A_1121 = tpu.memref_slice %arg9[%add3A_611] : memref<3200000xf32, #tpu.memory_space<hbm>> -> memref<1600xf32, #tpu.memory_space<hbm>>
      tpu.enqueue_dma source(%dma_start3A_1121 : memref<1600xf32, #tpu.memory_space<hbm>>) target(%dma_start3A_1120 : memref<1600xf32, #tpu.memory_space<vmem>>) target_semaphore(%run_scoped3A : memref<!tpu.dma_semaphore, #tpu.memory_space<semaphore_mem>>)
      %dma_wait3A = arith.constant 4800 : i32
      %dma_wait3A_1122 = tpu.memref_slice %arg20[%dma_wait3A] : memref<6400xf32, #tpu.memory_space<vmem>> -> memref<1600xf32, #tpu.memory_space<vmem>>
      %dma_wait3A_1123 = tpu.memref_slice %arg9[%add3A_611] : memref<3200000xf32, #tpu.memory_space<hbm>> -> memref<1600xf32, #tpu.memory_space<hbm>>
      %dma_wait3A_1124 = arith.constant 4800 : i32
      %dma_wait3A_1125 = tpu.memref_slice %arg20[%dma_wait3A_1124] : memref<6400xf32, #tpu.memory_space<vmem>> -> memref<1600xf32, #tpu.memory_space<vmem>>
      %dma_wait3A_1126 = tpu.memref_slice %arg9[%add3A_611] : memref<3200000xf32, #tpu.memory_space<hbm>> -> memref<1600xf32, #tpu.memory_space<hbm>>
      tpu.wait_dma2 semaphore(%run_scoped3A : memref<!tpu.dma_semaphore, #tpu.memory_space<semaphore_mem>>) src(%dma_wait3A_1126 : memref<1600xf32, #tpu.memory_space<hbm>>) dst(%dma_wait3A_1125 : memref<1600xf32, #tpu.memory_space<vmem>>)
      tpu.yield
    }) : () -> ()
    %scan3A_612 = arith.constant 0 : i32
    %scan3A_613 = arith.constant 0 : i32
    %scan3A_614 = arith.constant 100 : i32
    %scan3A_615 = arith.addi %scan3A_613, %scan3A_614 : i32
    %scan3A_616 = arith.constant 1 : i32
    %scan3A_617 = scf.for %scan3A_1116 = %scan3A_613 to %scan3A_615 step %scan3A_616 iter_args(%scan3A_1117 = %scan3A_612) -> (i32)  : i32 {
      %mul3A_1118 = arith.constant 16 : i32
      %mul3A_1119 = arith.muli %scan3A_1116, %mul3A_1118 : i32
      %get3A_1120 = arith.index_cast %mul3A_1119 : i32 to index
      %get3A_1121 = tpu.vector_load %arg20[%get3A_1120] {strides = array<i32>} : memref<6400xf32, #tpu.memory_space<vmem>>, vector<16xf32>,
      %add3A_1122 = arith.constant 1600 : i32
      %add3A_1123 = arith.addi %add3A_1122, %mul3A_1119 : i32
      %get3A_1124 = arith.index_cast %add3A_1123 : i32 to index
      %get3A_1125 = tpu.vector_load %arg20[%get3A_1124] {strides = array<i32>} : memref<6400xf32, #tpu.memory_space<vmem>>, vector<16xf32>,
      %max3A_1126 = arith.maximumf %get3A_1121, %get3A_1125 : vector<16xf32>
      %add3A_1127 = arith.constant 3200 : i32
      %add3A_1128 = arith.addi %add3A_1127, %mul3A_1119 : i32
      %get3A_1129 = arith.index_cast %add3A_1128 : i32 to index
      %get3A_1130 = tpu.vector_load %arg20[%get3A_1129] {strides = array<i32>} : memref<6400xf32, #tpu.memory_space<vmem>>, vector<16xf32>,
      %add3A_1131 = arith.constant 4800 : i32
      %add3A_1132 = arith.addi %add3A_1131, %mul3A_1119 : i32
      %get3A_1133 = arith.index_cast %add3A_1132 : i32 to index
      %get3A_1134 = tpu.vector_load %arg20[%get3A_1133] {strides = array<i32>} : memref<6400xf32, #tpu.memory_space<vmem>>, vector<16xf32>,
      %max3A_1135 = arith.maximumf %get3A_1130, %get3A_1134 : vector<16xf32>
      %max3A_1136 = arith.maximumf %max3A_1126, %max3A_1135 : vector<16xf32>
      %swap3A_1137 = arith.index_cast %mul3A_1119 : i32 to index
      %swap3A_1138 = tpu.vector_load %arg19[%swap3A_1137] {strides = array<i32>} : memref<1600xf32, #tpu.memory_space<vmem>>, vector<16xf32>,
      tpu.vector_store %arg19[%swap3A_1137], %max3A_1136 {strides = array<i32>} : memref<1600xf32, #tpu.memory_space<vmem>>, vector<16xf32>,
      %scan3A_1139 = arith.constant 0 : i32
      scf.yield %scan3A_1139 : i32
    }
    %scan3A_618 = arith.constant 100 : i32
    %mul3A_619 = arith.constant 100000 : i32
    %mul3A_620 = arith.muli %add3A_30, %mul3A_619 : i32
    %add3A_621 = arith.addi %mul3A_620, %mul3A_335 : i32
    %add3A_622 = arith.constant 8000 : i32
    %add3A_623 = arith.addi %add3A_621, %add3A_622 : i32
    "tpu.region"() ({
      %run_scoped3A = tpu.sem_alloc : memref<!tpu.dma_semaphore, #tpu.memory_space<semaphore_mem>>
      %dma_start3A_1116 = arith.constant 0 : i32
      %dma_start3A_1117 = tpu.memref_slice %arg19[%dma_start3A_1116] : memref<1600xf32, #tpu.memory_space<vmem>> -> memref<1600xf32, #tpu.memory_space<vmem>>
      %dma_start3A_1118 = tpu.memref_slice %arg8[%add3A_623] : memref<800000xf32, #tpu.memory_space<hbm>> -> memref<1600xf32, #tpu.memory_space<hbm>>
      %dma_start3A_1119 = tpu.memref_slice %arg8[%add3A_623] : memref<800000xf32, #tpu.memory_space<hbm>> -> memref<1600xf32, #tpu.memory_space<hbm>>
      %dma_start3A_1120 = arith.constant 0 : i32
      %dma_start3A_1121 = tpu.memref_slice %arg19[%dma_start3A_1120] : memref<1600xf32, #tpu.memory_space<vmem>> -> memref<1600xf32, #tpu.memory_space<vmem>>
      tpu.enqueue_dma source(%dma_start3A_1121 : memref<1600xf32, #tpu.memory_space<vmem>>) target(%dma_start3A_1119 : memref<1600xf32, #tpu.memory_space<hbm>>) target_semaphore(%run_scoped3A : memref<!tpu.dma_semaphore, #tpu.memory_space<semaphore_mem>>)
      %dma_wait3A = arith.constant 0 : i32
      %dma_wait3A_1122 = tpu.memref_slice %arg19[%dma_wait3A] : memref<1600xf32, #tpu.memory_space<vmem>> -> memref<1600xf32, #tpu.memory_space<vmem>>
      %dma_wait3A_1123 = tpu.memref_slice %arg8[%add3A_623] : memref<800000xf32, #tpu.memory_space<hbm>> -> memref<1600xf32, #tpu.memory_space<hbm>>
      %dma_wait3A_1124 = tpu.memref_slice %arg8[%add3A_623] : memref<800000xf32, #tpu.memory_space<hbm>> -> memref<1600xf32, #tpu.memory_space<hbm>>
      %dma_wait3A_1125 = arith.constant 0 : i32
      %dma_wait3A_1126 = tpu.memref_slice %arg19[%dma_wait3A_1125] : memref<1600xf32, #tpu.memory_space<vmem>> -> memref<1600xf32, #tpu.memory_space<vmem>>
      tpu.wait_dma2 semaphore(%run_scoped3A : memref<!tpu.dma_semaphore, #tpu.memory_space<semaphore_mem>>) src(%dma_wait3A_1126 : memref<1600xf32, #tpu.memory_space<vmem>>) dst(%dma_wait3A_1124 : memref<1600xf32, #tpu.memory_space<hbm>>)
      tpu.yield
    }) : () -> ()
    %mul3A_624 = arith.constant 4 : i32
    %mul3A_625 = arith.muli %add3A_30, %mul3A_624 : i32
    %add3A_626 = arith.constant 0 : i32
    %add3A_627 = arith.addi %mul3A_625, %add3A_626 : i32
    %mul3A_628 = arith.constant 100000 : i32
    %mul3A_629 = arith.muli %add3A_627, %mul3A_628 : i32
    %add3A_630 = arith.addi %mul3A_629, %mul3A_335 : i32
    %add3A_631 = arith.constant 9600 : i32
    %add3A_632 = arith.addi %add3A_630, %add3A_631 : i32
    "tpu.region"() ({
      %run_scoped3A = tpu.sem_alloc : memref<!tpu.dma_semaphore, #tpu.memory_space<semaphore_mem>>
      %dma_start3A_1116 = arith.constant 0 : i32
      %dma_start3A_1117 = tpu.memref_slice %arg20[%dma_start3A_1116] : memref<6400xf32, #tpu.memory_space<vmem>> -> memref<1600xf32, #tpu.memory_space<vmem>>
      %dma_start3A_1118 = tpu.memref_slice %arg9[%add3A_632] : memref<3200000xf32, #tpu.memory_space<hbm>> -> memref<1600xf32, #tpu.memory_space<hbm>>
      %dma_start3A_1119 = arith.constant 0 : i32
      %dma_start3A_1120 = tpu.memref_slice %arg20[%dma_start3A_1119] : memref<6400xf32, #tpu.memory_space<vmem>> -> memref<1600xf32, #tpu.memory_space<vmem>>
      %dma_start3A_1121 = tpu.memref_slice %arg9[%add3A_632] : memref<3200000xf32, #tpu.memory_space<hbm>> -> memref<1600xf32, #tpu.memory_space<hbm>>
      tpu.enqueue_dma source(%dma_start3A_1121 : memref<1600xf32, #tpu.memory_space<hbm>>) target(%dma_start3A_1120 : memref<1600xf32, #tpu.memory_space<vmem>>) target_semaphore(%run_scoped3A : memref<!tpu.dma_semaphore, #tpu.memory_space<semaphore_mem>>)
      %dma_wait3A = arith.constant 0 : i32
      %dma_wait3A_1122 = tpu.memref_slice %arg20[%dma_wait3A] : memref<6400xf32, #tpu.memory_space<vmem>> -> memref<1600xf32, #tpu.memory_space<vmem>>
      %dma_wait3A_1123 = tpu.memref_slice %arg9[%add3A_632] : memref<3200000xf32, #tpu.memory_space<hbm>> -> memref<1600xf32, #tpu.memory_space<hbm>>
      %dma_wait3A_1124 = arith.constant 0 : i32
      %dma_wait3A_1125 = tpu.memref_slice %arg20[%dma_wait3A_1124] : memref<6400xf32, #tpu.memory_space<vmem>> -> memref<1600xf32, #tpu.memory_space<vmem>>
      %dma_wait3A_1126 = tpu.memref_slice %arg9[%add3A_632] : memref<3200000xf32, #tpu.memory_space<hbm>> -> memref<1600xf32, #tpu.memory_space<hbm>>
      tpu.wait_dma2 semaphore(%run_scoped3A : memref<!tpu.dma_semaphore, #tpu.memory_space<semaphore_mem>>) src(%dma_wait3A_1126 : memref<1600xf32, #tpu.memory_space<hbm>>) dst(%dma_wait3A_1125 : memref<1600xf32, #tpu.memory_space<vmem>>)
      tpu.yield
    }) : () -> ()
    %mul3A_633 = arith.constant 4 : i32
    %mul3A_634 = arith.muli %add3A_30, %mul3A_633 : i32
    %add3A_635 = arith.constant 1 : i32
    %add3A_636 = arith.addi %mul3A_634, %add3A_635 : i32
    %mul3A_637 = arith.constant 100000 : i32
    %mul3A_638 = arith.muli %add3A_636, %mul3A_637 : i32
    %add3A_639 = arith.addi %mul3A_638, %mul3A_335 : i32
    %add3A_640 = arith.constant 9600 : i32
    %add3A_641 = arith.addi %add3A_639, %add3A_640 : i32
    "tpu.region"() ({
      %run_scoped3A = tpu.sem_alloc : memref<!tpu.dma_semaphore, #tpu.memory_space<semaphore_mem>>
      %dma_start3A_1116 = arith.constant 1600 : i32
      %dma_start3A_1117 = tpu.memref_slice %arg20[%dma_start3A_1116] : memref<6400xf32, #tpu.memory_space<vmem>> -> memref<1600xf32, #tpu.memory_space<vmem>>
      %dma_start3A_1118 = tpu.memref_slice %arg9[%add3A_641] : memref<3200000xf32, #tpu.memory_space<hbm>> -> memref<1600xf32, #tpu.memory_space<hbm>>
      %dma_start3A_1119 = arith.constant 1600 : i32
      %dma_start3A_1120 = tpu.memref_slice %arg20[%dma_start3A_1119] : memref<6400xf32, #tpu.memory_space<vmem>> -> memref<1600xf32, #tpu.memory_space<vmem>>
      %dma_start3A_1121 = tpu.memref_slice %arg9[%add3A_641] : memref<3200000xf32, #tpu.memory_space<hbm>> -> memref<1600xf32, #tpu.memory_space<hbm>>
      tpu.enqueue_dma source(%dma_start3A_1121 : memref<1600xf32, #tpu.memory_space<hbm>>) target(%dma_start3A_1120 : memref<1600xf32, #tpu.memory_space<vmem>>) target_semaphore(%run_scoped3A : memref<!tpu.dma_semaphore, #tpu.memory_space<semaphore_mem>>)
      %dma_wait3A = arith.constant 1600 : i32
      %dma_wait3A_1122 = tpu.memref_slice %arg20[%dma_wait3A] : memref<6400xf32, #tpu.memory_space<vmem>> -> memref<1600xf32, #tpu.memory_space<vmem>>
      %dma_wait3A_1123 = tpu.memref_slice %arg9[%add3A_641] : memref<3200000xf32, #tpu.memory_space<hbm>> -> memref<1600xf32, #tpu.memory_space<hbm>>
      %dma_wait3A_1124 = arith.constant 1600 : i32
      %dma_wait3A_1125 = tpu.memref_slice %arg20[%dma_wait3A_1124] : memref<6400xf32, #tpu.memory_space<vmem>> -> memref<1600xf32, #tpu.memory_space<vmem>>
      %dma_wait3A_1126 = tpu.memref_slice %arg9[%add3A_641] : memref<3200000xf32, #tpu.memory_space<hbm>> -> memref<1600xf32, #tpu.memory_space<hbm>>
      tpu.wait_dma2 semaphore(%run_scoped3A : memref<!tpu.dma_semaphore, #tpu.memory_space<semaphore_mem>>) src(%dma_wait3A_1126 : memref<1600xf32, #tpu.memory_space<hbm>>) dst(%dma_wait3A_1125 : memref<1600xf32, #tpu.memory_space<vmem>>)
      tpu.yield
    }) : () -> ()
    %mul3A_642 = arith.constant 4 : i32
    %mul3A_643 = arith.muli %add3A_30, %mul3A_642 : i32
    %add3A_644 = arith.constant 2 : i32
    %add3A_645 = arith.addi %mul3A_643, %add3A_644 : i32
    %mul3A_646 = arith.constant 100000 : i32
    %mul3A_647 = arith.muli %add3A_645, %mul3A_646 : i32
    %add3A_648 = arith.addi %mul3A_647, %mul3A_335 : i32
    %add3A_649 = arith.constant 9600 : i32
    %add3A_650 = arith.addi %add3A_648, %add3A_649 : i32
    "tpu.region"() ({
      %run_scoped3A = tpu.sem_alloc : memref<!tpu.dma_semaphore, #tpu.memory_space<semaphore_mem>>
      %dma_start3A_1116 = arith.constant 3200 : i32
      %dma_start3A_1117 = tpu.memref_slice %arg20[%dma_start3A_1116] : memref<6400xf32, #tpu.memory_space<vmem>> -> memref<1600xf32, #tpu.memory_space<vmem>>
      %dma_start3A_1118 = tpu.memref_slice %arg9[%add3A_650] : memref<3200000xf32, #tpu.memory_space<hbm>> -> memref<1600xf32, #tpu.memory_space<hbm>>
      %dma_start3A_1119 = arith.constant 3200 : i32
      %dma_start3A_1120 = tpu.memref_slice %arg20[%dma_start3A_1119] : memref<6400xf32, #tpu.memory_space<vmem>> -> memref<1600xf32, #tpu.memory_space<vmem>>
      %dma_start3A_1121 = tpu.memref_slice %arg9[%add3A_650] : memref<3200000xf32, #tpu.memory_space<hbm>> -> memref<1600xf32, #tpu.memory_space<hbm>>
      tpu.enqueue_dma source(%dma_start3A_1121 : memref<1600xf32, #tpu.memory_space<hbm>>) target(%dma_start3A_1120 : memref<1600xf32, #tpu.memory_space<vmem>>) target_semaphore(%run_scoped3A : memref<!tpu.dma_semaphore, #tpu.memory_space<semaphore_mem>>)
      %dma_wait3A = arith.constant 3200 : i32
      %dma_wait3A_1122 = tpu.memref_slice %arg20[%dma_wait3A] : memref<6400xf32, #tpu.memory_space<vmem>> -> memref<1600xf32, #tpu.memory_space<vmem>>
      %dma_wait3A_1123 = tpu.memref_slice %arg9[%add3A_650] : memref<3200000xf32, #tpu.memory_space<hbm>> -> memref<1600xf32, #tpu.memory_space<hbm>>
      %dma_wait3A_1124 = arith.constant 3200 : i32
      %dma_wait3A_1125 = tpu.memref_slice %arg20[%dma_wait3A_1124] : memref<6400xf32, #tpu.memory_space<vmem>> -> memref<1600xf32, #tpu.memory_space<vmem>>
      %dma_wait3A_1126 = tpu.memref_slice %arg9[%add3A_650] : memref<3200000xf32, #tpu.memory_space<hbm>> -> memref<1600xf32, #tpu.memory_space<hbm>>
      tpu.wait_dma2 semaphore(%run_scoped3A : memref<!tpu.dma_semaphore, #tpu.memory_space<semaphore_mem>>) src(%dma_wait3A_1126 : memref<1600xf32, #tpu.memory_space<hbm>>) dst(%dma_wait3A_1125 : memref<1600xf32, #tpu.memory_space<vmem>>)
      tpu.yield
    }) : () -> ()
    %mul3A_651 = arith.constant 4 : i32
    %mul3A_652 = arith.muli %add3A_30, %mul3A_651 : i32
    %add3A_653 = arith.constant 3 : i32
    %add3A_654 = arith.addi %mul3A_652, %add3A_653 : i32
    %mul3A_655 = arith.constant 100000 : i32
    %mul3A_656 = arith.muli %add3A_654, %mul3A_655 : i32
    %add3A_657 = arith.addi %mul3A_656, %mul3A_335 : i32
    %add3A_658 = arith.constant 9600 : i32
    %add3A_659 = arith.addi %add3A_657, %add3A_658 : i32
    "tpu.region"() ({
      %run_scoped3A = tpu.sem_alloc : memref<!tpu.dma_semaphore, #tpu.memory_space<semaphore_mem>>
      %dma_start3A_1116 = arith.constant 4800 : i32
      %dma_start3A_1117 = tpu.memref_slice %arg20[%dma_start3A_1116] : memref<6400xf32, #tpu.memory_space<vmem>> -> memref<1600xf32, #tpu.memory_space<vmem>>
      %dma_start3A_1118 = tpu.memref_slice %arg9[%add3A_659] : memref<3200000xf32, #tpu.memory_space<hbm>> -> memref<1600xf32, #tpu.memory_space<hbm>>
      %dma_start3A_1119 = arith.constant 4800 : i32
      %dma_start3A_1120 = tpu.memref_slice %arg20[%dma_start3A_1119] : memref<6400xf32, #tpu.memory_space<vmem>> -> memref<1600xf32, #tpu.memory_space<vmem>>
      %dma_start3A_1121 = tpu.memref_slice %arg9[%add3A_659] : memref<3200000xf32, #tpu.memory_space<hbm>> -> memref<1600xf32, #tpu.memory_space<hbm>>
      tpu.enqueue_dma source(%dma_start3A_1121 : memref<1600xf32, #tpu.memory_space<hbm>>) target(%dma_start3A_1120 : memref<1600xf32, #tpu.memory_space<vmem>>) target_semaphore(%run_scoped3A : memref<!tpu.dma_semaphore, #tpu.memory_space<semaphore_mem>>)
      %dma_wait3A = arith.constant 4800 : i32
      %dma_wait3A_1122 = tpu.memref_slice %arg20[%dma_wait3A] : memref<6400xf32, #tpu.memory_space<vmem>> -> memref<1600xf32, #tpu.memory_space<vmem>>
      %dma_wait3A_1123 = tpu.memref_slice %arg9[%add3A_659] : memref<3200000xf32, #tpu.memory_space<hbm>> -> memref<1600xf32, #tpu.memory_space<hbm>>
      %dma_wait3A_1124 = arith.constant 4800 : i32
      %dma_wait3A_1125 = tpu.memref_slice %arg20[%dma_wait3A_1124] : memref<6400xf32, #tpu.memory_space<vmem>> -> memref<1600xf32, #tpu.memory_space<vmem>>
      %dma_wait3A_1126 = tpu.memref_slice %arg9[%add3A_659] : memref<3200000xf32, #tpu.memory_space<hbm>> -> memref<1600xf32, #tpu.memory_space<hbm>>
      tpu.wait_dma2 semaphore(%run_scoped3A : memref<!tpu.dma_semaphore, #tpu.memory_space<semaphore_mem>>) src(%dma_wait3A_1126 : memref<1600xf32, #tpu.memory_space<hbm>>) dst(%dma_wait3A_1125 : memref<1600xf32, #tpu.memory_space<vmem>>)
      tpu.yield
    }) : () -> ()
    %scan3A_660 = arith.constant 0 : i32
    %scan3A_661 = arith.constant 0 : i32
    %scan3A_662 = arith.constant 100 : i32
    %scan3A_663 = arith.addi %scan3A_661, %scan3A_662 : i32
    %scan3A_664 = arith.constant 1 : i32
    %scan3A_665 = scf.for %scan3A_1116 = %scan3A_661 to %scan3A_663 step %scan3A_664 iter_args(%scan3A_1117 = %scan3A_660) -> (i32)  : i32 {
      %mul3A_1118 = arith.constant 16 : i32
      %mul3A_1119 = arith.muli %scan3A_1116, %mul3A_1118 : i32
      %get3A_1120 = arith.index_cast %mul3A_1119 : i32 to index
      %get3A_1121 = tpu.vector_load %arg20[%get3A_1120] {strides = array<i32>} : memref<6400xf32, #tpu.memory_space<vmem>>, vector<16xf32>,
      %add3A_1122 = arith.constant 1600 : i32
      %add3A_1123 = arith.addi %add3A_1122, %mul3A_1119 : i32
      %get3A_1124 = arith.index_cast %add3A_1123 : i32 to index
      %get3A_1125 = tpu.vector_load %arg20[%get3A_1124] {strides = array<i32>} : memref<6400xf32, #tpu.memory_space<vmem>>, vector<16xf32>,
      %max3A_1126 = arith.maximumf %get3A_1121, %get3A_1125 : vector<16xf32>
      %add3A_1127 = arith.constant 3200 : i32
      %add3A_1128 = arith.addi %add3A_1127, %mul3A_1119 : i32
      %get3A_1129 = arith.index_cast %add3A_1128 : i32 to index
      %get3A_1130 = tpu.vector_load %arg20[%get3A_1129] {strides = array<i32>} : memref<6400xf32, #tpu.memory_space<vmem>>, vector<16xf32>,
      %add3A_1131 = arith.constant 4800 : i32
      %add3A_1132 = arith.addi %add3A_1131, %mul3A_1119 : i32
      %get3A_1133 = arith.index_cast %add3A_1132 : i32 to index
      %get3A_1134 = tpu.vector_load %arg20[%get3A_1133] {strides = array<i32>} : memref<6400xf32, #tpu.memory_space<vmem>>, vector<16xf32>,
      %max3A_1135 = arith.maximumf %get3A_1130, %get3A_1134 : vector<16xf32>
      %max3A_1136 = arith.maximumf %max3A_1126, %max3A_1135 : vector<16xf32>
      %swap3A_1137 = arith.index_cast %mul3A_1119 : i32 to index
      %swap3A_1138 = tpu.vector_load %arg19[%swap3A_1137] {strides = array<i32>} : memref<1600xf32, #tpu.memory_space<vmem>>, vector<16xf32>,
      tpu.vector_store %arg19[%swap3A_1137], %max3A_1136 {strides = array<i32>} : memref<1600xf32, #tpu.memory_space<vmem>>, vector<16xf32>,
      %scan3A_1139 = arith.constant 0 : i32
      scf.yield %scan3A_1139 : i32
    }
    %scan3A_666 = arith.constant 100 : i32
    %mul3A_667 = arith.constant 100000 : i32
    %mul3A_668 = arith.muli %add3A_30, %mul3A_667 : i32
    %add3A_669 = arith.addi %mul3A_668, %mul3A_335 : i32
    %add3A_670 = arith.constant 9600 : i32
    %add3A_671 = arith.addi %add3A_669, %add3A_670 : i32
    "tpu.region"() ({
      %run_scoped3A = tpu.sem_alloc : memref<!tpu.dma_semaphore, #tpu.memory_space<semaphore_mem>>
      %dma_start3A_1116 = arith.constant 0 : i32
      %dma_start3A_1117 = tpu.memref_slice %arg19[%dma_start3A_1116] : memref<1600xf32, #tpu.memory_space<vmem>> -> memref<1600xf32, #tpu.memory_space<vmem>>
      %dma_start3A_1118 = tpu.memref_slice %arg8[%add3A_671] : memref<800000xf32, #tpu.memory_space<hbm>> -> memref<1600xf32, #tpu.memory_space<hbm>>
      %dma_start3A_1119 = tpu.memref_slice %arg8[%add3A_671] : memref<800000xf32, #tpu.memory_space<hbm>> -> memref<1600xf32, #tpu.memory_space<hbm>>
      %dma_start3A_1120 = arith.constant 0 : i32
      %dma_start3A_1121 = tpu.memref_slice %arg19[%dma_start3A_1120] : memref<1600xf32, #tpu.memory_space<vmem>> -> memref<1600xf32, #tpu.memory_space<vmem>>
      tpu.enqueue_dma source(%dma_start3A_1121 : memref<1600xf32, #tpu.memory_space<vmem>>) target(%dma_start3A_1119 : memref<1600xf32, #tpu.memory_space<hbm>>) target_semaphore(%run_scoped3A : memref<!tpu.dma_semaphore, #tpu.memory_space<semaphore_mem>>)
      %dma_wait3A = arith.constant 0 : i32
      %dma_wait3A_1122 = tpu.memref_slice %arg19[%dma_wait3A] : memref<1600xf32, #tpu.memory_space<vmem>> -> memref<1600xf32, #tpu.memory_space<vmem>>
      %dma_wait3A_1123 = tpu.memref_slice %arg8[%add3A_671] : memref<800000xf32, #tpu.memory_space<hbm>> -> memref<1600xf32, #tpu.memory_space<hbm>>
      %dma_wait3A_1124 = tpu.memref_slice %arg8[%add3A_671] : memref<800000xf32, #tpu.memory_space<hbm>> -> memref<1600xf32, #tpu.memory_space<hbm>>
      %dma_wait3A_1125 = arith.constant 0 : i32
      %dma_wait3A_1126 = tpu.memref_slice %arg19[%dma_wait3A_1125] : memref<1600xf32, #tpu.memory_space<vmem>> -> memref<1600xf32, #tpu.memory_space<vmem>>
      tpu.wait_dma2 semaphore(%run_scoped3A : memref<!tpu.dma_semaphore, #tpu.memory_space<semaphore_mem>>) src(%dma_wait3A_1126 : memref<1600xf32, #tpu.memory_space<vmem>>) dst(%dma_wait3A_1124 : memref<1600xf32, #tpu.memory_space<hbm>>)
      tpu.yield
    }) : () -> ()
    %mul3A_672 = arith.constant 4 : i32
    %mul3A_673 = arith.muli %add3A_30, %mul3A_672 : i32
    %add3A_674 = arith.constant 0 : i32
    %add3A_675 = arith.addi %mul3A_673, %add3A_674 : i32
    %mul3A_676 = arith.constant 100000 : i32
    %mul3A_677 = arith.muli %add3A_675, %mul3A_676 : i32
    %add3A_678 = arith.addi %mul3A_677, %mul3A_335 : i32
    %add3A_679 = arith.constant 11200 : i32
    %add3A_680 = arith.addi %add3A_678, %add3A_679 : i32
    "tpu.region"() ({
      %run_scoped3A = tpu.sem_alloc : memref<!tpu.dma_semaphore, #tpu.memory_space<semaphore_mem>>
      %dma_start3A_1116 = arith.constant 0 : i32
      %dma_start3A_1117 = tpu.memref_slice %arg20[%dma_start3A_1116] : memref<6400xf32, #tpu.memory_space<vmem>> -> memref<1600xf32, #tpu.memory_space<vmem>>
      %dma_start3A_1118 = tpu.memref_slice %arg9[%add3A_680] : memref<3200000xf32, #tpu.memory_space<hbm>> -> memref<1600xf32, #tpu.memory_space<hbm>>
      %dma_start3A_1119 = arith.constant 0 : i32
      %dma_start3A_1120 = tpu.memref_slice %arg20[%dma_start3A_1119] : memref<6400xf32, #tpu.memory_space<vmem>> -> memref<1600xf32, #tpu.memory_space<vmem>>
      %dma_start3A_1121 = tpu.memref_slice %arg9[%add3A_680] : memref<3200000xf32, #tpu.memory_space<hbm>> -> memref<1600xf32, #tpu.memory_space<hbm>>
      tpu.enqueue_dma source(%dma_start3A_1121 : memref<1600xf32, #tpu.memory_space<hbm>>) target(%dma_start3A_1120 : memref<1600xf32, #tpu.memory_space<vmem>>) target_semaphore(%run_scoped3A : memref<!tpu.dma_semaphore, #tpu.memory_space<semaphore_mem>>)
      %dma_wait3A = arith.constant 0 : i32
      %dma_wait3A_1122 = tpu.memref_slice %arg20[%dma_wait3A] : memref<6400xf32, #tpu.memory_space<vmem>> -> memref<1600xf32, #tpu.memory_space<vmem>>
      %dma_wait3A_1123 = tpu.memref_slice %arg9[%add3A_680] : memref<3200000xf32, #tpu.memory_space<hbm>> -> memref<1600xf32, #tpu.memory_space<hbm>>
      %dma_wait3A_1124 = arith.constant 0 : i32
      %dma_wait3A_1125 = tpu.memref_slice %arg20[%dma_wait3A_1124] : memref<6400xf32, #tpu.memory_space<vmem>> -> memref<1600xf32, #tpu.memory_space<vmem>>
      %dma_wait3A_1126 = tpu.memref_slice %arg9[%add3A_680] : memref<3200000xf32, #tpu.memory_space<hbm>> -> memref<1600xf32, #tpu.memory_space<hbm>>
      tpu.wait_dma2 semaphore(%run_scoped3A : memref<!tpu.dma_semaphore, #tpu.memory_space<semaphore_mem>>) src(%dma_wait3A_1126 : memref<1600xf32, #tpu.memory_space<hbm>>) dst(%dma_wait3A_1125 : memref<1600xf32, #tpu.memory_space<vmem>>)
      tpu.yield
    }) : () -> ()
    %mul3A_681 = arith.constant 4 : i32
    %mul3A_682 = arith.muli %add3A_30, %mul3A_681 : i32
    %add3A_683 = arith.constant 1 : i32
    %add3A_684 = arith.addi %mul3A_682, %add3A_683 : i32
    %mul3A_685 = arith.constant 100000 : i32
    %mul3A_686 = arith.muli %add3A_684, %mul3A_685 : i32
    %add3A_687 = arith.addi %mul3A_686, %mul3A_335 : i32
    %add3A_688 = arith.constant 11200 : i32
    %add3A_689 = arith.addi %add3A_687, %add3A_688 : i32
    "tpu.region"() ({
      %run_scoped3A = tpu.sem_alloc : memref<!tpu.dma_semaphore, #tpu.memory_space<semaphore_mem>>
      %dma_start3A_1116 = arith.constant 1600 : i32
      %dma_start3A_1117 = tpu.memref_slice %arg20[%dma_start3A_1116] : memref<6400xf32, #tpu.memory_space<vmem>> -> memref<1600xf32, #tpu.memory_space<vmem>>
      %dma_start3A_1118 = tpu.memref_slice %arg9[%add3A_689] : memref<3200000xf32, #tpu.memory_space<hbm>> -> memref<1600xf32, #tpu.memory_space<hbm>>
      %dma_start3A_1119 = arith.constant 1600 : i32
      %dma_start3A_1120 = tpu.memref_slice %arg20[%dma_start3A_1119] : memref<6400xf32, #tpu.memory_space<vmem>> -> memref<1600xf32, #tpu.memory_space<vmem>>
      %dma_start3A_1121 = tpu.memref_slice %arg9[%add3A_689] : memref<3200000xf32, #tpu.memory_space<hbm>> -> memref<1600xf32, #tpu.memory_space<hbm>>
      tpu.enqueue_dma source(%dma_start3A_1121 : memref<1600xf32, #tpu.memory_space<hbm>>) target(%dma_start3A_1120 : memref<1600xf32, #tpu.memory_space<vmem>>) target_semaphore(%run_scoped3A : memref<!tpu.dma_semaphore, #tpu.memory_space<semaphore_mem>>)
      %dma_wait3A = arith.constant 1600 : i32
      %dma_wait3A_1122 = tpu.memref_slice %arg20[%dma_wait3A] : memref<6400xf32, #tpu.memory_space<vmem>> -> memref<1600xf32, #tpu.memory_space<vmem>>
      %dma_wait3A_1123 = tpu.memref_slice %arg9[%add3A_689] : memref<3200000xf32, #tpu.memory_space<hbm>> -> memref<1600xf32, #tpu.memory_space<hbm>>
      %dma_wait3A_1124 = arith.constant 1600 : i32
      %dma_wait3A_1125 = tpu.memref_slice %arg20[%dma_wait3A_1124] : memref<6400xf32, #tpu.memory_space<vmem>> -> memref<1600xf32, #tpu.memory_space<vmem>>
      %dma_wait3A_1126 = tpu.memref_slice %arg9[%add3A_689] : memref<3200000xf32, #tpu.memory_space<hbm>> -> memref<1600xf32, #tpu.memory_space<hbm>>
      tpu.wait_dma2 semaphore(%run_scoped3A : memref<!tpu.dma_semaphore, #tpu.memory_space<semaphore_mem>>) src(%dma_wait3A_1126 : memref<1600xf32, #tpu.memory_space<hbm>>) dst(%dma_wait3A_1125 : memref<1600xf32, #tpu.memory_space<vmem>>)
      tpu.yield
    }) : () -> ()
    %mul3A_690 = arith.constant 4 : i32
    %mul3A_691 = arith.muli %add3A_30, %mul3A_690 : i32
    %add3A_692 = arith.constant 2 : i32
    %add3A_693 = arith.addi %mul3A_691, %add3A_692 : i32
    %mul3A_694 = arith.constant 100000 : i32
    %mul3A_695 = arith.muli %add3A_693, %mul3A_694 : i32
    %add3A_696 = arith.addi %mul3A_695, %mul3A_335 : i32
    %add3A_697 = arith.constant 11200 : i32
    %add3A_698 = arith.addi %add3A_696, %add3A_697 : i32
    "tpu.region"() ({
      %run_scoped3A = tpu.sem_alloc : memref<!tpu.dma_semaphore, #tpu.memory_space<semaphore_mem>>
      %dma_start3A_1116 = arith.constant 3200 : i32
      %dma_start3A_1117 = tpu.memref_slice %arg20[%dma_start3A_1116] : memref<6400xf32, #tpu.memory_space<vmem>> -> memref<1600xf32, #tpu.memory_space<vmem>>
      %dma_start3A_1118 = tpu.memref_slice %arg9[%add3A_698] : memref<3200000xf32, #tpu.memory_space<hbm>> -> memref<1600xf32, #tpu.memory_space<hbm>>
      %dma_start3A_1119 = arith.constant 3200 : i32
      %dma_start3A_1120 = tpu.memref_slice %arg20[%dma_start3A_1119] : memref<6400xf32, #tpu.memory_space<vmem>> -> memref<1600xf32, #tpu.memory_space<vmem>>
      %dma_start3A_1121 = tpu.memref_slice %arg9[%add3A_698] : memref<3200000xf32, #tpu.memory_space<hbm>> -> memref<1600xf32, #tpu.memory_space<hbm>>
      tpu.enqueue_dma source(%dma_start3A_1121 : memref<1600xf32, #tpu.memory_space<hbm>>) target(%dma_start3A_1120 : memref<1600xf32, #tpu.memory_space<vmem>>) target_semaphore(%run_scoped3A : memref<!tpu.dma_semaphore, #tpu.memory_space<semaphore_mem>>)
      %dma_wait3A = arith.constant 3200 : i32
      %dma_wait3A_1122 = tpu.memref_slice %arg20[%dma_wait3A] : memref<6400xf32, #tpu.memory_space<vmem>> -> memref<1600xf32, #tpu.memory_space<vmem>>
      %dma_wait3A_1123 = tpu.memref_slice %arg9[%add3A_698] : memref<3200000xf32, #tpu.memory_space<hbm>> -> memref<1600xf32, #tpu.memory_space<hbm>>
      %dma_wait3A_1124 = arith.constant 3200 : i32
      %dma_wait3A_1125 = tpu.memref_slice %arg20[%dma_wait3A_1124] : memref<6400xf32, #tpu.memory_space<vmem>> -> memref<1600xf32, #tpu.memory_space<vmem>>
      %dma_wait3A_1126 = tpu.memref_slice %arg9[%add3A_698] : memref<3200000xf32, #tpu.memory_space<hbm>> -> memref<1600xf32, #tpu.memory_space<hbm>>
      tpu.wait_dma2 semaphore(%run_scoped3A : memref<!tpu.dma_semaphore, #tpu.memory_space<semaphore_mem>>) src(%dma_wait3A_1126 : memref<1600xf32, #tpu.memory_space<hbm>>) dst(%dma_wait3A_1125 : memref<1600xf32, #tpu.memory_space<vmem>>)
      tpu.yield
    }) : () -> ()
    %mul3A_699 = arith.constant 4 : i32
    %mul3A_700 = arith.muli %add3A_30, %mul3A_699 : i32
    %add3A_701 = arith.constant 3 : i32
    %add3A_702 = arith.addi %mul3A_700, %add3A_701 : i32
    %mul3A_703 = arith.constant 100000 : i32
    %mul3A_704 = arith.muli %add3A_702, %mul3A_703 : i32
    %add3A_705 = arith.addi %mul3A_704, %mul3A_335 : i32
    %add3A_706 = arith.constant 11200 : i32
    %add3A_707 = arith.addi %add3A_705, %add3A_706 : i32
    "tpu.region"() ({
      %run_scoped3A = tpu.sem_alloc : memref<!tpu.dma_semaphore, #tpu.memory_space<semaphore_mem>>
      %dma_start3A_1116 = arith.constant 4800 : i32
      %dma_start3A_1117 = tpu.memref_slice %arg20[%dma_start3A_1116] : memref<6400xf32, #tpu.memory_space<vmem>> -> memref<1600xf32, #tpu.memory_space<vmem>>
      %dma_start3A_1118 = tpu.memref_slice %arg9[%add3A_707] : memref<3200000xf32, #tpu.memory_space<hbm>> -> memref<1600xf32, #tpu.memory_space<hbm>>
      %dma_start3A_1119 = arith.constant 4800 : i32
      %dma_start3A_1120 = tpu.memref_slice %arg20[%dma_start3A_1119] : memref<6400xf32, #tpu.memory_space<vmem>> -> memref<1600xf32, #tpu.memory_space<vmem>>
      %dma_start3A_1121 = tpu.memref_slice %arg9[%add3A_707] : memref<3200000xf32, #tpu.memory_space<hbm>> -> memref<1600xf32, #tpu.memory_space<hbm>>
      tpu.enqueue_dma source(%dma_start3A_1121 : memref<1600xf32, #tpu.memory_space<hbm>>) target(%dma_start3A_1120 : memref<1600xf32, #tpu.memory_space<vmem>>) target_semaphore(%run_scoped3A : memref<!tpu.dma_semaphore, #tpu.memory_space<semaphore_mem>>)
      %dma_wait3A = arith.constant 4800 : i32
      %dma_wait3A_1122 = tpu.memref_slice %arg20[%dma_wait3A] : memref<6400xf32, #tpu.memory_space<vmem>> -> memref<1600xf32, #tpu.memory_space<vmem>>
      %dma_wait3A_1123 = tpu.memref_slice %arg9[%add3A_707] : memref<3200000xf32, #tpu.memory_space<hbm>> -> memref<1600xf32, #tpu.memory_space<hbm>>
      %dma_wait3A_1124 = arith.constant 4800 : i32
      %dma_wait3A_1125 = tpu.memref_slice %arg20[%dma_wait3A_1124] : memref<6400xf32, #tpu.memory_space<vmem>> -> memref<1600xf32, #tpu.memory_space<vmem>>
      %dma_wait3A_1126 = tpu.memref_slice %arg9[%add3A_707] : memref<3200000xf32, #tpu.memory_space<hbm>> -> memref<1600xf32, #tpu.memory_space<hbm>>
      tpu.wait_dma2 semaphore(%run_scoped3A : memref<!tpu.dma_semaphore, #tpu.memory_space<semaphore_mem>>) src(%dma_wait3A_1126 : memref<1600xf32, #tpu.memory_space<hbm>>) dst(%dma_wait3A_1125 : memref<1600xf32, #tpu.memory_space<vmem>>)
      tpu.yield
    }) : () -> ()
    %scan3A_708 = arith.constant 0 : i32
    %scan3A_709 = arith.constant 0 : i32
    %scan3A_710 = arith.constant 100 : i32
    %scan3A_711 = arith.addi %scan3A_709, %scan3A_710 : i32
    %scan3A_712 = arith.constant 1 : i32
    %scan3A_713 = scf.for %scan3A_1116 = %scan3A_709 to %scan3A_711 step %scan3A_712 iter_args(%scan3A_1117 = %scan3A_708) -> (i32)  : i32 {
      %mul3A_1118 = arith.constant 16 : i32
      %mul3A_1119 = arith.muli %scan3A_1116, %mul3A_1118 : i32
      %get3A_1120 = arith.index_cast %mul3A_1119 : i32 to index
      %get3A_1121 = tpu.vector_load %arg20[%get3A_1120] {strides = array<i32>} : memref<6400xf32, #tpu.memory_space<vmem>>, vector<16xf32>,
      %add3A_1122 = arith.constant 1600 : i32
      %add3A_1123 = arith.addi %add3A_1122, %mul3A_1119 : i32
      %get3A_1124 = arith.index_cast %add3A_1123 : i32 to index
      %get3A_1125 = tpu.vector_load %arg20[%get3A_1124] {strides = array<i32>} : memref<6400xf32, #tpu.memory_space<vmem>>, vector<16xf32>,
      %max3A_1126 = arith.maximumf %get3A_1121, %get3A_1125 : vector<16xf32>
      %add3A_1127 = arith.constant 3200 : i32
      %add3A_1128 = arith.addi %add3A_1127, %mul3A_1119 : i32
      %get3A_1129 = arith.index_cast %add3A_1128 : i32 to index
      %get3A_1130 = tpu.vector_load %arg20[%get3A_1129] {strides = array<i32>} : memref<6400xf32, #tpu.memory_space<vmem>>, vector<16xf32>,
      %add3A_1131 = arith.constant 4800 : i32
      %add3A_1132 = arith.addi %add3A_1131, %mul3A_1119 : i32
      %get3A_1133 = arith.index_cast %add3A_1132 : i32 to index
      %get3A_1134 = tpu.vector_load %arg20[%get3A_1133] {strides = array<i32>} : memref<6400xf32, #tpu.memory_space<vmem>>, vector<16xf32>,
      %max3A_1135 = arith.maximumf %get3A_1130, %get3A_1134 : vector<16xf32>
      %max3A_1136 = arith.maximumf %max3A_1126, %max3A_1135 : vector<16xf32>
      %swap3A_1137 = arith.index_cast %mul3A_1119 : i32 to index
      %swap3A_1138 = tpu.vector_load %arg19[%swap3A_1137] {strides = array<i32>} : memref<1600xf32, #tpu.memory_space<vmem>>, vector<16xf32>,
      tpu.vector_store %arg19[%swap3A_1137], %max3A_1136 {strides = array<i32>} : memref<1600xf32, #tpu.memory_space<vmem>>, vector<16xf32>,
      %scan3A_1139 = arith.constant 0 : i32
      scf.yield %scan3A_1139 : i32
    }
    %scan3A_714 = arith.constant 100 : i32
    %mul3A_715 = arith.constant 100000 : i32
    %mul3A_716 = arith.muli %add3A_30, %mul3A_715 : i32
    %add3A_717 = arith.addi %mul3A_716, %mul3A_335 : i32
    %add3A_718 = arith.constant 11200 : i32
    %add3A_719 = arith.addi %add3A_717, %add3A_718 : i32
    "tpu.region"() ({
      %run_scoped3A = tpu.sem_alloc : memref<!tpu.dma_semaphore, #tpu.memory_space<semaphore_mem>>
      %dma_start3A_1116 = arith.constant 0 : i32
      %dma_start3A_1117 = tpu.memref_slice %arg19[%dma_start3A_1116] : memref<1600xf32, #tpu.memory_space<vmem>> -> memref<1600xf32, #tpu.memory_space<vmem>>
      %dma_start3A_1118 = tpu.memref_slice %arg8[%add3A_719] : memref<800000xf32, #tpu.memory_space<hbm>> -> memref<1600xf32, #tpu.memory_space<hbm>>
      %dma_start3A_1119 = tpu.memref_slice %arg8[%add3A_719] : memref<800000xf32, #tpu.memory_space<hbm>> -> memref<1600xf32, #tpu.memory_space<hbm>>
      %dma_start3A_1120 = arith.constant 0 : i32
      %dma_start3A_1121 = tpu.memref_slice %arg19[%dma_start3A_1120] : memref<1600xf32, #tpu.memory_space<vmem>> -> memref<1600xf32, #tpu.memory_space<vmem>>
      tpu.enqueue_dma source(%dma_start3A_1121 : memref<1600xf32, #tpu.memory_space<vmem>>) target(%dma_start3A_1119 : memref<1600xf32, #tpu.memory_space<hbm>>) target_semaphore(%run_scoped3A : memref<!tpu.dma_semaphore, #tpu.memory_space<semaphore_mem>>)
      %dma_wait3A = arith.constant 0 : i32
      %dma_wait3A_1122 = tpu.memref_slice %arg19[%dma_wait3A] : memref<1600xf32, #tpu.memory_space<vmem>> -> memref<1600xf32, #tpu.memory_space<vmem>>
      %dma_wait3A_1123 = tpu.memref_slice %arg8[%add3A_719] : memref<800000xf32, #tpu.memory_space<hbm>> -> memref<1600xf32, #tpu.memory_space<hbm>>
      %dma_wait3A_1124 = tpu.memref_slice %arg8[%add3A_719] : memref<800000xf32, #tpu.memory_space<hbm>> -> memref<1600xf32, #tpu.memory_space<hbm>>
      %dma_wait3A_1125 = arith.constant 0 : i32
      %dma_wait3A_1126 = tpu.memref_slice %arg19[%dma_wait3A_1125] : memref<1600xf32, #tpu.memory_space<vmem>> -> memref<1600xf32, #tpu.memory_space<vmem>>
      tpu.wait_dma2 semaphore(%run_scoped3A : memref<!tpu.dma_semaphore, #tpu.memory_space<semaphore_mem>>) src(%dma_wait3A_1126 : memref<1600xf32, #tpu.memory_space<vmem>>) dst(%dma_wait3A_1124 : memref<1600xf32, #tpu.memory_space<hbm>>)
      tpu.yield
    }) : () -> ()
    %mul3A_720 = arith.constant 4 : i32
    %mul3A_721 = arith.muli %add3A_30, %mul3A_720 : i32
    %add3A_722 = arith.constant 0 : i32
    %add3A_723 = arith.addi %mul3A_721, %add3A_722 : i32
    %mul3A_724 = arith.constant 100000 : i32
    %mul3A_725 = arith.muli %add3A_723, %mul3A_724 : i32
    %add3A_726 = arith.addi %mul3A_725, %mul3A_335 : i32
    %add3A_727 = arith.constant 12800 : i32
    %add3A_728 = arith.addi %add3A_726, %add3A_727 : i32
    "tpu.region"() ({
      %run_scoped3A = tpu.sem_alloc : memref<!tpu.dma_semaphore, #tpu.memory_space<semaphore_mem>>
      %dma_start3A_1116 = arith.constant 0 : i32
      %dma_start3A_1117 = tpu.memref_slice %arg20[%dma_start3A_1116] : memref<6400xf32, #tpu.memory_space<vmem>> -> memref<1600xf32, #tpu.memory_space<vmem>>
      %dma_start3A_1118 = tpu.memref_slice %arg9[%add3A_728] : memref<3200000xf32, #tpu.memory_space<hbm>> -> memref<1600xf32, #tpu.memory_space<hbm>>
      %dma_start3A_1119 = arith.constant 0 : i32
      %dma_start3A_1120 = tpu.memref_slice %arg20[%dma_start3A_1119] : memref<6400xf32, #tpu.memory_space<vmem>> -> memref<1600xf32, #tpu.memory_space<vmem>>
      %dma_start3A_1121 = tpu.memref_slice %arg9[%add3A_728] : memref<3200000xf32, #tpu.memory_space<hbm>> -> memref<1600xf32, #tpu.memory_space<hbm>>
      tpu.enqueue_dma source(%dma_start3A_1121 : memref<1600xf32, #tpu.memory_space<hbm>>) target(%dma_start3A_1120 : memref<1600xf32, #tpu.memory_space<vmem>>) target_semaphore(%run_scoped3A : memref<!tpu.dma_semaphore, #tpu.memory_space<semaphore_mem>>)
      %dma_wait3A = arith.constant 0 : i32
      %dma_wait3A_1122 = tpu.memref_slice %arg20[%dma_wait3A] : memref<6400xf32, #tpu.memory_space<vmem>> -> memref<1600xf32, #tpu.memory_space<vmem>>
      %dma_wait3A_1123 = tpu.memref_slice %arg9[%add3A_728] : memref<3200000xf32, #tpu.memory_space<hbm>> -> memref<1600xf32, #tpu.memory_space<hbm>>
      %dma_wait3A_1124 = arith.constant 0 : i32
      %dma_wait3A_1125 = tpu.memref_slice %arg20[%dma_wait3A_1124] : memref<6400xf32, #tpu.memory_space<vmem>> -> memref<1600xf32, #tpu.memory_space<vmem>>
      %dma_wait3A_1126 = tpu.memref_slice %arg9[%add3A_728] : memref<3200000xf32, #tpu.memory_space<hbm>> -> memref<1600xf32, #tpu.memory_space<hbm>>
      tpu.wait_dma2 semaphore(%run_scoped3A : memref<!tpu.dma_semaphore, #tpu.memory_space<semaphore_mem>>) src(%dma_wait3A_1126 : memref<1600xf32, #tpu.memory_space<hbm>>) dst(%dma_wait3A_1125 : memref<1600xf32, #tpu.memory_space<vmem>>)
      tpu.yield
    }) : () -> ()
    %mul3A_729 = arith.constant 4 : i32
    %mul3A_730 = arith.muli %add3A_30, %mul3A_729 : i32
    %add3A_731 = arith.constant 1 : i32
    %add3A_732 = arith.addi %mul3A_730, %add3A_731 : i32
    %mul3A_733 = arith.constant 100000 : i32
    %mul3A_734 = arith.muli %add3A_732, %mul3A_733 : i32
    %add3A_735 = arith.addi %mul3A_734, %mul3A_335 : i32
    %add3A_736 = arith.constant 12800 : i32
    %add3A_737 = arith.addi %add3A_735, %add3A_736 : i32
    "tpu.region"() ({
      %run_scoped3A = tpu.sem_alloc : memref<!tpu.dma_semaphore, #tpu.memory_space<semaphore_mem>>
      %dma_start3A_1116 = arith.constant 1600 : i32
      %dma_start3A_1117 = tpu.memref_slice %arg20[%dma_start3A_1116] : memref<6400xf32, #tpu.memory_space<vmem>> -> memref<1600xf32, #tpu.memory_space<vmem>>
      %dma_start3A_1118 = tpu.memref_slice %arg9[%add3A_737] : memref<3200000xf32, #tpu.memory_space<hbm>> -> memref<1600xf32, #tpu.memory_space<hbm>>
      %dma_start3A_1119 = arith.constant 1600 : i32
      %dma_start3A_1120 = tpu.memref_slice %arg20[%dma_start3A_1119] : memref<6400xf32, #tpu.memory_space<vmem>> -> memref<1600xf32, #tpu.memory_space<vmem>>
      %dma_start3A_1121 = tpu.memref_slice %arg9[%add3A_737] : memref<3200000xf32, #tpu.memory_space<hbm>> -> memref<1600xf32, #tpu.memory_space<hbm>>
      tpu.enqueue_dma source(%dma_start3A_1121 : memref<1600xf32, #tpu.memory_space<hbm>>) target(%dma_start3A_1120 : memref<1600xf32, #tpu.memory_space<vmem>>) target_semaphore(%run_scoped3A : memref<!tpu.dma_semaphore, #tpu.memory_space<semaphore_mem>>)
      %dma_wait3A = arith.constant 1600 : i32
      %dma_wait3A_1122 = tpu.memref_slice %arg20[%dma_wait3A] : memref<6400xf32, #tpu.memory_space<vmem>> -> memref<1600xf32, #tpu.memory_space<vmem>>
      %dma_wait3A_1123 = tpu.memref_slice %arg9[%add3A_737] : memref<3200000xf32, #tpu.memory_space<hbm>> -> memref<1600xf32, #tpu.memory_space<hbm>>
      %dma_wait3A_1124 = arith.constant 1600 : i32
      %dma_wait3A_1125 = tpu.memref_slice %arg20[%dma_wait3A_1124] : memref<6400xf32, #tpu.memory_space<vmem>> -> memref<1600xf32, #tpu.memory_space<vmem>>
      %dma_wait3A_1126 = tpu.memref_slice %arg9[%add3A_737] : memref<3200000xf32, #tpu.memory_space<hbm>> -> memref<1600xf32, #tpu.memory_space<hbm>>
      tpu.wait_dma2 semaphore(%run_scoped3A : memref<!tpu.dma_semaphore, #tpu.memory_space<semaphore_mem>>) src(%dma_wait3A_1126 : memref<1600xf32, #tpu.memory_space<hbm>>) dst(%dma_wait3A_1125 : memref<1600xf32, #tpu.memory_space<vmem>>)
      tpu.yield
    }) : () -> ()
    %mul3A_738 = arith.constant 4 : i32
    %mul3A_739 = arith.muli %add3A_30, %mul3A_738 : i32
    %add3A_740 = arith.constant 2 : i32
    %add3A_741 = arith.addi %mul3A_739, %add3A_740 : i32
    %mul3A_742 = arith.constant 100000 : i32
    %mul3A_743 = arith.muli %add3A_741, %mul3A_742 : i32
    %add3A_744 = arith.addi %mul3A_743, %mul3A_335 : i32
    %add3A_745 = arith.constant 12800 : i32
    %add3A_746 = arith.addi %add3A_744, %add3A_745 : i32
    "tpu.region"() ({
      %run_scoped3A = tpu.sem_alloc : memref<!tpu.dma_semaphore, #tpu.memory_space<semaphore_mem>>
      %dma_start3A_1116 = arith.constant 3200 : i32
      %dma_start3A_1117 = tpu.memref_slice %arg20[%dma_start3A_1116] : memref<6400xf32, #tpu.memory_space<vmem>> -> memref<1600xf32, #tpu.memory_space<vmem>>
      %dma_start3A_1118 = tpu.memref_slice %arg9[%add3A_746] : memref<3200000xf32, #tpu.memory_space<hbm>> -> memref<1600xf32, #tpu.memory_space<hbm>>
      %dma_start3A_1119 = arith.constant 3200 : i32
      %dma_start3A_1120 = tpu.memref_slice %arg20[%dma_start3A_1119] : memref<6400xf32, #tpu.memory_space<vmem>> -> memref<1600xf32, #tpu.memory_space<vmem>>
      %dma_start3A_1121 = tpu.memref_slice %arg9[%add3A_746] : memref<3200000xf32, #tpu.memory_space<hbm>> -> memref<1600xf32, #tpu.memory_space<hbm>>
      tpu.enqueue_dma source(%dma_start3A_1121 : memref<1600xf32, #tpu.memory_space<hbm>>) target(%dma_start3A_1120 : memref<1600xf32, #tpu.memory_space<vmem>>) target_semaphore(%run_scoped3A : memref<!tpu.dma_semaphore, #tpu.memory_space<semaphore_mem>>)
      %dma_wait3A = arith.constant 3200 : i32
      %dma_wait3A_1122 = tpu.memref_slice %arg20[%dma_wait3A] : memref<6400xf32, #tpu.memory_space<vmem>> -> memref<1600xf32, #tpu.memory_space<vmem>>
      %dma_wait3A_1123 = tpu.memref_slice %arg9[%add3A_746] : memref<3200000xf32, #tpu.memory_space<hbm>> -> memref<1600xf32, #tpu.memory_space<hbm>>
      %dma_wait3A_1124 = arith.constant 3200 : i32
      %dma_wait3A_1125 = tpu.memref_slice %arg20[%dma_wait3A_1124] : memref<6400xf32, #tpu.memory_space<vmem>> -> memref<1600xf32, #tpu.memory_space<vmem>>
      %dma_wait3A_1126 = tpu.memref_slice %arg9[%add3A_746] : memref<3200000xf32, #tpu.memory_space<hbm>> -> memref<1600xf32, #tpu.memory_space<hbm>>
      tpu.wait_dma2 semaphore(%run_scoped3A : memref<!tpu.dma_semaphore, #tpu.memory_space<semaphore_mem>>) src(%dma_wait3A_1126 : memref<1600xf32, #tpu.memory_space<hbm>>) dst(%dma_wait3A_1125 : memref<1600xf32, #tpu.memory_space<vmem>>)
      tpu.yield
    }) : () -> ()
    %mul3A_747 = arith.constant 4 : i32
    %mul3A_748 = arith.muli %add3A_30, %mul3A_747 : i32
    %add3A_749 = arith.constant 3 : i32
    %add3A_750 = arith.addi %mul3A_748, %add3A_749 : i32
    %mul3A_751 = arith.constant 100000 : i32
    %mul3A_752 = arith.muli %add3A_750, %mul3A_751 : i32
    %add3A_753 = arith.addi %mul3A_752, %mul3A_335 : i32
    %add3A_754 = arith.constant 12800 : i32
    %add3A_755 = arith.addi %add3A_753, %add3A_754 : i32
    "tpu.region"() ({
      %run_scoped3A = tpu.sem_alloc : memref<!tpu.dma_semaphore, #tpu.memory_space<semaphore_mem>>
      %dma_start3A_1116 = arith.constant 4800 : i32
      %dma_start3A_1117 = tpu.memref_slice %arg20[%dma_start3A_1116] : memref<6400xf32, #tpu.memory_space<vmem>> -> memref<1600xf32, #tpu.memory_space<vmem>>
      %dma_start3A_1118 = tpu.memref_slice %arg9[%add3A_755] : memref<3200000xf32, #tpu.memory_space<hbm>> -> memref<1600xf32, #tpu.memory_space<hbm>>
      %dma_start3A_1119 = arith.constant 4800 : i32
      %dma_start3A_1120 = tpu.memref_slice %arg20[%dma_start3A_1119] : memref<6400xf32, #tpu.memory_space<vmem>> -> memref<1600xf32, #tpu.memory_space<vmem>>
      %dma_start3A_1121 = tpu.memref_slice %arg9[%add3A_755] : memref<3200000xf32, #tpu.memory_space<hbm>> -> memref<1600xf32, #tpu.memory_space<hbm>>
      tpu.enqueue_dma source(%dma_start3A_1121 : memref<1600xf32, #tpu.memory_space<hbm>>) target(%dma_start3A_1120 : memref<1600xf32, #tpu.memory_space<vmem>>) target_semaphore(%run_scoped3A : memref<!tpu.dma_semaphore, #tpu.memory_space<semaphore_mem>>)
      %dma_wait3A = arith.constant 4800 : i32
      %dma_wait3A_1122 = tpu.memref_slice %arg20[%dma_wait3A] : memref<6400xf32, #tpu.memory_space<vmem>> -> memref<1600xf32, #tpu.memory_space<vmem>>
      %dma_wait3A_1123 = tpu.memref_slice %arg9[%add3A_755] : memref<3200000xf32, #tpu.memory_space<hbm>> -> memref<1600xf32, #tpu.memory_space<hbm>>
      %dma_wait3A_1124 = arith.constant 4800 : i32
      %dma_wait3A_1125 = tpu.memref_slice %arg20[%dma_wait3A_1124] : memref<6400xf32, #tpu.memory_space<vmem>> -> memref<1600xf32, #tpu.memory_space<vmem>>
      %dma_wait3A_1126 = tpu.memref_slice %arg9[%add3A_755] : memref<3200000xf32, #tpu.memory_space<hbm>> -> memref<1600xf32, #tpu.memory_space<hbm>>
      tpu.wait_dma2 semaphore(%run_scoped3A : memref<!tpu.dma_semaphore, #tpu.memory_space<semaphore_mem>>) src(%dma_wait3A_1126 : memref<1600xf32, #tpu.memory_space<hbm>>) dst(%dma_wait3A_1125 : memref<1600xf32, #tpu.memory_space<vmem>>)
      tpu.yield
    }) : () -> ()
    %scan3A_756 = arith.constant 0 : i32
    %scan3A_757 = arith.constant 0 : i32
    %scan3A_758 = arith.constant 100 : i32
    %scan3A_759 = arith.addi %scan3A_757, %scan3A_758 : i32
    %scan3A_760 = arith.constant 1 : i32
    %scan3A_761 = scf.for %scan3A_1116 = %scan3A_757 to %scan3A_759 step %scan3A_760 iter_args(%scan3A_1117 = %scan3A_756) -> (i32)  : i32 {
      %mul3A_1118 = arith.constant 16 : i32
      %mul3A_1119 = arith.muli %scan3A_1116, %mul3A_1118 : i32
      %get3A_1120 = arith.index_cast %mul3A_1119 : i32 to index
      %get3A_1121 = tpu.vector_load %arg20[%get3A_1120] {strides = array<i32>} : memref<6400xf32, #tpu.memory_space<vmem>>, vector<16xf32>,
      %add3A_1122 = arith.constant 1600 : i32
      %add3A_1123 = arith.addi %add3A_1122, %mul3A_1119 : i32
      %get3A_1124 = arith.index_cast %add3A_1123 : i32 to index
      %get3A_1125 = tpu.vector_load %arg20[%get3A_1124] {strides = array<i32>} : memref<6400xf32, #tpu.memory_space<vmem>>, vector<16xf32>,
      %max3A_1126 = arith.maximumf %get3A_1121, %get3A_1125 : vector<16xf32>
      %add3A_1127 = arith.constant 3200 : i32
      %add3A_1128 = arith.addi %add3A_1127, %mul3A_1119 : i32
      %get3A_1129 = arith.index_cast %add3A_1128 : i32 to index
      %get3A_1130 = tpu.vector_load %arg20[%get3A_1129] {strides = array<i32>} : memref<6400xf32, #tpu.memory_space<vmem>>, vector<16xf32>,
      %add3A_1131 = arith.constant 4800 : i32
      %add3A_1132 = arith.addi %add3A_1131, %mul3A_1119 : i32
      %get3A_1133 = arith.index_cast %add3A_1132 : i32 to index
      %get3A_1134 = tpu.vector_load %arg20[%get3A_1133] {strides = array<i32>} : memref<6400xf32, #tpu.memory_space<vmem>>, vector<16xf32>,
      %max3A_1135 = arith.maximumf %get3A_1130, %get3A_1134 : vector<16xf32>
      %max3A_1136 = arith.maximumf %max3A_1126, %max3A_1135 : vector<16xf32>
      %swap3A_1137 = arith.index_cast %mul3A_1119 : i32 to index
      %swap3A_1138 = tpu.vector_load %arg19[%swap3A_1137] {strides = array<i32>} : memref<1600xf32, #tpu.memory_space<vmem>>, vector<16xf32>,
      tpu.vector_store %arg19[%swap3A_1137], %max3A_1136 {strides = array<i32>} : memref<1600xf32, #tpu.memory_space<vmem>>, vector<16xf32>,
      %scan3A_1139 = arith.constant 0 : i32
      scf.yield %scan3A_1139 : i32
    }
    %scan3A_762 = arith.constant 100 : i32
    %mul3A_763 = arith.constant 100000 : i32
    %mul3A_764 = arith.muli %add3A_30, %mul3A_763 : i32
    %add3A_765 = arith.addi %mul3A_764, %mul3A_335 : i32
    %add3A_766 = arith.constant 12800 : i32
    %add3A_767 = arith.addi %add3A_765, %add3A_766 : i32
    "tpu.region"() ({
      %run_scoped3A = tpu.sem_alloc : memref<!tpu.dma_semaphore, #tpu.memory_space<semaphore_mem>>
      %dma_start3A_1116 = arith.constant 0 : i32
      %dma_start3A_1117 = tpu.memref_slice %arg19[%dma_start3A_1116] : memref<1600xf32, #tpu.memory_space<vmem>> -> memref<1600xf32, #tpu.memory_space<vmem>>
      %dma_start3A_1118 = tpu.memref_slice %arg8[%add3A_767] : memref<800000xf32, #tpu.memory_space<hbm>> -> memref<1600xf32, #tpu.memory_space<hbm>>
      %dma_start3A_1119 = tpu.memref_slice %arg8[%add3A_767] : memref<800000xf32, #tpu.memory_space<hbm>> -> memref<1600xf32, #tpu.memory_space<hbm>>
      %dma_start3A_1120 = arith.constant 0 : i32
      %dma_start3A_1121 = tpu.memref_slice %arg19[%dma_start3A_1120] : memref<1600xf32, #tpu.memory_space<vmem>> -> memref<1600xf32, #tpu.memory_space<vmem>>
      tpu.enqueue_dma source(%dma_start3A_1121 : memref<1600xf32, #tpu.memory_space<vmem>>) target(%dma_start3A_1119 : memref<1600xf32, #tpu.memory_space<hbm>>) target_semaphore(%run_scoped3A : memref<!tpu.dma_semaphore, #tpu.memory_space<semaphore_mem>>)
      %dma_wait3A = arith.constant 0 : i32
      %dma_wait3A_1122 = tpu.memref_slice %arg19[%dma_wait3A] : memref<1600xf32, #tpu.memory_space<vmem>> -> memref<1600xf32, #tpu.memory_space<vmem>>
      %dma_wait3A_1123 = tpu.memref_slice %arg8[%add3A_767] : memref<800000xf32, #tpu.memory_space<hbm>> -> memref<1600xf32, #tpu.memory_space<hbm>>
      %dma_wait3A_1124 = tpu.memref_slice %arg8[%add3A_767] : memref<800000xf32, #tpu.memory_space<hbm>> -> memref<1600xf32, #tpu.memory_space<hbm>>
      %dma_wait3A_1125 = arith.constant 0 : i32
      %dma_wait3A_1126 = tpu.memref_slice %arg19[%dma_wait3A_1125] : memref<1600xf32, #tpu.memory_space<vmem>> -> memref<1600xf32, #tpu.memory_space<vmem>>
      tpu.wait_dma2 semaphore(%run_scoped3A : memref<!tpu.dma_semaphore, #tpu.memory_space<semaphore_mem>>) src(%dma_wait3A_1126 : memref<1600xf32, #tpu.memory_space<vmem>>) dst(%dma_wait3A_1124 : memref<1600xf32, #tpu.memory_space<hbm>>)
      tpu.yield
    }) : () -> ()
    %mul3A_768 = arith.constant 4 : i32
    %mul3A_769 = arith.muli %add3A_30, %mul3A_768 : i32
    %add3A_770 = arith.constant 0 : i32
    %add3A_771 = arith.addi %mul3A_769, %add3A_770 : i32
    %mul3A_772 = arith.constant 100000 : i32
    %mul3A_773 = arith.muli %add3A_771, %mul3A_772 : i32
    %add3A_774 = arith.addi %mul3A_773, %mul3A_335 : i32
    %add3A_775 = arith.constant 14400 : i32
    %add3A_776 = arith.addi %add3A_774, %add3A_775 : i32
    "tpu.region"() ({
      %run_scoped3A = tpu.sem_alloc : memref<!tpu.dma_semaphore, #tpu.memory_space<semaphore_mem>>
      %dma_start3A_1116 = arith.constant 0 : i32
      %dma_start3A_1117 = tpu.memref_slice %arg20[%dma_start3A_1116] : memref<6400xf32, #tpu.memory_space<vmem>> -> memref<1600xf32, #tpu.memory_space<vmem>>
      %dma_start3A_1118 = tpu.memref_slice %arg9[%add3A_776] : memref<3200000xf32, #tpu.memory_space<hbm>> -> memref<1600xf32, #tpu.memory_space<hbm>>
      %dma_start3A_1119 = arith.constant 0 : i32
      %dma_start3A_1120 = tpu.memref_slice %arg20[%dma_start3A_1119] : memref<6400xf32, #tpu.memory_space<vmem>> -> memref<1600xf32, #tpu.memory_space<vmem>>
      %dma_start3A_1121 = tpu.memref_slice %arg9[%add3A_776] : memref<3200000xf32, #tpu.memory_space<hbm>> -> memref<1600xf32, #tpu.memory_space<hbm>>
      tpu.enqueue_dma source(%dma_start3A_1121 : memref<1600xf32, #tpu.memory_space<hbm>>) target(%dma_start3A_1120 : memref<1600xf32, #tpu.memory_space<vmem>>) target_semaphore(%run_scoped3A : memref<!tpu.dma_semaphore, #tpu.memory_space<semaphore_mem>>)
      %dma_wait3A = arith.constant 0 : i32
      %dma_wait3A_1122 = tpu.memref_slice %arg20[%dma_wait3A] : memref<6400xf32, #tpu.memory_space<vmem>> -> memref<1600xf32, #tpu.memory_space<vmem>>
      %dma_wait3A_1123 = tpu.memref_slice %arg9[%add3A_776] : memref<3200000xf32, #tpu.memory_space<hbm>> -> memref<1600xf32, #tpu.memory_space<hbm>>
      %dma_wait3A_1124 = arith.constant 0 : i32
      %dma_wait3A_1125 = tpu.memref_slice %arg20[%dma_wait3A_1124] : memref<6400xf32, #tpu.memory_space<vmem>> -> memref<1600xf32, #tpu.memory_space<vmem>>
      %dma_wait3A_1126 = tpu.memref_slice %arg9[%add3A_776] : memref<3200000xf32, #tpu.memory_space<hbm>> -> memref<1600xf32, #tpu.memory_space<hbm>>
      tpu.wait_dma2 semaphore(%run_scoped3A : memref<!tpu.dma_semaphore, #tpu.memory_space<semaphore_mem>>) src(%dma_wait3A_1126 : memref<1600xf32, #tpu.memory_space<hbm>>) dst(%dma_wait3A_1125 : memref<1600xf32, #tpu.memory_space<vmem>>)
      tpu.yield
    }) : () -> ()
    %mul3A_777 = arith.constant 4 : i32
    %mul3A_778 = arith.muli %add3A_30, %mul3A_777 : i32
    %add3A_779 = arith.constant 1 : i32
    %add3A_780 = arith.addi %mul3A_778, %add3A_779 : i32
    %mul3A_781 = arith.constant 100000 : i32
    %mul3A_782 = arith.muli %add3A_780, %mul3A_781 : i32
    %add3A_783 = arith.addi %mul3A_782, %mul3A_335 : i32
    %add3A_784 = arith.constant 14400 : i32
    %add3A_785 = arith.addi %add3A_783, %add3A_784 : i32
    "tpu.region"() ({
      %run_scoped3A = tpu.sem_alloc : memref<!tpu.dma_semaphore, #tpu.memory_space<semaphore_mem>>
      %dma_start3A_1116 = arith.constant 1600 : i32
      %dma_start3A_1117 = tpu.memref_slice %arg20[%dma_start3A_1116] : memref<6400xf32, #tpu.memory_space<vmem>> -> memref<1600xf32, #tpu.memory_space<vmem>>
      %dma_start3A_1118 = tpu.memref_slice %arg9[%add3A_785] : memref<3200000xf32, #tpu.memory_space<hbm>> -> memref<1600xf32, #tpu.memory_space<hbm>>
      %dma_start3A_1119 = arith.constant 1600 : i32
      %dma_start3A_1120 = tpu.memref_slice %arg20[%dma_start3A_1119] : memref<6400xf32, #tpu.memory_space<vmem>> -> memref<1600xf32, #tpu.memory_space<vmem>>
      %dma_start3A_1121 = tpu.memref_slice %arg9[%add3A_785] : memref<3200000xf32, #tpu.memory_space<hbm>> -> memref<1600xf32, #tpu.memory_space<hbm>>
      tpu.enqueue_dma source(%dma_start3A_1121 : memref<1600xf32, #tpu.memory_space<hbm>>) target(%dma_start3A_1120 : memref<1600xf32, #tpu.memory_space<vmem>>) target_semaphore(%run_scoped3A : memref<!tpu.dma_semaphore, #tpu.memory_space<semaphore_mem>>)
      %dma_wait3A = arith.constant 1600 : i32
      %dma_wait3A_1122 = tpu.memref_slice %arg20[%dma_wait3A] : memref<6400xf32, #tpu.memory_space<vmem>> -> memref<1600xf32, #tpu.memory_space<vmem>>
      %dma_wait3A_1123 = tpu.memref_slice %arg9[%add3A_785] : memref<3200000xf32, #tpu.memory_space<hbm>> -> memref<1600xf32, #tpu.memory_space<hbm>>
      %dma_wait3A_1124 = arith.constant 1600 : i32
      %dma_wait3A_1125 = tpu.memref_slice %arg20[%dma_wait3A_1124] : memref<6400xf32, #tpu.memory_space<vmem>> -> memref<1600xf32, #tpu.memory_space<vmem>>
      %dma_wait3A_1126 = tpu.memref_slice %arg9[%add3A_785] : memref<3200000xf32, #tpu.memory_space<hbm>> -> memref<1600xf32, #tpu.memory_space<hbm>>
      tpu.wait_dma2 semaphore(%run_scoped3A : memref<!tpu.dma_semaphore, #tpu.memory_space<semaphore_mem>>) src(%dma_wait3A_1126 : memref<1600xf32, #tpu.memory_space<hbm>>) dst(%dma_wait3A_1125 : memref<1600xf32, #tpu.memory_space<vmem>>)
      tpu.yield
    }) : () -> ()
    %mul3A_786 = arith.constant 4 : i32
    %mul3A_787 = arith.muli %add3A_30, %mul3A_786 : i32
    %add3A_788 = arith.constant 2 : i32
    %add3A_789 = arith.addi %mul3A_787, %add3A_788 : i32
    %mul3A_790 = arith.constant 100000 : i32
    %mul3A_791 = arith.muli %add3A_789, %mul3A_790 : i32
    %add3A_792 = arith.addi %mul3A_791, %mul3A_335 : i32
    %add3A_793 = arith.constant 14400 : i32
    %add3A_794 = arith.addi %add3A_792, %add3A_793 : i32
    "tpu.region"() ({
      %run_scoped3A = tpu.sem_alloc : memref<!tpu.dma_semaphore, #tpu.memory_space<semaphore_mem>>
      %dma_start3A_1116 = arith.constant 3200 : i32
      %dma_start3A_1117 = tpu.memref_slice %arg20[%dma_start3A_1116] : memref<6400xf32, #tpu.memory_space<vmem>> -> memref<1600xf32, #tpu.memory_space<vmem>>
      %dma_start3A_1118 = tpu.memref_slice %arg9[%add3A_794] : memref<3200000xf32, #tpu.memory_space<hbm>> -> memref<1600xf32, #tpu.memory_space<hbm>>
      %dma_start3A_1119 = arith.constant 3200 : i32
      %dma_start3A_1120 = tpu.memref_slice %arg20[%dma_start3A_1119] : memref<6400xf32, #tpu.memory_space<vmem>> -> memref<1600xf32, #tpu.memory_space<vmem>>
      %dma_start3A_1121 = tpu.memref_slice %arg9[%add3A_794] : memref<3200000xf32, #tpu.memory_space<hbm>> -> memref<1600xf32, #tpu.memory_space<hbm>>
      tpu.enqueue_dma source(%dma_start3A_1121 : memref<1600xf32, #tpu.memory_space<hbm>>) target(%dma_start3A_1120 : memref<1600xf32, #tpu.memory_space<vmem>>) target_semaphore(%run_scoped3A : memref<!tpu.dma_semaphore, #tpu.memory_space<semaphore_mem>>)
      %dma_wait3A = arith.constant 3200 : i32
      %dma_wait3A_1122 = tpu.memref_slice %arg20[%dma_wait3A] : memref<6400xf32, #tpu.memory_space<vmem>> -> memref<1600xf32, #tpu.memory_space<vmem>>
      %dma_wait3A_1123 = tpu.memref_slice %arg9[%add3A_794] : memref<3200000xf32, #tpu.memory_space<hbm>> -> memref<1600xf32, #tpu.memory_space<hbm>>
      %dma_wait3A_1124 = arith.constant 3200 : i32
      %dma_wait3A_1125 = tpu.memref_slice %arg20[%dma_wait3A_1124] : memref<6400xf32, #tpu.memory_space<vmem>> -> memref<1600xf32, #tpu.memory_space<vmem>>
      %dma_wait3A_1126 = tpu.memref_slice %arg9[%add3A_794] : memref<3200000xf32, #tpu.memory_space<hbm>> -> memref<1600xf32, #tpu.memory_space<hbm>>
      tpu.wait_dma2 semaphore(%run_scoped3A : memref<!tpu.dma_semaphore, #tpu.memory_space<semaphore_mem>>) src(%dma_wait3A_1126 : memref<1600xf32, #tpu.memory_space<hbm>>) dst(%dma_wait3A_1125 : memref<1600xf32, #tpu.memory_space<vmem>>)
      tpu.yield
    }) : () -> ()
    %mul3A_795 = arith.constant 4 : i32
    %mul3A_796 = arith.muli %add3A_30, %mul3A_795 : i32
    %add3A_797 = arith.constant 3 : i32
    %add3A_798 = arith.addi %mul3A_796, %add3A_797 : i32
    %mul3A_799 = arith.constant 100000 : i32
    %mul3A_800 = arith.muli %add3A_798, %mul3A_799 : i32
    %add3A_801 = arith.addi %mul3A_800, %mul3A_335 : i32
    %add3A_802 = arith.constant 14400 : i32
    %add3A_803 = arith.addi %add3A_801, %add3A_802 : i32
    "tpu.region"() ({
      %run_scoped3A = tpu.sem_alloc : memref<!tpu.dma_semaphore, #tpu.memory_space<semaphore_mem>>
      %dma_start3A_1116 = arith.constant 4800 : i32
      %dma_start3A_1117 = tpu.memref_slice %arg20[%dma_start3A_1116] : memref<6400xf32, #tpu.memory_space<vmem>> -> memref<1600xf32, #tpu.memory_space<vmem>>
      %dma_start3A_1118 = tpu.memref_slice %arg9[%add3A_803] : memref<3200000xf32, #tpu.memory_space<hbm>> -> memref<1600xf32, #tpu.memory_space<hbm>>
      %dma_start3A_1119 = arith.constant 4800 : i32
      %dma_start3A_1120 = tpu.memref_slice %arg20[%dma_start3A_1119] : memref<6400xf32, #tpu.memory_space<vmem>> -> memref<1600xf32, #tpu.memory_space<vmem>>
      %dma_start3A_1121 = tpu.memref_slice %arg9[%add3A_803] : memref<3200000xf32, #tpu.memory_space<hbm>> -> memref<1600xf32, #tpu.memory_space<hbm>>
      tpu.enqueue_dma source(%dma_start3A_1121 : memref<1600xf32, #tpu.memory_space<hbm>>) target(%dma_start3A_1120 : memref<1600xf32, #tpu.memory_space<vmem>>) target_semaphore(%run_scoped3A : memref<!tpu.dma_semaphore, #tpu.memory_space<semaphore_mem>>)
      %dma_wait3A = arith.constant 4800 : i32
      %dma_wait3A_1122 = tpu.memref_slice %arg20[%dma_wait3A] : memref<6400xf32, #tpu.memory_space<vmem>> -> memref<1600xf32, #tpu.memory_space<vmem>>
      %dma_wait3A_1123 = tpu.memref_slice %arg9[%add3A_803] : memref<3200000xf32, #tpu.memory_space<hbm>> -> memref<1600xf32, #tpu.memory_space<hbm>>
      %dma_wait3A_1124 = arith.constant 4800 : i32
      %dma_wait3A_1125 = tpu.memref_slice %arg20[%dma_wait3A_1124] : memref<6400xf32, #tpu.memory_space<vmem>> -> memref<1600xf32, #tpu.memory_space<vmem>>
      %dma_wait3A_1126 = tpu.memref_slice %arg9[%add3A_803] : memref<3200000xf32, #tpu.memory_space<hbm>> -> memref<1600xf32, #tpu.memory_space<hbm>>
      tpu.wait_dma2 semaphore(%run_scoped3A : memref<!tpu.dma_semaphore, #tpu.memory_space<semaphore_mem>>) src(%dma_wait3A_1126 : memref<1600xf32, #tpu.memory_space<hbm>>) dst(%dma_wait3A_1125 : memref<1600xf32, #tpu.memory_space<vmem>>)
      tpu.yield
    }) : () -> ()
    %scan3A_804 = arith.constant 0 : i32
    %scan3A_805 = arith.constant 0 : i32
    %scan3A_806 = arith.constant 100 : i32
    %scan3A_807 = arith.addi %scan3A_805, %scan3A_806 : i32
    %scan3A_808 = arith.constant 1 : i32
    %scan3A_809 = scf.for %scan3A_1116 = %scan3A_805 to %scan3A_807 step %scan3A_808 iter_args(%scan3A_1117 = %scan3A_804) -> (i32)  : i32 {
      %mul3A_1118 = arith.constant 16 : i32
      %mul3A_1119 = arith.muli %scan3A_1116, %mul3A_1118 : i32
      %get3A_1120 = arith.index_cast %mul3A_1119 : i32 to index
      %get3A_1121 = tpu.vector_load %arg20[%get3A_1120] {strides = array<i32>} : memref<6400xf32, #tpu.memory_space<vmem>>, vector<16xf32>,
      %add3A_1122 = arith.constant 1600 : i32
      %add3A_1123 = arith.addi %add3A_1122, %mul3A_1119 : i32
      %get3A_1124 = arith.index_cast %add3A_1123 : i32 to index
      %get3A_1125 = tpu.vector_load %arg20[%get3A_1124] {strides = array<i32>} : memref<6400xf32, #tpu.memory_space<vmem>>, vector<16xf32>,
      %max3A_1126 = arith.maximumf %get3A_1121, %get3A_1125 : vector<16xf32>
      %add3A_1127 = arith.constant 3200 : i32
      %add3A_1128 = arith.addi %add3A_1127, %mul3A_1119 : i32
      %get3A_1129 = arith.index_cast %add3A_1128 : i32 to index
      %get3A_1130 = tpu.vector_load %arg20[%get3A_1129] {strides = array<i32>} : memref<6400xf32, #tpu.memory_space<vmem>>, vector<16xf32>,
      %add3A_1131 = arith.constant 4800 : i32
      %add3A_1132 = arith.addi %add3A_1131, %mul3A_1119 : i32
      %get3A_1133 = arith.index_cast %add3A_1132 : i32 to index
      %get3A_1134 = tpu.vector_load %arg20[%get3A_1133] {strides = array<i32>} : memref<6400xf32, #tpu.memory_space<vmem>>, vector<16xf32>,
      %max3A_1135 = arith.maximumf %get3A_1130, %get3A_1134 : vector<16xf32>
      %max3A_1136 = arith.maximumf %max3A_1126, %max3A_1135 : vector<16xf32>
      %swap3A_1137 = arith.index_cast %mul3A_1119 : i32 to index
      %swap3A_1138 = tpu.vector_load %arg19[%swap3A_1137] {strides = array<i32>} : memref<1600xf32, #tpu.memory_space<vmem>>, vector<16xf32>,
      tpu.vector_store %arg19[%swap3A_1137], %max3A_1136 {strides = array<i32>} : memref<1600xf32, #tpu.memory_space<vmem>>, vector<16xf32>,
      %scan3A_1139 = arith.constant 0 : i32
      scf.yield %scan3A_1139 : i32
    }
    %scan3A_810 = arith.constant 100 : i32
    %mul3A_811 = arith.constant 100000 : i32
    %mul3A_812 = arith.muli %add3A_30, %mul3A_811 : i32
    %add3A_813 = arith.addi %mul3A_812, %mul3A_335 : i32
    %add3A_814 = arith.constant 14400 : i32
    %add3A_815 = arith.addi %add3A_813, %add3A_814 : i32
    "tpu.region"() ({
      %run_scoped3A = tpu.sem_alloc : memref<!tpu.dma_semaphore, #tpu.memory_space<semaphore_mem>>
      %dma_start3A_1116 = arith.constant 0 : i32
      %dma_start3A_1117 = tpu.memref_slice %arg19[%dma_start3A_1116] : memref<1600xf32, #tpu.memory_space<vmem>> -> memref<1600xf32, #tpu.memory_space<vmem>>
      %dma_start3A_1118 = tpu.memref_slice %arg8[%add3A_815] : memref<800000xf32, #tpu.memory_space<hbm>> -> memref<1600xf32, #tpu.memory_space<hbm>>
      %dma_start3A_1119 = tpu.memref_slice %arg8[%add3A_815] : memref<800000xf32, #tpu.memory_space<hbm>> -> memref<1600xf32, #tpu.memory_space<hbm>>
      %dma_start3A_1120 = arith.constant 0 : i32
      %dma_start3A_1121 = tpu.memref_slice %arg19[%dma_start3A_1120] : memref<1600xf32, #tpu.memory_space<vmem>> -> memref<1600xf32, #tpu.memory_space<vmem>>
      tpu.enqueue_dma source(%dma_start3A_1121 : memref<1600xf32, #tpu.memory_space<vmem>>) target(%dma_start3A_1119 : memref<1600xf32, #tpu.memory_space<hbm>>) target_semaphore(%run_scoped3A : memref<!tpu.dma_semaphore, #tpu.memory_space<semaphore_mem>>)
      %dma_wait3A = arith.constant 0 : i32
      %dma_wait3A_1122 = tpu.memref_slice %arg19[%dma_wait3A] : memref<1600xf32, #tpu.memory_space<vmem>> -> memref<1600xf32, #tpu.memory_space<vmem>>
      %dma_wait3A_1123 = tpu.memref_slice %arg8[%add3A_815] : memref<800000xf32, #tpu.memory_space<hbm>> -> memref<1600xf32, #tpu.memory_space<hbm>>
      %dma_wait3A_1124 = tpu.memref_slice %arg8[%add3A_815] : memref<800000xf32, #tpu.memory_space<hbm>> -> memref<1600xf32, #tpu.memory_space<hbm>>
      %dma_wait3A_1125 = arith.constant 0 : i32
      %dma_wait3A_1126 = tpu.memref_slice %arg19[%dma_wait3A_1125] : memref<1600xf32, #tpu.memory_space<vmem>> -> memref<1600xf32, #tpu.memory_space<vmem>>
      tpu.wait_dma2 semaphore(%run_scoped3A : memref<!tpu.dma_semaphore, #tpu.memory_space<semaphore_mem>>) src(%dma_wait3A_1126 : memref<1600xf32, #tpu.memory_space<vmem>>) dst(%dma_wait3A_1124 : memref<1600xf32, #tpu.memory_space<hbm>>)
      tpu.yield
    }) : () -> ()
    %mul3A_816 = arith.constant 4 : i32
    %mul3A_817 = arith.muli %add3A_30, %mul3A_816 : i32
    %add3A_818 = arith.constant 0 : i32
    %add3A_819 = arith.addi %mul3A_817, %add3A_818 : i32
    %mul3A_820 = arith.constant 100000 : i32
    %mul3A_821 = arith.muli %add3A_819, %mul3A_820 : i32
    %add3A_822 = arith.addi %mul3A_821, %mul3A_335 : i32
    %add3A_823 = arith.constant 16000 : i32
    %add3A_824 = arith.addi %add3A_822, %add3A_823 : i32
    "tpu.region"() ({
      %run_scoped3A = tpu.sem_alloc : memref<!tpu.dma_semaphore, #tpu.memory_space<semaphore_mem>>
      %dma_start3A_1116 = arith.constant 0 : i32
      %dma_start3A_1117 = tpu.memref_slice %arg20[%dma_start3A_1116] : memref<6400xf32, #tpu.memory_space<vmem>> -> memref<1600xf32, #tpu.memory_space<vmem>>
      %dma_start3A_1118 = tpu.memref_slice %arg9[%add3A_824] : memref<3200000xf32, #tpu.memory_space<hbm>> -> memref<1600xf32, #tpu.memory_space<hbm>>
      %dma_start3A_1119 = arith.constant 0 : i32
      %dma_start3A_1120 = tpu.memref_slice %arg20[%dma_start3A_1119] : memref<6400xf32, #tpu.memory_space<vmem>> -> memref<1600xf32, #tpu.memory_space<vmem>>
      %dma_start3A_1121 = tpu.memref_slice %arg9[%add3A_824] : memref<3200000xf32, #tpu.memory_space<hbm>> -> memref<1600xf32, #tpu.memory_space<hbm>>
      tpu.enqueue_dma source(%dma_start3A_1121 : memref<1600xf32, #tpu.memory_space<hbm>>) target(%dma_start3A_1120 : memref<1600xf32, #tpu.memory_space<vmem>>) target_semaphore(%run_scoped3A : memref<!tpu.dma_semaphore, #tpu.memory_space<semaphore_mem>>)
      %dma_wait3A = arith.constant 0 : i32
      %dma_wait3A_1122 = tpu.memref_slice %arg20[%dma_wait3A] : memref<6400xf32, #tpu.memory_space<vmem>> -> memref<1600xf32, #tpu.memory_space<vmem>>
      %dma_wait3A_1123 = tpu.memref_slice %arg9[%add3A_824] : memref<3200000xf32, #tpu.memory_space<hbm>> -> memref<1600xf32, #tpu.memory_space<hbm>>
      %dma_wait3A_1124 = arith.constant 0 : i32
      %dma_wait3A_1125 = tpu.memref_slice %arg20[%dma_wait3A_1124] : memref<6400xf32, #tpu.memory_space<vmem>> -> memref<1600xf32, #tpu.memory_space<vmem>>
      %dma_wait3A_1126 = tpu.memref_slice %arg9[%add3A_824] : memref<3200000xf32, #tpu.memory_space<hbm>> -> memref<1600xf32, #tpu.memory_space<hbm>>
      tpu.wait_dma2 semaphore(%run_scoped3A : memref<!tpu.dma_semaphore, #tpu.memory_space<semaphore_mem>>) src(%dma_wait3A_1126 : memref<1600xf32, #tpu.memory_space<hbm>>) dst(%dma_wait3A_1125 : memref<1600xf32, #tpu.memory_space<vmem>>)
      tpu.yield
    }) : () -> ()
    %mul3A_825 = arith.constant 4 : i32
    %mul3A_826 = arith.muli %add3A_30, %mul3A_825 : i32
    %add3A_827 = arith.constant 1 : i32
    %add3A_828 = arith.addi %mul3A_826, %add3A_827 : i32
    %mul3A_829 = arith.constant 100000 : i32
    %mul3A_830 = arith.muli %add3A_828, %mul3A_829 : i32
    %add3A_831 = arith.addi %mul3A_830, %mul3A_335 : i32
    %add3A_832 = arith.constant 16000 : i32
    %add3A_833 = arith.addi %add3A_831, %add3A_832 : i32
    "tpu.region"() ({
      %run_scoped3A = tpu.sem_alloc : memref<!tpu.dma_semaphore, #tpu.memory_space<semaphore_mem>>
      %dma_start3A_1116 = arith.constant 1600 : i32
      %dma_start3A_1117 = tpu.memref_slice %arg20[%dma_start3A_1116] : memref<6400xf32, #tpu.memory_space<vmem>> -> memref<1600xf32, #tpu.memory_space<vmem>>
      %dma_start3A_1118 = tpu.memref_slice %arg9[%add3A_833] : memref<3200000xf32, #tpu.memory_space<hbm>> -> memref<1600xf32, #tpu.memory_space<hbm>>
      %dma_start3A_1119 = arith.constant 1600 : i32
      %dma_start3A_1120 = tpu.memref_slice %arg20[%dma_start3A_1119] : memref<6400xf32, #tpu.memory_space<vmem>> -> memref<1600xf32, #tpu.memory_space<vmem>>
      %dma_start3A_1121 = tpu.memref_slice %arg9[%add3A_833] : memref<3200000xf32, #tpu.memory_space<hbm>> -> memref<1600xf32, #tpu.memory_space<hbm>>
      tpu.enqueue_dma source(%dma_start3A_1121 : memref<1600xf32, #tpu.memory_space<hbm>>) target(%dma_start3A_1120 : memref<1600xf32, #tpu.memory_space<vmem>>) target_semaphore(%run_scoped3A : memref<!tpu.dma_semaphore, #tpu.memory_space<semaphore_mem>>)
      %dma_wait3A = arith.constant 1600 : i32
      %dma_wait3A_1122 = tpu.memref_slice %arg20[%dma_wait3A] : memref<6400xf32, #tpu.memory_space<vmem>> -> memref<1600xf32, #tpu.memory_space<vmem>>
      %dma_wait3A_1123 = tpu.memref_slice %arg9[%add3A_833] : memref<3200000xf32, #tpu.memory_space<hbm>> -> memref<1600xf32, #tpu.memory_space<hbm>>
      %dma_wait3A_1124 = arith.constant 1600 : i32
      %dma_wait3A_1125 = tpu.memref_slice %arg20[%dma_wait3A_1124] : memref<6400xf32, #tpu.memory_space<vmem>> -> memref<1600xf32, #tpu.memory_space<vmem>>
      %dma_wait3A_1126 = tpu.memref_slice %arg9[%add3A_833] : memref<3200000xf32, #tpu.memory_space<hbm>> -> memref<1600xf32, #tpu.memory_space<hbm>>
      tpu.wait_dma2 semaphore(%run_scoped3A : memref<!tpu.dma_semaphore, #tpu.memory_space<semaphore_mem>>) src(%dma_wait3A_1126 : memref<1600xf32, #tpu.memory_space<hbm>>) dst(%dma_wait3A_1125 : memref<1600xf32, #tpu.memory_space<vmem>>)
      tpu.yield
    }) : () -> ()
    %mul3A_834 = arith.constant 4 : i32
    %mul3A_835 = arith.muli %add3A_30, %mul3A_834 : i32
    %add3A_836 = arith.constant 2 : i32
    %add3A_837 = arith.addi %mul3A_835, %add3A_836 : i32
    %mul3A_838 = arith.constant 100000 : i32
    %mul3A_839 = arith.muli %add3A_837, %mul3A_838 : i32
    %add3A_840 = arith.addi %mul3A_839, %mul3A_335 : i32
    %add3A_841 = arith.constant 16000 : i32
    %add3A_842 = arith.addi %add3A_840, %add3A_841 : i32
    "tpu.region"() ({
      %run_scoped3A = tpu.sem_alloc : memref<!tpu.dma_semaphore, #tpu.memory_space<semaphore_mem>>
      %dma_start3A_1116 = arith.constant 3200 : i32
      %dma_start3A_1117 = tpu.memref_slice %arg20[%dma_start3A_1116] : memref<6400xf32, #tpu.memory_space<vmem>> -> memref<1600xf32, #tpu.memory_space<vmem>>
      %dma_start3A_1118 = tpu.memref_slice %arg9[%add3A_842] : memref<3200000xf32, #tpu.memory_space<hbm>> -> memref<1600xf32, #tpu.memory_space<hbm>>
      %dma_start3A_1119 = arith.constant 3200 : i32
      %dma_start3A_1120 = tpu.memref_slice %arg20[%dma_start3A_1119] : memref<6400xf32, #tpu.memory_space<vmem>> -> memref<1600xf32, #tpu.memory_space<vmem>>
      %dma_start3A_1121 = tpu.memref_slice %arg9[%add3A_842] : memref<3200000xf32, #tpu.memory_space<hbm>> -> memref<1600xf32, #tpu.memory_space<hbm>>
      tpu.enqueue_dma source(%dma_start3A_1121 : memref<1600xf32, #tpu.memory_space<hbm>>) target(%dma_start3A_1120 : memref<1600xf32, #tpu.memory_space<vmem>>) target_semaphore(%run_scoped3A : memref<!tpu.dma_semaphore, #tpu.memory_space<semaphore_mem>>)
      %dma_wait3A = arith.constant 3200 : i32
      %dma_wait3A_1122 = tpu.memref_slice %arg20[%dma_wait3A] : memref<6400xf32, #tpu.memory_space<vmem>> -> memref<1600xf32, #tpu.memory_space<vmem>>
      %dma_wait3A_1123 = tpu.memref_slice %arg9[%add3A_842] : memref<3200000xf32, #tpu.memory_space<hbm>> -> memref<1600xf32, #tpu.memory_space<hbm>>
      %dma_wait3A_1124 = arith.constant 3200 : i32
      %dma_wait3A_1125 = tpu.memref_slice %arg20[%dma_wait3A_1124] : memref<6400xf32, #tpu.memory_space<vmem>> -> memref<1600xf32, #tpu.memory_space<vmem>>
      %dma_wait3A_1126 = tpu.memref_slice %arg9[%add3A_842] : memref<3200000xf32, #tpu.memory_space<hbm>> -> memref<1600xf32, #tpu.memory_space<hbm>>
      tpu.wait_dma2 semaphore(%run_scoped3A : memref<!tpu.dma_semaphore, #tpu.memory_space<semaphore_mem>>) src(%dma_wait3A_1126 : memref<1600xf32, #tpu.memory_space<hbm>>) dst(%dma_wait3A_1125 : memref<1600xf32, #tpu.memory_space<vmem>>)
      tpu.yield
    }) : () -> ()
    %mul3A_843 = arith.constant 4 : i32
    %mul3A_844 = arith.muli %add3A_30, %mul3A_843 : i32
    %add3A_845 = arith.constant 3 : i32
    %add3A_846 = arith.addi %mul3A_844, %add3A_845 : i32
    %mul3A_847 = arith.constant 100000 : i32
    %mul3A_848 = arith.muli %add3A_846, %mul3A_847 : i32
    %add3A_849 = arith.addi %mul3A_848, %mul3A_335 : i32
    %add3A_850 = arith.constant 16000 : i32
    %add3A_851 = arith.addi %add3A_849, %add3A_850 : i32
    "tpu.region"() ({
      %run_scoped3A = tpu.sem_alloc : memref<!tpu.dma_semaphore, #tpu.memory_space<semaphore_mem>>
      %dma_start3A_1116 = arith.constant 4800 : i32
      %dma_start3A_1117 = tpu.memref_slice %arg20[%dma_start3A_1116] : memref<6400xf32, #tpu.memory_space<vmem>> -> memref<1600xf32, #tpu.memory_space<vmem>>
      %dma_start3A_1118 = tpu.memref_slice %arg9[%add3A_851] : memref<3200000xf32, #tpu.memory_space<hbm>> -> memref<1600xf32, #tpu.memory_space<hbm>>
      %dma_start3A_1119 = arith.constant 4800 : i32
      %dma_start3A_1120 = tpu.memref_slice %arg20[%dma_start3A_1119] : memref<6400xf32, #tpu.memory_space<vmem>> -> memref<1600xf32, #tpu.memory_space<vmem>>
      %dma_start3A_1121 = tpu.memref_slice %arg9[%add3A_851] : memref<3200000xf32, #tpu.memory_space<hbm>> -> memref<1600xf32, #tpu.memory_space<hbm>>
      tpu.enqueue_dma source(%dma_start3A_1121 : memref<1600xf32, #tpu.memory_space<hbm>>) target(%dma_start3A_1120 : memref<1600xf32, #tpu.memory_space<vmem>>) target_semaphore(%run_scoped3A : memref<!tpu.dma_semaphore, #tpu.memory_space<semaphore_mem>>)
      %dma_wait3A = arith.constant 4800 : i32
      %dma_wait3A_1122 = tpu.memref_slice %arg20[%dma_wait3A] : memref<6400xf32, #tpu.memory_space<vmem>> -> memref<1600xf32, #tpu.memory_space<vmem>>
      %dma_wait3A_1123 = tpu.memref_slice %arg9[%add3A_851] : memref<3200000xf32, #tpu.memory_space<hbm>> -> memref<1600xf32, #tpu.memory_space<hbm>>
      %dma_wait3A_1124 = arith.constant 4800 : i32
      %dma_wait3A_1125 = tpu.memref_slice %arg20[%dma_wait3A_1124] : memref<6400xf32, #tpu.memory_space<vmem>> -> memref<1600xf32, #tpu.memory_space<vmem>>
      %dma_wait3A_1126 = tpu.memref_slice %arg9[%add3A_851] : memref<3200000xf32, #tpu.memory_space<hbm>> -> memref<1600xf32, #tpu.memory_space<hbm>>
      tpu.wait_dma2 semaphore(%run_scoped3A : memref<!tpu.dma_semaphore, #tpu.memory_space<semaphore_mem>>) src(%dma_wait3A_1126 : memref<1600xf32, #tpu.memory_space<hbm>>) dst(%dma_wait3A_1125 : memref<1600xf32, #tpu.memory_space<vmem>>)
      tpu.yield
    }) : () -> ()
    %scan3A_852 = arith.constant 0 : i32
    %scan3A_853 = arith.constant 0 : i32
    %scan3A_854 = arith.constant 100 : i32
    %scan3A_855 = arith.addi %scan3A_853, %scan3A_854 : i32
    %scan3A_856 = arith.constant 1 : i32
    %scan3A_857 = scf.for %scan3A_1116 = %scan3A_853 to %scan3A_855 step %scan3A_856 iter_args(%scan3A_1117 = %scan3A_852) -> (i32)  : i32 {
      %mul3A_1118 = arith.constant 16 : i32
      %mul3A_1119 = arith.muli %scan3A_1116, %mul3A_1118 : i32
      %get3A_1120 = arith.index_cast %mul3A_1119 : i32 to index
      %get3A_1121 = tpu.vector_load %arg20[%get3A_1120] {strides = array<i32>} : memref<6400xf32, #tpu.memory_space<vmem>>, vector<16xf32>,
      %add3A_1122 = arith.constant 1600 : i32
      %add3A_1123 = arith.addi %add3A_1122, %mul3A_1119 : i32
      %get3A_1124 = arith.index_cast %add3A_1123 : i32 to index
      %get3A_1125 = tpu.vector_load %arg20[%get3A_1124] {strides = array<i32>} : memref<6400xf32, #tpu.memory_space<vmem>>, vector<16xf32>,
      %max3A_1126 = arith.maximumf %get3A_1121, %get3A_1125 : vector<16xf32>
      %add3A_1127 = arith.constant 3200 : i32
      %add3A_1128 = arith.addi %add3A_1127, %mul3A_1119 : i32
      %get3A_1129 = arith.index_cast %add3A_1128 : i32 to index
      %get3A_1130 = tpu.vector_load %arg20[%get3A_1129] {strides = array<i32>} : memref<6400xf32, #tpu.memory_space<vmem>>, vector<16xf32>,
      %add3A_1131 = arith.constant 4800 : i32
      %add3A_1132 = arith.addi %add3A_1131, %mul3A_1119 : i32
      %get3A_1133 = arith.index_cast %add3A_1132 : i32 to index
      %get3A_1134 = tpu.vector_load %arg20[%get3A_1133] {strides = array<i32>} : memref<6400xf32, #tpu.memory_space<vmem>>, vector<16xf32>,
      %max3A_1135 = arith.maximumf %get3A_1130, %get3A_1134 : vector<16xf32>
      %max3A_1136 = arith.maximumf %max3A_1126, %max3A_1135 : vector<16xf32>
      %swap3A_1137 = arith.index_cast %mul3A_1119 : i32 to index
      %swap3A_1138 = tpu.vector_load %arg19[%swap3A_1137] {strides = array<i32>} : memref<1600xf32, #tpu.memory_space<vmem>>, vector<16xf32>,
      tpu.vector_store %arg19[%swap3A_1137], %max3A_1136 {strides = array<i32>} : memref<1600xf32, #tpu.memory_space<vmem>>, vector<16xf32>,
      %scan3A_1139 = arith.constant 0 : i32
      scf.yield %scan3A_1139 : i32
    }
    %scan3A_858 = arith.constant 100 : i32
    %mul3A_859 = arith.constant 100000 : i32
    %mul3A_860 = arith.muli %add3A_30, %mul3A_859 : i32
    %add3A_861 = arith.addi %mul3A_860, %mul3A_335 : i32
    %add3A_862 = arith.constant 16000 : i32
    %add3A_863 = arith.addi %add3A_861, %add3A_862 : i32
    "tpu.region"() ({
      %run_scoped3A = tpu.sem_alloc : memref<!tpu.dma_semaphore, #tpu.memory_space<semaphore_mem>>
      %dma_start3A_1116 = arith.constant 0 : i32
      %dma_start3A_1117 = tpu.memref_slice %arg19[%dma_start3A_1116] : memref<1600xf32, #tpu.memory_space<vmem>> -> memref<1600xf32, #tpu.memory_space<vmem>>
      %dma_start3A_1118 = tpu.memref_slice %arg8[%add3A_863] : memref<800000xf32, #tpu.memory_space<hbm>> -> memref<1600xf32, #tpu.memory_space<hbm>>
      %dma_start3A_1119 = tpu.memref_slice %arg8[%add3A_863] : memref<800000xf32, #tpu.memory_space<hbm>> -> memref<1600xf32, #tpu.memory_space<hbm>>
      %dma_start3A_1120 = arith.constant 0 : i32
      %dma_start3A_1121 = tpu.memref_slice %arg19[%dma_start3A_1120] : memref<1600xf32, #tpu.memory_space<vmem>> -> memref<1600xf32, #tpu.memory_space<vmem>>
      tpu.enqueue_dma source(%dma_start3A_1121 : memref<1600xf32, #tpu.memory_space<vmem>>) target(%dma_start3A_1119 : memref<1600xf32, #tpu.memory_space<hbm>>) target_semaphore(%run_scoped3A : memref<!tpu.dma_semaphore, #tpu.memory_space<semaphore_mem>>)
      %dma_wait3A = arith.constant 0 : i32
      %dma_wait3A_1122 = tpu.memref_slice %arg19[%dma_wait3A] : memref<1600xf32, #tpu.memory_space<vmem>> -> memref<1600xf32, #tpu.memory_space<vmem>>
      %dma_wait3A_1123 = tpu.memref_slice %arg8[%add3A_863] : memref<800000xf32, #tpu.memory_space<hbm>> -> memref<1600xf32, #tpu.memory_space<hbm>>
      %dma_wait3A_1124 = tpu.memref_slice %arg8[%add3A_863] : memref<800000xf32, #tpu.memory_space<hbm>> -> memref<1600xf32, #tpu.memory_space<hbm>>
      %dma_wait3A_1125 = arith.constant 0 : i32
      %dma_wait3A_1126 = tpu.memref_slice %arg19[%dma_wait3A_1125] : memref<1600xf32, #tpu.memory_space<vmem>> -> memref<1600xf32, #tpu.memory_space<vmem>>
      tpu.wait_dma2 semaphore(%run_scoped3A : memref<!tpu.dma_semaphore, #tpu.memory_space<semaphore_mem>>) src(%dma_wait3A_1126 : memref<1600xf32, #tpu.memory_space<vmem>>) dst(%dma_wait3A_1124 : memref<1600xf32, #tpu.memory_space<hbm>>)
      tpu.yield
    }) : () -> ()
    %mul3A_864 = arith.constant 4 : i32
    %mul3A_865 = arith.muli %add3A_30, %mul3A_864 : i32
    %add3A_866 = arith.constant 0 : i32
    %add3A_867 = arith.addi %mul3A_865, %add3A_866 : i32
    %mul3A_868 = arith.constant 100000 : i32
    %mul3A_869 = arith.muli %add3A_867, %mul3A_868 : i32
    %add3A_870 = arith.addi %mul3A_869, %mul3A_335 : i32
    %add3A_871 = arith.constant 17600 : i32
    %add3A_872 = arith.addi %add3A_870, %add3A_871 : i32
    "tpu.region"() ({
      %run_scoped3A = tpu.sem_alloc : memref<!tpu.dma_semaphore, #tpu.memory_space<semaphore_mem>>
      %dma_start3A_1116 = arith.constant 0 : i32
      %dma_start3A_1117 = tpu.memref_slice %arg20[%dma_start3A_1116] : memref<6400xf32, #tpu.memory_space<vmem>> -> memref<1600xf32, #tpu.memory_space<vmem>>
      %dma_start3A_1118 = tpu.memref_slice %arg9[%add3A_872] : memref<3200000xf32, #tpu.memory_space<hbm>> -> memref<1600xf32, #tpu.memory_space<hbm>>
      %dma_start3A_1119 = arith.constant 0 : i32
      %dma_start3A_1120 = tpu.memref_slice %arg20[%dma_start3A_1119] : memref<6400xf32, #tpu.memory_space<vmem>> -> memref<1600xf32, #tpu.memory_space<vmem>>
      %dma_start3A_1121 = tpu.memref_slice %arg9[%add3A_872] : memref<3200000xf32, #tpu.memory_space<hbm>> -> memref<1600xf32, #tpu.memory_space<hbm>>
      tpu.enqueue_dma source(%dma_start3A_1121 : memref<1600xf32, #tpu.memory_space<hbm>>) target(%dma_start3A_1120 : memref<1600xf32, #tpu.memory_space<vmem>>) target_semaphore(%run_scoped3A : memref<!tpu.dma_semaphore, #tpu.memory_space<semaphore_mem>>)
      %dma_wait3A = arith.constant 0 : i32
      %dma_wait3A_1122 = tpu.memref_slice %arg20[%dma_wait3A] : memref<6400xf32, #tpu.memory_space<vmem>> -> memref<1600xf32, #tpu.memory_space<vmem>>
      %dma_wait3A_1123 = tpu.memref_slice %arg9[%add3A_872] : memref<3200000xf32, #tpu.memory_space<hbm>> -> memref<1600xf32, #tpu.memory_space<hbm>>
      %dma_wait3A_1124 = arith.constant 0 : i32
      %dma_wait3A_1125 = tpu.memref_slice %arg20[%dma_wait3A_1124] : memref<6400xf32, #tpu.memory_space<vmem>> -> memref<1600xf32, #tpu.memory_space<vmem>>
      %dma_wait3A_1126 = tpu.memref_slice %arg9[%add3A_872] : memref<3200000xf32, #tpu.memory_space<hbm>> -> memref<1600xf32, #tpu.memory_space<hbm>>
      tpu.wait_dma2 semaphore(%run_scoped3A : memref<!tpu.dma_semaphore, #tpu.memory_space<semaphore_mem>>) src(%dma_wait3A_1126 : memref<1600xf32, #tpu.memory_space<hbm>>) dst(%dma_wait3A_1125 : memref<1600xf32, #tpu.memory_space<vmem>>)
      tpu.yield
    }) : () -> ()
    %mul3A_873 = arith.constant 4 : i32
    %mul3A_874 = arith.muli %add3A_30, %mul3A_873 : i32
    %add3A_875 = arith.constant 1 : i32
    %add3A_876 = arith.addi %mul3A_874, %add3A_875 : i32
    %mul3A_877 = arith.constant 100000 : i32
    %mul3A_878 = arith.muli %add3A_876, %mul3A_877 : i32
    %add3A_879 = arith.addi %mul3A_878, %mul3A_335 : i32
    %add3A_880 = arith.constant 17600 : i32
    %add3A_881 = arith.addi %add3A_879, %add3A_880 : i32
    "tpu.region"() ({
      %run_scoped3A = tpu.sem_alloc : memref<!tpu.dma_semaphore, #tpu.memory_space<semaphore_mem>>
      %dma_start3A_1116 = arith.constant 1600 : i32
      %dma_start3A_1117 = tpu.memref_slice %arg20[%dma_start3A_1116] : memref<6400xf32, #tpu.memory_space<vmem>> -> memref<1600xf32, #tpu.memory_space<vmem>>
      %dma_start3A_1118 = tpu.memref_slice %arg9[%add3A_881] : memref<3200000xf32, #tpu.memory_space<hbm>> -> memref<1600xf32, #tpu.memory_space<hbm>>
      %dma_start3A_1119 = arith.constant 1600 : i32
      %dma_start3A_1120 = tpu.memref_slice %arg20[%dma_start3A_1119] : memref<6400xf32, #tpu.memory_space<vmem>> -> memref<1600xf32, #tpu.memory_space<vmem>>
      %dma_start3A_1121 = tpu.memref_slice %arg9[%add3A_881] : memref<3200000xf32, #tpu.memory_space<hbm>> -> memref<1600xf32, #tpu.memory_space<hbm>>
      tpu.enqueue_dma source(%dma_start3A_1121 : memref<1600xf32, #tpu.memory_space<hbm>>) target(%dma_start3A_1120 : memref<1600xf32, #tpu.memory_space<vmem>>) target_semaphore(%run_scoped3A : memref<!tpu.dma_semaphore, #tpu.memory_space<semaphore_mem>>)
      %dma_wait3A = arith.constant 1600 : i32
      %dma_wait3A_1122 = tpu.memref_slice %arg20[%dma_wait3A] : memref<6400xf32, #tpu.memory_space<vmem>> -> memref<1600xf32, #tpu.memory_space<vmem>>
      %dma_wait3A_1123 = tpu.memref_slice %arg9[%add3A_881] : memref<3200000xf32, #tpu.memory_space<hbm>> -> memref<1600xf32, #tpu.memory_space<hbm>>
      %dma_wait3A_1124 = arith.constant 1600 : i32
      %dma_wait3A_1125 = tpu.memref_slice %arg20[%dma_wait3A_1124] : memref<6400xf32, #tpu.memory_space<vmem>> -> memref<1600xf32, #tpu.memory_space<vmem>>
      %dma_wait3A_1126 = tpu.memref_slice %arg9[%add3A_881] : memref<3200000xf32, #tpu.memory_space<hbm>> -> memref<1600xf32, #tpu.memory_space<hbm>>
      tpu.wait_dma2 semaphore(%run_scoped3A : memref<!tpu.dma_semaphore, #tpu.memory_space<semaphore_mem>>) src(%dma_wait3A_1126 : memref<1600xf32, #tpu.memory_space<hbm>>) dst(%dma_wait3A_1125 : memref<1600xf32, #tpu.memory_space<vmem>>)
      tpu.yield
    }) : () -> ()
    %mul3A_882 = arith.constant 4 : i32
    %mul3A_883 = arith.muli %add3A_30, %mul3A_882 : i32
    %add3A_884 = arith.constant 2 : i32
    %add3A_885 = arith.addi %mul3A_883, %add3A_884 : i32
    %mul3A_886 = arith.constant 100000 : i32
    %mul3A_887 = arith.muli %add3A_885, %mul3A_886 : i32
    %add3A_888 = arith.addi %mul3A_887, %mul3A_335 : i32
    %add3A_889 = arith.constant 17600 : i32
    %add3A_890 = arith.addi %add3A_888, %add3A_889 : i32
    "tpu.region"() ({
      %run_scoped3A = tpu.sem_alloc : memref<!tpu.dma_semaphore, #tpu.memory_space<semaphore_mem>>
      %dma_start3A_1116 = arith.constant 3200 : i32
      %dma_start3A_1117 = tpu.memref_slice %arg20[%dma_start3A_1116] : memref<6400xf32, #tpu.memory_space<vmem>> -> memref<1600xf32, #tpu.memory_space<vmem>>
      %dma_start3A_1118 = tpu.memref_slice %arg9[%add3A_890] : memref<3200000xf32, #tpu.memory_space<hbm>> -> memref<1600xf32, #tpu.memory_space<hbm>>
      %dma_start3A_1119 = arith.constant 3200 : i32
      %dma_start3A_1120 = tpu.memref_slice %arg20[%dma_start3A_1119] : memref<6400xf32, #tpu.memory_space<vmem>> -> memref<1600xf32, #tpu.memory_space<vmem>>
      %dma_start3A_1121 = tpu.memref_slice %arg9[%add3A_890] : memref<3200000xf32, #tpu.memory_space<hbm>> -> memref<1600xf32, #tpu.memory_space<hbm>>
      tpu.enqueue_dma source(%dma_start3A_1121 : memref<1600xf32, #tpu.memory_space<hbm>>) target(%dma_start3A_1120 : memref<1600xf32, #tpu.memory_space<vmem>>) target_semaphore(%run_scoped3A : memref<!tpu.dma_semaphore, #tpu.memory_space<semaphore_mem>>)
      %dma_wait3A = arith.constant 3200 : i32
      %dma_wait3A_1122 = tpu.memref_slice %arg20[%dma_wait3A] : memref<6400xf32, #tpu.memory_space<vmem>> -> memref<1600xf32, #tpu.memory_space<vmem>>
      %dma_wait3A_1123 = tpu.memref_slice %arg9[%add3A_890] : memref<3200000xf32, #tpu.memory_space<hbm>> -> memref<1600xf32, #tpu.memory_space<hbm>>
      %dma_wait3A_1124 = arith.constant 3200 : i32
      %dma_wait3A_1125 = tpu.memref_slice %arg20[%dma_wait3A_1124] : memref<6400xf32, #tpu.memory_space<vmem>> -> memref<1600xf32, #tpu.memory_space<vmem>>
      %dma_wait3A_1126 = tpu.memref_slice %arg9[%add3A_890] : memref<3200000xf32, #tpu.memory_space<hbm>> -> memref<1600xf32, #tpu.memory_space<hbm>>
      tpu.wait_dma2 semaphore(%run_scoped3A : memref<!tpu.dma_semaphore, #tpu.memory_space<semaphore_mem>>) src(%dma_wait3A_1126 : memref<1600xf32, #tpu.memory_space<hbm>>) dst(%dma_wait3A_1125 : memref<1600xf32, #tpu.memory_space<vmem>>)
      tpu.yield
    }) : () -> ()
    %mul3A_891 = arith.constant 4 : i32
    %mul3A_892 = arith.muli %add3A_30, %mul3A_891 : i32
    %add3A_893 = arith.constant 3 : i32
    %add3A_894 = arith.addi %mul3A_892, %add3A_893 : i32
    %mul3A_895 = arith.constant 100000 : i32
    %mul3A_896 = arith.muli %add3A_894, %mul3A_895 : i32
    %add3A_897 = arith.addi %mul3A_896, %mul3A_335 : i32
    %add3A_898 = arith.constant 17600 : i32
    %add3A_899 = arith.addi %add3A_897, %add3A_898 : i32
    "tpu.region"() ({
      %run_scoped3A = tpu.sem_alloc : memref<!tpu.dma_semaphore, #tpu.memory_space<semaphore_mem>>
      %dma_start3A_1116 = arith.constant 4800 : i32
      %dma_start3A_1117 = tpu.memref_slice %arg20[%dma_start3A_1116] : memref<6400xf32, #tpu.memory_space<vmem>> -> memref<1600xf32, #tpu.memory_space<vmem>>
      %dma_start3A_1118 = tpu.memref_slice %arg9[%add3A_899] : memref<3200000xf32, #tpu.memory_space<hbm>> -> memref<1600xf32, #tpu.memory_space<hbm>>
      %dma_start3A_1119 = arith.constant 4800 : i32
      %dma_start3A_1120 = tpu.memref_slice %arg20[%dma_start3A_1119] : memref<6400xf32, #tpu.memory_space<vmem>> -> memref<1600xf32, #tpu.memory_space<vmem>>
      %dma_start3A_1121 = tpu.memref_slice %arg9[%add3A_899] : memref<3200000xf32, #tpu.memory_space<hbm>> -> memref<1600xf32, #tpu.memory_space<hbm>>
      tpu.enqueue_dma source(%dma_start3A_1121 : memref<1600xf32, #tpu.memory_space<hbm>>) target(%dma_start3A_1120 : memref<1600xf32, #tpu.memory_space<vmem>>) target_semaphore(%run_scoped3A : memref<!tpu.dma_semaphore, #tpu.memory_space<semaphore_mem>>)
      %dma_wait3A = arith.constant 4800 : i32
      %dma_wait3A_1122 = tpu.memref_slice %arg20[%dma_wait3A] : memref<6400xf32, #tpu.memory_space<vmem>> -> memref<1600xf32, #tpu.memory_space<vmem>>
      %dma_wait3A_1123 = tpu.memref_slice %arg9[%add3A_899] : memref<3200000xf32, #tpu.memory_space<hbm>> -> memref<1600xf32, #tpu.memory_space<hbm>>
      %dma_wait3A_1124 = arith.constant 4800 : i32
      %dma_wait3A_1125 = tpu.memref_slice %arg20[%dma_wait3A_1124] : memref<6400xf32, #tpu.memory_space<vmem>> -> memref<1600xf32, #tpu.memory_space<vmem>>
      %dma_wait3A_1126 = tpu.memref_slice %arg9[%add3A_899] : memref<3200000xf32, #tpu.memory_space<hbm>> -> memref<1600xf32, #tpu.memory_space<hbm>>
      tpu.wait_dma2 semaphore(%run_scoped3A : memref<!tpu.dma_semaphore, #tpu.memory_space<semaphore_mem>>) src(%dma_wait3A_1126 : memref<1600xf32, #tpu.memory_space<hbm>>) dst(%dma_wait3A_1125 : memref<1600xf32, #tpu.memory_space<vmem>>)
      tpu.yield
    }) : () -> ()
    %scan3A_900 = arith.constant 0 : i32
    %scan3A_901 = arith.constant 0 : i32
    %scan3A_902 = arith.constant 100 : i32
    %scan3A_903 = arith.addi %scan3A_901, %scan3A_902 : i32
    %scan3A_904 = arith.constant 1 : i32
    %scan3A_905 = scf.for %scan3A_1116 = %scan3A_901 to %scan3A_903 step %scan3A_904 iter_args(%scan3A_1117 = %scan3A_900) -> (i32)  : i32 {
      %mul3A_1118 = arith.constant 16 : i32
      %mul3A_1119 = arith.muli %scan3A_1116, %mul3A_1118 : i32
      %get3A_1120 = arith.index_cast %mul3A_1119 : i32 to index
      %get3A_1121 = tpu.vector_load %arg20[%get3A_1120] {strides = array<i32>} : memref<6400xf32, #tpu.memory_space<vmem>>, vector<16xf32>,
      %add3A_1122 = arith.constant 1600 : i32
      %add3A_1123 = arith.addi %add3A_1122, %mul3A_1119 : i32
      %get3A_1124 = arith.index_cast %add3A_1123 : i32 to index
      %get3A_1125 = tpu.vector_load %arg20[%get3A_1124] {strides = array<i32>} : memref<6400xf32, #tpu.memory_space<vmem>>, vector<16xf32>,
      %max3A_1126 = arith.maximumf %get3A_1121, %get3A_1125 : vector<16xf32>
      %add3A_1127 = arith.constant 3200 : i32
      %add3A_1128 = arith.addi %add3A_1127, %mul3A_1119 : i32
      %get3A_1129 = arith.index_cast %add3A_1128 : i32 to index
      %get3A_1130 = tpu.vector_load %arg20[%get3A_1129] {strides = array<i32>} : memref<6400xf32, #tpu.memory_space<vmem>>, vector<16xf32>,
      %add3A_1131 = arith.constant 4800 : i32
      %add3A_1132 = arith.addi %add3A_1131, %mul3A_1119 : i32
      %get3A_1133 = arith.index_cast %add3A_1132 : i32 to index
      %get3A_1134 = tpu.vector_load %arg20[%get3A_1133] {strides = array<i32>} : memref<6400xf32, #tpu.memory_space<vmem>>, vector<16xf32>,
      %max3A_1135 = arith.maximumf %get3A_1130, %get3A_1134 : vector<16xf32>
      %max3A_1136 = arith.maximumf %max3A_1126, %max3A_1135 : vector<16xf32>
      %swap3A_1137 = arith.index_cast %mul3A_1119 : i32 to index
      %swap3A_1138 = tpu.vector_load %arg19[%swap3A_1137] {strides = array<i32>} : memref<1600xf32, #tpu.memory_space<vmem>>, vector<16xf32>,
      tpu.vector_store %arg19[%swap3A_1137], %max3A_1136 {strides = array<i32>} : memref<1600xf32, #tpu.memory_space<vmem>>, vector<16xf32>,
      %scan3A_1139 = arith.constant 0 : i32
      scf.yield %scan3A_1139 : i32
    }
    %scan3A_906 = arith.constant 100 : i32
    %mul3A_907 = arith.constant 100000 : i32
    %mul3A_908 = arith.muli %add3A_30, %mul3A_907 : i32
    %add3A_909 = arith.addi %mul3A_908, %mul3A_335 : i32
    %add3A_910 = arith.constant 17600 : i32
    %add3A_911 = arith.addi %add3A_909, %add3A_910 : i32
    "tpu.region"() ({
      %run_scoped3A = tpu.sem_alloc : memref<!tpu.dma_semaphore, #tpu.memory_space<semaphore_mem>>
      %dma_start3A_1116 = arith.constant 0 : i32
      %dma_start3A_1117 = tpu.memref_slice %arg19[%dma_start3A_1116] : memref<1600xf32, #tpu.memory_space<vmem>> -> memref<1600xf32, #tpu.memory_space<vmem>>
      %dma_start3A_1118 = tpu.memref_slice %arg8[%add3A_911] : memref<800000xf32, #tpu.memory_space<hbm>> -> memref<1600xf32, #tpu.memory_space<hbm>>
      %dma_start3A_1119 = tpu.memref_slice %arg8[%add3A_911] : memref<800000xf32, #tpu.memory_space<hbm>> -> memref<1600xf32, #tpu.memory_space<hbm>>
      %dma_start3A_1120 = arith.constant 0 : i32
      %dma_start3A_1121 = tpu.memref_slice %arg19[%dma_start3A_1120] : memref<1600xf32, #tpu.memory_space<vmem>> -> memref<1600xf32, #tpu.memory_space<vmem>>
      tpu.enqueue_dma source(%dma_start3A_1121 : memref<1600xf32, #tpu.memory_space<vmem>>) target(%dma_start3A_1119 : memref<1600xf32, #tpu.memory_space<hbm>>) target_semaphore(%run_scoped3A : memref<!tpu.dma_semaphore, #tpu.memory_space<semaphore_mem>>)
      %dma_wait3A = arith.constant 0 : i32
      %dma_wait3A_1122 = tpu.memref_slice %arg19[%dma_wait3A] : memref<1600xf32, #tpu.memory_space<vmem>> -> memref<1600xf32, #tpu.memory_space<vmem>>
      %dma_wait3A_1123 = tpu.memref_slice %arg8[%add3A_911] : memref<800000xf32, #tpu.memory_space<hbm>> -> memref<1600xf32, #tpu.memory_space<hbm>>
      %dma_wait3A_1124 = tpu.memref_slice %arg8[%add3A_911] : memref<800000xf32, #tpu.memory_space<hbm>> -> memref<1600xf32, #tpu.memory_space<hbm>>
      %dma_wait3A_1125 = arith.constant 0 : i32
      %dma_wait3A_1126 = tpu.memref_slice %arg19[%dma_wait3A_1125] : memref<1600xf32, #tpu.memory_space<vmem>> -> memref<1600xf32, #tpu.memory_space<vmem>>
      tpu.wait_dma2 semaphore(%run_scoped3A : memref<!tpu.dma_semaphore, #tpu.memory_space<semaphore_mem>>) src(%dma_wait3A_1126 : memref<1600xf32, #tpu.memory_space<vmem>>) dst(%dma_wait3A_1124 : memref<1600xf32, #tpu.memory_space<hbm>>)
      tpu.yield
    }) : () -> ()
    %mul3A_912 = arith.constant 4 : i32
    %mul3A_913 = arith.muli %add3A_30, %mul3A_912 : i32
    %add3A_914 = arith.constant 0 : i32
    %add3A_915 = arith.addi %mul3A_913, %add3A_914 : i32
    %mul3A_916 = arith.constant 100000 : i32
    %mul3A_917 = arith.muli %add3A_915, %mul3A_916 : i32
    %add3A_918 = arith.addi %mul3A_917, %mul3A_335 : i32
    %add3A_919 = arith.constant 19200 : i32
    %add3A_920 = arith.addi %add3A_918, %add3A_919 : i32
    "tpu.region"() ({
      %run_scoped3A = tpu.sem_alloc : memref<!tpu.dma_semaphore, #tpu.memory_space<semaphore_mem>>
      %dma_start3A_1116 = arith.constant 0 : i32
      %dma_start3A_1117 = tpu.memref_slice %arg20[%dma_start3A_1116] : memref<6400xf32, #tpu.memory_space<vmem>> -> memref<1600xf32, #tpu.memory_space<vmem>>
      %dma_start3A_1118 = tpu.memref_slice %arg9[%add3A_920] : memref<3200000xf32, #tpu.memory_space<hbm>> -> memref<1600xf32, #tpu.memory_space<hbm>>
      %dma_start3A_1119 = arith.constant 0 : i32
      %dma_start3A_1120 = tpu.memref_slice %arg20[%dma_start3A_1119] : memref<6400xf32, #tpu.memory_space<vmem>> -> memref<1600xf32, #tpu.memory_space<vmem>>
      %dma_start3A_1121 = tpu.memref_slice %arg9[%add3A_920] : memref<3200000xf32, #tpu.memory_space<hbm>> -> memref<1600xf32, #tpu.memory_space<hbm>>
      tpu.enqueue_dma source(%dma_start3A_1121 : memref<1600xf32, #tpu.memory_space<hbm>>) target(%dma_start3A_1120 : memref<1600xf32, #tpu.memory_space<vmem>>) target_semaphore(%run_scoped3A : memref<!tpu.dma_semaphore, #tpu.memory_space<semaphore_mem>>)
      %dma_wait3A = arith.constant 0 : i32
      %dma_wait3A_1122 = tpu.memref_slice %arg20[%dma_wait3A] : memref<6400xf32, #tpu.memory_space<vmem>> -> memref<1600xf32, #tpu.memory_space<vmem>>
      %dma_wait3A_1123 = tpu.memref_slice %arg9[%add3A_920] : memref<3200000xf32, #tpu.memory_space<hbm>> -> memref<1600xf32, #tpu.memory_space<hbm>>
      %dma_wait3A_1124 = arith.constant 0 : i32
      %dma_wait3A_1125 = tpu.memref_slice %arg20[%dma_wait3A_1124] : memref<6400xf32, #tpu.memory_space<vmem>> -> memref<1600xf32, #tpu.memory_space<vmem>>
      %dma_wait3A_1126 = tpu.memref_slice %arg9[%add3A_920] : memref<3200000xf32, #tpu.memory_space<hbm>> -> memref<1600xf32, #tpu.memory_space<hbm>>
      tpu.wait_dma2 semaphore(%run_scoped3A : memref<!tpu.dma_semaphore, #tpu.memory_space<semaphore_mem>>) src(%dma_wait3A_1126 : memref<1600xf32, #tpu.memory_space<hbm>>) dst(%dma_wait3A_1125 : memref<1600xf32, #tpu.memory_space<vmem>>)
      tpu.yield
    }) : () -> ()
    %mul3A_921 = arith.constant 4 : i32
    %mul3A_922 = arith.muli %add3A_30, %mul3A_921 : i32
    %add3A_923 = arith.constant 1 : i32
    %add3A_924 = arith.addi %mul3A_922, %add3A_923 : i32
    %mul3A_925 = arith.constant 100000 : i32
    %mul3A_926 = arith.muli %add3A_924, %mul3A_925 : i32
    %add3A_927 = arith.addi %mul3A_926, %mul3A_335 : i32
    %add3A_928 = arith.constant 19200 : i32
    %add3A_929 = arith.addi %add3A_927, %add3A_928 : i32
    "tpu.region"() ({
      %run_scoped3A = tpu.sem_alloc : memref<!tpu.dma_semaphore, #tpu.memory_space<semaphore_mem>>
      %dma_start3A_1116 = arith.constant 1600 : i32
      %dma_start3A_1117 = tpu.memref_slice %arg20[%dma_start3A_1116] : memref<6400xf32, #tpu.memory_space<vmem>> -> memref<1600xf32, #tpu.memory_space<vmem>>
      %dma_start3A_1118 = tpu.memref_slice %arg9[%add3A_929] : memref<3200000xf32, #tpu.memory_space<hbm>> -> memref<1600xf32, #tpu.memory_space<hbm>>
      %dma_start3A_1119 = arith.constant 1600 : i32
      %dma_start3A_1120 = tpu.memref_slice %arg20[%dma_start3A_1119] : memref<6400xf32, #tpu.memory_space<vmem>> -> memref<1600xf32, #tpu.memory_space<vmem>>
      %dma_start3A_1121 = tpu.memref_slice %arg9[%add3A_929] : memref<3200000xf32, #tpu.memory_space<hbm>> -> memref<1600xf32, #tpu.memory_space<hbm>>
      tpu.enqueue_dma source(%dma_start3A_1121 : memref<1600xf32, #tpu.memory_space<hbm>>) target(%dma_start3A_1120 : memref<1600xf32, #tpu.memory_space<vmem>>) target_semaphore(%run_scoped3A : memref<!tpu.dma_semaphore, #tpu.memory_space<semaphore_mem>>)
      %dma_wait3A = arith.constant 1600 : i32
      %dma_wait3A_1122 = tpu.memref_slice %arg20[%dma_wait3A] : memref<6400xf32, #tpu.memory_space<vmem>> -> memref<1600xf32, #tpu.memory_space<vmem>>
      %dma_wait3A_1123 = tpu.memref_slice %arg9[%add3A_929] : memref<3200000xf32, #tpu.memory_space<hbm>> -> memref<1600xf32, #tpu.memory_space<hbm>>
      %dma_wait3A_1124 = arith.constant 1600 : i32
      %dma_wait3A_1125 = tpu.memref_slice %arg20[%dma_wait3A_1124] : memref<6400xf32, #tpu.memory_space<vmem>> -> memref<1600xf32, #tpu.memory_space<vmem>>
      %dma_wait3A_1126 = tpu.memref_slice %arg9[%add3A_929] : memref<3200000xf32, #tpu.memory_space<hbm>> -> memref<1600xf32, #tpu.memory_space<hbm>>
      tpu.wait_dma2 semaphore(%run_scoped3A : memref<!tpu.dma_semaphore, #tpu.memory_space<semaphore_mem>>) src(%dma_wait3A_1126 : memref<1600xf32, #tpu.memory_space<hbm>>) dst(%dma_wait3A_1125 : memref<1600xf32, #tpu.memory_space<vmem>>)
      tpu.yield
    }) : () -> ()
    %mul3A_930 = arith.constant 4 : i32
    %mul3A_931 = arith.muli %add3A_30, %mul3A_930 : i32
    %add3A_932 = arith.constant 2 : i32
    %add3A_933 = arith.addi %mul3A_931, %add3A_932 : i32
    %mul3A_934 = arith.constant 100000 : i32
    %mul3A_935 = arith.muli %add3A_933, %mul3A_934 : i32
    %add3A_936 = arith.addi %mul3A_935, %mul3A_335 : i32
    %add3A_937 = arith.constant 19200 : i32
    %add3A_938 = arith.addi %add3A_936, %add3A_937 : i32
    "tpu.region"() ({
      %run_scoped3A = tpu.sem_alloc : memref<!tpu.dma_semaphore, #tpu.memory_space<semaphore_mem>>
      %dma_start3A_1116 = arith.constant 3200 : i32
      %dma_start3A_1117 = tpu.memref_slice %arg20[%dma_start3A_1116] : memref<6400xf32, #tpu.memory_space<vmem>> -> memref<1600xf32, #tpu.memory_space<vmem>>
      %dma_start3A_1118 = tpu.memref_slice %arg9[%add3A_938] : memref<3200000xf32, #tpu.memory_space<hbm>> -> memref<1600xf32, #tpu.memory_space<hbm>>
      %dma_start3A_1119 = arith.constant 3200 : i32
      %dma_start3A_1120 = tpu.memref_slice %arg20[%dma_start3A_1119] : memref<6400xf32, #tpu.memory_space<vmem>> -> memref<1600xf32, #tpu.memory_space<vmem>>
      %dma_start3A_1121 = tpu.memref_slice %arg9[%add3A_938] : memref<3200000xf32, #tpu.memory_space<hbm>> -> memref<1600xf32, #tpu.memory_space<hbm>>
      tpu.enqueue_dma source(%dma_start3A_1121 : memref<1600xf32, #tpu.memory_space<hbm>>) target(%dma_start3A_1120 : memref<1600xf32, #tpu.memory_space<vmem>>) target_semaphore(%run_scoped3A : memref<!tpu.dma_semaphore, #tpu.memory_space<semaphore_mem>>)
      %dma_wait3A = arith.constant 3200 : i32
      %dma_wait3A_1122 = tpu.memref_slice %arg20[%dma_wait3A] : memref<6400xf32, #tpu.memory_space<vmem>> -> memref<1600xf32, #tpu.memory_space<vmem>>
      %dma_wait3A_1123 = tpu.memref_slice %arg9[%add3A_938] : memref<3200000xf32, #tpu.memory_space<hbm>> -> memref<1600xf32, #tpu.memory_space<hbm>>
      %dma_wait3A_1124 = arith.constant 3200 : i32
      %dma_wait3A_1125 = tpu.memref_slice %arg20[%dma_wait3A_1124] : memref<6400xf32, #tpu.memory_space<vmem>> -> memref<1600xf32, #tpu.memory_space<vmem>>
      %dma_wait3A_1126 = tpu.memref_slice %arg9[%add3A_938] : memref<3200000xf32, #tpu.memory_space<hbm>> -> memref<1600xf32, #tpu.memory_space<hbm>>
      tpu.wait_dma2 semaphore(%run_scoped3A : memref<!tpu.dma_semaphore, #tpu.memory_space<semaphore_mem>>) src(%dma_wait3A_1126 : memref<1600xf32, #tpu.memory_space<hbm>>) dst(%dma_wait3A_1125 : memref<1600xf32, #tpu.memory_space<vmem>>)
      tpu.yield
    }) : () -> ()
    %mul3A_939 = arith.constant 4 : i32
    %mul3A_940 = arith.muli %add3A_30, %mul3A_939 : i32
    %add3A_941 = arith.constant 3 : i32
    %add3A_942 = arith.addi %mul3A_940, %add3A_941 : i32
    %mul3A_943 = arith.constant 100000 : i32
    %mul3A_944 = arith.muli %add3A_942, %mul3A_943 : i32
    %add3A_945 = arith.addi %mul3A_944, %mul3A_335 : i32
    %add3A_946 = arith.constant 19200 : i32
    %add3A_947 = arith.addi %add3A_945, %add3A_946 : i32
    "tpu.region"() ({
      %run_scoped3A = tpu.sem_alloc : memref<!tpu.dma_semaphore, #tpu.memory_space<semaphore_mem>>
      %dma_start3A_1116 = arith.constant 4800 : i32
      %dma_start3A_1117 = tpu.memref_slice %arg20[%dma_start3A_1116] : memref<6400xf32, #tpu.memory_space<vmem>> -> memref<1600xf32, #tpu.memory_space<vmem>>
      %dma_start3A_1118 = tpu.memref_slice %arg9[%add3A_947] : memref<3200000xf32, #tpu.memory_space<hbm>> -> memref<1600xf32, #tpu.memory_space<hbm>>
      %dma_start3A_1119 = arith.constant 4800 : i32
      %dma_start3A_1120 = tpu.memref_slice %arg20[%dma_start3A_1119] : memref<6400xf32, #tpu.memory_space<vmem>> -> memref<1600xf32, #tpu.memory_space<vmem>>
      %dma_start3A_1121 = tpu.memref_slice %arg9[%add3A_947] : memref<3200000xf32, #tpu.memory_space<hbm>> -> memref<1600xf32, #tpu.memory_space<hbm>>
      tpu.enqueue_dma source(%dma_start3A_1121 : memref<1600xf32, #tpu.memory_space<hbm>>) target(%dma_start3A_1120 : memref<1600xf32, #tpu.memory_space<vmem>>) target_semaphore(%run_scoped3A : memref<!tpu.dma_semaphore, #tpu.memory_space<semaphore_mem>>)
      %dma_wait3A = arith.constant 4800 : i32
      %dma_wait3A_1122 = tpu.memref_slice %arg20[%dma_wait3A] : memref<6400xf32, #tpu.memory_space<vmem>> -> memref<1600xf32, #tpu.memory_space<vmem>>
      %dma_wait3A_1123 = tpu.memref_slice %arg9[%add3A_947] : memref<3200000xf32, #tpu.memory_space<hbm>> -> memref<1600xf32, #tpu.memory_space<hbm>>
      %dma_wait3A_1124 = arith.constant 4800 : i32
      %dma_wait3A_1125 = tpu.memref_slice %arg20[%dma_wait3A_1124] : memref<6400xf32, #tpu.memory_space<vmem>> -> memref<1600xf32, #tpu.memory_space<vmem>>
      %dma_wait3A_1126 = tpu.memref_slice %arg9[%add3A_947] : memref<3200000xf32, #tpu.memory_space<hbm>> -> memref<1600xf32, #tpu.memory_space<hbm>>
      tpu.wait_dma2 semaphore(%run_scoped3A : memref<!tpu.dma_semaphore, #tpu.memory_space<semaphore_mem>>) src(%dma_wait3A_1126 : memref<1600xf32, #tpu.memory_space<hbm>>) dst(%dma_wait3A_1125 : memref<1600xf32, #tpu.memory_space<vmem>>)
      tpu.yield
    }) : () -> ()
    %scan3A_948 = arith.constant 0 : i32
    %scan3A_949 = arith.constant 0 : i32
    %scan3A_950 = arith.constant 100 : i32
    %scan3A_951 = arith.addi %scan3A_949, %scan3A_950 : i32
    %scan3A_952 = arith.constant 1 : i32
    %scan3A_953 = scf.for %scan3A_1116 = %scan3A_949 to %scan3A_951 step %scan3A_952 iter_args(%scan3A_1117 = %scan3A_948) -> (i32)  : i32 {
      %mul3A_1118 = arith.constant 16 : i32
      %mul3A_1119 = arith.muli %scan3A_1116, %mul3A_1118 : i32
      %get3A_1120 = arith.index_cast %mul3A_1119 : i32 to index
      %get3A_1121 = tpu.vector_load %arg20[%get3A_1120] {strides = array<i32>} : memref<6400xf32, #tpu.memory_space<vmem>>, vector<16xf32>,
      %add3A_1122 = arith.constant 1600 : i32
      %add3A_1123 = arith.addi %add3A_1122, %mul3A_1119 : i32
      %get3A_1124 = arith.index_cast %add3A_1123 : i32 to index
      %get3A_1125 = tpu.vector_load %arg20[%get3A_1124] {strides = array<i32>} : memref<6400xf32, #tpu.memory_space<vmem>>, vector<16xf32>,
      %max3A_1126 = arith.maximumf %get3A_1121, %get3A_1125 : vector<16xf32>
      %add3A_1127 = arith.constant 3200 : i32
      %add3A_1128 = arith.addi %add3A_1127, %mul3A_1119 : i32
      %get3A_1129 = arith.index_cast %add3A_1128 : i32 to index
      %get3A_1130 = tpu.vector_load %arg20[%get3A_1129] {strides = array<i32>} : memref<6400xf32, #tpu.memory_space<vmem>>, vector<16xf32>,
      %add3A_1131 = arith.constant 4800 : i32
      %add3A_1132 = arith.addi %add3A_1131, %mul3A_1119 : i32
      %get3A_1133 = arith.index_cast %add3A_1132 : i32 to index
      %get3A_1134 = tpu.vector_load %arg20[%get3A_1133] {strides = array<i32>} : memref<6400xf32, #tpu.memory_space<vmem>>, vector<16xf32>,
      %max3A_1135 = arith.maximumf %get3A_1130, %get3A_1134 : vector<16xf32>
      %max3A_1136 = arith.maximumf %max3A_1126, %max3A_1135 : vector<16xf32>
      %swap3A_1137 = arith.index_cast %mul3A_1119 : i32 to index
      %swap3A_1138 = tpu.vector_load %arg19[%swap3A_1137] {strides = array<i32>} : memref<1600xf32, #tpu.memory_space<vmem>>, vector<16xf32>,
      tpu.vector_store %arg19[%swap3A_1137], %max3A_1136 {strides = array<i32>} : memref<1600xf32, #tpu.memory_space<vmem>>, vector<16xf32>,
      %scan3A_1139 = arith.constant 0 : i32
      scf.yield %scan3A_1139 : i32
    }
    %scan3A_954 = arith.constant 100 : i32
    %mul3A_955 = arith.constant 100000 : i32
    %mul3A_956 = arith.muli %add3A_30, %mul3A_955 : i32
    %add3A_957 = arith.addi %mul3A_956, %mul3A_335 : i32
    %add3A_958 = arith.constant 19200 : i32
    %add3A_959 = arith.addi %add3A_957, %add3A_958 : i32
    "tpu.region"() ({
      %run_scoped3A = tpu.sem_alloc : memref<!tpu.dma_semaphore, #tpu.memory_space<semaphore_mem>>
      %dma_start3A_1116 = arith.constant 0 : i32
      %dma_start3A_1117 = tpu.memref_slice %arg19[%dma_start3A_1116] : memref<1600xf32, #tpu.memory_space<vmem>> -> memref<1600xf32, #tpu.memory_space<vmem>>
      %dma_start3A_1118 = tpu.memref_slice %arg8[%add3A_959] : memref<800000xf32, #tpu.memory_space<hbm>> -> memref<1600xf32, #tpu.memory_space<hbm>>
      %dma_start3A_1119 = tpu.memref_slice %arg8[%add3A_959] : memref<800000xf32, #tpu.memory_space<hbm>> -> memref<1600xf32, #tpu.memory_space<hbm>>
      %dma_start3A_1120 = arith.constant 0 : i32
      %dma_start3A_1121 = tpu.memref_slice %arg19[%dma_start3A_1120] : memref<1600xf32, #tpu.memory_space<vmem>> -> memref<1600xf32, #tpu.memory_space<vmem>>
      tpu.enqueue_dma source(%dma_start3A_1121 : memref<1600xf32, #tpu.memory_space<vmem>>) target(%dma_start3A_1119 : memref<1600xf32, #tpu.memory_space<hbm>>) target_semaphore(%run_scoped3A : memref<!tpu.dma_semaphore, #tpu.memory_space<semaphore_mem>>)
      %dma_wait3A = arith.constant 0 : i32
      %dma_wait3A_1122 = tpu.memref_slice %arg19[%dma_wait3A] : memref<1600xf32, #tpu.memory_space<vmem>> -> memref<1600xf32, #tpu.memory_space<vmem>>
      %dma_wait3A_1123 = tpu.memref_slice %arg8[%add3A_959] : memref<800000xf32, #tpu.memory_space<hbm>> -> memref<1600xf32, #tpu.memory_space<hbm>>
      %dma_wait3A_1124 = tpu.memref_slice %arg8[%add3A_959] : memref<800000xf32, #tpu.memory_space<hbm>> -> memref<1600xf32, #tpu.memory_space<hbm>>
      %dma_wait3A_1125 = arith.constant 0 : i32
      %dma_wait3A_1126 = tpu.memref_slice %arg19[%dma_wait3A_1125] : memref<1600xf32, #tpu.memory_space<vmem>> -> memref<1600xf32, #tpu.memory_space<vmem>>
      tpu.wait_dma2 semaphore(%run_scoped3A : memref<!tpu.dma_semaphore, #tpu.memory_space<semaphore_mem>>) src(%dma_wait3A_1126 : memref<1600xf32, #tpu.memory_space<vmem>>) dst(%dma_wait3A_1124 : memref<1600xf32, #tpu.memory_space<hbm>>)
      tpu.yield
    }) : () -> ()
    %mul3A_960 = arith.constant 4 : i32
    %mul3A_961 = arith.muli %add3A_30, %mul3A_960 : i32
    %add3A_962 = arith.constant 0 : i32
    %add3A_963 = arith.addi %mul3A_961, %add3A_962 : i32
    %mul3A_964 = arith.constant 100000 : i32
    %mul3A_965 = arith.muli %add3A_963, %mul3A_964 : i32
    %add3A_966 = arith.addi %mul3A_965, %mul3A_335 : i32
    %add3A_967 = arith.constant 20800 : i32
    %add3A_968 = arith.addi %add3A_966, %add3A_967 : i32
    "tpu.region"() ({
      %run_scoped3A = tpu.sem_alloc : memref<!tpu.dma_semaphore, #tpu.memory_space<semaphore_mem>>
      %dma_start3A_1116 = arith.constant 0 : i32
      %dma_start3A_1117 = tpu.memref_slice %arg20[%dma_start3A_1116] : memref<6400xf32, #tpu.memory_space<vmem>> -> memref<1600xf32, #tpu.memory_space<vmem>>
      %dma_start3A_1118 = tpu.memref_slice %arg9[%add3A_968] : memref<3200000xf32, #tpu.memory_space<hbm>> -> memref<1600xf32, #tpu.memory_space<hbm>>
      %dma_start3A_1119 = arith.constant 0 : i32
      %dma_start3A_1120 = tpu.memref_slice %arg20[%dma_start3A_1119] : memref<6400xf32, #tpu.memory_space<vmem>> -> memref<1600xf32, #tpu.memory_space<vmem>>
      %dma_start3A_1121 = tpu.memref_slice %arg9[%add3A_968] : memref<3200000xf32, #tpu.memory_space<hbm>> -> memref<1600xf32, #tpu.memory_space<hbm>>
      tpu.enqueue_dma source(%dma_start3A_1121 : memref<1600xf32, #tpu.memory_space<hbm>>) target(%dma_start3A_1120 : memref<1600xf32, #tpu.memory_space<vmem>>) target_semaphore(%run_scoped3A : memref<!tpu.dma_semaphore, #tpu.memory_space<semaphore_mem>>)
      %dma_wait3A = arith.constant 0 : i32
      %dma_wait3A_1122 = tpu.memref_slice %arg20[%dma_wait3A] : memref<6400xf32, #tpu.memory_space<vmem>> -> memref<1600xf32, #tpu.memory_space<vmem>>
      %dma_wait3A_1123 = tpu.memref_slice %arg9[%add3A_968] : memref<3200000xf32, #tpu.memory_space<hbm>> -> memref<1600xf32, #tpu.memory_space<hbm>>
      %dma_wait3A_1124 = arith.constant 0 : i32
      %dma_wait3A_1125 = tpu.memref_slice %arg20[%dma_wait3A_1124] : memref<6400xf32, #tpu.memory_space<vmem>> -> memref<1600xf32, #tpu.memory_space<vmem>>
      %dma_wait3A_1126 = tpu.memref_slice %arg9[%add3A_968] : memref<3200000xf32, #tpu.memory_space<hbm>> -> memref<1600xf32, #tpu.memory_space<hbm>>
      tpu.wait_dma2 semaphore(%run_scoped3A : memref<!tpu.dma_semaphore, #tpu.memory_space<semaphore_mem>>) src(%dma_wait3A_1126 : memref<1600xf32, #tpu.memory_space<hbm>>) dst(%dma_wait3A_1125 : memref<1600xf32, #tpu.memory_space<vmem>>)
      tpu.yield
    }) : () -> ()
    %mul3A_969 = arith.constant 4 : i32
    %mul3A_970 = arith.muli %add3A_30, %mul3A_969 : i32
    %add3A_971 = arith.constant 1 : i32
    %add3A_972 = arith.addi %mul3A_970, %add3A_971 : i32
    %mul3A_973 = arith.constant 100000 : i32
    %mul3A_974 = arith.muli %add3A_972, %mul3A_973 : i32
    %add3A_975 = arith.addi %mul3A_974, %mul3A_335 : i32
    %add3A_976 = arith.constant 20800 : i32
    %add3A_977 = arith.addi %add3A_975, %add3A_976 : i32
    "tpu.region"() ({
      %run_scoped3A = tpu.sem_alloc : memref<!tpu.dma_semaphore, #tpu.memory_space<semaphore_mem>>
      %dma_start3A_1116 = arith.constant 1600 : i32
      %dma_start3A_1117 = tpu.memref_slice %arg20[%dma_start3A_1116] : memref<6400xf32, #tpu.memory_space<vmem>> -> memref<1600xf32, #tpu.memory_space<vmem>>
      %dma_start3A_1118 = tpu.memref_slice %arg9[%add3A_977] : memref<3200000xf32, #tpu.memory_space<hbm>> -> memref<1600xf32, #tpu.memory_space<hbm>>
      %dma_start3A_1119 = arith.constant 1600 : i32
      %dma_start3A_1120 = tpu.memref_slice %arg20[%dma_start3A_1119] : memref<6400xf32, #tpu.memory_space<vmem>> -> memref<1600xf32, #tpu.memory_space<vmem>>
      %dma_start3A_1121 = tpu.memref_slice %arg9[%add3A_977] : memref<3200000xf32, #tpu.memory_space<hbm>> -> memref<1600xf32, #tpu.memory_space<hbm>>
      tpu.enqueue_dma source(%dma_start3A_1121 : memref<1600xf32, #tpu.memory_space<hbm>>) target(%dma_start3A_1120 : memref<1600xf32, #tpu.memory_space<vmem>>) target_semaphore(%run_scoped3A : memref<!tpu.dma_semaphore, #tpu.memory_space<semaphore_mem>>)
      %dma_wait3A = arith.constant 1600 : i32
      %dma_wait3A_1122 = tpu.memref_slice %arg20[%dma_wait3A] : memref<6400xf32, #tpu.memory_space<vmem>> -> memref<1600xf32, #tpu.memory_space<vmem>>
      %dma_wait3A_1123 = tpu.memref_slice %arg9[%add3A_977] : memref<3200000xf32, #tpu.memory_space<hbm>> -> memref<1600xf32, #tpu.memory_space<hbm>>
      %dma_wait3A_1124 = arith.constant 1600 : i32
      %dma_wait3A_1125 = tpu.memref_slice %arg20[%dma_wait3A_1124] : memref<6400xf32, #tpu.memory_space<vmem>> -> memref<1600xf32, #tpu.memory_space<vmem>>
      %dma_wait3A_1126 = tpu.memref_slice %arg9[%add3A_977] : memref<3200000xf32, #tpu.memory_space<hbm>> -> memref<1600xf32, #tpu.memory_space<hbm>>
      tpu.wait_dma2 semaphore(%run_scoped3A : memref<!tpu.dma_semaphore, #tpu.memory_space<semaphore_mem>>) src(%dma_wait3A_1126 : memref<1600xf32, #tpu.memory_space<hbm>>) dst(%dma_wait3A_1125 : memref<1600xf32, #tpu.memory_space<vmem>>)
      tpu.yield
    }) : () -> ()
    %mul3A_978 = arith.constant 4 : i32
    %mul3A_979 = arith.muli %add3A_30, %mul3A_978 : i32
    %add3A_980 = arith.constant 2 : i32
    %add3A_981 = arith.addi %mul3A_979, %add3A_980 : i32
    %mul3A_982 = arith.constant 100000 : i32
    %mul3A_983 = arith.muli %add3A_981, %mul3A_982 : i32
    %add3A_984 = arith.addi %mul3A_983, %mul3A_335 : i32
    %add3A_985 = arith.constant 20800 : i32
    %add3A_986 = arith.addi %add3A_984, %add3A_985 : i32
    "tpu.region"() ({
      %run_scoped3A = tpu.sem_alloc : memref<!tpu.dma_semaphore, #tpu.memory_space<semaphore_mem>>
      %dma_start3A_1116 = arith.constant 3200 : i32
      %dma_start3A_1117 = tpu.memref_slice %arg20[%dma_start3A_1116] : memref<6400xf32, #tpu.memory_space<vmem>> -> memref<1600xf32, #tpu.memory_space<vmem>>
      %dma_start3A_1118 = tpu.memref_slice %arg9[%add3A_986] : memref<3200000xf32, #tpu.memory_space<hbm>> -> memref<1600xf32, #tpu.memory_space<hbm>>
      %dma_start3A_1119 = arith.constant 3200 : i32
      %dma_start3A_1120 = tpu.memref_slice %arg20[%dma_start3A_1119] : memref<6400xf32, #tpu.memory_space<vmem>> -> memref<1600xf32, #tpu.memory_space<vmem>>
      %dma_start3A_1121 = tpu.memref_slice %arg9[%add3A_986] : memref<3200000xf32, #tpu.memory_space<hbm>> -> memref<1600xf32, #tpu.memory_space<hbm>>
      tpu.enqueue_dma source(%dma_start3A_1121 : memref<1600xf32, #tpu.memory_space<hbm>>) target(%dma_start3A_1120 : memref<1600xf32, #tpu.memory_space<vmem>>) target_semaphore(%run_scoped3A : memref<!tpu.dma_semaphore, #tpu.memory_space<semaphore_mem>>)
      %dma_wait3A = arith.constant 3200 : i32
      %dma_wait3A_1122 = tpu.memref_slice %arg20[%dma_wait3A] : memref<6400xf32, #tpu.memory_space<vmem>> -> memref<1600xf32, #tpu.memory_space<vmem>>
      %dma_wait3A_1123 = tpu.memref_slice %arg9[%add3A_986] : memref<3200000xf32, #tpu.memory_space<hbm>> -> memref<1600xf32, #tpu.memory_space<hbm>>
      %dma_wait3A_1124 = arith.constant 3200 : i32
      %dma_wait3A_1125 = tpu.memref_slice %arg20[%dma_wait3A_1124] : memref<6400xf32, #tpu.memory_space<vmem>> -> memref<1600xf32, #tpu.memory_space<vmem>>
      %dma_wait3A_1126 = tpu.memref_slice %arg9[%add3A_986] : memref<3200000xf32, #tpu.memory_space<hbm>> -> memref<1600xf32, #tpu.memory_space<hbm>>
      tpu.wait_dma2 semaphore(%run_scoped3A : memref<!tpu.dma_semaphore, #tpu.memory_space<semaphore_mem>>) src(%dma_wait3A_1126 : memref<1600xf32, #tpu.memory_space<hbm>>) dst(%dma_wait3A_1125 : memref<1600xf32, #tpu.memory_space<vmem>>)
      tpu.yield
    }) : () -> ()
    %mul3A_987 = arith.constant 4 : i32
    %mul3A_988 = arith.muli %add3A_30, %mul3A_987 : i32
    %add3A_989 = arith.constant 3 : i32
    %add3A_990 = arith.addi %mul3A_988, %add3A_989 : i32
    %mul3A_991 = arith.constant 100000 : i32
    %mul3A_992 = arith.muli %add3A_990, %mul3A_991 : i32
    %add3A_993 = arith.addi %mul3A_992, %mul3A_335 : i32
    %add3A_994 = arith.constant 20800 : i32
    %add3A_995 = arith.addi %add3A_993, %add3A_994 : i32
    "tpu.region"() ({
      %run_scoped3A = tpu.sem_alloc : memref<!tpu.dma_semaphore, #tpu.memory_space<semaphore_mem>>
      %dma_start3A_1116 = arith.constant 4800 : i32
      %dma_start3A_1117 = tpu.memref_slice %arg20[%dma_start3A_1116] : memref<6400xf32, #tpu.memory_space<vmem>> -> memref<1600xf32, #tpu.memory_space<vmem>>
      %dma_start3A_1118 = tpu.memref_slice %arg9[%add3A_995] : memref<3200000xf32, #tpu.memory_space<hbm>> -> memref<1600xf32, #tpu.memory_space<hbm>>
      %dma_start3A_1119 = arith.constant 4800 : i32
      %dma_start3A_1120 = tpu.memref_slice %arg20[%dma_start3A_1119] : memref<6400xf32, #tpu.memory_space<vmem>> -> memref<1600xf32, #tpu.memory_space<vmem>>
      %dma_start3A_1121 = tpu.memref_slice %arg9[%add3A_995] : memref<3200000xf32, #tpu.memory_space<hbm>> -> memref<1600xf32, #tpu.memory_space<hbm>>
      tpu.enqueue_dma source(%dma_start3A_1121 : memref<1600xf32, #tpu.memory_space<hbm>>) target(%dma_start3A_1120 : memref<1600xf32, #tpu.memory_space<vmem>>) target_semaphore(%run_scoped3A : memref<!tpu.dma_semaphore, #tpu.memory_space<semaphore_mem>>)
      %dma_wait3A = arith.constant 4800 : i32
      %dma_wait3A_1122 = tpu.memref_slice %arg20[%dma_wait3A] : memref<6400xf32, #tpu.memory_space<vmem>> -> memref<1600xf32, #tpu.memory_space<vmem>>
      %dma_wait3A_1123 = tpu.memref_slice %arg9[%add3A_995] : memref<3200000xf32, #tpu.memory_space<hbm>> -> memref<1600xf32, #tpu.memory_space<hbm>>
      %dma_wait3A_1124 = arith.constant 4800 : i32
      %dma_wait3A_1125 = tpu.memref_slice %arg20[%dma_wait3A_1124] : memref<6400xf32, #tpu.memory_space<vmem>> -> memref<1600xf32, #tpu.memory_space<vmem>>
      %dma_wait3A_1126 = tpu.memref_slice %arg9[%add3A_995] : memref<3200000xf32, #tpu.memory_space<hbm>> -> memref<1600xf32, #tpu.memory_space<hbm>>
      tpu.wait_dma2 semaphore(%run_scoped3A : memref<!tpu.dma_semaphore, #tpu.memory_space<semaphore_mem>>) src(%dma_wait3A_1126 : memref<1600xf32, #tpu.memory_space<hbm>>) dst(%dma_wait3A_1125 : memref<1600xf32, #tpu.memory_space<vmem>>)
      tpu.yield
    }) : () -> ()
    %scan3A_996 = arith.constant 0 : i32
    %scan3A_997 = arith.constant 0 : i32
    %scan3A_998 = arith.constant 100 : i32
    %scan3A_999 = arith.addi %scan3A_997, %scan3A_998 : i32
    %scan3A_1000 = arith.constant 1 : i32
    %scan3A_1001 = scf.for %scan3A_1116 = %scan3A_997 to %scan3A_999 step %scan3A_1000 iter_args(%scan3A_1117 = %scan3A_996) -> (i32)  : i32 {
      %mul3A_1118 = arith.constant 16 : i32
      %mul3A_1119 = arith.muli %scan3A_1116, %mul3A_1118 : i32
      %get3A_1120 = arith.index_cast %mul3A_1119 : i32 to index
      %get3A_1121 = tpu.vector_load %arg20[%get3A_1120] {strides = array<i32>} : memref<6400xf32, #tpu.memory_space<vmem>>, vector<16xf32>,
      %add3A_1122 = arith.constant 1600 : i32
      %add3A_1123 = arith.addi %add3A_1122, %mul3A_1119 : i32
      %get3A_1124 = arith.index_cast %add3A_1123 : i32 to index
      %get3A_1125 = tpu.vector_load %arg20[%get3A_1124] {strides = array<i32>} : memref<6400xf32, #tpu.memory_space<vmem>>, vector<16xf32>,
      %max3A_1126 = arith.maximumf %get3A_1121, %get3A_1125 : vector<16xf32>
      %add3A_1127 = arith.constant 3200 : i32
      %add3A_1128 = arith.addi %add3A_1127, %mul3A_1119 : i32
      %get3A_1129 = arith.index_cast %add3A_1128 : i32 to index
      %get3A_1130 = tpu.vector_load %arg20[%get3A_1129] {strides = array<i32>} : memref<6400xf32, #tpu.memory_space<vmem>>, vector<16xf32>,
      %add3A_1131 = arith.constant 4800 : i32
      %add3A_1132 = arith.addi %add3A_1131, %mul3A_1119 : i32
      %get3A_1133 = arith.index_cast %add3A_1132 : i32 to index
      %get3A_1134 = tpu.vector_load %arg20[%get3A_1133] {strides = array<i32>} : memref<6400xf32, #tpu.memory_space<vmem>>, vector<16xf32>,
      %max3A_1135 = arith.maximumf %get3A_1130, %get3A_1134 : vector<16xf32>
      %max3A_1136 = arith.maximumf %max3A_1126, %max3A_1135 : vector<16xf32>
      %swap3A_1137 = arith.index_cast %mul3A_1119 : i32 to index
      %swap3A_1138 = tpu.vector_load %arg19[%swap3A_1137] {strides = array<i32>} : memref<1600xf32, #tpu.memory_space<vmem>>, vector<16xf32>,
      tpu.vector_store %arg19[%swap3A_1137], %max3A_1136 {strides = array<i32>} : memref<1600xf32, #tpu.memory_space<vmem>>, vector<16xf32>,
      %scan3A_1139 = arith.constant 0 : i32
      scf.yield %scan3A_1139 : i32
    }
    %scan3A_1002 = arith.constant 100 : i32
    %mul3A_1003 = arith.constant 100000 : i32
    %mul3A_1004 = arith.muli %add3A_30, %mul3A_1003 : i32
    %add3A_1005 = arith.addi %mul3A_1004, %mul3A_335 : i32
    %add3A_1006 = arith.constant 20800 : i32
    %add3A_1007 = arith.addi %add3A_1005, %add3A_1006 : i32
    "tpu.region"() ({
      %run_scoped3A = tpu.sem_alloc : memref<!tpu.dma_semaphore, #tpu.memory_space<semaphore_mem>>
      %dma_start3A_1116 = arith.constant 0 : i32
      %dma_start3A_1117 = tpu.memref_slice %arg19[%dma_start3A_1116] : memref<1600xf32, #tpu.memory_space<vmem>> -> memref<1600xf32, #tpu.memory_space<vmem>>
      %dma_start3A_1118 = tpu.memref_slice %arg8[%add3A_1007] : memref<800000xf32, #tpu.memory_space<hbm>> -> memref<1600xf32, #tpu.memory_space<hbm>>
      %dma_start3A_1119 = tpu.memref_slice %arg8[%add3A_1007] : memref<800000xf32, #tpu.memory_space<hbm>> -> memref<1600xf32, #tpu.memory_space<hbm>>
      %dma_start3A_1120 = arith.constant 0 : i32
      %dma_start3A_1121 = tpu.memref_slice %arg19[%dma_start3A_1120] : memref<1600xf32, #tpu.memory_space<vmem>> -> memref<1600xf32, #tpu.memory_space<vmem>>
      tpu.enqueue_dma source(%dma_start3A_1121 : memref<1600xf32, #tpu.memory_space<vmem>>) target(%dma_start3A_1119 : memref<1600xf32, #tpu.memory_space<hbm>>) target_semaphore(%run_scoped3A : memref<!tpu.dma_semaphore, #tpu.memory_space<semaphore_mem>>)
      %dma_wait3A = arith.constant 0 : i32
      %dma_wait3A_1122 = tpu.memref_slice %arg19[%dma_wait3A] : memref<1600xf32, #tpu.memory_space<vmem>> -> memref<1600xf32, #tpu.memory_space<vmem>>
      %dma_wait3A_1123 = tpu.memref_slice %arg8[%add3A_1007] : memref<800000xf32, #tpu.memory_space<hbm>> -> memref<1600xf32, #tpu.memory_space<hbm>>
      %dma_wait3A_1124 = tpu.memref_slice %arg8[%add3A_1007] : memref<800000xf32, #tpu.memory_space<hbm>> -> memref<1600xf32, #tpu.memory_space<hbm>>
      %dma_wait3A_1125 = arith.constant 0 : i32
      %dma_wait3A_1126 = tpu.memref_slice %arg19[%dma_wait3A_1125] : memref<1600xf32, #tpu.memory_space<vmem>> -> memref<1600xf32, #tpu.memory_space<vmem>>
      tpu.wait_dma2 semaphore(%run_scoped3A : memref<!tpu.dma_semaphore, #tpu.memory_space<semaphore_mem>>) src(%dma_wait3A_1126 : memref<1600xf32, #tpu.memory_space<vmem>>) dst(%dma_wait3A_1124 : memref<1600xf32, #tpu.memory_space<hbm>>)
      tpu.yield
    }) : () -> ()
    %mul3A_1008 = arith.constant 4 : i32
    %mul3A_1009 = arith.muli %add3A_30, %mul3A_1008 : i32
    %add3A_1010 = arith.constant 0 : i32
    %add3A_1011 = arith.addi %mul3A_1009, %add3A_1010 : i32
    %mul3A_1012 = arith.constant 100000 : i32
    %mul3A_1013 = arith.muli %add3A_1011, %mul3A_1012 : i32
    %add3A_1014 = arith.addi %mul3A_1013, %mul3A_335 : i32
    %add3A_1015 = arith.constant 22400 : i32
    %add3A_1016 = arith.addi %add3A_1014, %add3A_1015 : i32
    "tpu.region"() ({
      %run_scoped3A = tpu.sem_alloc : memref<!tpu.dma_semaphore, #tpu.memory_space<semaphore_mem>>
      %dma_start3A_1116 = arith.constant 0 : i32
      %dma_start3A_1117 = tpu.memref_slice %arg20[%dma_start3A_1116] : memref<6400xf32, #tpu.memory_space<vmem>> -> memref<1600xf32, #tpu.memory_space<vmem>>
      %dma_start3A_1118 = tpu.memref_slice %arg9[%add3A_1016] : memref<3200000xf32, #tpu.memory_space<hbm>> -> memref<1600xf32, #tpu.memory_space<hbm>>
      %dma_start3A_1119 = arith.constant 0 : i32
      %dma_start3A_1120 = tpu.memref_slice %arg20[%dma_start3A_1119] : memref<6400xf32, #tpu.memory_space<vmem>> -> memref<1600xf32, #tpu.memory_space<vmem>>
      %dma_start3A_1121 = tpu.memref_slice %arg9[%add3A_1016] : memref<3200000xf32, #tpu.memory_space<hbm>> -> memref<1600xf32, #tpu.memory_space<hbm>>
      tpu.enqueue_dma source(%dma_start3A_1121 : memref<1600xf32, #tpu.memory_space<hbm>>) target(%dma_start3A_1120 : memref<1600xf32, #tpu.memory_space<vmem>>) target_semaphore(%run_scoped3A : memref<!tpu.dma_semaphore, #tpu.memory_space<semaphore_mem>>)
      %dma_wait3A = arith.constant 0 : i32
      %dma_wait3A_1122 = tpu.memref_slice %arg20[%dma_wait3A] : memref<6400xf32, #tpu.memory_space<vmem>> -> memref<1600xf32, #tpu.memory_space<vmem>>
      %dma_wait3A_1123 = tpu.memref_slice %arg9[%add3A_1016] : memref<3200000xf32, #tpu.memory_space<hbm>> -> memref<1600xf32, #tpu.memory_space<hbm>>
      %dma_wait3A_1124 = arith.constant 0 : i32
      %dma_wait3A_1125 = tpu.memref_slice %arg20[%dma_wait3A_1124] : memref<6400xf32, #tpu.memory_space<vmem>> -> memref<1600xf32, #tpu.memory_space<vmem>>
      %dma_wait3A_1126 = tpu.memref_slice %arg9[%add3A_1016] : memref<3200000xf32, #tpu.memory_space<hbm>> -> memref<1600xf32, #tpu.memory_space<hbm>>
      tpu.wait_dma2 semaphore(%run_scoped3A : memref<!tpu.dma_semaphore, #tpu.memory_space<semaphore_mem>>) src(%dma_wait3A_1126 : memref<1600xf32, #tpu.memory_space<hbm>>) dst(%dma_wait3A_1125 : memref<1600xf32, #tpu.memory_space<vmem>>)
      tpu.yield
    }) : () -> ()
    %mul3A_1017 = arith.constant 4 : i32
    %mul3A_1018 = arith.muli %add3A_30, %mul3A_1017 : i32
    %add3A_1019 = arith.constant 1 : i32
    %add3A_1020 = arith.addi %mul3A_1018, %add3A_1019 : i32
    %mul3A_1021 = arith.constant 100000 : i32
    %mul3A_1022 = arith.muli %add3A_1020, %mul3A_1021 : i32
    %add3A_1023 = arith.addi %mul3A_1022, %mul3A_335 : i32
    %add3A_1024 = arith.constant 22400 : i32
    %add3A_1025 = arith.addi %add3A_1023, %add3A_1024 : i32
    "tpu.region"() ({
      %run_scoped3A = tpu.sem_alloc : memref<!tpu.dma_semaphore, #tpu.memory_space<semaphore_mem>>
      %dma_start3A_1116 = arith.constant 1600 : i32
      %dma_start3A_1117 = tpu.memref_slice %arg20[%dma_start3A_1116] : memref<6400xf32, #tpu.memory_space<vmem>> -> memref<1600xf32, #tpu.memory_space<vmem>>
      %dma_start3A_1118 = tpu.memref_slice %arg9[%add3A_1025] : memref<3200000xf32, #tpu.memory_space<hbm>> -> memref<1600xf32, #tpu.memory_space<hbm>>
      %dma_start3A_1119 = arith.constant 1600 : i32
      %dma_start3A_1120 = tpu.memref_slice %arg20[%dma_start3A_1119] : memref<6400xf32, #tpu.memory_space<vmem>> -> memref<1600xf32, #tpu.memory_space<vmem>>
      %dma_start3A_1121 = tpu.memref_slice %arg9[%add3A_1025] : memref<3200000xf32, #tpu.memory_space<hbm>> -> memref<1600xf32, #tpu.memory_space<hbm>>
      tpu.enqueue_dma source(%dma_start3A_1121 : memref<1600xf32, #tpu.memory_space<hbm>>) target(%dma_start3A_1120 : memref<1600xf32, #tpu.memory_space<vmem>>) target_semaphore(%run_scoped3A : memref<!tpu.dma_semaphore, #tpu.memory_space<semaphore_mem>>)
      %dma_wait3A = arith.constant 1600 : i32
      %dma_wait3A_1122 = tpu.memref_slice %arg20[%dma_wait3A] : memref<6400xf32, #tpu.memory_space<vmem>> -> memref<1600xf32, #tpu.memory_space<vmem>>
      %dma_wait3A_1123 = tpu.memref_slice %arg9[%add3A_1025] : memref<3200000xf32, #tpu.memory_space<hbm>> -> memref<1600xf32, #tpu.memory_space<hbm>>
      %dma_wait3A_1124 = arith.constant 1600 : i32
      %dma_wait3A_1125 = tpu.memref_slice %arg20[%dma_wait3A_1124] : memref<6400xf32, #tpu.memory_space<vmem>> -> memref<1600xf32, #tpu.memory_space<vmem>>
      %dma_wait3A_1126 = tpu.memref_slice %arg9[%add3A_1025] : memref<3200000xf32, #tpu.memory_space<hbm>> -> memref<1600xf32, #tpu.memory_space<hbm>>
      tpu.wait_dma2 semaphore(%run_scoped3A : memref<!tpu.dma_semaphore, #tpu.memory_space<semaphore_mem>>) src(%dma_wait3A_1126 : memref<1600xf32, #tpu.memory_space<hbm>>) dst(%dma_wait3A_1125 : memref<1600xf32, #tpu.memory_space<vmem>>)
      tpu.yield
    }) : () -> ()
    %mul3A_1026 = arith.constant 4 : i32
    %mul3A_1027 = arith.muli %add3A_30, %mul3A_1026 : i32
    %add3A_1028 = arith.constant 2 : i32
    %add3A_1029 = arith.addi %mul3A_1027, %add3A_1028 : i32
    %mul3A_1030 = arith.constant 100000 : i32
    %mul3A_1031 = arith.muli %add3A_1029, %mul3A_1030 : i32
    %add3A_1032 = arith.addi %mul3A_1031, %mul3A_335 : i32
    %add3A_1033 = arith.constant 22400 : i32
    %add3A_1034 = arith.addi %add3A_1032, %add3A_1033 : i32
    "tpu.region"() ({
      %run_scoped3A = tpu.sem_alloc : memref<!tpu.dma_semaphore, #tpu.memory_space<semaphore_mem>>
      %dma_start3A_1116 = arith.constant 3200 : i32
      %dma_start3A_1117 = tpu.memref_slice %arg20[%dma_start3A_1116] : memref<6400xf32, #tpu.memory_space<vmem>> -> memref<1600xf32, #tpu.memory_space<vmem>>
      %dma_start3A_1118 = tpu.memref_slice %arg9[%add3A_1034] : memref<3200000xf32, #tpu.memory_space<hbm>> -> memref<1600xf32, #tpu.memory_space<hbm>>
      %dma_start3A_1119 = arith.constant 3200 : i32
      %dma_start3A_1120 = tpu.memref_slice %arg20[%dma_start3A_1119] : memref<6400xf32, #tpu.memory_space<vmem>> -> memref<1600xf32, #tpu.memory_space<vmem>>
      %dma_start3A_1121 = tpu.memref_slice %arg9[%add3A_1034] : memref<3200000xf32, #tpu.memory_space<hbm>> -> memref<1600xf32, #tpu.memory_space<hbm>>
      tpu.enqueue_dma source(%dma_start3A_1121 : memref<1600xf32, #tpu.memory_space<hbm>>) target(%dma_start3A_1120 : memref<1600xf32, #tpu.memory_space<vmem>>) target_semaphore(%run_scoped3A : memref<!tpu.dma_semaphore, #tpu.memory_space<semaphore_mem>>)
      %dma_wait3A = arith.constant 3200 : i32
      %dma_wait3A_1122 = tpu.memref_slice %arg20[%dma_wait3A] : memref<6400xf32, #tpu.memory_space<vmem>> -> memref<1600xf32, #tpu.memory_space<vmem>>
      %dma_wait3A_1123 = tpu.memref_slice %arg9[%add3A_1034] : memref<3200000xf32, #tpu.memory_space<hbm>> -> memref<1600xf32, #tpu.memory_space<hbm>>
      %dma_wait3A_1124 = arith.constant 3200 : i32
      %dma_wait3A_1125 = tpu.memref_slice %arg20[%dma_wait3A_1124] : memref<6400xf32, #tpu.memory_space<vmem>> -> memref<1600xf32, #tpu.memory_space<vmem>>
      %dma_wait3A_1126 = tpu.memref_slice %arg9[%add3A_1034] : memref<3200000xf32, #tpu.memory_space<hbm>> -> memref<1600xf32, #tpu.memory_space<hbm>>
      tpu.wait_dma2 semaphore(%run_scoped3A : memref<!tpu.dma_semaphore, #tpu.memory_space<semaphore_mem>>) src(%dma_wait3A_1126 : memref<1600xf32, #tpu.memory_space<hbm>>) dst(%dma_wait3A_1125 : memref<1600xf32, #tpu.memory_space<vmem>>)
      tpu.yield
    }) : () -> ()
    %mul3A_1035 = arith.constant 4 : i32
    %mul3A_1036 = arith.muli %add3A_30, %mul3A_1035 : i32
    %add3A_1037 = arith.constant 3 : i32
    %add3A_1038 = arith.addi %mul3A_1036, %add3A_1037 : i32
    %mul3A_1039 = arith.constant 100000 : i32
    %mul3A_1040 = arith.muli %add3A_1038, %mul3A_1039 : i32
    %add3A_1041 = arith.addi %mul3A_1040, %mul3A_335 : i32
    %add3A_1042 = arith.constant 22400 : i32
    %add3A_1043 = arith.addi %add3A_1041, %add3A_1042 : i32
    "tpu.region"() ({
      %run_scoped3A = tpu.sem_alloc : memref<!tpu.dma_semaphore, #tpu.memory_space<semaphore_mem>>
      %dma_start3A_1116 = arith.constant 4800 : i32
      %dma_start3A_1117 = tpu.memref_slice %arg20[%dma_start3A_1116] : memref<6400xf32, #tpu.memory_space<vmem>> -> memref<1600xf32, #tpu.memory_space<vmem>>
      %dma_start3A_1118 = tpu.memref_slice %arg9[%add3A_1043] : memref<3200000xf32, #tpu.memory_space<hbm>> -> memref<1600xf32, #tpu.memory_space<hbm>>
      %dma_start3A_1119 = arith.constant 4800 : i32
      %dma_start3A_1120 = tpu.memref_slice %arg20[%dma_start3A_1119] : memref<6400xf32, #tpu.memory_space<vmem>> -> memref<1600xf32, #tpu.memory_space<vmem>>
      %dma_start3A_1121 = tpu.memref_slice %arg9[%add3A_1043] : memref<3200000xf32, #tpu.memory_space<hbm>> -> memref<1600xf32, #tpu.memory_space<hbm>>
      tpu.enqueue_dma source(%dma_start3A_1121 : memref<1600xf32, #tpu.memory_space<hbm>>) target(%dma_start3A_1120 : memref<1600xf32, #tpu.memory_space<vmem>>) target_semaphore(%run_scoped3A : memref<!tpu.dma_semaphore, #tpu.memory_space<semaphore_mem>>)
      %dma_wait3A = arith.constant 4800 : i32
      %dma_wait3A_1122 = tpu.memref_slice %arg20[%dma_wait3A] : memref<6400xf32, #tpu.memory_space<vmem>> -> memref<1600xf32, #tpu.memory_space<vmem>>
      %dma_wait3A_1123 = tpu.memref_slice %arg9[%add3A_1043] : memref<3200000xf32, #tpu.memory_space<hbm>> -> memref<1600xf32, #tpu.memory_space<hbm>>
      %dma_wait3A_1124 = arith.constant 4800 : i32
      %dma_wait3A_1125 = tpu.memref_slice %arg20[%dma_wait3A_1124] : memref<6400xf32, #tpu.memory_space<vmem>> -> memref<1600xf32, #tpu.memory_space<vmem>>
      %dma_wait3A_1126 = tpu.memref_slice %arg9[%add3A_1043] : memref<3200000xf32, #tpu.memory_space<hbm>> -> memref<1600xf32, #tpu.memory_space<hbm>>
      tpu.wait_dma2 semaphore(%run_scoped3A : memref<!tpu.dma_semaphore, #tpu.memory_space<semaphore_mem>>) src(%dma_wait3A_1126 : memref<1600xf32, #tpu.memory_space<hbm>>) dst(%dma_wait3A_1125 : memref<1600xf32, #tpu.memory_space<vmem>>)
      tpu.yield
    }) : () -> ()
    %scan3A_1044 = arith.constant 0 : i32
    %scan3A_1045 = arith.constant 0 : i32
    %scan3A_1046 = arith.constant 100 : i32
    %scan3A_1047 = arith.addi %scan3A_1045, %scan3A_1046 : i32
    %scan3A_1048 = arith.constant 1 : i32
    %scan3A_1049 = scf.for %scan3A_1116 = %scan3A_1045 to %scan3A_1047 step %scan3A_1048 iter_args(%scan3A_1117 = %scan3A_1044) -> (i32)  : i32 {
      %mul3A_1118 = arith.constant 16 : i32
      %mul3A_1119 = arith.muli %scan3A_1116, %mul3A_1118 : i32
      %get3A_1120 = arith.index_cast %mul3A_1119 : i32 to index
      %get3A_1121 = tpu.vector_load %arg20[%get3A_1120] {strides = array<i32>} : memref<6400xf32, #tpu.memory_space<vmem>>, vector<16xf32>,
      %add3A_1122 = arith.constant 1600 : i32
      %add3A_1123 = arith.addi %add3A_1122, %mul3A_1119 : i32
      %get3A_1124 = arith.index_cast %add3A_1123 : i32 to index
      %get3A_1125 = tpu.vector_load %arg20[%get3A_1124] {strides = array<i32>} : memref<6400xf32, #tpu.memory_space<vmem>>, vector<16xf32>,
      %max3A_1126 = arith.maximumf %get3A_1121, %get3A_1125 : vector<16xf32>
      %add3A_1127 = arith.constant 3200 : i32
      %add3A_1128 = arith.addi %add3A_1127, %mul3A_1119 : i32
      %get3A_1129 = arith.index_cast %add3A_1128 : i32 to index
      %get3A_1130 = tpu.vector_load %arg20[%get3A_1129] {strides = array<i32>} : memref<6400xf32, #tpu.memory_space<vmem>>, vector<16xf32>,
      %add3A_1131 = arith.constant 4800 : i32
      %add3A_1132 = arith.addi %add3A_1131, %mul3A_1119 : i32
      %get3A_1133 = arith.index_cast %add3A_1132 : i32 to index
      %get3A_1134 = tpu.vector_load %arg20[%get3A_1133] {strides = array<i32>} : memref<6400xf32, #tpu.memory_space<vmem>>, vector<16xf32>,
      %max3A_1135 = arith.maximumf %get3A_1130, %get3A_1134 : vector<16xf32>
      %max3A_1136 = arith.maximumf %max3A_1126, %max3A_1135 : vector<16xf32>
      %swap3A_1137 = arith.index_cast %mul3A_1119 : i32 to index
      %swap3A_1138 = tpu.vector_load %arg19[%swap3A_1137] {strides = array<i32>} : memref<1600xf32, #tpu.memory_space<vmem>>, vector<16xf32>,
      tpu.vector_store %arg19[%swap3A_1137], %max3A_1136 {strides = array<i32>} : memref<1600xf32, #tpu.memory_space<vmem>>, vector<16xf32>,
      %scan3A_1139 = arith.constant 0 : i32
      scf.yield %scan3A_1139 : i32
    }
    %scan3A_1050 = arith.constant 100 : i32
    %mul3A_1051 = arith.constant 100000 : i32
    %mul3A_1052 = arith.muli %add3A_30, %mul3A_1051 : i32
    %add3A_1053 = arith.addi %mul3A_1052, %mul3A_335 : i32
    %add3A_1054 = arith.constant 22400 : i32
    %add3A_1055 = arith.addi %add3A_1053, %add3A_1054 : i32
    "tpu.region"() ({
      %run_scoped3A = tpu.sem_alloc : memref<!tpu.dma_semaphore, #tpu.memory_space<semaphore_mem>>
      %dma_start3A_1116 = arith.constant 0 : i32
      %dma_start3A_1117 = tpu.memref_slice %arg19[%dma_start3A_1116] : memref<1600xf32, #tpu.memory_space<vmem>> -> memref<1600xf32, #tpu.memory_space<vmem>>
      %dma_start3A_1118 = tpu.memref_slice %arg8[%add3A_1055] : memref<800000xf32, #tpu.memory_space<hbm>> -> memref<1600xf32, #tpu.memory_space<hbm>>
      %dma_start3A_1119 = tpu.memref_slice %arg8[%add3A_1055] : memref<800000xf32, #tpu.memory_space<hbm>> -> memref<1600xf32, #tpu.memory_space<hbm>>
      %dma_start3A_1120 = arith.constant 0 : i32
      %dma_start3A_1121 = tpu.memref_slice %arg19[%dma_start3A_1120] : memref<1600xf32, #tpu.memory_space<vmem>> -> memref<1600xf32, #tpu.memory_space<vmem>>
      tpu.enqueue_dma source(%dma_start3A_1121 : memref<1600xf32, #tpu.memory_space<vmem>>) target(%dma_start3A_1119 : memref<1600xf32, #tpu.memory_space<hbm>>) target_semaphore(%run_scoped3A : memref<!tpu.dma_semaphore, #tpu.memory_space<semaphore_mem>>)
      %dma_wait3A = arith.constant 0 : i32
      %dma_wait3A_1122 = tpu.memref_slice %arg19[%dma_wait3A] : memref<1600xf32, #tpu.memory_space<vmem>> -> memref<1600xf32, #tpu.memory_space<vmem>>
      %dma_wait3A_1123 = tpu.memref_slice %arg8[%add3A_1055] : memref<800000xf32, #tpu.memory_space<hbm>> -> memref<1600xf32, #tpu.memory_space<hbm>>
      %dma_wait3A_1124 = tpu.memref_slice %arg8[%add3A_1055] : memref<800000xf32, #tpu.memory_space<hbm>> -> memref<1600xf32, #tpu.memory_space<hbm>>
      %dma_wait3A_1125 = arith.constant 0 : i32
      %dma_wait3A_1126 = tpu.memref_slice %arg19[%dma_wait3A_1125] : memref<1600xf32, #tpu.memory_space<vmem>> -> memref<1600xf32, #tpu.memory_space<vmem>>
      tpu.wait_dma2 semaphore(%run_scoped3A : memref<!tpu.dma_semaphore, #tpu.memory_space<semaphore_mem>>) src(%dma_wait3A_1126 : memref<1600xf32, #tpu.memory_space<vmem>>) dst(%dma_wait3A_1124 : memref<1600xf32, #tpu.memory_space<hbm>>)
      tpu.yield
    }) : () -> ()
    %mul3A_1056 = arith.constant 4 : i32
    %mul3A_1057 = arith.muli %add3A_30, %mul3A_1056 : i32
    %add3A_1058 = arith.constant 0 : i32
    %add3A_1059 = arith.addi %mul3A_1057, %add3A_1058 : i32
    %mul3A_1060 = arith.constant 100000 : i32
    %mul3A_1061 = arith.muli %add3A_1059, %mul3A_1060 : i32
    %add3A_1062 = arith.addi %mul3A_1061, %mul3A_335 : i32
    %add3A_1063 = arith.constant 24000 : i32
    %add3A_1064 = arith.addi %add3A_1062, %add3A_1063 : i32
    "tpu.region"() ({
      %run_scoped3A = tpu.sem_alloc : memref<!tpu.dma_semaphore, #tpu.memory_space<semaphore_mem>>
      %dma_start3A_1116 = arith.constant 0 : i32
      %dma_start3A_1117 = tpu.memref_slice %arg20[%dma_start3A_1116] : memref<6400xf32, #tpu.memory_space<vmem>> -> memref<1000xf32, #tpu.memory_space<vmem>>
      %dma_start3A_1118 = tpu.memref_slice %arg9[%add3A_1064] : memref<3200000xf32, #tpu.memory_space<hbm>> -> memref<1000xf32, #tpu.memory_space<hbm>>
      %dma_start3A_1119 = arith.constant 0 : i32
      %dma_start3A_1120 = tpu.memref_slice %arg20[%dma_start3A_1119] : memref<6400xf32, #tpu.memory_space<vmem>> -> memref<1000xf32, #tpu.memory_space<vmem>>
      %dma_start3A_1121 = tpu.memref_slice %arg9[%add3A_1064] : memref<3200000xf32, #tpu.memory_space<hbm>> -> memref<1000xf32, #tpu.memory_space<hbm>>
      tpu.enqueue_dma source(%dma_start3A_1121 : memref<1000xf32, #tpu.memory_space<hbm>>) target(%dma_start3A_1120 : memref<1000xf32, #tpu.memory_space<vmem>>) target_semaphore(%run_scoped3A : memref<!tpu.dma_semaphore, #tpu.memory_space<semaphore_mem>>)
      %dma_wait3A = arith.constant 0 : i32
      %dma_wait3A_1122 = tpu.memref_slice %arg20[%dma_wait3A] : memref<6400xf32, #tpu.memory_space<vmem>> -> memref<1000xf32, #tpu.memory_space<vmem>>
      %dma_wait3A_1123 = tpu.memref_slice %arg9[%add3A_1064] : memref<3200000xf32, #tpu.memory_space<hbm>> -> memref<1000xf32, #tpu.memory_space<hbm>>
      %dma_wait3A_1124 = arith.constant 0 : i32
      %dma_wait3A_1125 = tpu.memref_slice %arg20[%dma_wait3A_1124] : memref<6400xf32, #tpu.memory_space<vmem>> -> memref<1000xf32, #tpu.memory_space<vmem>>
      %dma_wait3A_1126 = tpu.memref_slice %arg9[%add3A_1064] : memref<3200000xf32, #tpu.memory_space<hbm>> -> memref<1000xf32, #tpu.memory_space<hbm>>
      tpu.wait_dma2 semaphore(%run_scoped3A : memref<!tpu.dma_semaphore, #tpu.memory_space<semaphore_mem>>) src(%dma_wait3A_1126 : memref<1000xf32, #tpu.memory_space<hbm>>) dst(%dma_wait3A_1125 : memref<1000xf32, #tpu.memory_space<vmem>>)
      tpu.yield
    }) : () -> ()
    %mul3A_1065 = arith.constant 4 : i32
    %mul3A_1066 = arith.muli %add3A_30, %mul3A_1065 : i32
    %add3A_1067 = arith.constant 1 : i32
    %add3A_1068 = arith.addi %mul3A_1066, %add3A_1067 : i32
    %mul3A_1069 = arith.constant 100000 : i32
    %mul3A_1070 = arith.muli %add3A_1068, %mul3A_1069 : i32
    %add3A_1071 = arith.addi %mul3A_1070, %mul3A_335 : i32
    %add3A_1072 = arith.constant 24000 : i32
    %add3A_1073 = arith.addi %add3A_1071, %add3A_1072 : i32
    "tpu.region"() ({
      %run_scoped3A = tpu.sem_alloc : memref<!tpu.dma_semaphore, #tpu.memory_space<semaphore_mem>>
      %dma_start3A_1116 = arith.constant 1600 : i32
      %dma_start3A_1117 = tpu.memref_slice %arg20[%dma_start3A_1116] : memref<6400xf32, #tpu.memory_space<vmem>> -> memref<1000xf32, #tpu.memory_space<vmem>>
      %dma_start3A_1118 = tpu.memref_slice %arg9[%add3A_1073] : memref<3200000xf32, #tpu.memory_space<hbm>> -> memref<1000xf32, #tpu.memory_space<hbm>>
      %dma_start3A_1119 = arith.constant 1600 : i32
      %dma_start3A_1120 = tpu.memref_slice %arg20[%dma_start3A_1119] : memref<6400xf32, #tpu.memory_space<vmem>> -> memref<1000xf32, #tpu.memory_space<vmem>>
      %dma_start3A_1121 = tpu.memref_slice %arg9[%add3A_1073] : memref<3200000xf32, #tpu.memory_space<hbm>> -> memref<1000xf32, #tpu.memory_space<hbm>>
      tpu.enqueue_dma source(%dma_start3A_1121 : memref<1000xf32, #tpu.memory_space<hbm>>) target(%dma_start3A_1120 : memref<1000xf32, #tpu.memory_space<vmem>>) target_semaphore(%run_scoped3A : memref<!tpu.dma_semaphore, #tpu.memory_space<semaphore_mem>>)
      %dma_wait3A = arith.constant 1600 : i32
      %dma_wait3A_1122 = tpu.memref_slice %arg20[%dma_wait3A] : memref<6400xf32, #tpu.memory_space<vmem>> -> memref<1000xf32, #tpu.memory_space<vmem>>
      %dma_wait3A_1123 = tpu.memref_slice %arg9[%add3A_1073] : memref<3200000xf32, #tpu.memory_space<hbm>> -> memref<1000xf32, #tpu.memory_space<hbm>>
      %dma_wait3A_1124 = arith.constant 1600 : i32
      %dma_wait3A_1125 = tpu.memref_slice %arg20[%dma_wait3A_1124] : memref<6400xf32, #tpu.memory_space<vmem>> -> memref<1000xf32, #tpu.memory_space<vmem>>
      %dma_wait3A_1126 = tpu.memref_slice %arg9[%add3A_1073] : memref<3200000xf32, #tpu.memory_space<hbm>> -> memref<1000xf32, #tpu.memory_space<hbm>>
      tpu.wait_dma2 semaphore(%run_scoped3A : memref<!tpu.dma_semaphore, #tpu.memory_space<semaphore_mem>>) src(%dma_wait3A_1126 : memref<1000xf32, #tpu.memory_space<hbm>>) dst(%dma_wait3A_1125 : memref<1000xf32, #tpu.memory_space<vmem>>)
      tpu.yield
    }) : () -> ()
    %mul3A_1074 = arith.constant 4 : i32
    %mul3A_1075 = arith.muli %add3A_30, %mul3A_1074 : i32
    %add3A_1076 = arith.constant 2 : i32
    %add3A_1077 = arith.addi %mul3A_1075, %add3A_1076 : i32
    %mul3A_1078 = arith.constant 100000 : i32
    %mul3A_1079 = arith.muli %add3A_1077, %mul3A_1078 : i32
    %add3A_1080 = arith.addi %mul3A_1079, %mul3A_335 : i32
    %add3A_1081 = arith.constant 24000 : i32
    %add3A_1082 = arith.addi %add3A_1080, %add3A_1081 : i32
    "tpu.region"() ({
      %run_scoped3A = tpu.sem_alloc : memref<!tpu.dma_semaphore, #tpu.memory_space<semaphore_mem>>
      %dma_start3A_1116 = arith.constant 3200 : i32
      %dma_start3A_1117 = tpu.memref_slice %arg20[%dma_start3A_1116] : memref<6400xf32, #tpu.memory_space<vmem>> -> memref<1000xf32, #tpu.memory_space<vmem>>
      %dma_start3A_1118 = tpu.memref_slice %arg9[%add3A_1082] : memref<3200000xf32, #tpu.memory_space<hbm>> -> memref<1000xf32, #tpu.memory_space<hbm>>
      %dma_start3A_1119 = arith.constant 3200 : i32
      %dma_start3A_1120 = tpu.memref_slice %arg20[%dma_start3A_1119] : memref<6400xf32, #tpu.memory_space<vmem>> -> memref<1000xf32, #tpu.memory_space<vmem>>
      %dma_start3A_1121 = tpu.memref_slice %arg9[%add3A_1082] : memref<3200000xf32, #tpu.memory_space<hbm>> -> memref<1000xf32, #tpu.memory_space<hbm>>
      tpu.enqueue_dma source(%dma_start3A_1121 : memref<1000xf32, #tpu.memory_space<hbm>>) target(%dma_start3A_1120 : memref<1000xf32, #tpu.memory_space<vmem>>) target_semaphore(%run_scoped3A : memref<!tpu.dma_semaphore, #tpu.memory_space<semaphore_mem>>)
      %dma_wait3A = arith.constant 3200 : i32
      %dma_wait3A_1122 = tpu.memref_slice %arg20[%dma_wait3A] : memref<6400xf32, #tpu.memory_space<vmem>> -> memref<1000xf32, #tpu.memory_space<vmem>>
      %dma_wait3A_1123 = tpu.memref_slice %arg9[%add3A_1082] : memref<3200000xf32, #tpu.memory_space<hbm>> -> memref<1000xf32, #tpu.memory_space<hbm>>
      %dma_wait3A_1124 = arith.constant 3200 : i32
      %dma_wait3A_1125 = tpu.memref_slice %arg20[%dma_wait3A_1124] : memref<6400xf32, #tpu.memory_space<vmem>> -> memref<1000xf32, #tpu.memory_space<vmem>>
      %dma_wait3A_1126 = tpu.memref_slice %arg9[%add3A_1082] : memref<3200000xf32, #tpu.memory_space<hbm>> -> memref<1000xf32, #tpu.memory_space<hbm>>
      tpu.wait_dma2 semaphore(%run_scoped3A : memref<!tpu.dma_semaphore, #tpu.memory_space<semaphore_mem>>) src(%dma_wait3A_1126 : memref<1000xf32, #tpu.memory_space<hbm>>) dst(%dma_wait3A_1125 : memref<1000xf32, #tpu.memory_space<vmem>>)
      tpu.yield
    }) : () -> ()
    %mul3A_1083 = arith.constant 4 : i32
    %mul3A_1084 = arith.muli %add3A_30, %mul3A_1083 : i32
    %add3A_1085 = arith.constant 3 : i32
    %add3A_1086 = arith.addi %mul3A_1084, %add3A_1085 : i32
    %mul3A_1087 = arith.constant 100000 : i32
    %mul3A_1088 = arith.muli %add3A_1086, %mul3A_1087 : i32
    %add3A_1089 = arith.addi %mul3A_1088, %mul3A_335 : i32
    %add3A_1090 = arith.constant 24000 : i32
    %add3A_1091 = arith.addi %add3A_1089, %add3A_1090 : i32
    "tpu.region"() ({
      %run_scoped3A = tpu.sem_alloc : memref<!tpu.dma_semaphore, #tpu.memory_space<semaphore_mem>>
      %dma_start3A_1116 = arith.constant 4800 : i32
      %dma_start3A_1117 = tpu.memref_slice %arg20[%dma_start3A_1116] : memref<6400xf32, #tpu.memory_space<vmem>> -> memref<1000xf32, #tpu.memory_space<vmem>>
      %dma_start3A_1118 = tpu.memref_slice %arg9[%add3A_1091] : memref<3200000xf32, #tpu.memory_space<hbm>> -> memref<1000xf32, #tpu.memory_space<hbm>>
      %dma_start3A_1119 = arith.constant 4800 : i32
      %dma_start3A_1120 = tpu.memref_slice %arg20[%dma_start3A_1119] : memref<6400xf32, #tpu.memory_space<vmem>> -> memref<1000xf32, #tpu.memory_space<vmem>>
      %dma_start3A_1121 = tpu.memref_slice %arg9[%add3A_1091] : memref<3200000xf32, #tpu.memory_space<hbm>> -> memref<1000xf32, #tpu.memory_space<hbm>>
      tpu.enqueue_dma source(%dma_start3A_1121 : memref<1000xf32, #tpu.memory_space<hbm>>) target(%dma_start3A_1120 : memref<1000xf32, #tpu.memory_space<vmem>>) target_semaphore(%run_scoped3A : memref<!tpu.dma_semaphore, #tpu.memory_space<semaphore_mem>>)
      %dma_wait3A = arith.constant 4800 : i32
      %dma_wait3A_1122 = tpu.memref_slice %arg20[%dma_wait3A] : memref<6400xf32, #tpu.memory_space<vmem>> -> memref<1000xf32, #tpu.memory_space<vmem>>
      %dma_wait3A_1123 = tpu.memref_slice %arg9[%add3A_1091] : memref<3200000xf32, #tpu.memory_space<hbm>> -> memref<1000xf32, #tpu.memory_space<hbm>>
      %dma_wait3A_1124 = arith.constant 4800 : i32
      %dma_wait3A_1125 = tpu.memref_slice %arg20[%dma_wait3A_1124] : memref<6400xf32, #tpu.memory_space<vmem>> -> memref<1000xf32, #tpu.memory_space<vmem>>
      %dma_wait3A_1126 = tpu.memref_slice %arg9[%add3A_1091] : memref<3200000xf32, #tpu.memory_space<hbm>> -> memref<1000xf32, #tpu.memory_space<hbm>>
      tpu.wait_dma2 semaphore(%run_scoped3A : memref<!tpu.dma_semaphore, #tpu.memory_space<semaphore_mem>>) src(%dma_wait3A_1126 : memref<1000xf32, #tpu.memory_space<hbm>>) dst(%dma_wait3A_1125 : memref<1000xf32, #tpu.memory_space<vmem>>)
      tpu.yield
    }) : () -> ()
    %scan3A_1092 = arith.constant 0 : i32
    %scan3A_1093 = arith.constant 0 : i32
    %scan3A_1094 = arith.constant 62 : i32
    %scan3A_1095 = arith.addi %scan3A_1093, %scan3A_1094 : i32
    %scan3A_1096 = arith.constant 1 : i32
    %scan3A_1097 = scf.for %scan3A_1116 = %scan3A_1093 to %scan3A_1095 step %scan3A_1096 iter_args(%scan3A_1117 = %scan3A_1092) -> (i32)  : i32 {
      %mul3A_1118 = arith.constant 16 : i32
      %mul3A_1119 = arith.muli %scan3A_1116, %mul3A_1118 : i32
      %get3A_1120 = arith.index_cast %mul3A_1119 : i32 to index
      %get3A_1121 = tpu.vector_load %arg20[%get3A_1120] {strides = array<i32>} : memref<6400xf32, #tpu.memory_space<vmem>>, vector<16xf32>,
      %add3A_1122 = arith.constant 1600 : i32
      %add3A_1123 = arith.addi %add3A_1122, %mul3A_1119 : i32
      %get3A_1124 = arith.index_cast %add3A_1123 : i32 to index
      %get3A_1125 = tpu.vector_load %arg20[%get3A_1124] {strides = array<i32>} : memref<6400xf32, #tpu.memory_space<vmem>>, vector<16xf32>,
      %max3A_1126 = arith.maximumf %get3A_1121, %get3A_1125 : vector<16xf32>
      %add3A_1127 = arith.constant 3200 : i32
      %add3A_1128 = arith.addi %add3A_1127, %mul3A_1119 : i32
      %get3A_1129 = arith.index_cast %add3A_1128 : i32 to index
      %get3A_1130 = tpu.vector_load %arg20[%get3A_1129] {strides = array<i32>} : memref<6400xf32, #tpu.memory_space<vmem>>, vector<16xf32>,
      %add3A_1131 = arith.constant 4800 : i32
      %add3A_1132 = arith.addi %add3A_1131, %mul3A_1119 : i32
      %get3A_1133 = arith.index_cast %add3A_1132 : i32 to index
      %get3A_1134 = tpu.vector_load %arg20[%get3A_1133] {strides = array<i32>} : memref<6400xf32, #tpu.memory_space<vmem>>, vector<16xf32>,
      %max3A_1135 = arith.maximumf %get3A_1130, %get3A_1134 : vector<16xf32>
      %max3A_1136 = arith.maximumf %max3A_1126, %max3A_1135 : vector<16xf32>
      %swap3A_1137 = arith.index_cast %mul3A_1119 : i32 to index
      %swap3A_1138 = tpu.vector_load %arg19[%swap3A_1137] {strides = array<i32>} : memref<1600xf32, #tpu.memory_space<vmem>>, vector<16xf32>,
      tpu.vector_store %arg19[%swap3A_1137], %max3A_1136 {strides = array<i32>} : memref<1600xf32, #tpu.memory_space<vmem>>, vector<16xf32>,
      %scan3A_1139 = arith.constant 0 : i32
      scf.yield %scan3A_1139 : i32
    }
    %scan3A_1098 = arith.constant 62 : i32
    %get3A_1099 = arith.constant 984 : index
    %get3A_1100 = tpu.vector_load %arg20[%get3A_1099] {strides = array<i32>} : memref<6400xf32, #tpu.memory_space<vmem>>, vector<16xf32>,
    %get3A_1101 = arith.constant 2584 : index
    %get3A_1102 = tpu.vector_load %arg20[%get3A_1101] {strides = array<i32>} : memref<6400xf32, #tpu.memory_space<vmem>>, vector<16xf32>,
    %max3A = arith.maximumf %get3A_1100, %get3A_1102 : vector<16xf32>
    %get3A_1103 = arith.constant 4184 : index
    %get3A_1104 = tpu.vector_load %arg20[%get3A_1103] {strides = array<i32>} : memref<6400xf32, #tpu.memory_space<vmem>>, vector<16xf32>,
    %get3A_1105 = arith.constant 5784 : index
    %get3A_1106 = tpu.vector_load %arg20[%get3A_1105] {strides = array<i32>} : memref<6400xf32, #tpu.memory_space<vmem>>, vector<16xf32>,
    %max3A_1107 = arith.maximumf %get3A_1104, %get3A_1106 : vector<16xf32>
    %max3A_1108 = arith.maximumf %max3A, %max3A_1107 : vector<16xf32>
    %swap3A_1109 = arith.constant 984 : index
    %swap3A_1110 = tpu.vector_load %arg19[%swap3A_1109] {strides = array<i32>} : memref<1600xf32, #tpu.memory_space<vmem>>, vector<16xf32>,
    tpu.vector_store %arg19[%swap3A_1109], %max3A_1108 {strides = array<i32>} : memref<1600xf32, #tpu.memory_space<vmem>>, vector<16xf32>,
    %mul3A_1111 = arith.constant 100000 : i32
    %mul3A_1112 = arith.muli %add3A_30, %mul3A_1111 : i32
    %add3A_1113 = arith.addi %mul3A_1112, %mul3A_335 : i32
    %add3A_1114 = arith.constant 24000 : i32
    %add3A_1115 = arith.addi %add3A_1113, %add3A_1114 : i32
    "tpu.region"() ({
      %run_scoped3A = tpu.sem_alloc : memref<!tpu.dma_semaphore, #tpu.memory_space<semaphore_mem>>
      %dma_start3A_1116 = arith.constant 0 : i32
      %dma_start3A_1117 = tpu.memref_slice %arg19[%dma_start3A_1116] : memref<1600xf32, #tpu.memory_space<vmem>> -> memref<1000xf32, #tpu.memory_space<vmem>>
      %dma_start3A_1118 = tpu.memref_slice %arg8[%add3A_1115] : memref<800000xf32, #tpu.memory_space<hbm>> -> memref<1000xf32, #tpu.memory_space<hbm>>
      %dma_start3A_1119 = tpu.memref_slice %arg8[%add3A_1115] : memref<800000xf32, #tpu.memory_space<hbm>> -> memref<1000xf32, #tpu.memory_space<hbm>>
      %dma_start3A_1120 = arith.constant 0 : i32
      %dma_start3A_1121 = tpu.memref_slice %arg19[%dma_start3A_1120] : memref<1600xf32, #tpu.memory_space<vmem>> -> memref<1000xf32, #tpu.memory_space<vmem>>
      tpu.enqueue_dma source(%dma_start3A_1121 : memref<1000xf32, #tpu.memory_space<vmem>>) target(%dma_start3A_1119 : memref<1000xf32, #tpu.memory_space<hbm>>) target_semaphore(%run_scoped3A : memref<!tpu.dma_semaphore, #tpu.memory_space<semaphore_mem>>)
      %dma_wait3A = arith.constant 0 : i32
      %dma_wait3A_1122 = tpu.memref_slice %arg19[%dma_wait3A] : memref<1600xf32, #tpu.memory_space<vmem>> -> memref<1000xf32, #tpu.memory_space<vmem>>
      %dma_wait3A_1123 = tpu.memref_slice %arg8[%add3A_1115] : memref<800000xf32, #tpu.memory_space<hbm>> -> memref<1000xf32, #tpu.memory_space<hbm>>
      %dma_wait3A_1124 = tpu.memref_slice %arg8[%add3A_1115] : memref<800000xf32, #tpu.memory_space<hbm>> -> memref<1000xf32, #tpu.memory_space<hbm>>
      %dma_wait3A_1125 = arith.constant 0 : i32
      %dma_wait3A_1126 = tpu.memref_slice %arg19[%dma_wait3A_1125] : memref<1600xf32, #tpu.memory_space<vmem>> -> memref<1000xf32, #tpu.memory_space<vmem>>
      tpu.wait_dma2 semaphore(%run_scoped3A : memref<!tpu.dma_semaphore, #tpu.memory_space<semaphore_mem>>) src(%dma_wait3A_1126 : memref<1000xf32, #tpu.memory_space<vmem>>) dst(%dma_wait3A_1124 : memref<1000xf32, #tpu.memory_space<hbm>>)
      tpu.yield
    }) : () -> ()
    return
  }
}

</mosaic_0001>

<sc_bundles>
// kernel: kernel.3.cloned.1.call-start
scs
__scs_entry_jumppad:
0x0: {  	(pc) =	sbr.rel $0x88, $3  }
0x1: {  	(tag) =	ssettag $0x0;
	lr =	simm.s32 $0x1  }
0x2: {  	[smem:$0x3F9C] =	sst lr;
	_ =	strace $0xD0000000  }
0x3: {  	_ = 	snop  }
0x4: {  	_ = 	snop  }
0x5: {  	_ = 	snop  }
0x6: {  	_ = 	snop  }
0x7: {  	_ = 	snop  }
__scs_overlays_trampoline_lowered:
0x8: {  	[smem:$0x3FAB] =	sst s0  }
0x9: {  	[smem:$0x3FAC] =	sst s1  }
0xa: {  	[smem:$0x3FAD] =	sst s2  }
0xb: {  	[smem:$0x3FAE] =	sst s3  }
0xc: {  	[smem:$0x3FAF] =	sst s4  }
0xd: {  	[smem:$0x3FB0] =	sst s5  }
0xe: {  	[smem:$0x3FB1] =	sst s6  }
0xf: {  	[smem:$0x3FB2] =	sst s7  }
0x10: {  	[smem:$0x3FB3] =	sst s8  }
0x11: {  	[smem:$0x3FB4] =	sst s9;
	s0 =	simm.s32 @!p0 $0x0  }
0x12: {  	s1 =	sld [smem:$0x3F9A];
	s0 =	simm.s32 @p0 $0x1  }
0x13: {  	[smem:$0x3FB5] =	sst s0;
	s0 =	simm.s32 @!p1 $0x0  }
0x14: {  	s2 =	sld [smem:$0x3F99];
	s0 =	simm.s32 @p1 $0x1  }
0x15: {  	[smem:$0x3FB6] =	sst s0;
	s0 =	simm.s32 @!p2 $0x0  }
0x16: {  	s3 =	sld [smem:$0x3FDB];
	s0 =	simm.s32 @p2 $0x1  }
0x17: {  	s4 =	simm.s32 $0x1BF5;
	[smem:$0x3FB8] =	sst s0  }
0x18: {  	s0 =	sld [smem:$0x3F9B];
	_ =	swait.ge [sflag:s4], $0x0  }
0x19: {  	s7 =	sld [smem:$0x3F9C]  }
0x1a: {  	s8 =	sadd.s32 $0xFFFFE003, lr  }
0x1b: {  	s9 =	sadd.s32 $0xFFFFFEF7, lr;
	s5 =	simm.s32 $0xFFFFFFFF;
	p2 =	slt.u32 s8, $0xFFFFF086  }
0x1c: {  	p1 =	slt.u32 s9, $0xF7A;
	s5 =	simm.s32 @!p2 $0x0  }
0x1d: {  	s5 =	simm.s32 @p1 $0x1;
	p0 =	seq.s32 s7, s2  }
0x1e: {  	s7 =	smul.u32 @!p0 $0xF7A, s2;
	p2 =	seq.s32 @!p0 s5, $0x0  }
0x1f: {  	s9 =	smul.u32 $0xF7A, s1;
	s8 =	simm.s32 @!p0 $0x1BF5;
	p2 =	por !p2, p0  }
0x20: {  	[sflag:s8] =	ssyncset.s32 @!p0 $0xFFFFF086;
	s6 =	sadd.s32 @!p0 s3, s7;
	s7 =	simm.s32 @!p0 $0x108  }
0x21: {  	s3 =	sadd.s32 s3, s9;
	s6 =	sadd.s32 @!p0 $0x88, s6;
	s7 =	simm.s32 @p2 $0x1082  }
0x22: {  	[simem:s7], [sflag:s8] =	dma.local @!p0 [hbm:s6], $0xF7A  }
0x23: {  	s9 =	sor.u32 $0xD0000000, s2;
	s6 =	simm.s32 $0x108;
	_ =	swait.ge @!p0 [sflag:s8], $0x0  }
0x24: {  	s3 =	sadd.s32 $0x88, s3;
	s6 =	simm.s32 @!p1 $0x1082;
	[sflag:s4] =	ssyncset.s32 $0xFFFFF086  }
0x25: {  	[simem:s6], [sflag:s4] =	dma.local [hbm:s3], $0xF7A  }
0x26: {  	[smem:$0x3F9C] =	sst s1;
	(tag) =	ssettag s2;
	_ =	strace s9  }
0x27: {  	s1 =	sld [smem:$0x3FAC]  }
0x28: {  	s2 =	sld [smem:$0x3FAD]  }
0x29: {  	s4 =	sld [smem:$0x3FAF]  }
0x2a: {  	p0 =	seq.s32 s5, $0x0;
	s5 =	sld [smem:$0x3FB0]  }
0x2b: {  	s6 =	sld [smem:$0x3FB1]  }
0x2c: {  	s7 =	sld [smem:$0x3FB2]  }
0x2d: {  	s3 =	simm.s32 $0x108;
	s8 =	sld [smem:$0x3FB3]  }
0x2e: {  	s3 =	simm.s32 @!p0 $0x1082;
	s9 =	sld [smem:$0x3FB4]  }
0x2f: {  	lr =	sadd.s32 s0, s3;
	s0 =	sld [smem:$0x3FAB]  }
0x30: {  	s3 =	sld [smem:$0x3FAE]  }
0x31: {  	[smem:$0x3FB7] =	sst s10  }
0x32: {  	s10 =	sld [smem:$0x3FB5];
	_ =	sdelay $0x3  }
0x33: {  	p0 =	seq.s32 s10, $0x1;
	s10 =	sld [smem:$0x3FB7];
	_ =	sdelay $0x3  }
0x34: {  	[smem:$0x3FB7] =	sst s10  }
0x35: {  	s10 =	sld [smem:$0x3FB6];
	_ =	sdelay $0x3  }
0x36: {  	p1 =	seq.s32 s10, $0x1;
	s10 =	sld [smem:$0x3FB7];
	_ =	sdelay $0x3  }
0x37: {  	[smem:$0x3FB7] =	sst s10  }
0x38: {  	s10 =	sld [smem:$0x3FB8]  }
0x39: {  	_ = 	snop;
	(pc) =	sbr.ind lr, $3  }
0x3a: {  	_ = 	snop  }
0x3b: {  	_ = 	snop  }
0x3c: {  	p2 =	seq.s32 s10, $0x1;
	s10 =	sld [smem:$0x3FB7]  }
0x3d: {  	_ =	shalt  }
0x3e: {  	_ =	shalt  }
0x3f: {  	_ =	shalt  }
0x40: {  	_ =	shalt  }
0x41: {  	_ =	shalt  }
0x42: {  	_ =	shalt  }
0x43: {  	_ =	shalt  }
0x44: {  	_ =	shalt  }
0x45: {  	_ =	shalt  }
0x46: {  	_ =	shalt  }
0x47: {  	_ =	shalt  }
0x48: {  	_ =	shalt  }
0x49: {  	_ =	shalt  }
0x4a: {  	_ =	shalt  }
0x4b: {  	_ =	shalt  }
0x4c: {  	_ =	shalt  }
0x4d: {  	_ =	shalt  }
0x4e: {  	_ =	shalt  }
0x4f: {  	_ =	shalt  }
0x50: {  	_ =	shalt  }
0x51: {  	_ =	shalt  }
0x52: {  	_ =	shalt  }
0x53: {  	_ =	shalt  }
0x54: {  	_ =	shalt  }
0x55: {  	_ =	shalt  }
0x56: {  	_ =	shalt  }
0x57: {  	_ =	shalt  }
0x58: {  	_ =	shalt  }
0x59: {  	_ =	shalt  }
0x5a: {  	_ =	shalt  }
0x5b: {  	_ =	shalt  }
0x5c: {  	_ =	shalt  }
0x5d: {  	_ =	shalt  }
0x5e: {  	_ =	shalt  }
0x5f: {  	_ =	shalt  }
0x60: {  	_ =	shalt  }
0x61: {  	_ =	shalt  }
0x62: {  	_ =	shalt  }
0x63: {  	_ =	shalt  }
0x64: {  	_ =	shalt  }
0x65: {  	_ =	shalt  }
0x66: {  	_ =	shalt  }
0x67: {  	_ =	shalt  }
0x68: {  	_ =	shalt  }
0x69: {  	_ =	shalt  }
0x6a: {  	_ =	shalt  }
0x6b: {  	_ =	shalt  }
0x6c: {  	_ =	shalt  }
0x6d: {  	_ =	shalt  }
0x6e: {  	_ =	shalt  }
0x6f: {  	_ =	shalt  }
0x70: {  	_ =	shalt  }
0x71: {  	_ =	shalt  }
0x72: {  	_ =	shalt  }
0x73: {  	_ =	shalt  }
0x74: {  	_ =	shalt  }
0x75: {  	_ =	shalt  }
0x76: {  	_ =	shalt  }
0x77: {  	_ =	shalt  }
0x78: {  	_ =	shalt  }
0x79: {  	_ =	shalt  }
0x7a: {  	_ =	shalt  }
0x7b: {  	_ =	shalt  }
0x7c: {  	_ =	shalt  }
0x7d: {  	_ =	shalt  }
0x7e: {  	_ =	shalt  }
0x7f: {  	_ =	shalt  }
0x80: {  	_ =	shalt  }
0x81: {  	_ =	shalt  }
0x82: {  	_ =	shalt  }
0x83: {  	_ =	shalt  }
0x84: {  	_ =	shalt  }
0x85: {  	_ =	shalt  }
0x86: {  	_ =	shalt  }
0x87: {  	_ =	shalt  }
.Lfunc_end0:
.L_simem_size_0:
called_computation_lowered:
.L_overlay_start_0:
0x88: {  	s2 =	sld [smem:$0x3FD9]  }
0x89: {  	s3 =	sld [smem:$0x3FFE];
	_ =	sdelay $0x1  }
0x8a: {  	s1 =	srdreg.scid  }
0x8b: {  	s0 =	sand.u32 $0x1, s1  }
0x8c: {  	s17 =	sshll.u32 s0, $0xA;
	s2 =	sadd.s32 s3, s2  }
0x8d: {  	s2 =	sadd.s32 s2, s17  }
0x8e: {  	[smem:$0x3FC3] =	sst s2  }
0x8f: {  	_ = 	snop  }
0x90: {  	s2 =	sld [smem:$0x3FC8]  }
0x91: {  	s18 =	sld [smem:$0x3FC6]  }
0x92: {  	s4 =	sld [smem:$0x3FD0];
	(tm) =	ssettm $0x1  }
0x93: {  	s5 =	sld [smem:$0x3FFB];
	_ =	sdelay $0x3  }
0x94: {  	_ =	strace s5  }
0x95: {  	s5 =	sld [smem:$0x3FFC];
	_ =	sdelay $0x3  }
0x96: {  	_ =	strace s5  }
0x97: {  	s5 =	sld [smem:$0x3FFD];
	_ =	sdelay $0x3  }
0x98: {  	_ =	strace s5  }
0x99: {  	_ =	strace $0x8FFFFFFF  }
0x9a: {  	s19 =	sld [smem:$0x3FDB];
	_ =	sdelay $0x1  }
0x9b: {  	s6 =	simm.s32 $_scs_section_size  }
0x9c: {  	s7 =	simm.s32 $_size__tile_overlayer_lowered;
	s8 =	simm.s32 $_tile_overlayer_lowered  }
0x9d: {  	s22 =	simm.s32 $0x1BFF;
	s21 =	sshll.u32 s8, $0x1;
	s5 =	sadd.s32 s6, s19  }
0x9e: {  	s9 =	simm.s32 $0x0;
	s20 =	sshll.u32 s7, $0x1;
	s7 =	sadd.s32 s21, s5  }
0x9f: {  	[timem:s9], [sflag:s22] =	dma.local [hbm:s7], s20  }
0xa0: {  	_ =	swait.ge [sflag:s22], s20  }
0xa1: {  	s6 =	ssub.s32 $0x0, s20;
	[sflag:s22] =	ssyncset.done $0x0  }
0xa2: {  	[sflag:s22] =	ssyncadd.s32 s6;
	_ =	sdelay $0x1  }
0xa3: {  	s23 =	simm.s32 $0x1B8B  }
0xa4: {  	_ =	swait.ge [sflag:s23], $0x1  }
0xa5: {  	[sflag:s23] =	ssyncset.done $0x0  }
0xa6: {  	s25 =	simm.s32 $0x1B8E;
	s24 =	sld [smem:$0x3FFE];
	[sflag:s23] =	ssyncadd.s32 $0xFFFFFFFF  }
0xa7: {  	s26 =	simm.s32 $execute0_lowered;
	[smem:$0x3FD2] =	sst s25  }
0xa8: {  	s7 =	sshll.u32 s26, $0x1;
	_ =	strace $0x80000046;
	[dreg:$0x1] =	wrdreg $0xFFFFFFFF  }
0xa9: {  	s28 =	simm.s32 $_size_execute0_lowered;
	s5 =	sadd.s32 s5, s7;
	[dreg:$0x0] =	wrdreg $0x0  }
0xaa: {  	s7 =	sshll.u32 s28, $0x1;
	[dreg:$0x2] =	wrdreg s5  }
0xab: {  	[dreg:$0x3] =	wrdreg s7  }
0xac: {  	[dreg:$0x4] =	wrdreg $0xC0  }
0xad: {  	_ =	task [dreg:s9], $0x5FFFF  }
0xae: {  	[dreg:$0x1] =	wrdreg $0xFFFFFFFF  }
0xaf: {  	[dreg:$0x0] =	wrdreg $0x60  }
0xb0: {  	[dreg:$0x2] =	wrdreg s4  }
0xb1: {  	[dreg:$0x3] =	wrdreg s24  }
0xb2: {  	[dreg:$0x4] =	wrdreg s18  }
0xb3: {  	[dreg:$0x5] =	wrdreg s2  }
0xb4: {  	[dreg:$0x6] =	wrdreg $0x9  }
0xb5: {  	_ =	task.clear_ibuf [dreg:s9], $0x7FFFF;
	_ =	strace $0x90000046  }
0xb6: {  	s29 =	simm.s32 $0x9;
	_ =	strace $0x80000048  }
0xb7: {  	_ =	swait.ge [sflag:s29], $0x1  }
0xb8: {  	[sflag:s29] =	ssyncadd.s32 $0xFFFFFFFF  }
0xb9: {  	_ =	strace $0x90000048  }
0xba: {  	_ =	sfence  }
0xbb: {  	s30 =	sld [smem:$0x0];
	_ =	sdelay $0x2  }
0xbc: {  	s31 =	sshll.u32 s1, $0xD;
	s1 =	sshrl.u32 s1, $0x2  }
0xbd: {  	s3 =	sand.u32 $0x4000, s31;
	s1 =	sadd.s32 s1, s30  }
0xbe: {  	s0 =	sor.u32 s3, s0;
	s1 =	sshll.u32 s1, $0x11  }
0xbf: {  	s0 =	sor.u32 s1, s0  }
0xc0: {  	s0 =	sadd.s32 $0x8F2B, s0  }
0xc1: {  	[sflag:s0] =	ssyncadd.remote.s32 $0x1  }
0xc2: {  	_ =	sfence.sel $0xFFFF  }
0xc3: {  	[dreg:$0x0] =	wrdreg $0xFFFFFFFF;
	(pc) =	sbr.abs _section_cstart, $3  }
0xc4: {  	[dreg:$0x1] =	wrdreg $0xFFFFFFFF  }
0xc5: {  	_ =	task.clear_ibuf [dreg:s9], $0x2FFFF;
	_ =	strace $0x9FFFFFFF  }
0xc6: {  	(tm) =	ssettm $0x7FFFFFFF  }
0xc7: {  	_ =	shalt  }
tec
execute0_lowered:
.L_overlay_start_1:
0x0: {  	(tag) =	ssettag $0x1  }
0x1: {  	s1 =	rddreg [dreg:$0x0]  }
0x2: {  	s0 =	srdreg.scid;
	s9 =	rddreg [dreg:$0x1]  }
0x3: {  	s5 =	stileid.u32;
	s3 =	rddreg [dreg:$0x2];
	s2 =	sand.u32 $0x1, s0  }
0x4: {  	s22 =	sshrl.u32 s5, $0x2;
	s11 =	sand.u32 $0x3, s5;
	s4 =	sshll.u32 s2, $0x2  }
0x5: {  	s5 =	simm.s32 $0x0;
	s12 =	smul.u32 $0x61A8, s11;
	s10 =	sor.u32 s22, s4  }
0x6: {  	[smem:$0x7FF] =	sst s5;
	s2 =	ssub.s32 $0x2, s2;
	s0 =	smul.u32 $0x186A0, s10  }
0x7: {  	s4 =	rddreg [dreg:$0x3];
	_ =	strace $0x80000047;
	s15 =	sshrl.u32 s2, $0x1  }
0x8: {  	s13 =	sshll.u32 s10, $0x1;
	s2 =	ssub.s32 s2, s15;
	s8 =	sadd.s32 s12, s0  }
0x9: {  	s13 =	sadd.s32 s13, s9;
	s2 =	smax.u32 s2, $0x1;
	s8 =	sshrl.u32 s8, $0x3  }
0xa: {  	s13 =	sadd.s32 $0xA00, s13;
	[dreg:$0x1b] =	wrdreg s2;
	s14 =	sadd.s32 s8, s9  }
0xb: {  	s16 =	sshll.u32 s10, $0x2;
	[dreg:$0x5] =	wrdreg s13;
	s24 =	sadd.s32 $0x126000, s14  }
0xc: {  	s10 =	smul.u32 $0x61A80, s10;
	s25 =	sadd.s32 $0x1260C8, s14;
	[dreg:$0x7] =	wrdreg s24  }
0xd: {  	s26 =	sadd.s32 $0x126190, s14;
	[dreg:$0x9] =	wrdreg s25  }
0xe: {  	s10 =	sadd.s32 s12, s10;
	s12 =	sadd.s32 $0x126258, s14;
	[dreg:$0xa] =	wrdreg s26  }
0xf: {  	s8 =	smul.u32 $0xC3500, s11;
	s15 =	sadd.s32 $0x126320, s14;
	[dreg:$0xb] =	wrdreg s12  }
0x10: {  	s11 =	sor.u32 s11, s16;
	s16 =	sadd.s32 $0x1263E8, s14;
	[dreg:$0xc] =	wrdreg s15  }
0x11: {  	s17 =	sadd.s32 $0x1264B0, s14;
	[dreg:$0xd] =	wrdreg s16  }
0x12: {  	s18 =	sadd.s32 $0x126578, s14;
	[dreg:$0xe] =	wrdreg s17  }
0x13: {  	s6 =	sadd.s32 $0x62800, s9;
	s20 =	sadd.s32 $0x126640, s14;
	[dreg:$0xf] =	wrdreg s18  }
0x14: {  	s7 =	sadd.s32 $0xC00, s9;
	s22 =	sadd.s32 $0x126708, s14;
	[dreg:$0x10] =	wrdreg s20  }
0x15: {  	s10 =	sshrl.u32 s10, $0x3;
	[dreg:$0x12] =	wrdreg s22;
	s25 =	sadd.s32 $0x126898, s14  }
0x16: {  	s9 =	sadd.s32 $0xC4400, s9;
	s26 =	sadd.s32 $0x126960, s14;
	[dreg:$0x15] =	wrdreg s25  }
0x17: {  	s19 =	sadd.s32 s9, s10;
	s12 =	sadd.s32 $0x126AF0, s14;
	[dreg:$0x16] =	wrdreg s26  }
0x18: {  	s15 =	sadd.s32 $0x61A8, s19;
	[dreg:$0x19] =	wrdreg s12  }
0x19: {  	s16 =	sadd.s32 $0x927C, s19;
	[dreg:$0x1d] =	wrdreg s15  }
0x1a: {  	s17 =	sadd.s32 $0xC8, s19;
	[dreg:$0x1e] =	wrdreg s16  }
0x1b: {  	s18 =	sadd.s32 $0x319C, s19;
	[dreg:$0x1f] =	wrdreg s17  }
0x1c: {  	s11 =	smul.u32 $0x30D4, s11;
	s20 =	sadd.s32 $0x6270, s19;
	[smem:$0x7C3] =	sst s18  }
0x1d: {  	s13 =	sshrl.u32 s8, $0x3;
	s22 =	sadd.s32 $0x190, s19;
	[smem:$0x7C4] =	sst s20  }
0x1e: {  	s23 =	sadd.s32 s6, s13;
	[smem:$0x7C6] =	sst s22  }
0x1f: {  	s11 =	sadd.s32 s9, s11;
	[dreg:$0x6] =	wrdreg s23  }
0x20: {  	s21 =	sadd.s32 s7, s13;
	[dreg:$0x8] =	wrdreg s11  }
0x21: {  	s24 =	sadd.s32 s3, s13;
	[dreg:$0x11] =	wrdreg s21  }
0x22: {  	s10 =	sadd.s32 s4, s13;
	[dreg:$0x14] =	wrdreg s24  }
0x23: {  	s13 =	sadd.s32 $0x126BB8, s14;
	[dreg:$0x17] =	wrdreg s10  }
0x24: {  	s25 =	sadd.s32 $0x940C, s19;
	[dreg:$0x1a] =	wrdreg s13  }
0x25: {  	s26 =	sadd.s32 $0x258, s19;
	[smem:$0x7C9] =	sst s25  }
0x26: {  	s9 =	sadd.s32 $0x332C, s19;
	[smem:$0x7CA] =	sst s26  }
0x27: {  	s12 =	sadd.s32 $0x320, s19;
	[smem:$0x7CB] =	sst s9  }
0x28: {  	s15 =	sadd.s32 $0x959C, s19;
	[smem:$0x7CE] =	sst s12  }
0x29: {  	s16 =	sadd.s32 $0x3E8, s19;
	[smem:$0x7D1] =	sst s15  }
0x2a: {  	s17 =	sadd.s32 $0x34BC, s19;
	[smem:$0x7D2] =	sst s16  }
0x2b: {  	s18 =	sadd.s32 $0x6590, s19;
	[smem:$0x7D3] =	sst s17  }
0x2c: {  	s20 =	sadd.s32 $0x9664, s19;
	[smem:$0x7D4] =	sst s18  }
0x2d: {  	s22 =	sadd.s32 $0x3584, s19;
	[smem:$0x7D5] =	sst s20  }
0x2e: {  	s23 =	sadd.s32 $0x1267D0, s14;
	[smem:$0x7D7] =	sst s22  }
0x2f: {  	s11 =	sadd.s32 $0x126A28, s14;
	[dreg:$0x13] =	wrdreg s23  }
0x30: {  	s14 =	sadd.s32 $0x30D4, s19;
	[dreg:$0x18] =	wrdreg s11  }
0x31: {  	s21 =	sadd.s32 $0x9344, s19;
	[dreg:$0x1c] =	wrdreg s14  }
0x32: {  	s24 =	sadd.s32 $0x6338, s19;
	[smem:$0x7C5] =	sst s21  }
0x33: {  	s10 =	sadd.s32 $0x6400, s19;
	[smem:$0x7C8] =	sst s24  }
0x34: {  	s13 =	sadd.s32 $0x33F4, s19;
	[smem:$0x7CC] =	sst s10  }
0x35: {  	s25 =	sadd.s32 $0x578, s19;
	[smem:$0x7CF] =	sst s13  }
0x36: {  	s26 =	sadd.s32 $0x364C, s19;
	[smem:$0x7DA] =	sst s25  }
0x37: {  	s9 =	sadd.s32 $0x6720, s19;
	[smem:$0x7DB] =	sst s26  }
0x38: {  	s12 =	sadd.s32 $0x3714, s19;
	[smem:$0x7DC] =	sst s9  }
0x39: {  	s15 =	sadd.s32 $0x708, s19;
	[smem:$0x7DF] =	sst s12  }
0x3a: {  	s16 =	sadd.s32 $0x37DC, s19;
	[smem:$0x7E2] =	sst s15  }
0x3b: {  	s17 =	sadd.s32 $0x68B0, s19;
	[smem:$0x7E3] =	sst s16  }
0x3c: {  	s18 =	sadd.s32 $0x9984, s19;
	[smem:$0x7E4] =	sst s17  }
0x3d: {  	s20 =	sadd.s32 $0x7D0, s19;
	[smem:$0x7E5] =	sst s18  }
0x3e: {  	s22 =	sadd.s32 $0x6978, s19;
	[smem:$0x7E6] =	sst s20  }
0x3f: {  	s23 =	sadd.s32 $0x3264, s19;
	[smem:$0x7E8] =	sst s22  }
0x40: {  	s11 =	sadd.s32 $0x94D4, s19;
	[smem:$0x7C7] =	sst s23  }
0x41: {  	s14 =	sadd.s32 $0x64C8, s19;
	[smem:$0x7CD] =	sst s11  }
0x42: {  	s21 =	sadd.s32 $0x4B0, s19;
	[smem:$0x7D0] =	sst s14  }
0x43: {  	s24 =	sadd.s32 $0x972C, s19;
	[smem:$0x7D6] =	sst s21  }
0x44: {  	s10 =	sadd.s32 $0x97F4, s19;
	[smem:$0x7D9] =	sst s24  }
0x45: {  	s13 =	sadd.s32 $0x67E8, s19;
	[smem:$0x7DD] =	sst s10  }
0x46: {  	s25 =	sadd.s32 $0x396C, s19;
	[smem:$0x7E0] =	sst s13  }
0x47: {  	s26 =	sadd.s32 $0x6A40, s19;
	[smem:$0x7EB] =	sst s25  }
0x48: {  	s9 =	sadd.s32 $0x9B14, s19;
	[smem:$0x7EC] =	sst s26  }
0x49: {  	s12 =	sadd.s32 $0x6B08, s19;
	[smem:$0x7ED] =	sst s9  }
0x4a: {  	s15 =	sadd.s32 $0x3AFC, s19;
	[smem:$0x7F0] =	sst s12  }
0x4b: {  	s16 =	sadd.s32 $0x6BD0, s19;
	[smem:$0x7F3] =	sst s15  }
0x4c: {  	s17 =	sadd.s32 $0x9CA4, s19;
	[smem:$0x7F4] =	sst s16  }
0x4d: {  	s18 =	sadd.s32 $0xAF0, s19;
	[smem:$0x7F5] =	sst s17  }
0x4e: {  	s20 =	sadd.s32 $0x3BC4, s19;
	[smem:$0x7F6] =	sst s18  }
0x4f: {  	s22 =	sadd.s32 $0x9D6C, s19;
	[smem:$0x7F7] =	sst s20  }
0x50: {  	s23 =	sadd.s32 $0x6658, s19;
	[smem:$0x7F9] =	sst s22  }
0x51: {  	s11 =	sadd.s32 $0x640, s19;
	[smem:$0x7D8] =	sst s23  }
0x52: {  	s14 =	sadd.s32 $0x98BC, s19;
	[smem:$0x7DE] =	sst s11  }
0x53: {  	s21 =	sadd.s32 $0x38A4, s19;
	[smem:$0x7E1] =	sst s14  }
0x54: {  	s24 =	sadd.s32 $0x898, s19;
	[smem:$0x7E7] =	sst s21  }
0x55: {  	s10 =	sadd.s32 $0x960, s19;
	[smem:$0x7EA] =	sst s24  }
0x56: {  	s13 =	sadd.s32 $0x9BDC, s19;
	[smem:$0x7EE] =	sst s10  }
0x57: {  	s28 =	simm.s32 $0x3;
	s25 =	sadd.s32 $0x6D60, s19;
	[smem:$0x7F1] =	sst s13  }
0x58: {  	s29 =	simm.s32 $0x1B900;
	s26 =	sadd.s32 $0x9E34, s19;
	[smem:$0x7FC] =	sst s25  }
0x59: {  	s30 =	simm.s32 $0x1C000;
	s23 =	sadd.s32 $0x9A4C, s19;
	[smem:$0x7FD] =	sst s26  }
0x5a: {  	s31 =	simm.s32 $0x1C700;
	s11 =	sadd.s32 $0x3A34, s19;
	[smem:$0x7E9] =	sst s23  }
0x5b: {  	s2 =	simm.s32 $0x80;
	s14 =	sadd.s32 $0xA28, s19;
	[smem:$0x7EF] =	sst s11  }
0x5c: {  	v0 =	vmov s0;
	s0 =	simm.s32 $0x1CE00;
	s21 =	sadd.s32 $0x6C98, s19;
	[smem:$0x7F2] =	sst s14  }
0x5d: {  	v1 =	vlaneseq.u32;
	s9 =	simm.s32 $0x1DB40;
	s24 =	sadd.s32 $0x3C8C, s19;
	[smem:$0x7F8] =	sst s21  }
0x5e: {  	v2 =	vimm.f32 $0.0e+00;
	v3 =	vimm.s32 $0x0;
	v4 =	vadd.s32 $0x1, v1;
	s12 =	simm.s32 $0x0;
	s23 =	sadd.s32 $0xBB8, s19;
	[smem:$0x7FB] =	sst s24  }
0x5f: {  	v5 =	vadd.s32 $0x11, v1;
	v6 =	vadd.s32 $0x21, v1;
	v7 =	vadd.s32 $0x31, v1;
	s10 =	simm.s32 $0x1E180;
	s11 =	simm.s32 $0x1E7C0;
	[smem:$0x7FA] =	sst s23  }
.LBB2_1:
0x60: {  	s13 =	simm.s32 $0x40;
	s14 =	simm.s32 $0x0  }
.LBB2_2:
0x61: {  	p0 =	sne.s32 s13, $0x61A40;
	[tilespmem:s14+$0x0] =	vst v2;
	s14 =	smov.u32 s13;
	s13 =	sadd.s32 $0x40, s13  }
.Ltmp0:
0x62: {  	(pc) =	sbr.rel @p0 .LBB2_2-.Ltmp0, $2  }
0x63: {  	_ =	sdelay $0x2  }
0x64: {  	s14 =	sshra.s32 s14, $0x2  }
0x65: {  	[tilespmem:s14+$0x0] =	vst v2;
	s13 =	simm.s32 $0x0;
	s17 =	rddreg [dreg:$0x5];
	s15 =	simm.s32 $0x1EE00  }
0x66: {  	[tilespmem:s15], [sflag:$0x3] =	stream.linear.gather [hbm4b:s17+s13], $0x10, $0x38;
	[tilespmem:$0x1EE80] =	vst v63  }
0x67: {  	_ =	swait.ge [sflag:s28], $0x10  }
0x68: {  	[sflag:s28] =	ssyncset.done $0x0  }
0x69: {  	s20 =	simm.s32 $0x18700;
	s18 =	rddreg [dreg:$0x6];
	[sflag:s28] =	ssyncadd.s32 $0xFFFFFFF0  }
0x6a: {  	v8 =	vld [tilespmem:$0x1EE00];
	[tilespmem:s20], [sflag:$0x1] =	stream.linear.gather [hbm4b:s18+s13], $0x640, $0x38  }
0x6b: {  	s22 =	simm.s32 $0x19380;
	s21 =	rddreg [dreg:$0x11]  }
0x6c: {  	[tilespmem:s22], [sflag:$0x1] =	stream.linear.gather [hbm4b:s21+s13], $0x640, $0x38;
	[tilespmem:$0x1EE80] =	vst v63  }
.Ltmp1:
0x6d: {  	_ = 	snop;
	(pc) =	sbr.rel .LBB2_5-.Ltmp1, $4  }
0x6e: {  	s24 =	simm.s32 $0x1A000;
	s26 =	simm.s32 $0x1AC80;
	s23 =	rddreg [dreg:$0x14]  }
0x6f: {  	[tilespmem:s24], [sflag:$0x1] =	stream.linear.gather [hbm4b:s23+s13], $0x640, $0x38;
	[tilespmem:$0x1EE80] =	vst v63  }
0x70: {  	p0 =	por $0x0, $0x0;
	s14 =	simm.s32 $0x0;
	s25 =	rddreg [dreg:$0x17]  }
0x71: {  	[tilespmem:s26], [sflag:$0x1] =	stream.linear.gather [hbm4b:s25+s13], $0x640, $0x38;
	[tilespmem:$0x1EE80] =	vst v63  }
.LBB2_27:
0x72: {  	s21 =	simm.s32 $0x1C700;
	s23 =	simm.s32 $0x1B900;
	s22 =	simm.s32 $0x1C000  }
.LBB2_31:
0x73: {  	s20 =	sand.u32 $0xFFFFFF80, s25;
	s18 =	sand.u32 $0x70, s18  }
0x74: {  	[tilespmem:s21+$0x0] =	vst @p1 v9;
	s18 =	sor.u32 s18, s20  }
0x75: {  	v9 =	vld [tilespmem:s18+$0x1B900];
	_ =	sdelay $0x2  }
0x76: {  	s20 =	sadd.s32 @p1 $0x10, s23  }
0x77: {  	s17 =	smov.u32 @p1 s20  }
0x78: {  	[tilespmem:s17+$0x0] =	vst v9  }
0x79: {  	v9 =	vld [tilespmem:s18+$0x1C000];
	_ =	sdelay $0x2  }
0x7a: {  	s17 =	sadd.s32 @p1 $0x10, s22  }
0x7b: {  	s16 =	smov.u32 @p1 s17  }
0x7c: {  	[tilespmem:s16+$0x0] =	vst v9  }
0x7d: {  	v9 =	vld [tilespmem:s18+$0x1C700];
	_ =	sdelay $0x2  }
0x7e: {  	s16 =	sadd.s32 @p1 $0x10, s21  }
0x7f: {  	s15 =	smov.u32 @p1 s16  }
0x80: {  	[tilespmem:s15+$0x0] =	vst v9  }
.LBB2_4:
0x81: {  	p1 =	seq.s32 s13, $0x1F4  }
.Ltmp2:
0x82: {  	_ = 	snop;
	(pc) =	sbr.rel @p1 .LBB2_32-.Ltmp2, $2  }
0x83: {  	_ =	sdelay $0x2  }
0x84: {  	p0 =	por !p0, !p0  }
.LBB2_5:
0x85: {  	s16 =	sand.u32 $0x1, s13  }
0x86: {  	s15 =	smov.u32 s13;
	s13 =	sadd.s32 $0x1, s13;
	p1 =	seq.s32 s16, $0x1  }
0x87: {  	s17 =	smul.u32 @!p1 $0x640, s13;
	_ =	sdelay $0x1  }
0x88: {  	s17 =	sadd.s32 @!p1 s8, s17  }
0x89: {  	s17 =	sshrl.u32 @!p1 s17, $0x3  }
0x8a: {  	s20 =	simm.s32 @!p1 $0x0;
	s21 =	simm.s32 @!p1 $0x18D40;
	s18 =	sadd.s32 @!p1 s6, s17  }
0x8b: {  	[tilespmem:s21], [sflag:$0x2] =	stream.linear.gather @!p1 [hbm4b:s18+s20], $0x640, $0x38;
	[tilespmem:$0x1EE80] =	vst v63  }
0x8c: {  	p2 =	seq.s32 s15, $0x1F3;
	s18 =	sadd.s32 @!p1 s7, s17;
	s21 =	simm.s32 @!p1 $0x199C0  }
0x8d: {  	[tilespmem:s21], [sflag:$0x2] =	stream.linear.gather @!p1 [hbm4b:s18+s20], $0x640, $0x38;
	[tilespmem:$0x1EE80] =	vst v63  }
0x8e: {  	p2 =	por !p1, p2;
	s18 =	sadd.s32 @!p1 s3, s17;
	s21 =	simm.s32 @!p1 $0x1A640  }
0x8f: {  	[tilespmem:s21], [sflag:$0x2] =	stream.linear.gather @!p1 [hbm4b:s18+s20], $0x640, $0x38;
	[tilespmem:$0x1EE80] =	vst v63  }
0x90: {  	s15 =	sadd.s32 @!p1 s4, s17;
	s17 =	simm.s32 @!p1 $0x1B2C0;
	s18 =	smul.u32 @!p2 $0x640, s13  }
0x91: {  	[tilespmem:s17], [sflag:$0x2] =	stream.linear.gather @!p1 [hbm4b:s15+s20], $0x640, $0x38;
	[tilespmem:$0x1EE80] =	vst v63  }
0x92: {  	s15 =	sadd.s32 @!p2 s8, s18  }
0x93: {  	s15 =	sshrl.u32 @!p2 s15, $0x3  }
0x94: {  	s18 =	simm.s32 @!p2 $0x0;
	s20 =	simm.s32 @!p2 $0x18700;
	s17 =	sadd.s32 @!p2 s6, s15  }
0x95: {  	[tilespmem:s20], [sflag:$0x1] =	stream.linear.gather @!p2 [hbm4b:s17+s18], $0x640, $0x38;
	[tilespmem:$0x1EE80] =	vst v63  }
0x96: {  	s17 =	sadd.s32 @!p2 s7, s15;
	s20 =	simm.s32 @!p2 $0x19380  }
0x97: {  	[tilespmem:s20], [sflag:$0x1] =	stream.linear.gather @!p2 [hbm4b:s17+s18], $0x640, $0x38;
	[tilespmem:$0x1EE80] =	vst v63  }
0x98: {  	s17 =	sadd.s32 @!p2 s3, s15;
	s20 =	simm.s32 @!p2 $0x1A000  }
0x99: {  	[tilespmem:s20], [sflag:$0x1] =	stream.linear.gather @!p2 [hbm4b:s17+s18], $0x640, $0x38;
	[tilespmem:$0x1EE80] =	vst v63  }
0x9a: {  	s15 =	sadd.s32 @!p2 s4, s15;
	s17 =	simm.s32 @!p2 $0x1AC80  }
0x9b: {  	[tilespmem:s17], [sflag:$0x1] =	stream.linear.gather @!p2 [hbm4b:s15+s18], $0x640, $0x38;
	[tilespmem:$0x1EE80] =	vst v63  }
0x9c: {  	p2 =	sne.s32 s16, $0x0  }
0x9d: {  	s15 =	simm.s32 @!p2 $0x1  }
0x9e: {  	_ =	swait.ge @!p2 [sflag:s15], $0x640  }
0x9f: {  	[sflag:s15] =	ssyncset.done @!p2 $0x0  }
0xa0: {  	[sflag:s15] =	ssyncadd.s32 @!p2 $0xFFFFF9C0  }
0xa1: {  	_ =	swait.ge @!p2 [sflag:s15], $0x640  }
0xa2: {  	[sflag:s15] =	ssyncset.done @!p2 $0x0  }
0xa3: {  	[sflag:s15] =	ssyncadd.s32 @!p2 $0xFFFFF9C0  }
0xa4: {  	_ =	swait.ge @!p2 [sflag:s15], $0x640  }
0xa5: {  	[sflag:s15] =	ssyncset.done @!p2 $0x0  }
0xa6: {  	[sflag:s15] =	ssyncadd.s32 @!p2 $0xFFFFF9C0  }
0xa7: {  	_ =	swait.ge @!p2 [sflag:s15], $0x640  }
0xa8: {  	[sflag:s15] =	ssyncset.done @!p2 $0x0  }
0xa9: {  	[sflag:s15] =	ssyncadd.s32 @!p2 $0xFFFFF9C0;
	s15 =	simm.s32 @p1 $0x2  }
0xaa: {  	_ =	swait.ge @p1 [sflag:s15], $0x640  }
0xab: {  	[sflag:s15] =	ssyncset.done @p1 $0x0  }
0xac: {  	s16 =	simm.s32 $0x1;
	[sflag:s15] =	ssyncadd.s32 @p1 $0xFFFFF9C0  }
0xad: {  	s16 =	simm.s32 @!p0 $0x0;
	_ =	swait.ge @p1 [sflag:s15], $0x640  }
0xae: {  	s16 =	smul.u32 $0x1900, s16;
	[sflag:s15] =	ssyncset.done @p1 $0x0  }
0xaf: {  	[sflag:s15] =	ssyncadd.s32 @p1 $0xFFFFF9C0  }
0xb0: {  	s16 =	sshrl.u32 s16, $0x2;
	_ =	swait.ge @p1 [sflag:s15], $0x640  }
0xb1: {  	s25 =	sor.u32 $0x1A000, s16;
	[sflag:s15] =	ssyncset.done @p1 $0x0  }
0xb2: {  	v9 =	vmov s25;
	[sflag:s15] =	ssyncadd.s32 @p1 $0xFFFFF9C0  }
0xb3: {  	s24 =	sadd.s32 $0x1AC80, s16;
	_ =	swait.ge @p1 [sflag:s15], $0x640  }
0xb4: {  	s26 =	sadd.s32 $0x19380, s16;
	s16 =	sadd.s32 $0x18700, s16;
	[sflag:s15] =	ssyncset.done @p1 $0x0  }
0xb5: {  	v10 =	vmov s16;
	v11 =	vmov s26;
	v12 =	vmov s24;
	[sflag:s15] =	ssyncadd.s32 @p1 $0xFFFFF9C0;
	s15 =	simm.s32 $0x0  }
.LBB2_6:
0xb6: {  	s16 =	sshra.s32 s15, $0x2  }
0xb7: {  	v13 =	vld.idx.msk [tilespmem:v9+s16+$0x0 ss:$0x1], $0xffff;
	_ =	sdelay $0x4  }
0xb8: {  	vm0 =	veq.s32 v13, v8  }
0xb9: {  	v13 =	vsel vm0, $0x1, v3  }
0xba: {  	(xrf0) =	vadd.scan.msk.s32 $0xffff, v13;
	_ =	sdelay $0x2  }
0xbb: {  	v13 =	vmov s14  }
0xbc: {  	v13 =	vadd.s32 $0xFFFFFFFF, v13  }
0xbd: {  	v13 =	vbroadcast v13, $0x0  }
0xbe: {  	v15 =	vld.idx.msk [tilespmem:v10+s16+$0x0 ss:$0x1], $0xffff;
	v14, _, _ =	vpop (xrf0)  }
0xbf: {  	v13 =	vadd.s32 v14, v13;
	_ =	sdelay $0x3  }
0xc0: {  	v14 =	vadd.s32 v0, v15  }
0xc1: {  	[tilespmem:v13+s29+$0x0] =	vst.idx.msk vm0, v14  }
0xc2: {  	v14 =	vld.idx.msk [tilespmem:v11+s16+$0x0 ss:$0x1], $0xffff;
	_ =	sdelay $0x2  }
0xc3: {  	v15 =	vmpcnt.ones.xlane vm0;
	_ =	sdelay $0x1  }
0xc4: {  	(v2sf) =	vpush v15, $0x0;
	[tilespmem:v13+s30+$0x0] =	vst.idx.msk vm0, v14  }
0xc5: {  	v14 =	vld.idx.msk [tilespmem:v12+s16+$0x0 ss:$0x1], $0xffff;
	_ =	sdelay $0x4  }
0xc6: {  	[tilespmem:v13+s31+$0x0] =	vst.idx.msk vm0, v14  }
0xc7: {  	v13 =	vld.idx.msk [tilespmem:v9+s16+$0x10 ss:$0x1], $0xffff;
	_ =	sdelay $0x4  }
0xc8: {  	vm15 =	veq.s32 v13, v8  }
0xc9: {  	v13 =	vsel vm15, $0x1, v3  }
0xca: {  	(xrf0) =	vadd.scan.msk.s32 $0xffff, v13  }
0xcb: {  	s17 =	spop (v2sf)  }
0xcc: {  	s25 =	sadd.s32 s14, s17  }
0xcd: {  	v13 =	vmov s25  }
0xce: {  	v13 =	vadd.s32 $0xFFFFFFFF, v13  }
0xcf: {  	v13 =	vbroadcast v13, $0x0  }
0xd0: {  	v15 =	vld.idx.msk [tilespmem:v10+s16+$0x10 ss:$0x1], $0xffff;
	v16 =	vmpcnt.ones.xlane vm15;
	v14, _, _ =	vpop (xrf0)  }
0xd1: {  	v13 =	vadd.s32 v14, v13  }
0xd2: {  	(v2sf) =	vpush v16, $0x0;
	_ =	sdelay $0x2  }
0xd3: {  	v14 =	vadd.s32 v0, v15  }
0xd4: {  	[tilespmem:v13+s29+$0x0] =	vst.idx.msk vm15, v14  }
0xd5: {  	v14 =	vld.idx.msk [tilespmem:v11+s16+$0x10 ss:$0x1], $0xffff;
	_ =	sdelay $0x4  }
0xd6: {  	[tilespmem:v13+s30+$0x0] =	vst.idx.msk vm15, v14  }
0xd7: {  	p1 =	sne.s32 s15, $0x1880;
	v14 =	vld.idx.msk [tilespmem:v12+s16+$0x10 ss:$0x1], $0xffff  }
.Ltmp3:
0xd8: {  	_ = 	snop;
	(pc) =	sbr.rel @p1 .LBB2_6-.Ltmp3, $3  }
0xd9: {  	_ =	sdelay $0x1  }
0xda: {  	s26 =	spop (v2sf)  }
0xdb: {  	s15 =	sadd.s32 $0x80, s15;
	s14 =	sadd.s32 s25, s26;
	[tilespmem:v13+s31+$0x0] =	vst.idx.msk vm15, v14  }
0xdc: {  	s15 =	sand.u32 $0x7F, s14  }
0xdd: {  	s16 =	sshra.s32 s14, $0x1F;
	p1 =	slt.s32 s14, $0x1;
	p2 =	sne.s32 s15, $0x0  }
0xde: {  	s26 =	sshrl.u32 s16, $0x19;
	p1 =	por !p1, !p2  }
0xdf: {  	s16 =	simm.s32 $0x1;
	s15 =	sadd.s32 s26, s14;
	p1 =	por !p1, !p1  }
0xe0: {  	s15 =	sshra.s32 s15, $0x7;
	s16 =	simm.s32 @!p1 $0x0  }
0xe1: {  	s16 =	ssub.s32 s15, s16  }
0xe2: {  	p2 =	slt.s32 s16, $0x1  }
.Ltmp4:
0xe3: {  	_ = 	snop;
	(pc) =	sbr.rel @!p2 .LBB2_8-.Ltmp4, $2  }
0xe4: {  	_ =	sdelay $0x2  }
0xe5: {  	s17 =	simm.s32 $0x0  }
.LBB2_25:
0xe6: {  	s16 =	sshll.u32 s16, $0x7  }
0xe7: {  	s14 =	ssub.s32 s14, s16  }
0xe8: {  	s16 =	sadd.s32 $0xF, s14  }
0xe9: {  	s17 =	sand.u32 $0xF, s16  }
0xea: {  	s26 =	sshra.s32 s16, $0x1F;
	p3 =	slt.s32 s16, $0x1;
	p2 =	sne.s32 s17, $0x0  }
0xeb: {  	s17 =	sshrl.u32 s26, $0x1C;
	p2 =	por !p3, !p2  }
0xec: {  	s16 =	sadd.s32 s17, s16;
	s17 =	simm.s32 $0x1;
	p2 =	por !p2, !p2  }
0xed: {  	s16 =	sshra.s32 s16, $0x4;
	s17 =	simm.s32 @!p2 $0x0  }
0xee: {  	s21 =	ssub.s32 s16, s17  }
0xef: {  	p2 =	slt.s32 s21, $0x1  }
.Ltmp5:
0xf0: {  	_ = 	snop;
	(pc) =	sbr.rel @p2 .LBB2_4-.Ltmp5, $1  }
0xf1: {  	_ =	sdelay $0x3  }
0xf2: {  	p2 =	seq.s32 s21, $0x1  }
.Ltmp6:
0xf3: {  	s16 =	simm.s32 $0xFFFFFFFF;
	(pc) =	sbr.rel @p2 .LBB2_27-.Ltmp6, $4  }
0xf4: {  	s15 =	sshll.u32 s15, $0x7;
	s16 =	simm.s32 @!p1 $0x0  }
0xf5: {  	s17 =	simm.s32 $0x1B900;
	s18 =	simm.s32 $0x0;
	s16 =	sshll.u32 s16, $0x7  }
0xf6: {  	s21 =	sadd.s32 $0xFFFFFFFF, s21;
	p1 =	por $0x0, $0x0;
	s20 =	sadd.s32 s16, s15  }
0xf7: {  	s16 =	simm.s32 $0x1C000;
	s15 =	simm.s32 $0x1C700;
	s25 =	sadd.s32 $0x0, s20  }
0xf8: {  	s22 =	sand.u32 $0xFFFFFF80, s25;
	s18 =	sand.u32 $0x70, s18  }
0xf9: {  	s22 =	sor.u32 s18, s22  }
0xfa: {  	v9 =	vld [tilespmem:s22+$0x1B900];
	_ =	sdelay $0x4  }
0xfb: {  	[tilespmem:s17+$0x0] =	vst v9  }
0xfc: {  	v9 =	vld [tilespmem:s22+$0x1C000];
	_ =	sdelay $0x3  }
0xfd: {  	p2 =	seq.s32 s21, $0x1  }
.Ltmp7:
0xfe: {  	[tilespmem:s16+$0x0] =	vst v9;
	(pc) =	sbr.rel @p2 .LBB2_29-.Ltmp7, $4  }
0xff: {  	v9 =	vld [tilespmem:s22+$0x1C700]  }
0x100: {  	s25 =	sadd.s32 $0x10, s20  }
0x101: {  	s24 =	sadd.s32 $0xFFFFFFFF, s21;
	p1 =	por $0x1, $0x1;
	s21 =	simm.s32 $0x1C700  }
0x102: {  	s23 =	simm.s32 $0x1B900;
	s18 =	simm.s32 $0x10;
	s22 =	simm.s32 $0x1C000  }
.LBB2_30:
0x103: {  	p2 =	seq.s32 s24, $0x1;
	s25 =	sand.u32 $0xFFFFFF80, s25;
	s26 =	sand.u32 $0x70, s18  }
0x104: {  	s25 =	sor.u32 s26, s25;
	[tilespmem:s21+$0x0] =	vst v9  }
0x105: {  	v9 =	vld [tilespmem:s25+$0x1B900];
	_ =	sdelay $0x3  }
0x106: {  	s23 =	sadd.s32 $0x10, s23  }
0x107: {  	[tilespmem:s23+$0x0] =	vst v9  }
0x108: {  	v9 =	vld [tilespmem:s25+$0x1C000];
	_ =	sdelay $0x3  }
0x109: {  	s22 =	sadd.s32 $0x10, s22  }
.Ltmp8:
0x10a: {  	[tilespmem:s22+$0x0] =	vst v9;
	(pc) =	sbr.rel @!p2 .LBB2_30-.Ltmp8, $3  }
0x10b: {  	v9 =	vld [tilespmem:s25+$0x1C700];
	_ =	sdelay $0x1  }
0x10c: {  	s18 =	sadd.s32 $0x10, s18  }
0x10d: {  	s24 =	sadd.s32 $0xFFFFFFFF, s24;
	s21 =	sadd.s32 $0x10, s21;
	s25 =	sadd.s32 s18, s20  }
.Ltmp9:
0x10e: {  	_ = 	snop;
	(pc) =	sbr.rel .LBB2_31-.Ltmp9, $1  }
0x10f: {  	_ =	sdelay $0x3  }
.LBB2_24:
0x110: {  	s17 =	sadd.s32 $0x1, s17  }
0x111: {  	p2 =	sne.s32 s17, s16  }
.Ltmp10:
0x112: {  	_ = 	snop;
	(pc) =	sbr.rel @!p2 .LBB2_25-.Ltmp10, $1  }
0x113: {  	_ =	sdelay $0x3  }
.LBB2_8:
0x114: {  	s18 =	sshll.u32 s17, $0x7  }
0x115: {  	s20 =	sadd.s32 $0x1B900, s18  }
0x116: {  	[tilespmem:s0], [sflag:$0x3] =	stream.indirect.gather [hbm4b:s1+s2], $0x1, s20, s2, $0xb8;
	[tilespmem:$0x1EE80] =	vst v63  }
0x117: {  	_ =	swait.ge [sflag:s28], $0x80  }
0x118: {  	[sflag:s28] =	ssyncset.done $0x0  }
0x119: {  	[sflag:s28] =	ssyncadd.s32 $0xFFFFFF80  }
0x11a: {  	v9 =	vld [tilespmem:s18+$0x1C000];
	_ =	sdelay $0x4  }
0x11b: {  	v10 =	vld [tilespmem:s18+$0x1C700]  }
0x11c: {  	v12 =	vld [tilespmem:$0x1CE00];
	_ =	sdelay $0x1  }
0x11d: {  	v11 =	vld.idx.msk [tilespmem:v9+s5+$0x0], $0xffff;
	_ =	sdelay $0x2  }
0x11e: {  	v10 =	vmul.f32 v12, v10;
	_ =	sdelay $0x1  }
0x11f: {  	vm0 =	vlt.f32 v11, v10  }
0x120: {  	v63 =	vsel vm0, $0x3F800000, v2  }
0x121: {  	(xrf0) =	vmax.scan.msk.f32 $0xffff, v63;
	_ =	sdelay $0x5  }
0x122: {  	v12, _, _ =	vpop (xrf0)  }
0x123: {  	(v2sf) =	vpush v12, $0xF;
	_ =	sdelay $0xe  }
0x124: {  	s26 =	spop (v2sf)  }
0x125: {  	p2 =	sgt.f32 s26, $0.0e+00  }
.Ltmp11:
0x126: {  	_ = 	snop;
	(pc) =	sbr.rel @!p2 .LBB2_10-.Ltmp11, $1  }
0x127: {  	_ =	sdelay $0x3  }
.LBB2_9:
0x128: {  	v11 =	vmax.f32 v11, v10  }
0x129: {  	[tilespmem:v9+s5+$0x0] =	vst.idx.msk vm0, v11  }
0x12a: {  	v11 =	vld.idx.msk [tilespmem:v9+s5+$0x0], $0xffff;
	_ =	sdelay $0x4  }
0x12b: {  	vm0 =	vlt.f32 v11, v10  }
0x12c: {  	v12 =	vsel vm0, $0x3F800000, v2  }
0x12d: {  	(xrf0) =	vmax.scan.msk.f32 $0xffff, v12;
	_ =	sdelay $0x5  }
0x12e: {  	v12, _, _ =	vpop (xrf0)  }
0x12f: {  	(v2sf) =	vpush v12, $0xF;
	_ =	sdelay $0xe  }
0x130: {  	s20 =	spop (v2sf)  }
0x131: {  	p2 =	sgt.f32 s20, $0.0e+00  }
.Ltmp12:
0x132: {  	_ = 	snop;
	(pc) =	sbr.rel @p2 .LBB2_9-.Ltmp12, $1  }
0x133: {  	_ =	sdelay $0x3  }
.LBB2_10:
0x134: {  	v9 =	vld [tilespmem:s18+$0x1C010];
	_ =	sdelay $0x4  }
0x135: {  	v10 =	vld [tilespmem:s18+$0x1C710]  }
0x136: {  	v12 =	vld [tilespmem:$0x1CE10];
	_ =	sdelay $0x1  }
0x137: {  	v11 =	vld.idx.msk [tilespmem:v9+s5+$0x0], $0xffff;
	_ =	sdelay $0x2  }
0x138: {  	v10 =	vmul.f32 v12, v10;
	_ =	sdelay $0x1  }
0x139: {  	vm0 =	vlt.f32 v11, v10  }
0x13a: {  	v63 =	vsel vm0, $0x3F800000, v2  }
0x13b: {  	(xrf0) =	vmax.scan.msk.f32 $0xffff, v63;
	_ =	sdelay $0x5  }
0x13c: {  	v12, _, _ =	vpop (xrf0)  }
0x13d: {  	(v2sf) =	vpush v12, $0xF;
	_ =	sdelay $0xe  }
0x13e: {  	s20 =	spop (v2sf)  }
0x13f: {  	p2 =	sgt.f32 s20, $0.0e+00  }
.Ltmp13:
0x140: {  	_ = 	snop;
	(pc) =	sbr.rel @!p2 .LBB2_12-.Ltmp13, $1  }
0x141: {  	_ =	sdelay $0x3  }
.LBB2_11:
0x142: {  	v11 =	vmax.f32 v11, v10  }
0x143: {  	[tilespmem:v9+s5+$0x0] =	vst.idx.msk vm0, v11  }
0x144: {  	v11 =	vld.idx.msk [tilespmem:v9+s5+$0x0], $0xffff;
	_ =	sdelay $0x4  }
0x145: {  	vm0 =	vlt.f32 v11, v10  }
0x146: {  	v12 =	vsel vm0, $0x3F800000, v2  }
0x147: {  	(xrf0) =	vmax.scan.msk.f32 $0xffff, v12;
	_ =	sdelay $0x5  }
0x148: {  	v12, _, _ =	vpop (xrf0)  }
0x149: {  	(v2sf) =	vpush v12, $0xF;
	_ =	sdelay $0xe  }
0x14a: {  	s20 =	spop (v2sf)  }
0x14b: {  	p2 =	sgt.f32 s20, $0.0e+00  }
.Ltmp14:
0x14c: {  	_ = 	snop;
	(pc) =	sbr.rel @p2 .LBB2_11-.Ltmp14, $1  }
0x14d: {  	_ =	sdelay $0x3  }
.LBB2_12:
0x14e: {  	v9 =	vld [tilespmem:s18+$0x1C020];
	_ =	sdelay $0x4  }
0x14f: {  	v10 =	vld [tilespmem:s18+$0x1C720]  }
0x150: {  	v12 =	vld [tilespmem:$0x1CE20];
	_ =	sdelay $0x1  }
0x151: {  	v11 =	vld.idx.msk [tilespmem:v9+s5+$0x0], $0xffff;
	_ =	sdelay $0x2  }
0x152: {  	v10 =	vmul.f32 v12, v10;
	_ =	sdelay $0x1  }
0x153: {  	vm0 =	vlt.f32 v11, v10  }
0x154: {  	v63 =	vsel vm0, $0x3F800000, v2  }
0x155: {  	(xrf0) =	vmax.scan.msk.f32 $0xffff, v63;
	_ =	sdelay $0x5  }
0x156: {  	v12, _, _ =	vpop (xrf0)  }
0x157: {  	(v2sf) =	vpush v12, $0xF;
	_ =	sdelay $0xe  }
0x158: {  	s20 =	spop (v2sf)  }
0x159: {  	p2 =	sgt.f32 s20, $0.0e+00  }
.Ltmp15:
0x15a: {  	_ = 	snop;
	(pc) =	sbr.rel @!p2 .LBB2_14-.Ltmp15, $1  }
0x15b: {  	_ =	sdelay $0x3  }
.LBB2_13:
0x15c: {  	v11 =	vmax.f32 v11, v10  }
0x15d: {  	[tilespmem:v9+s5+$0x0] =	vst.idx.msk vm0, v11  }
0x15e: {  	v11 =	vld.idx.msk [tilespmem:v9+s5+$0x0], $0xffff;
	_ =	sdelay $0x4  }
0x15f: {  	vm0 =	vlt.f32 v11, v10  }
0x160: {  	v12 =	vsel vm0, $0x3F800000, v2  }
0x161: {  	(xrf0) =	vmax.scan.msk.f32 $0xffff, v12;
	_ =	sdelay $0x5  }
0x162: {  	v12, _, _ =	vpop (xrf0)  }
0x163: {  	(v2sf) =	vpush v12, $0xF;
	_ =	sdelay $0xe  }
0x164: {  	s20 =	spop (v2sf)  }
0x165: {  	p2 =	sgt.f32 s20, $0.0e+00  }
.Ltmp16:
0x166: {  	_ = 	snop;
	(pc) =	sbr.rel @p2 .LBB2_13-.Ltmp16, $1  }
0x167: {  	_ =	sdelay $0x3  }
.LBB2_14:
0x168: {  	v9 =	vld [tilespmem:s18+$0x1C030];
	_ =	sdelay $0x4  }
0x169: {  	v10 =	vld [tilespmem:s18+$0x1C730]  }
0x16a: {  	v12 =	vld [tilespmem:$0x1CE30];
	_ =	sdelay $0x1  }
0x16b: {  	v11 =	vld.idx.msk [tilespmem:v9+s5+$0x0], $0xffff;
	_ =	sdelay $0x2  }
0x16c: {  	v10 =	vmul.f32 v12, v10;
	_ =	sdelay $0x1  }
0x16d: {  	vm0 =	vlt.f32 v11, v10  }
0x16e: {  	v63 =	vsel vm0, $0x3F800000, v2  }
0x16f: {  	(xrf0) =	vmax.scan.msk.f32 $0xffff, v63;
	_ =	sdelay $0x5  }
0x170: {  	v12, _, _ =	vpop (xrf0)  }
0x171: {  	(v2sf) =	vpush v12, $0xF;
	_ =	sdelay $0xe  }
0x172: {  	s20 =	spop (v2sf)  }
0x173: {  	p2 =	sgt.f32 s20, $0.0e+00  }
.Ltmp17:
0x174: {  	_ = 	snop;
	(pc) =	sbr.rel @!p2 .LBB2_16-.Ltmp17, $1  }
0x175: {  	_ =	sdelay $0x3  }
.LBB2_15:
0x176: {  	v11 =	vmax.f32 v11, v10  }
0x177: {  	[tilespmem:v9+s5+$0x0] =	vst.idx.msk vm0, v11  }
0x178: {  	v11 =	vld.idx.msk [tilespmem:v9+s5+$0x0], $0xffff;
	_ =	sdelay $0x4  }
0x179: {  	vm0 =	vlt.f32 v11, v10  }
0x17a: {  	v12 =	vsel vm0, $0x3F800000, v2  }
0x17b: {  	(xrf0) =	vmax.scan.msk.f32 $0xffff, v12;
	_ =	sdelay $0x5  }
0x17c: {  	v12, _, _ =	vpop (xrf0)  }
0x17d: {  	(v2sf) =	vpush v12, $0xF;
	_ =	sdelay $0xe  }
0x17e: {  	s20 =	spop (v2sf)  }
0x17f: {  	p2 =	sgt.f32 s20, $0.0e+00  }
.Ltmp18:
0x180: {  	_ = 	snop;
	(pc) =	sbr.rel @p2 .LBB2_15-.Ltmp18, $1  }
0x181: {  	_ =	sdelay $0x3  }
.LBB2_16:
0x182: {  	v9 =	vld [tilespmem:s18+$0x1C040];
	_ =	sdelay $0x4  }
0x183: {  	v10 =	vld [tilespmem:s18+$0x1C740]  }
0x184: {  	v12 =	vld [tilespmem:$0x1CE40];
	_ =	sdelay $0x1  }
0x185: {  	v11 =	vld.idx.msk [tilespmem:v9+s5+$0x0], $0xffff;
	_ =	sdelay $0x2  }
0x186: {  	v10 =	vmul.f32 v12, v10;
	_ =	sdelay $0x1  }
0x187: {  	vm0 =	vlt.f32 v11, v10  }
0x188: {  	v63 =	vsel vm0, $0x3F800000, v2  }
0x189: {  	(xrf0) =	vmax.scan.msk.f32 $0xffff, v63;
	_ =	sdelay $0x5  }
0x18a: {  	v12, _, _ =	vpop (xrf0)  }
0x18b: {  	(v2sf) =	vpush v12, $0xF;
	_ =	sdelay $0xe  }
0x18c: {  	s20 =	spop (v2sf)  }
0x18d: {  	p2 =	sgt.f32 s20, $0.0e+00  }
.Ltmp19:
0x18e: {  	_ = 	snop;
	(pc) =	sbr.rel @!p2 .LBB2_18-.Ltmp19, $1  }
0x18f: {  	_ =	sdelay $0x3  }
.LBB2_17:
0x190: {  	v11 =	vmax.f32 v11, v10  }
0x191: {  	[tilespmem:v9+s5+$0x0] =	vst.idx.msk vm0, v11  }
0x192: {  	v11 =	vld.idx.msk [tilespmem:v9+s5+$0x0], $0xffff;
	_ =	sdelay $0x4  }
0x193: {  	vm0 =	vlt.f32 v11, v10  }
0x194: {  	v12 =	vsel vm0, $0x3F800000, v2  }
0x195: {  	(xrf0) =	vmax.scan.msk.f32 $0xffff, v12;
	_ =	sdelay $0x5  }
0x196: {  	v12, _, _ =	vpop (xrf0)  }
0x197: {  	(v2sf) =	vpush v12, $0xF;
	_ =	sdelay $0xe  }
0x198: {  	s20 =	spop (v2sf)  }
0x199: {  	p2 =	sgt.f32 s20, $0.0e+00  }
.Ltmp20:
0x19a: {  	_ = 	snop;
	(pc) =	sbr.rel @p2 .LBB2_17-.Ltmp20, $1  }
0x19b: {  	_ =	sdelay $0x3  }
.LBB2_18:
0x19c: {  	v9 =	vld [tilespmem:s18+$0x1C050];
	_ =	sdelay $0x4  }
0x19d: {  	v10 =	vld [tilespmem:s18+$0x1C750]  }
0x19e: {  	v12 =	vld [tilespmem:$0x1CE50];
	_ =	sdelay $0x1  }
0x19f: {  	v11 =	vld.idx.msk [tilespmem:v9+s5+$0x0], $0xffff;
	_ =	sdelay $0x2  }
0x1a0: {  	v10 =	vmul.f32 v12, v10;
	_ =	sdelay $0x1  }
0x1a1: {  	vm0 =	vlt.f32 v11, v10  }
0x1a2: {  	v63 =	vsel vm0, $0x3F800000, v2  }
0x1a3: {  	(xrf0) =	vmax.scan.msk.f32 $0xffff, v63;
	_ =	sdelay $0x5  }
0x1a4: {  	v12, _, _ =	vpop (xrf0)  }
0x1a5: {  	(v2sf) =	vpush v12, $0xF;
	_ =	sdelay $0xe  }
0x1a6: {  	s20 =	spop (v2sf)  }
0x1a7: {  	p2 =	sgt.f32 s20, $0.0e+00  }
.Ltmp21:
0x1a8: {  	_ = 	snop;
	(pc) =	sbr.rel @!p2 .LBB2_20-.Ltmp21, $1  }
0x1a9: {  	_ =	sdelay $0x3  }
.LBB2_19:
0x1aa: {  	v11 =	vmax.f32 v11, v10  }
0x1ab: {  	[tilespmem:v9+s5+$0x0] =	vst.idx.msk vm0, v11  }
0x1ac: {  	v11 =	vld.idx.msk [tilespmem:v9+s5+$0x0], $0xffff;
	_ =	sdelay $0x4  }
0x1ad: {  	vm0 =	vlt.f32 v11, v10  }
0x1ae: {  	v12 =	vsel vm0, $0x3F800000, v2  }
0x1af: {  	(xrf0) =	vmax.scan.msk.f32 $0xffff, v12;
	_ =	sdelay $0x5  }
0x1b0: {  	v12, _, _ =	vpop (xrf0)  }
0x1b1: {  	(v2sf) =	vpush v12, $0xF;
	_ =	sdelay $0xe  }
0x1b2: {  	s20 =	spop (v2sf)  }
0x1b3: {  	p2 =	sgt.f32 s20, $0.0e+00  }
.Ltmp22:
0x1b4: {  	_ = 	snop;
	(pc) =	sbr.rel @p2 .LBB2_19-.Ltmp22, $1  }
0x1b5: {  	_ =	sdelay $0x3  }
.LBB2_20:
0x1b6: {  	v9 =	vld [tilespmem:s18+$0x1C060];
	_ =	sdelay $0x4  }
0x1b7: {  	v10 =	vld [tilespmem:s18+$0x1C760]  }
0x1b8: {  	v12 =	vld [tilespmem:$0x1CE60];
	_ =	sdelay $0x1  }
0x1b9: {  	v11 =	vld.idx.msk [tilespmem:v9+s5+$0x0], $0xffff;
	_ =	sdelay $0x2  }
0x1ba: {  	v10 =	vmul.f32 v12, v10;
	_ =	sdelay $0x1  }
0x1bb: {  	vm0 =	vlt.f32 v11, v10  }
0x1bc: {  	v63 =	vsel vm0, $0x3F800000, v2  }
0x1bd: {  	(xrf0) =	vmax.scan.msk.f32 $0xffff, v63;
	_ =	sdelay $0x5  }
0x1be: {  	v12, _, _ =	vpop (xrf0)  }
0x1bf: {  	(v2sf) =	vpush v12, $0xF;
	_ =	sdelay $0xe  }
0x1c0: {  	s20 =	spop (v2sf)  }
0x1c1: {  	p2 =	sgt.f32 s20, $0.0e+00  }
.Ltmp23:
0x1c2: {  	_ = 	snop;
	(pc) =	sbr.rel @!p2 .LBB2_22-.Ltmp23, $1  }
0x1c3: {  	_ =	sdelay $0x3  }
.LBB2_21:
0x1c4: {  	v11 =	vmax.f32 v11, v10  }
0x1c5: {  	[tilespmem:v9+s5+$0x0] =	vst.idx.msk vm0, v11  }
0x1c6: {  	v11 =	vld.idx.msk [tilespmem:v9+s5+$0x0], $0xffff;
	_ =	sdelay $0x4  }
0x1c7: {  	vm0 =	vlt.f32 v11, v10  }
0x1c8: {  	v12 =	vsel vm0, $0x3F800000, v2  }
0x1c9: {  	(xrf0) =	vmax.scan.msk.f32 $0xffff, v12;
	_ =	sdelay $0x5  }
0x1ca: {  	v12, _, _ =	vpop (xrf0)  }
0x1cb: {  	(v2sf) =	vpush v12, $0xF;
	_ =	sdelay $0xe  }
0x1cc: {  	s20 =	spop (v2sf)  }
0x1cd: {  	p2 =	sgt.f32 s20, $0.0e+00  }
.Ltmp24:
0x1ce: {  	_ = 	snop;
	(pc) =	sbr.rel @p2 .LBB2_21-.Ltmp24, $1  }
0x1cf: {  	_ =	sdelay $0x3  }
.LBB2_22:
0x1d0: {  	v9 =	vld [tilespmem:s18+$0x1C070];
	_ =	sdelay $0x4  }
0x1d1: {  	v10 =	vld [tilespmem:s18+$0x1C770]  }
0x1d2: {  	v12 =	vld [tilespmem:$0x1CE70];
	_ =	sdelay $0x1  }
0x1d3: {  	v11 =	vld.idx.msk [tilespmem:v9+s5+$0x0], $0xffff;
	_ =	sdelay $0x2  }
0x1d4: {  	v10 =	vmul.f32 v12, v10;
	_ =	sdelay $0x1  }
0x1d5: {  	vm0 =	vlt.f32 v11, v10  }
0x1d6: {  	v63 =	vsel vm0, $0x3F800000, v2  }
0x1d7: {  	(xrf0) =	vmax.scan.msk.f32 $0xffff, v63;
	_ =	sdelay $0x5  }
0x1d8: {  	v12, _, _ =	vpop (xrf0)  }
0x1d9: {  	(v2sf) =	vpush v12, $0xF;
	_ =	sdelay $0xe  }
0x1da: {  	s26 =	spop (v2sf)  }
0x1db: {  	p2 =	sgt.f32 s26, $0.0e+00  }
.Ltmp25:
0x1dc: {  	_ = 	snop;
	(pc) =	sbr.rel @!p2 .LBB2_24-.Ltmp25, $1  }
0x1dd: {  	_ =	sdelay $0x3  }
.LBB2_23:
0x1de: {  	v11 =	vmax.f32 v11, v10  }
0x1df: {  	[tilespmem:v9+s5+$0x0] =	vst.idx.msk vm0, v11  }
0x1e0: {  	v11 =	vld.idx.msk [tilespmem:v9+s5+$0x0], $0xffff;
	_ =	sdelay $0x4  }
0x1e1: {  	vm0 =	vlt.f32 v11, v10  }
0x1e2: {  	v12 =	vsel vm0, $0x3F800000, v2  }
0x1e3: {  	(xrf0) =	vmax.scan.msk.f32 $0xffff, v12;
	_ =	sdelay $0x5  }
0x1e4: {  	v12, _, _ =	vpop (xrf0)  }
0x1e5: {  	(v2sf) =	vpush v12, $0xF;
	_ =	sdelay $0xe  }
0x1e6: {  	s18 =	spop (v2sf)  }
0x1e7: {  	p2 =	sgt.f32 s18, $0.0e+00  }
.Ltmp26:
0x1e8: {  	_ = 	snop;
	(pc) =	sbr.rel @p2 .LBB2_23-.Ltmp26, $1  }
0x1e9: {  	_ =	sdelay $0x3  }
.Ltmp27:
0x1ea: {  	_ = 	snop;
	(pc) =	sbr.rel .LBB2_24-.Ltmp27, $1  }
0x1eb: {  	_ =	sdelay $0x3  }
.LBB2_29:
.Ltmp28:
0x1ec: {  	(pc) =	sbr.rel .LBB2_31-.Ltmp28, $2  }
0x1ed: {  	_ =	sdelay $0x2  }
0x1ee: {  	s21 =	simm.s32 $0x1C700;
	s23 =	simm.s32 $0x1B900;
	s22 =	simm.s32 $0x1C000  }
.LBB2_32:
0x1ef: {  	v8 =	vld [tilespmem:$0x1B900]  }
0x1f0: {  	v9 =	vld [tilespmem:$0x1C000]  }
0x1f1: {  	v10 =	vld [tilespmem:$0x1C700]  }
0x1f2: {  	v11 =	vmov s14;
	v12 =	vld [tilespmem:$0x1B910]  }
0x1f3: {  	v13 =	vld [tilespmem:$0x1C010];
	vm0 =	vlt.s32 v11, v4  }
0x1f4: {  	v14 =	vld [tilespmem:$0x1C710];
	v8 =	vsel vm0, v0, v8  }
0x1f5: {  	[tilespmem:$0x1B900] =	vst v8;
	v8 =	vsel vm0, $0x0, v9;
	v9 =	vld [tilespmem:$0x1B920]  }
0x1f6: {  	[tilespmem:$0x1C000] =	vst v8;
	v8 =	vsel vm0, $0x0, v10;
	vm0 =	vlt.s32 v11, v5;
	v10 =	vld [tilespmem:$0x1C020]  }
0x1f7: {  	v52 =	vld [tilespmem:$0x1C720];
	[tilespmem:$0x1C700] =	vst v8;
	v8 =	vsel vm0, v0, v12  }
0x1f8: {  	v53 =	vld [tilespmem:$0x1B930];
	[tilespmem:$0x1B910] =	vst v8;
	v8 =	vsel vm0, $0x0, v13  }
0x1f9: {  	v54 =	vld [tilespmem:$0x1C030];
	[tilespmem:$0x1C010] =	vst v8;
	v8 =	vsel vm0, $0x0, v14;
	vm0 =	vlt.s32 v11, v6  }
0x1fa: {  	[tilespmem:$0x1C710] =	vst v8;
	v8 =	vsel vm0, v0, v9;
	v9 =	vld [tilespmem:$0x1C730]  }
0x1fb: {  	[tilespmem:$0x1B920] =	vst v8;
	v8 =	vsel vm0, $0x0, v10;
	v10 =	vld [tilespmem:$0x1B940]  }
0x1fc: {  	v55 =	vld [tilespmem:$0x1C040];
	[tilespmem:$0x1C020] =	vst v8;
	v8 =	vsel vm0, $0x0, v52;
	vm0 =	vlt.s32 v11, v7  }
0x1fd: {  	v56 =	vld [tilespmem:$0x1C740];
	[tilespmem:$0x1C720] =	vst v8;
	v8 =	vsel vm0, v0, v53  }
0x1fe: {  	v57 =	vadd.s32 $0x41, v1;
	v15 =	vld [tilespmem:$0x1B950];
	[tilespmem:$0x1B930] =	vst v8;
	v8 =	vsel vm0, $0x0, v54  }
0x1ff: {  	[tilespmem:$0x1C030] =	vst v8;
	v8 =	vsel vm0, $0x0, v9;
	vm0 =	vlt.s32 v11, v57;
	v9 =	vld [tilespmem:$0x1C050]  }
0x200: {  	[tilespmem:$0x1C730] =	vst v8;
	v8 =	vsel vm0, v0, v10;
	v10 =	vld [tilespmem:$0x1C750]  }
0x201: {  	v58 =	vadd.s32 $0x51, v1;
	v59 =	vld [tilespmem:$0x1B960];
	[tilespmem:$0x1B940] =	vst v8;
	v8 =	vsel vm0, $0x0, v55  }
0x202: {  	v61 =	vld [tilespmem:$0x1C760];
	[tilespmem:$0x1C040] =	vst v8;
	v8 =	vsel vm0, $0x0, v56;
	vm0 =	vlt.s32 v11, v58  }
0x203: {  	v60 =	vld [tilespmem:$0x1C060];
	[tilespmem:$0x1C740] =	vst v8;
	v8 =	vsel vm0, v0, v15  }
0x204: {  	v62 =	vld [tilespmem:$0x1B970];
	[tilespmem:$0x1B950] =	vst v8;
	v8 =	vsel vm0, $0x0, v9;
	v9 =	vadd.s32 $0x61, v1  }
0x205: {  	[tilespmem:$0x1C050] =	vst v8;
	v8 =	vsel vm0, $0x0, v10;
	vm0 =	vlt.s32 v11, v9;
	v9 =	vld [tilespmem:$0x1C070]  }
0x206: {  	v10 =	vld [tilespmem:$0x1C770];
	[tilespmem:$0x1C750] =	vst v8;
	v8 =	vsel vm0, v0, v59  }
0x207: {  	v63 =	vadd.s32 $0x71, v1;
	v13 =	vsel vm0, $0x0, v61;
	[tilespmem:$0x1B960] =	vst v8  }
0x208: {  	v8 =	vsel vm0, $0x0, v60;
	vm0 =	vlt.s32 v11, v63;
	[tilespmem:$0x1C760] =	vst v13  }
0x209: {  	[tilespmem:$0x1C060] =	vst v8;
	v8 =	vsel vm0, v0, v62  }
0x20a: {  	[tilespmem:$0x1B970] =	vst v8;
	v8 =	vsel vm0, $0x0, v9  }
0x20b: {  	[tilespmem:$0x1C070] =	vst v8;
	v8 =	vsel vm0, $0x0, v10  }
0x20c: {  	[tilespmem:$0x1C770] =	vst v8  }
0x20d: {  	[tilespmem:s0], [sflag:$0x3] =	stream.indirect.gather [hbm4b:s1+s2], $0x1, s29, s2, $0xb8;
	[tilespmem:$0x1EE80] =	vst v63  }
0x20e: {  	_ =	swait.ge [sflag:s28], $0x80  }
0x20f: {  	[sflag:s28] =	ssyncset.done $0x0  }
0x210: {  	[sflag:s28] =	ssyncadd.s32 $0xFFFFFF80  }
0x211: {  	v8 =	vld [tilespmem:$0x1C000];
	_ =	sdelay $0x4  }
0x212: {  	v9 =	vld [tilespmem:$0x1C700]  }
0x213: {  	v11 =	vld [tilespmem:$0x1CE00];
	_ =	sdelay $0x1  }
0x214: {  	v10 =	vld.idx.msk [tilespmem:v8+s5+$0x0], $0xffff;
	_ =	sdelay $0x2  }
0x215: {  	v9 =	vmul.f32 v11, v9;
	_ =	sdelay $0x1  }
0x216: {  	vm0 =	vlt.f32 v10, v9  }
0x217: {  	v11 =	vsel vm0, $0x3F800000, v2  }
0x218: {  	(xrf0) =	vmax.scan.msk.f32 $0xffff, v11;
	_ =	sdelay $0x5  }
0x219: {  	v11, _, _ =	vpop (xrf0)  }
0x21a: {  	(v2sf) =	vpush v11, $0xF;
	_ =	sdelay $0xe  }
0x21b: {  	s13 =	spop (v2sf)  }
0x21c: {  	p0 =	sgt.f32 s13, $0.0e+00  }
.Ltmp29:
0x21d: {  	_ = 	snop;
	(pc) =	sbr.rel @!p0 .LBB2_34-.Ltmp29, $1  }
0x21e: {  	_ =	sdelay $0x3  }
.LBB2_33:
0x21f: {  	v10 =	vmax.f32 v10, v9  }
0x220: {  	[tilespmem:v8+s5+$0x0] =	vst.idx.msk vm0, v10  }
0x221: {  	v10 =	vld.idx.msk [tilespmem:v8+s5+$0x0], $0xffff;
	_ =	sdelay $0x4  }
0x222: {  	vm0 =	vlt.f32 v10, v9  }
0x223: {  	v11 =	vsel vm0, $0x3F800000, v2  }
0x224: {  	(xrf0) =	vmax.scan.msk.f32 $0xffff, v11;
	_ =	sdelay $0x5  }
0x225: {  	v11, _, _ =	vpop (xrf0)  }
0x226: {  	(v2sf) =	vpush v11, $0xF;
	_ =	sdelay $0xe  }
0x227: {  	s13 =	spop (v2sf)  }
0x228: {  	p0 =	sgt.f32 s13, $0.0e+00  }
.Ltmp30:
0x229: {  	_ = 	snop;
	(pc) =	sbr.rel @p0 .LBB2_33-.Ltmp30, $1  }
0x22a: {  	_ =	sdelay $0x3  }
.LBB2_34:
0x22b: {  	v8 =	vld [tilespmem:$0x1C010];
	_ =	sdelay $0x4  }
0x22c: {  	v9 =	vld [tilespmem:$0x1C710]  }
0x22d: {  	v11 =	vld [tilespmem:$0x1CE10];
	_ =	sdelay $0x1  }
0x22e: {  	v10 =	vld.idx.msk [tilespmem:v8+s5+$0x0], $0xffff;
	_ =	sdelay $0x2  }
0x22f: {  	v9 =	vmul.f32 v11, v9;
	_ =	sdelay $0x1  }
0x230: {  	vm0 =	vlt.f32 v10, v9  }
0x231: {  	v11 =	vsel vm0, $0x3F800000, v2  }
0x232: {  	(xrf0) =	vmax.scan.msk.f32 $0xffff, v11;
	_ =	sdelay $0x5  }
0x233: {  	v11, _, _ =	vpop (xrf0)  }
0x234: {  	(v2sf) =	vpush v11, $0xF;
	_ =	sdelay $0xe  }
0x235: {  	s13 =	spop (v2sf)  }
0x236: {  	p0 =	sgt.f32 s13, $0.0e+00  }
.Ltmp31:
0x237: {  	_ = 	snop;
	(pc) =	sbr.rel @!p0 .LBB2_36-.Ltmp31, $1  }
0x238: {  	_ =	sdelay $0x3  }
.LBB2_35:
0x239: {  	v10 =	vmax.f32 v10, v9  }
0x23a: {  	[tilespmem:v8+s5+$0x0] =	vst.idx.msk vm0, v10  }
0x23b: {  	v10 =	vld.idx.msk [tilespmem:v8+s5+$0x0], $0xffff;
	_ =	sdelay $0x4  }
0x23c: {  	vm0 =	vlt.f32 v10, v9  }
0x23d: {  	v11 =	vsel vm0, $0x3F800000, v2  }
0x23e: {  	(xrf0) =	vmax.scan.msk.f32 $0xffff, v11;
	_ =	sdelay $0x5  }
0x23f: {  	v11, _, _ =	vpop (xrf0)  }
0x240: {  	(v2sf) =	vpush v11, $0xF;
	_ =	sdelay $0xe  }
0x241: {  	s13 =	spop (v2sf)  }
0x242: {  	p0 =	sgt.f32 s13, $0.0e+00  }
.Ltmp32:
0x243: {  	_ = 	snop;
	(pc) =	sbr.rel @p0 .LBB2_35-.Ltmp32, $1  }
0x244: {  	_ =	sdelay $0x3  }
.LBB2_36:
0x245: {  	v8 =	vld [tilespmem:$0x1C020];
	_ =	sdelay $0x4  }
0x246: {  	v9 =	vld [tilespmem:$0x1C720]  }
0x247: {  	v11 =	vld [tilespmem:$0x1CE20];
	_ =	sdelay $0x1  }
0x248: {  	v10 =	vld.idx.msk [tilespmem:v8+s5+$0x0], $0xffff;
	_ =	sdelay $0x2  }
0x249: {  	v9 =	vmul.f32 v11, v9;
	_ =	sdelay $0x1  }
0x24a: {  	vm0 =	vlt.f32 v10, v9  }
0x24b: {  	v11 =	vsel vm0, $0x3F800000, v2  }
0x24c: {  	(xrf0) =	vmax.scan.msk.f32 $0xffff, v11;
	_ =	sdelay $0x5  }
0x24d: {  	v11, _, _ =	vpop (xrf0)  }
0x24e: {  	(v2sf) =	vpush v11, $0xF;
	_ =	sdelay $0xe  }
0x24f: {  	s13 =	spop (v2sf)  }
0x250: {  	p0 =	sgt.f32 s13, $0.0e+00  }
.Ltmp33:
0x251: {  	_ = 	snop;
	(pc) =	sbr.rel @!p0 .LBB2_38-.Ltmp33, $1  }
0x252: {  	_ =	sdelay $0x3  }
.LBB2_37:
0x253: {  	v10 =	vmax.f32 v10, v9  }
0x254: {  	[tilespmem:v8+s5+$0x0] =	vst.idx.msk vm0, v10  }
0x255: {  	v10 =	vld.idx.msk [tilespmem:v8+s5+$0x0], $0xffff;
	_ =	sdelay $0x4  }
0x256: {  	vm0 =	vlt.f32 v10, v9  }
0x257: {  	v11 =	vsel vm0, $0x3F800000, v2  }
0x258: {  	(xrf0) =	vmax.scan.msk.f32 $0xffff, v11;
	_ =	sdelay $0x5  }
0x259: {  	v11, _, _ =	vpop (xrf0)  }
0x25a: {  	(v2sf) =	vpush v11, $0xF;
	_ =	sdelay $0xe  }
0x25b: {  	s13 =	spop (v2sf)  }
0x25c: {  	p0 =	sgt.f32 s13, $0.0e+00  }
.Ltmp34:
0x25d: {  	_ = 	snop;
	(pc) =	sbr.rel @p0 .LBB2_37-.Ltmp34, $1  }
0x25e: {  	_ =	sdelay $0x3  }
.LBB2_38:
0x25f: {  	v8 =	vld [tilespmem:$0x1C030];
	_ =	sdelay $0x4  }
0x260: {  	v9 =	vld [tilespmem:$0x1C730]  }
0x261: {  	v11 =	vld [tilespmem:$0x1CE30];
	_ =	sdelay $0x1  }
0x262: {  	v10 =	vld.idx.msk [tilespmem:v8+s5+$0x0], $0xffff;
	_ =	sdelay $0x2  }
0x263: {  	v9 =	vmul.f32 v11, v9;
	_ =	sdelay $0x1  }
0x264: {  	vm0 =	vlt.f32 v10, v9  }
0x265: {  	v11 =	vsel vm0, $0x3F800000, v2  }
0x266: {  	(xrf0) =	vmax.scan.msk.f32 $0xffff, v11;
	_ =	sdelay $0x5  }
0x267: {  	v11, _, _ =	vpop (xrf0)  }
0x268: {  	(v2sf) =	vpush v11, $0xF;
	_ =	sdelay $0xe  }
0x269: {  	s13 =	spop (v2sf)  }
0x26a: {  	p0 =	sgt.f32 s13, $0.0e+00  }
.Ltmp35:
0x26b: {  	_ = 	snop;
	(pc) =	sbr.rel @!p0 .LBB2_40-.Ltmp35, $1  }
0x26c: {  	_ =	sdelay $0x3  }
.LBB2_39:
0x26d: {  	v10 =	vmax.f32 v10, v9  }
0x26e: {  	[tilespmem:v8+s5+$0x0] =	vst.idx.msk vm0, v10  }
0x26f: {  	v10 =	vld.idx.msk [tilespmem:v8+s5+$0x0], $0xffff;
	_ =	sdelay $0x4  }
0x270: {  	vm0 =	vlt.f32 v10, v9  }
0x271: {  	v11 =	vsel vm0, $0x3F800000, v2  }
0x272: {  	(xrf0) =	vmax.scan.msk.f32 $0xffff, v11;
	_ =	sdelay $0x5  }
0x273: {  	v11, _, _ =	vpop (xrf0)  }
0x274: {  	(v2sf) =	vpush v11, $0xF;
	_ =	sdelay $0xe  }
0x275: {  	s13 =	spop (v2sf)  }
0x276: {  	p0 =	sgt.f32 s13, $0.0e+00  }
.Ltmp36:
0x277: {  	_ = 	snop;
	(pc) =	sbr.rel @p0 .LBB2_39-.Ltmp36, $1  }
0x278: {  	_ =	sdelay $0x3  }
.LBB2_40:
0x279: {  	v8 =	vld [tilespmem:$0x1C040];
	_ =	sdelay $0x4  }
0x27a: {  	v9 =	vld [tilespmem:$0x1C740]  }
0x27b: {  	v11 =	vld [tilespmem:$0x1CE40];
	_ =	sdelay $0x1  }
0x27c: {  	v10 =	vld.idx.msk [tilespmem:v8+s5+$0x0], $0xffff;
	_ =	sdelay $0x2  }
0x27d: {  	v9 =	vmul.f32 v11, v9;
	_ =	sdelay $0x1  }
0x27e: {  	vm0 =	vlt.f32 v10, v9  }
0x27f: {  	v11 =	vsel vm0, $0x3F800000, v2  }
0x280: {  	(xrf0) =	vmax.scan.msk.f32 $0xffff, v11;
	_ =	sdelay $0x5  }
0x281: {  	v11, _, _ =	vpop (xrf0)  }
0x282: {  	(v2sf) =	vpush v11, $0xF;
	_ =	sdelay $0xe  }
0x283: {  	s13 =	spop (v2sf)  }
0x284: {  	p0 =	sgt.f32 s13, $0.0e+00  }
.Ltmp37:
0x285: {  	_ = 	snop;
	(pc) =	sbr.rel @!p0 .LBB2_42-.Ltmp37, $1  }
0x286: {  	_ =	sdelay $0x3  }
.LBB2_41:
0x287: {  	v10 =	vmax.f32 v10, v9  }
0x288: {  	[tilespmem:v8+s5+$0x0] =	vst.idx.msk vm0, v10  }
0x289: {  	v10 =	vld.idx.msk [tilespmem:v8+s5+$0x0], $0xffff;
	_ =	sdelay $0x4  }
0x28a: {  	vm0 =	vlt.f32 v10, v9  }
0x28b: {  	v11 =	vsel vm0, $0x3F800000, v2  }
0x28c: {  	(xrf0) =	vmax.scan.msk.f32 $0xffff, v11;
	_ =	sdelay $0x5  }
0x28d: {  	v11, _, _ =	vpop (xrf0)  }
0x28e: {  	(v2sf) =	vpush v11, $0xF;
	_ =	sdelay $0xe  }
0x28f: {  	s13 =	spop (v2sf)  }
0x290: {  	p0 =	sgt.f32 s13, $0.0e+00  }
.Ltmp38:
0x291: {  	_ = 	snop;
	(pc) =	sbr.rel @p0 .LBB2_41-.Ltmp38, $1  }
0x292: {  	_ =	sdelay $0x3  }
.LBB2_42:
0x293: {  	v8 =	vld [tilespmem:$0x1C050];
	_ =	sdelay $0x4  }
0x294: {  	v9 =	vld [tilespmem:$0x1C750]  }
0x295: {  	v11 =	vld [tilespmem:$0x1CE50];
	_ =	sdelay $0x1  }
0x296: {  	v10 =	vld.idx.msk [tilespmem:v8+s5+$0x0], $0xffff;
	_ =	sdelay $0x2  }
0x297: {  	v9 =	vmul.f32 v11, v9;
	_ =	sdelay $0x1  }
0x298: {  	vm0 =	vlt.f32 v10, v9  }
0x299: {  	v11 =	vsel vm0, $0x3F800000, v2  }
0x29a: {  	(xrf0) =	vmax.scan.msk.f32 $0xffff, v11;
	_ =	sdelay $0x5  }
0x29b: {  	v11, _, _ =	vpop (xrf0)  }
0x29c: {  	(v2sf) =	vpush v11, $0xF;
	_ =	sdelay $0xe  }
0x29d: {  	s13 =	spop (v2sf)  }
0x29e: {  	p0 =	sgt.f32 s13, $0.0e+00  }
.Ltmp39:
0x29f: {  	_ = 	snop;
	(pc) =	sbr.rel @!p0 .LBB2_44-.Ltmp39, $1  }
0x2a0: {  	_ =	sdelay $0x3  }
.LBB2_43:
0x2a1: {  	v10 =	vmax.f32 v10, v9  }
0x2a2: {  	[tilespmem:v8+s5+$0x0] =	vst.idx.msk vm0, v10  }
0x2a3: {  	v10 =	vld.idx.msk [tilespmem:v8+s5+$0x0], $0xffff;
	_ =	sdelay $0x4  }
0x2a4: {  	vm0 =	vlt.f32 v10, v9  }
0x2a5: {  	v11 =	vsel vm0, $0x3F800000, v2  }
0x2a6: {  	(xrf0) =	vmax.scan.msk.f32 $0xffff, v11;
	_ =	sdelay $0x5  }
0x2a7: {  	v11, _, _ =	vpop (xrf0)  }
0x2a8: {  	(v2sf) =	vpush v11, $0xF;
	_ =	sdelay $0xe  }
0x2a9: {  	s13 =	spop (v2sf)  }
0x2aa: {  	p0 =	sgt.f32 s13, $0.0e+00  }
.Ltmp40:
0x2ab: {  	_ = 	snop;
	(pc) =	sbr.rel @p0 .LBB2_43-.Ltmp40, $1  }
0x2ac: {  	_ =	sdelay $0x3  }
.LBB2_44:
0x2ad: {  	v8 =	vld [tilespmem:$0x1C060];
	_ =	sdelay $0x4  }
0x2ae: {  	v9 =	vld [tilespmem:$0x1C760]  }
0x2af: {  	v11 =	vld [tilespmem:$0x1CE60];
	_ =	sdelay $0x1  }
0x2b0: {  	v10 =	vld.idx.msk [tilespmem:v8+s5+$0x0], $0xffff;
	_ =	sdelay $0x2  }
0x2b1: {  	v9 =	vmul.f32 v11, v9;
	_ =	sdelay $0x1  }
0x2b2: {  	vm0 =	vlt.f32 v10, v9  }
0x2b3: {  	v11 =	vsel vm0, $0x3F800000, v2  }
0x2b4: {  	(xrf0) =	vmax.scan.msk.f32 $0xffff, v11;
	_ =	sdelay $0x5  }
0x2b5: {  	v11, _, _ =	vpop (xrf0)  }
0x2b6: {  	(v2sf) =	vpush v11, $0xF;
	_ =	sdelay $0xe  }
0x2b7: {  	s13 =	spop (v2sf)  }
0x2b8: {  	p0 =	sgt.f32 s13, $0.0e+00  }
.Ltmp41:
0x2b9: {  	_ = 	snop;
	(pc) =	sbr.rel @!p0 .LBB2_46-.Ltmp41, $1  }
0x2ba: {  	_ =	sdelay $0x3  }
.LBB2_45:
0x2bb: {  	v10 =	vmax.f32 v10, v9  }
0x2bc: {  	[tilespmem:v8+s5+$0x0] =	vst.idx.msk vm0, v10  }
0x2bd: {  	v10 =	vld.idx.msk [tilespmem:v8+s5+$0x0], $0xffff;
	_ =	sdelay $0x4  }
0x2be: {  	vm0 =	vlt.f32 v10, v9  }
0x2bf: {  	v11 =	vsel vm0, $0x3F800000, v2  }
0x2c0: {  	(xrf0) =	vmax.scan.msk.f32 $0xffff, v11;
	_ =	sdelay $0x5  }
0x2c1: {  	v11, _, _ =	vpop (xrf0)  }
0x2c2: {  	(v2sf) =	vpush v11, $0xF;
	_ =	sdelay $0xe  }
0x2c3: {  	s13 =	spop (v2sf)  }
0x2c4: {  	p0 =	sgt.f32 s13, $0.0e+00  }
.Ltmp42:
0x2c5: {  	_ = 	snop;
	(pc) =	sbr.rel @p0 .LBB2_45-.Ltmp42, $1  }
0x2c6: {  	_ =	sdelay $0x3  }
.LBB2_46:
0x2c7: {  	v8 =	vld [tilespmem:$0x1C070];
	_ =	sdelay $0x4  }
0x2c8: {  	v9 =	vld [tilespmem:$0x1C770]  }
0x2c9: {  	v11 =	vld [tilespmem:$0x1CE70];
	_ =	sdelay $0x1  }
0x2ca: {  	v10 =	vld.idx.msk [tilespmem:v8+s5+$0x0], $0xffff;
	_ =	sdelay $0x2  }
0x2cb: {  	v9 =	vmul.f32 v11, v9;
	_ =	sdelay $0x1  }
0x2cc: {  	vm0 =	vlt.f32 v10, v9  }
0x2cd: {  	v11 =	vsel vm0, $0x3F800000, v2  }
0x2ce: {  	(xrf0) =	vmax.scan.msk.f32 $0xffff, v11;
	_ =	sdelay $0x5  }
0x2cf: {  	v11, _, _ =	vpop (xrf0)  }
0x2d0: {  	(v2sf) =	vpush v11, $0xF;
	_ =	sdelay $0xe  }
0x2d1: {  	s13 =	spop (v2sf)  }
0x2d2: {  	p0 =	sgt.f32 s13, $0.0e+00  }
.Ltmp43:
0x2d3: {  	_ = 	snop;
	(pc) =	sbr.rel @!p0 .LBB2_48-.Ltmp43, $1  }
0x2d4: {  	_ =	sdelay $0x3  }
.LBB2_47:
0x2d5: {  	v10 =	vmax.f32 v10, v9  }
0x2d6: {  	[tilespmem:v8+s5+$0x0] =	vst.idx.msk vm0, v10  }
0x2d7: {  	v10 =	vld.idx.msk [tilespmem:v8+s5+$0x0], $0xffff;
	_ =	sdelay $0x4  }
0x2d8: {  	vm0 =	vlt.f32 v10, v9  }
0x2d9: {  	v11 =	vsel vm0, $0x3F800000, v2  }
0x2da: {  	(xrf0) =	vmax.scan.msk.f32 $0xffff, v11;
	_ =	sdelay $0x5  }
0x2db: {  	v11, _, _ =	vpop (xrf0)  }
0x2dc: {  	(v2sf) =	vpush v11, $0xF;
	_ =	sdelay $0xe  }
0x2dd: {  	s13 =	spop (v2sf)  }
0x2de: {  	p0 =	sgt.f32 s13, $0.0e+00  }
.Ltmp44:
0x2df: {  	_ = 	snop;
	(pc) =	sbr.rel @p0 .LBB2_47-.Ltmp44, $1  }
0x2e0: {  	_ =	sdelay $0x3  }
.LBB2_48:
0x2e1: {  	s13 =	simm.s32 $0x0;
	s14 =	rddreg [dreg:$0x8]  }
0x2e2: {  	[hbm4b:s14+s13] =	stream.linear.scatter [tilespmem:s13], [sflag:$0x3], $0x186A0, $0x38;
	[tilespmem:$0x1EE80] =	vst v63  }
0x2e3: {  	_ =	swait.ge [sflag:s28], $0x186A0  }
0x2e4: {  	[sflag:s28] =	ssyncset.done $0x0  }
0x2e5: {  	[sflag:s28] =	ssyncadd.s32 $0xFFFE7960  }
0x2e6: {  	s23 =	simm.s32 $0x1D500;
	[bflag:$0x0] =	sbarrier.arrive $0xFFFF  }
0x2e7: {  	[tilespmem:s23], [sflag:$0x3] =	stream.linear.gather [hbm4b:s19+s13], $0x640, $0x38;
	[tilespmem:$0x1EE80] =	vst v63  }
0x2e8: {  	_ =	swait.ge [sflag:s28], $0x640  }
0x2e9: {  	[sflag:s28] =	ssyncset.done $0x0  }
0x2ea: {  	s15 =	rddreg [dreg:$0x1c];
	[sflag:s28] =	ssyncadd.s32 $0xFFFFF9C0  }
0x2eb: {  	[tilespmem:s9], [sflag:$0x3] =	stream.linear.gather [hbm4b:s15+s13], $0x640, $0x38;
	[tilespmem:$0x1EE80] =	vst v63  }
0x2ec: {  	_ =	swait.ge [sflag:s28], $0x640  }
0x2ed: {  	[sflag:s28] =	ssyncset.done $0x0  }
0x2ee: {  	s24 =	rddreg [dreg:$0x1d];
	[sflag:s28] =	ssyncadd.s32 $0xFFFFF9C0  }
0x2ef: {  	[tilespmem:s10], [sflag:$0x3] =	stream.linear.gather [hbm4b:s24+s13], $0x640, $0x38;
	[tilespmem:$0x1EE80] =	vst v63  }
0x2f0: {  	_ =	swait.ge [sflag:s28], $0x640  }
0x2f1: {  	[sflag:s28] =	ssyncset.done $0x0  }
0x2f2: {  	s25 =	rddreg [dreg:$0x1e];
	[sflag:s28] =	ssyncadd.s32 $0xFFFFF9C0  }
0x2f3: {  	[tilespmem:s11], [sflag:$0x3] =	stream.linear.gather [hbm4b:s25+s13], $0x640, $0x38;
	[tilespmem:$0x1EE80] =	vst v63  }
0x2f4: {  	_ =	swait.ge [sflag:s28], $0x640  }
0x2f5: {  	[sflag:s28] =	ssyncset.done $0x0  }
0x2f6: {  	[sflag:s28] =	ssyncadd.s32 $0xFFFFF9C0  }
0x2f7: {  	v8 =	vld [tilespmem:s23+$0x640]  }
0x2f8: {  	s13 =	sand.u32 $0x7F0, s13;
	v9 =	vld [tilespmem:s23+$0x0]  }
0x2f9: {  	v10 =	vld [tilespmem:s13+$0x1E180]  }
0x2fa: {  	v11 =	vld [tilespmem:s23+$0x12C0];
	_ =	sdelay $0x4  }
0x2fb: {  	v8 =	vmax.f32 v9, v8;
	v9 =	vmax.f32 v10, v11  }
0x2fc: {  	s13 =	simm.s32 $0x1CE80;
	v8 =	vmax.f32 v8, v9  }
0x2fd: {  	s14 =	simm.s32 $0x1D510;
	[tilespmem:s13+$0x0] =	vst v8  }
0x2fe: {  	s26 =	simm.s32 $0x10;
	v8 =	vld [tilespmem:s14+$0x640]  }
0x2ff: {  	s15 =	sand.u32 $0x7F0, s26;
	v9 =	vld [tilespmem:s14+$0x0]  }
0x300: {  	v10 =	vld [tilespmem:s15+$0x1E180];
	s15 =	simm.s32 $0x20  }
.LBB2_49:
0x301: {  	p0 =	sne.s32 s15, $0x630;
	v11 =	vld [tilespmem:s14+$0x12C0];
	_ =	sdelay $0x4  }
0x302: {  	v8 =	vmax.f32 v9, v8;
	v9 =	vmax.f32 v10, v11  }
.Ltmp45:
0x303: {  	s13 =	sadd.s32 $0x10, s13;
	v8 =	vmax.f32 v8, v9;
	(pc) =	sbr.rel @p0 .LBB2_49-.Ltmp45, $4  }
0x304: {  	s14 =	sadd.s32 $0x10, s14;
	[tilespmem:s13+$0x0] =	vst v8  }
0x305: {  	v8 =	vld [tilespmem:s14+$0x640]  }
0x306: {  	s16 =	sand.u32 $0x7F0, s15;
	v9 =	vld [tilespmem:s14+$0x0]  }
0x307: {  	s15 =	sadd.s32 $0x10, s15;
	v10 =	vld [tilespmem:s16+$0x1E180]  }
0x308: {  	v11 =	vld [tilespmem:s14+$0x12C0];
	_ =	sdelay $0x4  }
0x309: {  	v8 =	vmax.f32 v9, v8;
	v9 =	vmax.f32 v10, v11  }
0x30a: {  	s13 =	sadd.s32 $0x10, s13;
	v8 =	vmax.f32 v8, v9  }
0x30b: {  	s21 =	simm.s32 $0x0;
	s15 =	rddreg [dreg:$0x7];
	[tilespmem:s13+$0x0] =	vst v8;
	s13 =	simm.s32 $0x1CE80  }
0x30c: {  	[hbm4b:s15+s21] =	stream.linear.scatter [tilespmem:s13], [sflag:$0x3], $0x640, $0x38;
	[tilespmem:$0x1EE80] =	vst v63  }
0x30d: {  	_ =	swait.ge [sflag:s28], $0x640  }
0x30e: {  	[sflag:s28] =	ssyncset.done $0x0  }
0x30f: {  	s22 =	simm.s32 $0x1D500;
	s16 =	rddreg [dreg:$0x1f];
	[sflag:s28] =	ssyncadd.s32 $0xFFFFF9C0  }
0x310: {  	[tilespmem:s22], [sflag:$0x3] =	stream.linear.gather [hbm4b:s16+s21], $0x640, $0x38;
	[tilespmem:$0x1EE80] =	vst v63  }
0x311: {  	_ =	swait.ge [sflag:s28], $0x640  }
0x312: {  	s23 =	sld [smem:$0x7C3]  }
0x313: {  	[sflag:s28] =	ssyncset.done $0x0  }
0x314: {  	[sflag:s28] =	ssyncadd.s32 $0xFFFFF9C0  }
0x315: {  	[tilespmem:s9], [sflag:$0x3] =	stream.linear.gather [hbm4b:s23+s21], $0x640, $0x38;
	[tilespmem:$0x1EE80] =	vst v63  }
0x316: {  	_ =	swait.ge [sflag:s28], $0x640  }
0x317: {  	s24 =	sld [smem:$0x7C4]  }
0x318: {  	[sflag:s28] =	ssyncset.done $0x0  }
0x319: {  	[sflag:s28] =	ssyncadd.s32 $0xFFFFF9C0  }
0x31a: {  	[tilespmem:s10], [sflag:$0x3] =	stream.linear.gather [hbm4b:s24+s21], $0x640, $0x38;
	[tilespmem:$0x1EE80] =	vst v63  }
0x31b: {  	_ =	swait.ge [sflag:s28], $0x640  }
0x31c: {  	s25 =	sld [smem:$0x7C5]  }
0x31d: {  	[sflag:s28] =	ssyncset.done $0x0  }
0x31e: {  	[sflag:s28] =	ssyncadd.s32 $0xFFFFF9C0  }
0x31f: {  	[tilespmem:s11], [sflag:$0x3] =	stream.linear.gather [hbm4b:s25+s21], $0x640, $0x38;
	[tilespmem:$0x1EE80] =	vst v63  }
0x320: {  	_ =	swait.ge [sflag:s28], $0x640  }
0x321: {  	[sflag:s28] =	ssyncset.done $0x0  }
0x322: {  	[sflag:s28] =	ssyncadd.s32 $0xFFFFF9C0  }
0x323: {  	v8 =	vld [tilespmem:s22+$0x640]  }
0x324: {  	s14 =	sand.u32 $0x7F0, s21;
	v9 =	vld [tilespmem:s22+$0x0]  }
0x325: {  	v10 =	vld [tilespmem:s14+$0x1E180]  }
0x326: {  	v11 =	vld [tilespmem:s22+$0x12C0];
	_ =	sdelay $0x4  }
0x327: {  	v8 =	vmax.f32 v9, v8;
	v9 =	vmax.f32 v10, v11  }
0x328: {  	v8 =	vmax.f32 v8, v9  }
0x329: {  	s14 =	simm.s32 $0x1D510;
	[tilespmem:s13+$0x0] =	vst v8  }
0x32a: {  	s26 =	simm.s32 $0x10;
	v8 =	vld [tilespmem:s14+$0x640]  }
0x32b: {  	s15 =	sand.u32 $0x7F0, s26;
	v9 =	vld [tilespmem:s14+$0x0]  }
0x32c: {  	v10 =	vld [tilespmem:s15+$0x1E180];
	s15 =	simm.s32 $0x20  }
.LBB2_51:
0x32d: {  	p0 =	sne.s32 s15, $0x630;
	v11 =	vld [tilespmem:s14+$0x12C0];
	_ =	sdelay $0x4  }
0x32e: {  	v8 =	vmax.f32 v9, v8;
	v9 =	vmax.f32 v10, v11  }
.Ltmp46:
0x32f: {  	s13 =	sadd.s32 $0x10, s13;
	v8 =	vmax.f32 v8, v9;
	(pc) =	sbr.rel @p0 .LBB2_51-.Ltmp46, $4  }
0x330: {  	s14 =	sadd.s32 $0x10, s14;
	[tilespmem:s13+$0x0] =	vst v8  }
0x331: {  	v8 =	vld [tilespmem:s14+$0x640]  }
0x332: {  	s16 =	sand.u32 $0x7F0, s15;
	v9 =	vld [tilespmem:s14+$0x0]  }
0x333: {  	s15 =	sadd.s32 $0x10, s15;
	v10 =	vld [tilespmem:s16+$0x1E180]  }
0x334: {  	v11 =	vld [tilespmem:s14+$0x12C0];
	_ =	sdelay $0x4  }
0x335: {  	v8 =	vmax.f32 v9, v8;
	v9 =	vmax.f32 v10, v11  }
0x336: {  	s13 =	sadd.s32 $0x10, s13;
	v8 =	vmax.f32 v8, v9  }
0x337: {  	s21 =	simm.s32 $0x0;
	s15 =	rddreg [dreg:$0x9];
	[tilespmem:s13+$0x0] =	vst v8;
	s13 =	simm.s32 $0x1CE80  }
0x338: {  	[hbm4b:s15+s21] =	stream.linear.scatter [tilespmem:s13], [sflag:$0x3], $0x640, $0x38;
	[tilespmem:$0x1EE80] =	vst v63  }
0x339: {  	_ =	swait.ge [sflag:s28], $0x640  }
0x33a: {  	s16 =	sld [smem:$0x7C6]  }
0x33b: {  	[sflag:s28] =	ssyncset.done $0x0  }
0x33c: {  	s22 =	simm.s32 $0x1D500;
	[sflag:s28] =	ssyncadd.s32 $0xFFFFF9C0  }
0x33d: {  	[tilespmem:s22], [sflag:$0x3] =	stream.linear.gather [hbm4b:s16+s21], $0x640, $0x38;
	[tilespmem:$0x1EE80] =	vst v63  }
0x33e: {  	_ =	swait.ge [sflag:s28], $0x640  }
0x33f: {  	s23 =	sld [smem:$0x7C7]  }
0x340: {  	[sflag:s28] =	ssyncset.done $0x0  }
0x341: {  	[sflag:s28] =	ssyncadd.s32 $0xFFFFF9C0  }
0x342: {  	[tilespmem:s9], [sflag:$0x3] =	stream.linear.gather [hbm4b:s23+s21], $0x640, $0x38;
	[tilespmem:$0x1EE80] =	vst v63  }
0x343: {  	_ =	swait.ge [sflag:s28], $0x640  }
0x344: {  	s24 =	sld [smem:$0x7C8]  }
0x345: {  	[sflag:s28] =	ssyncset.done $0x0  }
0x346: {  	[sflag:s28] =	ssyncadd.s32 $0xFFFFF9C0  }
0x347: {  	[tilespmem:s10], [sflag:$0x3] =	stream.linear.gather [hbm4b:s24+s21], $0x640, $0x38;
	[tilespmem:$0x1EE80] =	vst v63  }
0x348: {  	_ =	swait.ge [sflag:s28], $0x640  }
0x349: {  	s25 =	sld [smem:$0x7C9]  }
0x34a: {  	[sflag:s28] =	ssyncset.done $0x0  }
0x34b: {  	[sflag:s28] =	ssyncadd.s32 $0xFFFFF9C0  }
0x34c: {  	[tilespmem:s11], [sflag:$0x3] =	stream.linear.gather [hbm4b:s25+s21], $0x640, $0x38;
	[tilespmem:$0x1EE80] =	vst v63  }
0x34d: {  	_ =	swait.ge [sflag:s28], $0x640  }
0x34e: {  	[sflag:s28] =	ssyncset.done $0x0  }
0x34f: {  	[sflag:s28] =	ssyncadd.s32 $0xFFFFF9C0  }
0x350: {  	v8 =	vld [tilespmem:s22+$0x640]  }
0x351: {  	s14 =	sand.u32 $0x7F0, s21;
	v9 =	vld [tilespmem:s22+$0x0]  }
0x352: {  	v10 =	vld [tilespmem:s14+$0x1E180]  }
0x353: {  	v11 =	vld [tilespmem:s22+$0x12C0];
	_ =	sdelay $0x4  }
0x354: {  	v8 =	vmax.f32 v9, v8;
	v9 =	vmax.f32 v10, v11  }
0x355: {  	v8 =	vmax.f32 v8, v9  }
0x356: {  	s14 =	simm.s32 $0x1D510;
	[tilespmem:s13+$0x0] =	vst v8  }
0x357: {  	s26 =	simm.s32 $0x10;
	v8 =	vld [tilespmem:s14+$0x640]  }
0x358: {  	s15 =	sand.u32 $0x7F0, s26;
	v9 =	vld [tilespmem:s14+$0x0]  }
0x359: {  	v10 =	vld [tilespmem:s15+$0x1E180];
	s15 =	simm.s32 $0x20  }
.LBB2_53:
0x35a: {  	p0 =	sne.s32 s15, $0x630;
	v11 =	vld [tilespmem:s14+$0x12C0];
	_ =	sdelay $0x4  }
0x35b: {  	v8 =	vmax.f32 v9, v8;
	v9 =	vmax.f32 v10, v11  }
.Ltmp47:
0x35c: {  	s13 =	sadd.s32 $0x10, s13;
	v8 =	vmax.f32 v8, v9;
	(pc) =	sbr.rel @p0 .LBB2_53-.Ltmp47, $4  }
0x35d: {  	s14 =	sadd.s32 $0x10, s14;
	[tilespmem:s13+$0x0] =	vst v8  }
0x35e: {  	v8 =	vld [tilespmem:s14+$0x640]  }
0x35f: {  	s16 =	sand.u32 $0x7F0, s15;
	v9 =	vld [tilespmem:s14+$0x0]  }
0x360: {  	s15 =	sadd.s32 $0x10, s15;
	v10 =	vld [tilespmem:s16+$0x1E180]  }
0x361: {  	v11 =	vld [tilespmem:s14+$0x12C0];
	_ =	sdelay $0x4  }
0x362: {  	v8 =	vmax.f32 v9, v8;
	v9 =	vmax.f32 v10, v11  }
0x363: {  	s13 =	sadd.s32 $0x10, s13;
	v8 =	vmax.f32 v8, v9  }
0x364: {  	s21 =	simm.s32 $0x0;
	s15 =	rddreg [dreg:$0xa];
	[tilespmem:s13+$0x0] =	vst v8;
	s13 =	simm.s32 $0x1CE80  }
0x365: {  	[hbm4b:s15+s21] =	stream.linear.scatter [tilespmem:s13], [sflag:$0x3], $0x640, $0x38;
	[tilespmem:$0x1EE80] =	vst v63  }
0x366: {  	_ =	swait.ge [sflag:s28], $0x640  }
0x367: {  	s16 =	sld [smem:$0x7CA]  }
0x368: {  	[sflag:s28] =	ssyncset.done $0x0  }
0x369: {  	s22 =	simm.s32 $0x1D500;
	[sflag:s28] =	ssyncadd.s32 $0xFFFFF9C0  }
0x36a: {  	[tilespmem:s22], [sflag:$0x3] =	stream.linear.gather [hbm4b:s16+s21], $0x640, $0x38;
	[tilespmem:$0x1EE80] =	vst v63  }
0x36b: {  	_ =	swait.ge [sflag:s28], $0x640  }
0x36c: {  	s23 =	sld [smem:$0x7CB]  }
0x36d: {  	[sflag:s28] =	ssyncset.done $0x0  }
0x36e: {  	[sflag:s28] =	ssyncadd.s32 $0xFFFFF9C0  }
0x36f: {  	[tilespmem:s9], [sflag:$0x3] =	stream.linear.gather [hbm4b:s23+s21], $0x640, $0x38;
	[tilespmem:$0x1EE80] =	vst v63  }
0x370: {  	_ =	swait.ge [sflag:s28], $0x640  }
0x371: {  	s24 =	sld [smem:$0x7CC]  }
0x372: {  	[sflag:s28] =	ssyncset.done $0x0  }
0x373: {  	[sflag:s28] =	ssyncadd.s32 $0xFFFFF9C0  }
0x374: {  	[tilespmem:s10], [sflag:$0x3] =	stream.linear.gather [hbm4b:s24+s21], $0x640, $0x38;
	[tilespmem:$0x1EE80] =	vst v63  }
0x375: {  	_ =	swait.ge [sflag:s28], $0x640  }
0x376: {  	s25 =	sld [smem:$0x7CD]  }
0x377: {  	[sflag:s28] =	ssyncset.done $0x0  }
0x378: {  	[sflag:s28] =	ssyncadd.s32 $0xFFFFF9C0  }
0x379: {  	[tilespmem:s11], [sflag:$0x3] =	stream.linear.gather [hbm4b:s25+s21], $0x640, $0x38;
	[tilespmem:$0x1EE80] =	vst v63  }
0x37a: {  	_ =	swait.ge [sflag:s28], $0x640  }
0x37b: {  	[sflag:s28] =	ssyncset.done $0x0  }
0x37c: {  	[sflag:s28] =	ssyncadd.s32 $0xFFFFF9C0  }
0x37d: {  	v8 =	vld [tilespmem:s22+$0x640]  }
0x37e: {  	s14 =	sand.u32 $0x7F0, s21;
	v9 =	vld [tilespmem:s22+$0x0]  }
0x37f: {  	v10 =	vld [tilespmem:s14+$0x1E180]  }
0x380: {  	v11 =	vld [tilespmem:s22+$0x12C0];
	_ =	sdelay $0x4  }
0x381: {  	v8 =	vmax.f32 v9, v8;
	v9 =	vmax.f32 v10, v11  }
0x382: {  	v8 =	vmax.f32 v8, v9  }
0x383: {  	s14 =	simm.s32 $0x1D510;
	[tilespmem:s13+$0x0] =	vst v8  }
0x384: {  	s26 =	simm.s32 $0x10;
	v8 =	vld [tilespmem:s14+$0x640]  }
0x385: {  	s15 =	sand.u32 $0x7F0, s26;
	v9 =	vld [tilespmem:s14+$0x0]  }
0x386: {  	v10 =	vld [tilespmem:s15+$0x1E180];
	s15 =	simm.s32 $0x20  }
.LBB2_55:
0x387: {  	p0 =	sne.s32 s15, $0x630;
	v11 =	vld [tilespmem:s14+$0x12C0];
	_ =	sdelay $0x4  }
0x388: {  	v8 =	vmax.f32 v9, v8;
	v9 =	vmax.f32 v10, v11  }
.Ltmp48:
0x389: {  	s13 =	sadd.s32 $0x10, s13;
	v8 =	vmax.f32 v8, v9;
	(pc) =	sbr.rel @p0 .LBB2_55-.Ltmp48, $4  }
0x38a: {  	s14 =	sadd.s32 $0x10, s14;
	[tilespmem:s13+$0x0] =	vst v8  }
0x38b: {  	v8 =	vld [tilespmem:s14+$0x640]  }
0x38c: {  	s16 =	sand.u32 $0x7F0, s15;
	v9 =	vld [tilespmem:s14+$0x0]  }
0x38d: {  	s15 =	sadd.s32 $0x10, s15;
	v10 =	vld [tilespmem:s16+$0x1E180]  }
0x38e: {  	v11 =	vld [tilespmem:s14+$0x12C0];
	_ =	sdelay $0x4  }
0x38f: {  	v8 =	vmax.f32 v9, v8;
	v9 =	vmax.f32 v10, v11  }
0x390: {  	s13 =	sadd.s32 $0x10, s13;
	v8 =	vmax.f32 v8, v9  }
0x391: {  	s21 =	simm.s32 $0x0;
	s15 =	rddreg [dreg:$0xb];
	[tilespmem:s13+$0x0] =	vst v8;
	s13 =	simm.s32 $0x1CE80  }
0x392: {  	[hbm4b:s15+s21] =	stream.linear.scatter [tilespmem:s13], [sflag:$0x3], $0x640, $0x38;
	[tilespmem:$0x1EE80] =	vst v63  }
0x393: {  	_ =	swait.ge [sflag:s28], $0x640  }
0x394: {  	s16 =	sld [smem:$0x7CE]  }
0x395: {  	[sflag:s28] =	ssyncset.done $0x0  }
0x396: {  	s22 =	simm.s32 $0x1D500;
	[sflag:s28] =	ssyncadd.s32 $0xFFFFF9C0  }
0x397: {  	[tilespmem:s22], [sflag:$0x3] =	stream.linear.gather [hbm4b:s16+s21], $0x640, $0x38;
	[tilespmem:$0x1EE80] =	vst v63  }
0x398: {  	_ =	swait.ge [sflag:s28], $0x640  }
0x399: {  	s23 =	sld [smem:$0x7CF]  }
0x39a: {  	[sflag:s28] =	ssyncset.done $0x0  }
0x39b: {  	[sflag:s28] =	ssyncadd.s32 $0xFFFFF9C0  }
0x39c: {  	[tilespmem:s9], [sflag:$0x3] =	stream.linear.gather [hbm4b:s23+s21], $0x640, $0x38;
	[tilespmem:$0x1EE80] =	vst v63  }
0x39d: {  	_ =	swait.ge [sflag:s28], $0x640  }
0x39e: {  	s24 =	sld [smem:$0x7D0]  }
0x39f: {  	[sflag:s28] =	ssyncset.done $0x0  }
0x3a0: {  	[sflag:s28] =	ssyncadd.s32 $0xFFFFF9C0  }
0x3a1: {  	[tilespmem:s10], [sflag:$0x3] =	stream.linear.gather [hbm4b:s24+s21], $0x640, $0x38;
	[tilespmem:$0x1EE80] =	vst v63  }
0x3a2: {  	_ =	swait.ge [sflag:s28], $0x640  }
0x3a3: {  	s25 =	sld [smem:$0x7D1]  }
0x3a4: {  	[sflag:s28] =	ssyncset.done $0x0  }
0x3a5: {  	[sflag:s28] =	ssyncadd.s32 $0xFFFFF9C0  }
0x3a6: {  	[tilespmem:s11], [sflag:$0x3] =	stream.linear.gather [hbm4b:s25+s21], $0x640, $0x38;
	[tilespmem:$0x1EE80] =	vst v63  }
0x3a7: {  	_ =	swait.ge [sflag:s28], $0x640  }
0x3a8: {  	[sflag:s28] =	ssyncset.done $0x0  }
0x3a9: {  	[sflag:s28] =	ssyncadd.s32 $0xFFFFF9C0  }
0x3aa: {  	v8 =	vld [tilespmem:s22+$0x640]  }
0x3ab: {  	s14 =	sand.u32 $0x7F0, s21;
	v9 =	vld [tilespmem:s22+$0x0]  }
0x3ac: {  	v10 =	vld [tilespmem:s14+$0x1E180]  }
0x3ad: {  	v11 =	vld [tilespmem:s22+$0x12C0];
	_ =	sdelay $0x4  }
0x3ae: {  	v8 =	vmax.f32 v9, v8;
	v9 =	vmax.f32 v10, v11  }
0x3af: {  	v8 =	vmax.f32 v8, v9  }
0x3b0: {  	s14 =	simm.s32 $0x1D510;
	[tilespmem:s13+$0x0] =	vst v8  }
0x3b1: {  	s26 =	simm.s32 $0x10;
	v8 =	vld [tilespmem:s14+$0x640]  }
0x3b2: {  	s15 =	sand.u32 $0x7F0, s26;
	v9 =	vld [tilespmem:s14+$0x0]  }
0x3b3: {  	v10 =	vld [tilespmem:s15+$0x1E180];
	s15 =	simm.s32 $0x20  }
.LBB2_57:
0x3b4: {  	p0 =	sne.s32 s15, $0x630;
	v11 =	vld [tilespmem:s14+$0x12C0];
	_ =	sdelay $0x4  }
0x3b5: {  	v8 =	vmax.f32 v9, v8;
	v9 =	vmax.f32 v10, v11  }
.Ltmp49:
0x3b6: {  	s13 =	sadd.s32 $0x10, s13;
	v8 =	vmax.f32 v8, v9;
	(pc) =	sbr.rel @p0 .LBB2_57-.Ltmp49, $4  }
0x3b7: {  	s14 =	sadd.s32 $0x10, s14;
	[tilespmem:s13+$0x0] =	vst v8  }
0x3b8: {  	v8 =	vld [tilespmem:s14+$0x640]  }
0x3b9: {  	s16 =	sand.u32 $0x7F0, s15;
	v9 =	vld [tilespmem:s14+$0x0]  }
0x3ba: {  	s15 =	sadd.s32 $0x10, s15;
	v10 =	vld [tilespmem:s16+$0x1E180]  }
0x3bb: {  	v11 =	vld [tilespmem:s14+$0x12C0];
	_ =	sdelay $0x4  }
0x3bc: {  	v8 =	vmax.f32 v9, v8;
	v9 =	vmax.f32 v10, v11  }
0x3bd: {  	s13 =	sadd.s32 $0x10, s13;
	v8 =	vmax.f32 v8, v9  }
0x3be: {  	s21 =	simm.s32 $0x0;
	s15 =	rddreg [dreg:$0xc];
	[tilespmem:s13+$0x0] =	vst v8;
	s13 =	simm.s32 $0x1CE80  }
0x3bf: {  	[hbm4b:s15+s21] =	stream.linear.scatter [tilespmem:s13], [sflag:$0x3], $0x640, $0x38;
	[tilespmem:$0x1EE80] =	vst v63  }
0x3c0: {  	_ =	swait.ge [sflag:s28], $0x640  }
0x3c1: {  	s16 =	sld [smem:$0x7D2]  }
0x3c2: {  	[sflag:s28] =	ssyncset.done $0x0  }
0x3c3: {  	s22 =	simm.s32 $0x1D500;
	[sflag:s28] =	ssyncadd.s32 $0xFFFFF9C0  }
0x3c4: {  	[tilespmem:s22], [sflag:$0x3] =	stream.linear.gather [hbm4b:s16+s21], $0x640, $0x38;
	[tilespmem:$0x1EE80] =	vst v63  }
0x3c5: {  	_ =	swait.ge [sflag:s28], $0x640  }
0x3c6: {  	s23 =	sld [smem:$0x7D3]  }
0x3c7: {  	[sflag:s28] =	ssyncset.done $0x0  }
0x3c8: {  	[sflag:s28] =	ssyncadd.s32 $0xFFFFF9C0  }
0x3c9: {  	[tilespmem:s9], [sflag:$0x3] =	stream.linear.gather [hbm4b:s23+s21], $0x640, $0x38;
	[tilespmem:$0x1EE80] =	vst v63  }
0x3ca: {  	_ =	swait.ge [sflag:s28], $0x640  }
0x3cb: {  	s24 =	sld [smem:$0x7D4]  }
0x3cc: {  	[sflag:s28] =	ssyncset.done $0x0  }
0x3cd: {  	[sflag:s28] =	ssyncadd.s32 $0xFFFFF9C0  }
0x3ce: {  	[tilespmem:s10], [sflag:$0x3] =	stream.linear.gather [hbm4b:s24+s21], $0x640, $0x38;
	[tilespmem:$0x1EE80] =	vst v63  }
0x3cf: {  	_ =	swait.ge [sflag:s28], $0x640  }
0x3d0: {  	s25 =	sld [smem:$0x7D5]  }
0x3d1: {  	[sflag:s28] =	ssyncset.done $0x0  }
0x3d2: {  	[sflag:s28] =	ssyncadd.s32 $0xFFFFF9C0  }
0x3d3: {  	[tilespmem:s11], [sflag:$0x3] =	stream.linear.gather [hbm4b:s25+s21], $0x640, $0x38;
	[tilespmem:$0x1EE80] =	vst v63  }
0x3d4: {  	_ =	swait.ge [sflag:s28], $0x640  }
0x3d5: {  	[sflag:s28] =	ssyncset.done $0x0  }
0x3d6: {  	[sflag:s28] =	ssyncadd.s32 $0xFFFFF9C0  }
0x3d7: {  	v8 =	vld [tilespmem:s22+$0x640]  }
0x3d8: {  	s14 =	sand.u32 $0x7F0, s21;
	v9 =	vld [tilespmem:s22+$0x0]  }
0x3d9: {  	v10 =	vld [tilespmem:s14+$0x1E180]  }
0x3da: {  	v11 =	vld [tilespmem:s22+$0x12C0];
	_ =	sdelay $0x4  }
0x3db: {  	v8 =	vmax.f32 v9, v8;
	v9 =	vmax.f32 v10, v11  }
0x3dc: {  	v8 =	vmax.f32 v8, v9  }
0x3dd: {  	s14 =	simm.s32 $0x1D510;
	[tilespmem:s13+$0x0] =	vst v8  }
0x3de: {  	s26 =	simm.s32 $0x10;
	v8 =	vld [tilespmem:s14+$0x640]  }
0x3df: {  	s15 =	sand.u32 $0x7F0, s26;
	v9 =	vld [tilespmem:s14+$0x0]  }
0x3e0: {  	v10 =	vld [tilespmem:s15+$0x1E180];
	s15 =	simm.s32 $0x20  }
.LBB2_59:
0x3e1: {  	p0 =	sne.s32 s15, $0x630;
	v11 =	vld [tilespmem:s14+$0x12C0];
	_ =	sdelay $0x4  }
0x3e2: {  	v8 =	vmax.f32 v9, v8;
	v9 =	vmax.f32 v10, v11  }
.Ltmp50:
0x3e3: {  	s13 =	sadd.s32 $0x10, s13;
	v8 =	vmax.f32 v8, v9;
	(pc) =	sbr.rel @p0 .LBB2_59-.Ltmp50, $4  }
0x3e4: {  	s14 =	sadd.s32 $0x10, s14;
	[tilespmem:s13+$0x0] =	vst v8  }
0x3e5: {  	v8 =	vld [tilespmem:s14+$0x640]  }
0x3e6: {  	s16 =	sand.u32 $0x7F0, s15;
	v9 =	vld [tilespmem:s14+$0x0]  }
0x3e7: {  	s15 =	sadd.s32 $0x10, s15;
	v10 =	vld [tilespmem:s16+$0x1E180]  }
0x3e8: {  	v11 =	vld [tilespmem:s14+$0x12C0];
	_ =	sdelay $0x4  }
0x3e9: {  	v8 =	vmax.f32 v9, v8;
	v9 =	vmax.f32 v10, v11  }
0x3ea: {  	s13 =	sadd.s32 $0x10, s13;
	v8 =	vmax.f32 v8, v9  }
0x3eb: {  	s21 =	simm.s32 $0x0;
	s15 =	rddreg [dreg:$0xd];
	[tilespmem:s13+$0x0] =	vst v8;
	s13 =	simm.s32 $0x1CE80  }
0x3ec: {  	[hbm4b:s15+s21] =	stream.linear.scatter [tilespmem:s13], [sflag:$0x3], $0x640, $0x38;
	[tilespmem:$0x1EE80] =	vst v63  }
0x3ed: {  	_ =	swait.ge [sflag:s28], $0x640  }
0x3ee: {  	s16 =	sld [smem:$0x7D6]  }
0x3ef: {  	[sflag:s28] =	ssyncset.done $0x0  }
0x3f0: {  	s22 =	simm.s32 $0x1D500;
	[sflag:s28] =	ssyncadd.s32 $0xFFFFF9C0  }
0x3f1: {  	[tilespmem:s22], [sflag:$0x3] =	stream.linear.gather [hbm4b:s16+s21], $0x640, $0x38;
	[tilespmem:$0x1EE80] =	vst v63  }
0x3f2: {  	_ =	swait.ge [sflag:s28], $0x640  }
0x3f3: {  	s23 =	sld [smem:$0x7D7]  }
0x3f4: {  	[sflag:s28] =	ssyncset.done $0x0  }
0x3f5: {  	[sflag:s28] =	ssyncadd.s32 $0xFFFFF9C0  }
0x3f6: {  	[tilespmem:s9], [sflag:$0x3] =	stream.linear.gather [hbm4b:s23+s21], $0x640, $0x38;
	[tilespmem:$0x1EE80] =	vst v63  }
0x3f7: {  	_ =	swait.ge [sflag:s28], $0x640  }
0x3f8: {  	s24 =	sld [smem:$0x7D8]  }
0x3f9: {  	[sflag:s28] =	ssyncset.done $0x0  }
0x3fa: {  	[sflag:s28] =	ssyncadd.s32 $0xFFFFF9C0  }
0x3fb: {  	[tilespmem:s10], [sflag:$0x3] =	stream.linear.gather [hbm4b:s24+s21], $0x640, $0x38;
	[tilespmem:$0x1EE80] =	vst v63  }
0x3fc: {  	_ =	swait.ge [sflag:s28], $0x640  }
0x3fd: {  	s25 =	sld [smem:$0x7D9]  }
0x3fe: {  	[sflag:s28] =	ssyncset.done $0x0  }
0x3ff: {  	[sflag:s28] =	ssyncadd.s32 $0xFFFFF9C0  }
0x400: {  	[tilespmem:s11], [sflag:$0x3] =	stream.linear.gather [hbm4b:s25+s21], $0x640, $0x38;
	[tilespmem:$0x1EE80] =	vst v63  }
0x401: {  	_ =	swait.ge [sflag:s28], $0x640  }
0x402: {  	[sflag:s28] =	ssyncset.done $0x0  }
0x403: {  	[sflag:s28] =	ssyncadd.s32 $0xFFFFF9C0  }
0x404: {  	v8 =	vld [tilespmem:s22+$0x640]  }
0x405: {  	s14 =	sand.u32 $0x7F0, s21;
	v9 =	vld [tilespmem:s22+$0x0]  }
0x406: {  	v10 =	vld [tilespmem:s14+$0x1E180]  }
0x407: {  	v11 =	vld [tilespmem:s22+$0x12C0];
	_ =	sdelay $0x4  }
0x408: {  	v8 =	vmax.f32 v9, v8;
	v9 =	vmax.f32 v10, v11  }
0x409: {  	v8 =	vmax.f32 v8, v9  }
0x40a: {  	s14 =	simm.s32 $0x1D510;
	[tilespmem:s13+$0x0] =	vst v8  }
0x40b: {  	s26 =	simm.s32 $0x10;
	v8 =	vld [tilespmem:s14+$0x640]  }
0x40c: {  	s15 =	sand.u32 $0x7F0, s26;
	v9 =	vld [tilespmem:s14+$0x0]  }
0x40d: {  	v10 =	vld [tilespmem:s15+$0x1E180];
	s15 =	simm.s32 $0x20  }
.LBB2_61:
0x40e: {  	p0 =	sne.s32 s15, $0x630;
	v11 =	vld [tilespmem:s14+$0x12C0];
	_ =	sdelay $0x4  }
0x40f: {  	v8 =	vmax.f32 v9, v8;
	v9 =	vmax.f32 v10, v11  }
.Ltmp51:
0x410: {  	s13 =	sadd.s32 $0x10, s13;
	v8 =	vmax.f32 v8, v9;
	(pc) =	sbr.rel @p0 .LBB2_61-.Ltmp51, $4  }
0x411: {  	s14 =	sadd.s32 $0x10, s14;
	[tilespmem:s13+$0x0] =	vst v8  }
0x412: {  	v8 =	vld [tilespmem:s14+$0x640]  }
0x413: {  	s16 =	sand.u32 $0x7F0, s15;
	v9 =	vld [tilespmem:s14+$0x0]  }
0x414: {  	s15 =	sadd.s32 $0x10, s15;
	v10 =	vld [tilespmem:s16+$0x1E180]  }
0x415: {  	v11 =	vld [tilespmem:s14+$0x12C0];
	_ =	sdelay $0x4  }
0x416: {  	v8 =	vmax.f32 v9, v8;
	v9 =	vmax.f32 v10, v11  }
0x417: {  	s13 =	sadd.s32 $0x10, s13;
	v8 =	vmax.f32 v8, v9  }
0x418: {  	s21 =	simm.s32 $0x0;
	s15 =	rddreg [dreg:$0xe];
	[tilespmem:s13+$0x0] =	vst v8;
	s13 =	simm.s32 $0x1CE80  }
0x419: {  	[hbm4b:s15+s21] =	stream.linear.scatter [tilespmem:s13], [sflag:$0x3], $0x640, $0x38;
	[tilespmem:$0x1EE80] =	vst v63  }
0x41a: {  	_ =	swait.ge [sflag:s28], $0x640  }
0x41b: {  	s16 =	sld [smem:$0x7DA]  }
0x41c: {  	[sflag:s28] =	ssyncset.done $0x0  }
0x41d: {  	s22 =	simm.s32 $0x1D500;
	[sflag:s28] =	ssyncadd.s32 $0xFFFFF9C0  }
0x41e: {  	[tilespmem:s22], [sflag:$0x3] =	stream.linear.gather [hbm4b:s16+s21], $0x640, $0x38;
	[tilespmem:$0x1EE80] =	vst v63  }
0x41f: {  	_ =	swait.ge [sflag:s28], $0x640  }
0x420: {  	s23 =	sld [smem:$0x7DB]  }
0x421: {  	[sflag:s28] =	ssyncset.done $0x0  }
0x422: {  	[sflag:s28] =	ssyncadd.s32 $0xFFFFF9C0  }
0x423: {  	[tilespmem:s9], [sflag:$0x3] =	stream.linear.gather [hbm4b:s23+s21], $0x640, $0x38;
	[tilespmem:$0x1EE80] =	vst v63  }
0x424: {  	_ =	swait.ge [sflag:s28], $0x640  }
0x425: {  	s24 =	sld [smem:$0x7DC]  }
0x426: {  	[sflag:s28] =	ssyncset.done $0x0  }
0x427: {  	[sflag:s28] =	ssyncadd.s32 $0xFFFFF9C0  }
0x428: {  	[tilespmem:s10], [sflag:$0x3] =	stream.linear.gather [hbm4b:s24+s21], $0x640, $0x38;
	[tilespmem:$0x1EE80] =	vst v63  }
0x429: {  	_ =	swait.ge [sflag:s28], $0x640  }
0x42a: {  	s25 =	sld [smem:$0x7DD]  }
0x42b: {  	[sflag:s28] =	ssyncset.done $0x0  }
0x42c: {  	[sflag:s28] =	ssyncadd.s32 $0xFFFFF9C0  }
0x42d: {  	[tilespmem:s11], [sflag:$0x3] =	stream.linear.gather [hbm4b:s25+s21], $0x640, $0x38;
	[tilespmem:$0x1EE80] =	vst v63  }
0x42e: {  	_ =	swait.ge [sflag:s28], $0x640  }
0x42f: {  	[sflag:s28] =	ssyncset.done $0x0  }
0x430: {  	[sflag:s28] =	ssyncadd.s32 $0xFFFFF9C0  }
0x431: {  	v8 =	vld [tilespmem:s22+$0x640]  }
0x432: {  	s14 =	sand.u32 $0x7F0, s21;
	v9 =	vld [tilespmem:s22+$0x0]  }
0x433: {  	v10 =	vld [tilespmem:s14+$0x1E180]  }
0x434: {  	v11 =	vld [tilespmem:s22+$0x12C0];
	_ =	sdelay $0x4  }
0x435: {  	v8 =	vmax.f32 v9, v8;
	v9 =	vmax.f32 v10, v11  }
0x436: {  	v8 =	vmax.f32 v8, v9  }
0x437: {  	s14 =	simm.s32 $0x1D510;
	[tilespmem:s13+$0x0] =	vst v8  }
0x438: {  	s26 =	simm.s32 $0x10;
	v8 =	vld [tilespmem:s14+$0x640]  }
0x439: {  	s15 =	sand.u32 $0x7F0, s26;
	v9 =	vld [tilespmem:s14+$0x0]  }
0x43a: {  	v10 =	vld [tilespmem:s15+$0x1E180];
	s15 =	simm.s32 $0x20  }
.LBB2_63:
0x43b: {  	p0 =	sne.s32 s15, $0x630;
	v11 =	vld [tilespmem:s14+$0x12C0];
	_ =	sdelay $0x4  }
0x43c: {  	v8 =	vmax.f32 v9, v8;
	v9 =	vmax.f32 v10, v11  }
.Ltmp52:
0x43d: {  	s13 =	sadd.s32 $0x10, s13;
	v8 =	vmax.f32 v8, v9;
	(pc) =	sbr.rel @p0 .LBB2_63-.Ltmp52, $4  }
0x43e: {  	s14 =	sadd.s32 $0x10, s14;
	[tilespmem:s13+$0x0] =	vst v8  }
0x43f: {  	v8 =	vld [tilespmem:s14+$0x640]  }
0x440: {  	s16 =	sand.u32 $0x7F0, s15;
	v9 =	vld [tilespmem:s14+$0x0]  }
0x441: {  	s15 =	sadd.s32 $0x10, s15;
	v10 =	vld [tilespmem:s16+$0x1E180]  }
0x442: {  	v11 =	vld [tilespmem:s14+$0x12C0];
	_ =	sdelay $0x4  }
0x443: {  	v8 =	vmax.f32 v9, v8;
	v9 =	vmax.f32 v10, v11  }
0x444: {  	s13 =	sadd.s32 $0x10, s13;
	v8 =	vmax.f32 v8, v9  }
0x445: {  	s21 =	simm.s32 $0x0;
	s15 =	rddreg [dreg:$0xf];
	[tilespmem:s13+$0x0] =	vst v8;
	s13 =	simm.s32 $0x1CE80  }
0x446: {  	[hbm4b:s15+s21] =	stream.linear.scatter [tilespmem:s13], [sflag:$0x3], $0x640, $0x38;
	[tilespmem:$0x1EE80] =	vst v63  }
0x447: {  	_ =	swait.ge [sflag:s28], $0x640  }
0x448: {  	s16 =	sld [smem:$0x7DE]  }
0x449: {  	[sflag:s28] =	ssyncset.done $0x0  }
0x44a: {  	s22 =	simm.s32 $0x1D500;
	[sflag:s28] =	ssyncadd.s32 $0xFFFFF9C0  }
0x44b: {  	[tilespmem:s22], [sflag:$0x3] =	stream.linear.gather [hbm4b:s16+s21], $0x640, $0x38;
	[tilespmem:$0x1EE80] =	vst v63  }
0x44c: {  	_ =	swait.ge [sflag:s28], $0x640  }
0x44d: {  	s23 =	sld [smem:$0x7DF]  }
0x44e: {  	[sflag:s28] =	ssyncset.done $0x0  }
0x44f: {  	[sflag:s28] =	ssyncadd.s32 $0xFFFFF9C0  }
0x450: {  	[tilespmem:s9], [sflag:$0x3] =	stream.linear.gather [hbm4b:s23+s21], $0x640, $0x38;
	[tilespmem:$0x1EE80] =	vst v63  }
0x451: {  	_ =	swait.ge [sflag:s28], $0x640  }
0x452: {  	s24 =	sld [smem:$0x7E0]  }
0x453: {  	[sflag:s28] =	ssyncset.done $0x0  }
0x454: {  	[sflag:s28] =	ssyncadd.s32 $0xFFFFF9C0  }
0x455: {  	[tilespmem:s10], [sflag:$0x3] =	stream.linear.gather [hbm4b:s24+s21], $0x640, $0x38;
	[tilespmem:$0x1EE80] =	vst v63  }
0x456: {  	_ =	swait.ge [sflag:s28], $0x640  }
0x457: {  	s25 =	sld [smem:$0x7E1]  }
0x458: {  	[sflag:s28] =	ssyncset.done $0x0  }
0x459: {  	[sflag:s28] =	ssyncadd.s32 $0xFFFFF9C0  }
0x45a: {  	[tilespmem:s11], [sflag:$0x3] =	stream.linear.gather [hbm4b:s25+s21], $0x640, $0x38;
	[tilespmem:$0x1EE80] =	vst v63  }
0x45b: {  	_ =	swait.ge [sflag:s28], $0x640  }
0x45c: {  	[sflag:s28] =	ssyncset.done $0x0  }
0x45d: {  	[sflag:s28] =	ssyncadd.s32 $0xFFFFF9C0  }
0x45e: {  	v8 =	vld [tilespmem:s22+$0x640]  }
0x45f: {  	s14 =	sand.u32 $0x7F0, s21;
	v9 =	vld [tilespmem:s22+$0x0]  }
0x460: {  	v10 =	vld [tilespmem:s14+$0x1E180]  }
0x461: {  	v11 =	vld [tilespmem:s22+$0x12C0];
	_ =	sdelay $0x4  }
0x462: {  	v8 =	vmax.f32 v9, v8;
	v9 =	vmax.f32 v10, v11  }
0x463: {  	v8 =	vmax.f32 v8, v9  }
0x464: {  	s14 =	simm.s32 $0x1D510;
	[tilespmem:s13+$0x0] =	vst v8  }
0x465: {  	s26 =	simm.s32 $0x10;
	v8 =	vld [tilespmem:s14+$0x640]  }
0x466: {  	s15 =	sand.u32 $0x7F0, s26;
	v9 =	vld [tilespmem:s14+$0x0]  }
0x467: {  	v10 =	vld [tilespmem:s15+$0x1E180];
	s15 =	simm.s32 $0x20  }
.LBB2_65:
0x468: {  	p0 =	sne.s32 s15, $0x630;
	v11 =	vld [tilespmem:s14+$0x12C0];
	_ =	sdelay $0x4  }
0x469: {  	v8 =	vmax.f32 v9, v8;
	v9 =	vmax.f32 v10, v11  }
.Ltmp53:
0x46a: {  	s13 =	sadd.s32 $0x10, s13;
	v8 =	vmax.f32 v8, v9;
	(pc) =	sbr.rel @p0 .LBB2_65-.Ltmp53, $4  }
0x46b: {  	s14 =	sadd.s32 $0x10, s14;
	[tilespmem:s13+$0x0] =	vst v8  }
0x46c: {  	v8 =	vld [tilespmem:s14+$0x640]  }
0x46d: {  	s16 =	sand.u32 $0x7F0, s15;
	v9 =	vld [tilespmem:s14+$0x0]  }
0x46e: {  	s15 =	sadd.s32 $0x10, s15;
	v10 =	vld [tilespmem:s16+$0x1E180]  }
0x46f: {  	v11 =	vld [tilespmem:s14+$0x12C0];
	_ =	sdelay $0x4  }
0x470: {  	v8 =	vmax.f32 v9, v8;
	v9 =	vmax.f32 v10, v11  }
0x471: {  	s13 =	sadd.s32 $0x10, s13;
	v8 =	vmax.f32 v8, v9  }
0x472: {  	s21 =	simm.s32 $0x0;
	s15 =	rddreg [dreg:$0x10];
	[tilespmem:s13+$0x0] =	vst v8;
	s13 =	simm.s32 $0x1CE80  }
0x473: {  	[hbm4b:s15+s21] =	stream.linear.scatter [tilespmem:s13], [sflag:$0x3], $0x640, $0x38;
	[tilespmem:$0x1EE80] =	vst v63  }
0x474: {  	_ =	swait.ge [sflag:s28], $0x640  }
0x475: {  	s16 =	sld [smem:$0x7E2]  }
0x476: {  	[sflag:s28] =	ssyncset.done $0x0  }
0x477: {  	s22 =	simm.s32 $0x1D500;
	[sflag:s28] =	ssyncadd.s32 $0xFFFFF9C0  }
0x478: {  	[tilespmem:s22], [sflag:$0x3] =	stream.linear.gather [hbm4b:s16+s21], $0x640, $0x38;
	[tilespmem:$0x1EE80] =	vst v63  }
0x479: {  	_ =	swait.ge [sflag:s28], $0x640  }
0x47a: {  	s23 =	sld [smem:$0x7E3]  }
0x47b: {  	[sflag:s28] =	ssyncset.done $0x0  }
0x47c: {  	[sflag:s28] =	ssyncadd.s32 $0xFFFFF9C0  }
0x47d: {  	[tilespmem:s9], [sflag:$0x3] =	stream.linear.gather [hbm4b:s23+s21], $0x640, $0x38;
	[tilespmem:$0x1EE80] =	vst v63  }
0x47e: {  	_ =	swait.ge [sflag:s28], $0x640  }
0x47f: {  	s24 =	sld [smem:$0x7E4]  }
0x480: {  	[sflag:s28] =	ssyncset.done $0x0  }
0x481: {  	[sflag:s28] =	ssyncadd.s32 $0xFFFFF9C0  }
0x482: {  	[tilespmem:s10], [sflag:$0x3] =	stream.linear.gather [hbm4b:s24+s21], $0x640, $0x38;
	[tilespmem:$0x1EE80] =	vst v63  }
0x483: {  	_ =	swait.ge [sflag:s28], $0x640  }
0x484: {  	s25 =	sld [smem:$0x7E5]  }
0x485: {  	[sflag:s28] =	ssyncset.done $0x0  }
0x486: {  	[sflag:s28] =	ssyncadd.s32 $0xFFFFF9C0  }
0x487: {  	[tilespmem:s11], [sflag:$0x3] =	stream.linear.gather [hbm4b:s25+s21], $0x640, $0x38;
	[tilespmem:$0x1EE80] =	vst v63  }
0x488: {  	_ =	swait.ge [sflag:s28], $0x640  }
0x489: {  	[sflag:s28] =	ssyncset.done $0x0  }
0x48a: {  	[sflag:s28] =	ssyncadd.s32 $0xFFFFF9C0  }
0x48b: {  	v8 =	vld [tilespmem:s22+$0x640]  }
0x48c: {  	s14 =	sand.u32 $0x7F0, s21;
	v9 =	vld [tilespmem:s22+$0x0]  }
0x48d: {  	v10 =	vld [tilespmem:s14+$0x1E180]  }
0x48e: {  	v11 =	vld [tilespmem:s22+$0x12C0];
	_ =	sdelay $0x4  }
0x48f: {  	v8 =	vmax.f32 v9, v8;
	v9 =	vmax.f32 v10, v11  }
0x490: {  	v8 =	vmax.f32 v8, v9  }
0x491: {  	s14 =	simm.s32 $0x1D510;
	[tilespmem:s13+$0x0] =	vst v8  }
0x492: {  	s26 =	simm.s32 $0x10;
	v8 =	vld [tilespmem:s14+$0x640]  }
0x493: {  	s15 =	sand.u32 $0x7F0, s26;
	v9 =	vld [tilespmem:s14+$0x0]  }
0x494: {  	v10 =	vld [tilespmem:s15+$0x1E180];
	s15 =	simm.s32 $0x20  }
.LBB2_67:
0x495: {  	p0 =	sne.s32 s15, $0x630;
	v11 =	vld [tilespmem:s14+$0x12C0];
	_ =	sdelay $0x4  }
0x496: {  	v8 =	vmax.f32 v9, v8;
	v9 =	vmax.f32 v10, v11  }
.Ltmp54:
0x497: {  	s13 =	sadd.s32 $0x10, s13;
	v8 =	vmax.f32 v8, v9;
	(pc) =	sbr.rel @p0 .LBB2_67-.Ltmp54, $4  }
0x498: {  	s14 =	sadd.s32 $0x10, s14;
	[tilespmem:s13+$0x0] =	vst v8  }
0x499: {  	v8 =	vld [tilespmem:s14+$0x640]  }
0x49a: {  	s16 =	sand.u32 $0x7F0, s15;
	v9 =	vld [tilespmem:s14+$0x0]  }
0x49b: {  	s15 =	sadd.s32 $0x10, s15;
	v10 =	vld [tilespmem:s16+$0x1E180]  }
0x49c: {  	v11 =	vld [tilespmem:s14+$0x12C0];
	_ =	sdelay $0x4  }
0x49d: {  	v8 =	vmax.f32 v9, v8;
	v9 =	vmax.f32 v10, v11  }
0x49e: {  	s13 =	sadd.s32 $0x10, s13;
	v8 =	vmax.f32 v8, v9  }
0x49f: {  	s21 =	simm.s32 $0x0;
	s15 =	rddreg [dreg:$0x12];
	[tilespmem:s13+$0x0] =	vst v8;
	s13 =	simm.s32 $0x1CE80  }
0x4a0: {  	[hbm4b:s15+s21] =	stream.linear.scatter [tilespmem:s13], [sflag:$0x3], $0x640, $0x38;
	[tilespmem:$0x1EE80] =	vst v63  }
0x4a1: {  	_ =	swait.ge [sflag:s28], $0x640  }
0x4a2: {  	s16 =	sld [smem:$0x7E6]  }
0x4a3: {  	[sflag:s28] =	ssyncset.done $0x0  }
0x4a4: {  	s22 =	simm.s32 $0x1D500;
	[sflag:s28] =	ssyncadd.s32 $0xFFFFF9C0  }
0x4a5: {  	[tilespmem:s22], [sflag:$0x3] =	stream.linear.gather [hbm4b:s16+s21], $0x640, $0x38;
	[tilespmem:$0x1EE80] =	vst v63  }
0x4a6: {  	_ =	swait.ge [sflag:s28], $0x640  }
0x4a7: {  	s23 =	sld [smem:$0x7E7]  }
0x4a8: {  	[sflag:s28] =	ssyncset.done $0x0  }
0x4a9: {  	[sflag:s28] =	ssyncadd.s32 $0xFFFFF9C0  }
0x4aa: {  	[tilespmem:s9], [sflag:$0x3] =	stream.linear.gather [hbm4b:s23+s21], $0x640, $0x38;
	[tilespmem:$0x1EE80] =	vst v63  }
0x4ab: {  	_ =	swait.ge [sflag:s28], $0x640  }
0x4ac: {  	s24 =	sld [smem:$0x7E8]  }
0x4ad: {  	[sflag:s28] =	ssyncset.done $0x0  }
0x4ae: {  	[sflag:s28] =	ssyncadd.s32 $0xFFFFF9C0  }
0x4af: {  	[tilespmem:s10], [sflag:$0x3] =	stream.linear.gather [hbm4b:s24+s21], $0x640, $0x38;
	[tilespmem:$0x1EE80] =	vst v63  }
0x4b0: {  	_ =	swait.ge [sflag:s28], $0x640  }
0x4b1: {  	s25 =	sld [smem:$0x7E9]  }
0x4b2: {  	[sflag:s28] =	ssyncset.done $0x0  }
0x4b3: {  	[sflag:s28] =	ssyncadd.s32 $0xFFFFF9C0  }
0x4b4: {  	[tilespmem:s11], [sflag:$0x3] =	stream.linear.gather [hbm4b:s25+s21], $0x640, $0x38;
	[tilespmem:$0x1EE80] =	vst v63  }
0x4b5: {  	_ =	swait.ge [sflag:s28], $0x640  }
0x4b6: {  	[sflag:s28] =	ssyncset.done $0x0  }
0x4b7: {  	[sflag:s28] =	ssyncadd.s32 $0xFFFFF9C0  }
0x4b8: {  	v8 =	vld [tilespmem:s22+$0x640]  }
0x4b9: {  	s14 =	sand.u32 $0x7F0, s21;
	v9 =	vld [tilespmem:s22+$0x0]  }
0x4ba: {  	v10 =	vld [tilespmem:s14+$0x1E180]  }
0x4bb: {  	v11 =	vld [tilespmem:s22+$0x12C0];
	_ =	sdelay $0x4  }
0x4bc: {  	v8 =	vmax.f32 v9, v8;
	v9 =	vmax.f32 v10, v11  }
0x4bd: {  	v8 =	vmax.f32 v8, v9  }
0x4be: {  	s14 =	simm.s32 $0x1D510;
	[tilespmem:s13+$0x0] =	vst v8  }
0x4bf: {  	s26 =	simm.s32 $0x10;
	v8 =	vld [tilespmem:s14+$0x640]  }
0x4c0: {  	s15 =	sand.u32 $0x7F0, s26;
	v9 =	vld [tilespmem:s14+$0x0]  }
0x4c1: {  	v10 =	vld [tilespmem:s15+$0x1E180];
	s15 =	simm.s32 $0x20  }
.LBB2_69:
0x4c2: {  	p0 =	sne.s32 s15, $0x630;
	v11 =	vld [tilespmem:s14+$0x12C0];
	_ =	sdelay $0x4  }
0x4c3: {  	v8 =	vmax.f32 v9, v8;
	v9 =	vmax.f32 v10, v11  }
.Ltmp55:
0x4c4: {  	s13 =	sadd.s32 $0x10, s13;
	v8 =	vmax.f32 v8, v9;
	(pc) =	sbr.rel @p0 .LBB2_69-.Ltmp55, $4  }
0x4c5: {  	s14 =	sadd.s32 $0x10, s14;
	[tilespmem:s13+$0x0] =	vst v8  }
0x4c6: {  	v8 =	vld [tilespmem:s14+$0x640]  }
0x4c7: {  	s16 =	sand.u32 $0x7F0, s15;
	v9 =	vld [tilespmem:s14+$0x0]  }
0x4c8: {  	s15 =	sadd.s32 $0x10, s15;
	v10 =	vld [tilespmem:s16+$0x1E180]  }
0x4c9: {  	v11 =	vld [tilespmem:s14+$0x12C0];
	_ =	sdelay $0x4  }
0x4ca: {  	v8 =	vmax.f32 v9, v8;
	v9 =	vmax.f32 v10, v11  }
0x4cb: {  	s13 =	sadd.s32 $0x10, s13;
	v8 =	vmax.f32 v8, v9  }
0x4cc: {  	s21 =	simm.s32 $0x0;
	s15 =	rddreg [dreg:$0x13];
	[tilespmem:s13+$0x0] =	vst v8;
	s13 =	simm.s32 $0x1CE80  }
0x4cd: {  	[hbm4b:s15+s21] =	stream.linear.scatter [tilespmem:s13], [sflag:$0x3], $0x640, $0x38;
	[tilespmem:$0x1EE80] =	vst v63  }
0x4ce: {  	_ =	swait.ge [sflag:s28], $0x640  }
0x4cf: {  	s16 =	sld [smem:$0x7EA]  }
0x4d0: {  	[sflag:s28] =	ssyncset.done $0x0  }
0x4d1: {  	s22 =	simm.s32 $0x1D500;
	[sflag:s28] =	ssyncadd.s32 $0xFFFFF9C0  }
0x4d2: {  	[tilespmem:s22], [sflag:$0x3] =	stream.linear.gather [hbm4b:s16+s21], $0x640, $0x38;
	[tilespmem:$0x1EE80] =	vst v63  }
0x4d3: {  	_ =	swait.ge [sflag:s28], $0x640  }
0x4d4: {  	s23 =	sld [smem:$0x7EB]  }
0x4d5: {  	[sflag:s28] =	ssyncset.done $0x0  }
0x4d6: {  	[sflag:s28] =	ssyncadd.s32 $0xFFFFF9C0  }
0x4d7: {  	[tilespmem:s9], [sflag:$0x3] =	stream.linear.gather [hbm4b:s23+s21], $0x640, $0x38;
	[tilespmem:$0x1EE80] =	vst v63  }
0x4d8: {  	_ =	swait.ge [sflag:s28], $0x640  }
0x4d9: {  	s24 =	sld [smem:$0x7EC]  }
0x4da: {  	[sflag:s28] =	ssyncset.done $0x0  }
0x4db: {  	[sflag:s28] =	ssyncadd.s32 $0xFFFFF9C0  }
0x4dc: {  	[tilespmem:s10], [sflag:$0x3] =	stream.linear.gather [hbm4b:s24+s21], $0x640, $0x38;
	[tilespmem:$0x1EE80] =	vst v63  }
0x4dd: {  	_ =	swait.ge [sflag:s28], $0x640  }
0x4de: {  	s25 =	sld [smem:$0x7ED]  }
0x4df: {  	[sflag:s28] =	ssyncset.done $0x0  }
0x4e0: {  	[sflag:s28] =	ssyncadd.s32 $0xFFFFF9C0  }
0x4e1: {  	[tilespmem:s11], [sflag:$0x3] =	stream.linear.gather [hbm4b:s25+s21], $0x640, $0x38;
	[tilespmem:$0x1EE80] =	vst v63  }
0x4e2: {  	_ =	swait.ge [sflag:s28], $0x640  }
0x4e3: {  	[sflag:s28] =	ssyncset.done $0x0  }
0x4e4: {  	[sflag:s28] =	ssyncadd.s32 $0xFFFFF9C0  }
0x4e5: {  	v8 =	vld [tilespmem:s22+$0x640]  }
0x4e6: {  	s14 =	sand.u32 $0x7F0, s21;
	v9 =	vld [tilespmem:s22+$0x0]  }
0x4e7: {  	v10 =	vld [tilespmem:s14+$0x1E180]  }
0x4e8: {  	v11 =	vld [tilespmem:s22+$0x12C0];
	_ =	sdelay $0x4  }
0x4e9: {  	v8 =	vmax.f32 v9, v8;
	v9 =	vmax.f32 v10, v11  }
0x4ea: {  	v8 =	vmax.f32 v8, v9  }
0x4eb: {  	s14 =	simm.s32 $0x1D510;
	[tilespmem:s13+$0x0] =	vst v8  }
0x4ec: {  	s26 =	simm.s32 $0x10;
	v8 =	vld [tilespmem:s14+$0x640]  }
0x4ed: {  	s15 =	sand.u32 $0x7F0, s26;
	v9 =	vld [tilespmem:s14+$0x0]  }
0x4ee: {  	v10 =	vld [tilespmem:s15+$0x1E180];
	s15 =	simm.s32 $0x20  }
.LBB2_71:
0x4ef: {  	p0 =	sne.s32 s15, $0x630;
	v11 =	vld [tilespmem:s14+$0x12C0];
	_ =	sdelay $0x4  }
0x4f0: {  	v8 =	vmax.f32 v9, v8;
	v9 =	vmax.f32 v10, v11  }
.Ltmp56:
0x4f1: {  	s13 =	sadd.s32 $0x10, s13;
	v8 =	vmax.f32 v8, v9;
	(pc) =	sbr.rel @p0 .LBB2_71-.Ltmp56, $4  }
0x4f2: {  	s14 =	sadd.s32 $0x10, s14;
	[tilespmem:s13+$0x0] =	vst v8  }
0x4f3: {  	v8 =	vld [tilespmem:s14+$0x640]  }
0x4f4: {  	s16 =	sand.u32 $0x7F0, s15;
	v9 =	vld [tilespmem:s14+$0x0]  }
0x4f5: {  	s15 =	sadd.s32 $0x10, s15;
	v10 =	vld [tilespmem:s16+$0x1E180]  }
0x4f6: {  	v11 =	vld [tilespmem:s14+$0x12C0];
	_ =	sdelay $0x4  }
0x4f7: {  	v8 =	vmax.f32 v9, v8;
	v9 =	vmax.f32 v10, v11  }
0x4f8: {  	s13 =	sadd.s32 $0x10, s13;
	v8 =	vmax.f32 v8, v9  }
0x4f9: {  	s21 =	simm.s32 $0x0;
	s15 =	rddreg [dreg:$0x15];
	[tilespmem:s13+$0x0] =	vst v8;
	s13 =	simm.s32 $0x1CE80  }
0x4fa: {  	[hbm4b:s15+s21] =	stream.linear.scatter [tilespmem:s13], [sflag:$0x3], $0x640, $0x38;
	[tilespmem:$0x1EE80] =	vst v63  }
0x4fb: {  	_ =	swait.ge [sflag:s28], $0x640  }
0x4fc: {  	s16 =	sld [smem:$0x7EE]  }
0x4fd: {  	[sflag:s28] =	ssyncset.done $0x0  }
0x4fe: {  	s22 =	simm.s32 $0x1D500;
	[sflag:s28] =	ssyncadd.s32 $0xFFFFF9C0  }
0x4ff: {  	[tilespmem:s22], [sflag:$0x3] =	stream.linear.gather [hbm4b:s16+s21], $0x640, $0x38;
	[tilespmem:$0x1EE80] =	vst v63  }
0x500: {  	_ =	swait.ge [sflag:s28], $0x640  }
0x501: {  	s23 =	sld [smem:$0x7EF]  }
0x502: {  	[sflag:s28] =	ssyncset.done $0x0  }
0x503: {  	[sflag:s28] =	ssyncadd.s32 $0xFFFFF9C0  }
0x504: {  	[tilespmem:s9], [sflag:$0x3] =	stream.linear.gather [hbm4b:s23+s21], $0x640, $0x38;
	[tilespmem:$0x1EE80] =	vst v63  }
0x505: {  	_ =	swait.ge [sflag:s28], $0x640  }
0x506: {  	s24 =	sld [smem:$0x7F0]  }
0x507: {  	[sflag:s28] =	ssyncset.done $0x0  }
0x508: {  	[sflag:s28] =	ssyncadd.s32 $0xFFFFF9C0  }
0x509: {  	[tilespmem:s10], [sflag:$0x3] =	stream.linear.gather [hbm4b:s24+s21], $0x640, $0x38;
	[tilespmem:$0x1EE80] =	vst v63  }
0x50a: {  	_ =	swait.ge [sflag:s28], $0x640  }
0x50b: {  	s25 =	sld [smem:$0x7F1]  }
0x50c: {  	[sflag:s28] =	ssyncset.done $0x0  }
0x50d: {  	[sflag:s28] =	ssyncadd.s32 $0xFFFFF9C0  }
0x50e: {  	[tilespmem:s11], [sflag:$0x3] =	stream.linear.gather [hbm4b:s25+s21], $0x640, $0x38;
	[tilespmem:$0x1EE80] =	vst v63  }
0x50f: {  	_ =	swait.ge [sflag:s28], $0x640  }
0x510: {  	[sflag:s28] =	ssyncset.done $0x0  }
0x511: {  	[sflag:s28] =	ssyncadd.s32 $0xFFFFF9C0  }
0x512: {  	v8 =	vld [tilespmem:s22+$0x640]  }
0x513: {  	s14 =	sand.u32 $0x7F0, s21;
	v9 =	vld [tilespmem:s22+$0x0]  }
0x514: {  	v10 =	vld [tilespmem:s14+$0x1E180]  }
0x515: {  	v11 =	vld [tilespmem:s22+$0x12C0];
	_ =	sdelay $0x4  }
0x516: {  	v8 =	vmax.f32 v9, v8;
	v9 =	vmax.f32 v10, v11  }
0x517: {  	v8 =	vmax.f32 v8, v9  }
0x518: {  	s14 =	simm.s32 $0x1D510;
	[tilespmem:s13+$0x0] =	vst v8  }
0x519: {  	s26 =	simm.s32 $0x10;
	v8 =	vld [tilespmem:s14+$0x640]  }
0x51a: {  	s15 =	sand.u32 $0x7F0, s26;
	v9 =	vld [tilespmem:s14+$0x0]  }
0x51b: {  	v10 =	vld [tilespmem:s15+$0x1E180];
	s15 =	simm.s32 $0x20  }
.LBB2_73:
0x51c: {  	p0 =	sne.s32 s15, $0x630;
	v11 =	vld [tilespmem:s14+$0x12C0];
	_ =	sdelay $0x4  }
0x51d: {  	v8 =	vmax.f32 v9, v8;
	v9 =	vmax.f32 v10, v11  }
.Ltmp57:
0x51e: {  	s13 =	sadd.s32 $0x10, s13;
	v8 =	vmax.f32 v8, v9;
	(pc) =	sbr.rel @p0 .LBB2_73-.Ltmp57, $4  }
0x51f: {  	s14 =	sadd.s32 $0x10, s14;
	[tilespmem:s13+$0x0] =	vst v8  }
0x520: {  	v8 =	vld [tilespmem:s14+$0x640]  }
0x521: {  	s16 =	sand.u32 $0x7F0, s15;
	v9 =	vld [tilespmem:s14+$0x0]  }
0x522: {  	s15 =	sadd.s32 $0x10, s15;
	v10 =	vld [tilespmem:s16+$0x1E180]  }
0x523: {  	v11 =	vld [tilespmem:s14+$0x12C0];
	_ =	sdelay $0x4  }
0x524: {  	v8 =	vmax.f32 v9, v8;
	v9 =	vmax.f32 v10, v11  }
0x525: {  	s13 =	sadd.s32 $0x10, s13;
	v8 =	vmax.f32 v8, v9  }
0x526: {  	s21 =	simm.s32 $0x0;
	s15 =	rddreg [dreg:$0x16];
	[tilespmem:s13+$0x0] =	vst v8;
	s13 =	simm.s32 $0x1CE80  }
0x527: {  	[hbm4b:s15+s21] =	stream.linear.scatter [tilespmem:s13], [sflag:$0x3], $0x640, $0x38;
	[tilespmem:$0x1EE80] =	vst v63  }
0x528: {  	_ =	swait.ge [sflag:s28], $0x640  }
0x529: {  	s16 =	sld [smem:$0x7F2]  }
0x52a: {  	[sflag:s28] =	ssyncset.done $0x0  }
0x52b: {  	s22 =	simm.s32 $0x1D500;
	[sflag:s28] =	ssyncadd.s32 $0xFFFFF9C0  }
0x52c: {  	[tilespmem:s22], [sflag:$0x3] =	stream.linear.gather [hbm4b:s16+s21], $0x640, $0x38;
	[tilespmem:$0x1EE80] =	vst v63  }
0x52d: {  	_ =	swait.ge [sflag:s28], $0x640  }
0x52e: {  	s23 =	sld [smem:$0x7F3]  }
0x52f: {  	[sflag:s28] =	ssyncset.done $0x0  }
0x530: {  	[sflag:s28] =	ssyncadd.s32 $0xFFFFF9C0  }
0x531: {  	[tilespmem:s9], [sflag:$0x3] =	stream.linear.gather [hbm4b:s23+s21], $0x640, $0x38;
	[tilespmem:$0x1EE80] =	vst v63  }
0x532: {  	_ =	swait.ge [sflag:s28], $0x640  }
0x533: {  	s24 =	sld [smem:$0x7F4]  }
0x534: {  	[sflag:s28] =	ssyncset.done $0x0  }
0x535: {  	[sflag:s28] =	ssyncadd.s32 $0xFFFFF9C0  }
0x536: {  	[tilespmem:s10], [sflag:$0x3] =	stream.linear.gather [hbm4b:s24+s21], $0x640, $0x38;
	[tilespmem:$0x1EE80] =	vst v63  }
0x537: {  	_ =	swait.ge [sflag:s28], $0x640  }
0x538: {  	s25 =	sld [smem:$0x7F5]  }
0x539: {  	[sflag:s28] =	ssyncset.done $0x0  }
0x53a: {  	[sflag:s28] =	ssyncadd.s32 $0xFFFFF9C0  }
0x53b: {  	[tilespmem:s11], [sflag:$0x3] =	stream.linear.gather [hbm4b:s25+s21], $0x640, $0x38;
	[tilespmem:$0x1EE80] =	vst v63  }
0x53c: {  	_ =	swait.ge [sflag:s28], $0x640  }
0x53d: {  	[sflag:s28] =	ssyncset.done $0x0  }
0x53e: {  	[sflag:s28] =	ssyncadd.s32 $0xFFFFF9C0  }
0x53f: {  	v8 =	vld [tilespmem:s22+$0x640]  }
0x540: {  	s14 =	sand.u32 $0x7F0, s21;
	v9 =	vld [tilespmem:s22+$0x0]  }
0x541: {  	v10 =	vld [tilespmem:s14+$0x1E180]  }
0x542: {  	v11 =	vld [tilespmem:s22+$0x12C0];
	_ =	sdelay $0x4  }
0x543: {  	v8 =	vmax.f32 v9, v8;
	v9 =	vmax.f32 v10, v11  }
0x544: {  	v8 =	vmax.f32 v8, v9  }
0x545: {  	s14 =	simm.s32 $0x1D510;
	[tilespmem:s13+$0x0] =	vst v8  }
0x546: {  	s26 =	simm.s32 $0x10;
	v8 =	vld [tilespmem:s14+$0x640]  }
0x547: {  	s15 =	sand.u32 $0x7F0, s26;
	v9 =	vld [tilespmem:s14+$0x0]  }
0x548: {  	v10 =	vld [tilespmem:s15+$0x1E180];
	s15 =	simm.s32 $0x20  }
.LBB2_75:
0x549: {  	p0 =	sne.s32 s15, $0x630;
	v11 =	vld [tilespmem:s14+$0x12C0];
	_ =	sdelay $0x4  }
0x54a: {  	v8 =	vmax.f32 v9, v8;
	v9 =	vmax.f32 v10, v11  }
.Ltmp58:
0x54b: {  	s13 =	sadd.s32 $0x10, s13;
	v8 =	vmax.f32 v8, v9;
	(pc) =	sbr.rel @p0 .LBB2_75-.Ltmp58, $4  }
0x54c: {  	s14 =	sadd.s32 $0x10, s14;
	[tilespmem:s13+$0x0] =	vst v8  }
0x54d: {  	v8 =	vld [tilespmem:s14+$0x640]  }
0x54e: {  	s16 =	sand.u32 $0x7F0, s15;
	v9 =	vld [tilespmem:s14+$0x0]  }
0x54f: {  	s15 =	sadd.s32 $0x10, s15;
	v10 =	vld [tilespmem:s16+$0x1E180]  }
0x550: {  	v11 =	vld [tilespmem:s14+$0x12C0];
	_ =	sdelay $0x4  }
0x551: {  	v8 =	vmax.f32 v9, v8;
	v9 =	vmax.f32 v10, v11  }
0x552: {  	s13 =	sadd.s32 $0x10, s13;
	v8 =	vmax.f32 v8, v9  }
0x553: {  	s21 =	simm.s32 $0x0;
	s15 =	rddreg [dreg:$0x18];
	[tilespmem:s13+$0x0] =	vst v8;
	s13 =	simm.s32 $0x1CE80  }
0x554: {  	[hbm4b:s15+s21] =	stream.linear.scatter [tilespmem:s13], [sflag:$0x3], $0x640, $0x38;
	[tilespmem:$0x1EE80] =	vst v63  }
0x555: {  	_ =	swait.ge [sflag:s28], $0x640  }
0x556: {  	s16 =	sld [smem:$0x7F6]  }
0x557: {  	[sflag:s28] =	ssyncset.done $0x0  }
0x558: {  	s22 =	simm.s32 $0x1D500;
	[sflag:s28] =	ssyncadd.s32 $0xFFFFF9C0  }
0x559: {  	[tilespmem:s22], [sflag:$0x3] =	stream.linear.gather [hbm4b:s16+s21], $0x640, $0x38;
	[tilespmem:$0x1EE80] =	vst v63  }
0x55a: {  	_ =	swait.ge [sflag:s28], $0x640  }
0x55b: {  	s23 =	sld [smem:$0x7F7]  }
0x55c: {  	[sflag:s28] =	ssyncset.done $0x0  }
0x55d: {  	[sflag:s28] =	ssyncadd.s32 $0xFFFFF9C0  }
0x55e: {  	[tilespmem:s9], [sflag:$0x3] =	stream.linear.gather [hbm4b:s23+s21], $0x640, $0x38;
	[tilespmem:$0x1EE80] =	vst v63  }
0x55f: {  	_ =	swait.ge [sflag:s28], $0x640  }
0x560: {  	s24 =	sld [smem:$0x7F8]  }
0x561: {  	[sflag:s28] =	ssyncset.done $0x0  }
0x562: {  	[sflag:s28] =	ssyncadd.s32 $0xFFFFF9C0  }
0x563: {  	[tilespmem:s10], [sflag:$0x3] =	stream.linear.gather [hbm4b:s24+s21], $0x640, $0x38;
	[tilespmem:$0x1EE80] =	vst v63  }
0x564: {  	_ =	swait.ge [sflag:s28], $0x640  }
0x565: {  	s25 =	sld [smem:$0x7F9]  }
0x566: {  	[sflag:s28] =	ssyncset.done $0x0  }
0x567: {  	[sflag:s28] =	ssyncadd.s32 $0xFFFFF9C0  }
0x568: {  	[tilespmem:s11], [sflag:$0x3] =	stream.linear.gather [hbm4b:s25+s21], $0x640, $0x38;
	[tilespmem:$0x1EE80] =	vst v63  }
0x569: {  	_ =	swait.ge [sflag:s28], $0x640  }
0x56a: {  	[sflag:s28] =	ssyncset.done $0x0  }
0x56b: {  	[sflag:s28] =	ssyncadd.s32 $0xFFFFF9C0  }
0x56c: {  	v8 =	vld [tilespmem:s22+$0x640]  }
0x56d: {  	s14 =	sand.u32 $0x7F0, s21;
	v9 =	vld [tilespmem:s22+$0x0]  }
0x56e: {  	v10 =	vld [tilespmem:s14+$0x1E180]  }
0x56f: {  	v11 =	vld [tilespmem:s22+$0x12C0];
	_ =	sdelay $0x4  }
0x570: {  	v8 =	vmax.f32 v9, v8;
	v9 =	vmax.f32 v10, v11  }
0x571: {  	v8 =	vmax.f32 v8, v9  }
0x572: {  	s14 =	simm.s32 $0x1D510;
	[tilespmem:s13+$0x0] =	vst v8  }
0x573: {  	s26 =	simm.s32 $0x10;
	v8 =	vld [tilespmem:s14+$0x640]  }
0x574: {  	s15 =	sand.u32 $0x7F0, s26;
	v9 =	vld [tilespmem:s14+$0x0]  }
0x575: {  	v10 =	vld [tilespmem:s15+$0x1E180];
	s15 =	simm.s32 $0x20  }
.LBB2_77:
0x576: {  	p0 =	sne.s32 s15, $0x630;
	v11 =	vld [tilespmem:s14+$0x12C0];
	_ =	sdelay $0x4  }
0x577: {  	v8 =	vmax.f32 v9, v8;
	v9 =	vmax.f32 v10, v11  }
.Ltmp59:
0x578: {  	s13 =	sadd.s32 $0x10, s13;
	v8 =	vmax.f32 v8, v9;
	(pc) =	sbr.rel @p0 .LBB2_77-.Ltmp59, $4  }
0x579: {  	s14 =	sadd.s32 $0x10, s14;
	[tilespmem:s13+$0x0] =	vst v8  }
0x57a: {  	v8 =	vld [tilespmem:s14+$0x640]  }
0x57b: {  	s16 =	sand.u32 $0x7F0, s15;
	v9 =	vld [tilespmem:s14+$0x0]  }
0x57c: {  	s15 =	sadd.s32 $0x10, s15;
	v10 =	vld [tilespmem:s16+$0x1E180]  }
0x57d: {  	v11 =	vld [tilespmem:s14+$0x12C0];
	_ =	sdelay $0x4  }
0x57e: {  	v8 =	vmax.f32 v9, v8;
	v9 =	vmax.f32 v10, v11  }
0x57f: {  	s13 =	sadd.s32 $0x10, s13;
	v8 =	vmax.f32 v8, v9  }
0x580: {  	s21 =	simm.s32 $0x0;
	s15 =	rddreg [dreg:$0x19];
	[tilespmem:s13+$0x0] =	vst v8;
	s13 =	simm.s32 $0x1CE80  }
0x581: {  	[hbm4b:s15+s21] =	stream.linear.scatter [tilespmem:s13], [sflag:$0x3], $0x640, $0x38;
	[tilespmem:$0x1EE80] =	vst v63  }
0x582: {  	_ =	swait.ge [sflag:s28], $0x640  }
0x583: {  	s16 =	sld [smem:$0x7FA]  }
0x584: {  	[sflag:s28] =	ssyncset.done $0x0  }
0x585: {  	s22 =	simm.s32 $0x1D500;
	[sflag:s28] =	ssyncadd.s32 $0xFFFFF9C0  }
0x586: {  	[tilespmem:s22], [sflag:$0x3] =	stream.linear.gather [hbm4b:s16+s21], $0x3E8, $0x38;
	[tilespmem:$0x1EE80] =	vst v63  }
0x587: {  	_ =	swait.ge [sflag:s28], $0x3E8  }
0x588: {  	s23 =	sld [smem:$0x7FB]  }
0x589: {  	[sflag:s28] =	ssyncset.done $0x0  }
0x58a: {  	[sflag:s28] =	ssyncadd.s32 $0xFFFFFC18  }
0x58b: {  	[tilespmem:s9], [sflag:$0x3] =	stream.linear.gather [hbm4b:s23+s21], $0x3E8, $0x38;
	[tilespmem:$0x1EE80] =	vst v63  }
0x58c: {  	_ =	swait.ge [sflag:s28], $0x3E8  }
0x58d: {  	s24 =	sld [smem:$0x7FC]  }
0x58e: {  	[sflag:s28] =	ssyncset.done $0x0  }
0x58f: {  	[sflag:s28] =	ssyncadd.s32 $0xFFFFFC18  }
0x590: {  	[tilespmem:s10], [sflag:$0x3] =	stream.linear.gather [hbm4b:s24+s21], $0x3E8, $0x38;
	[tilespmem:$0x1EE80] =	vst v63  }
0x591: {  	_ =	swait.ge [sflag:s28], $0x3E8  }
0x592: {  	s25 =	sld [smem:$0x7FD]  }
0x593: {  	[sflag:s28] =	ssyncset.done $0x0  }
0x594: {  	[sflag:s28] =	ssyncadd.s32 $0xFFFFFC18  }
0x595: {  	[tilespmem:s11], [sflag:$0x3] =	stream.linear.gather [hbm4b:s25+s21], $0x3E8, $0x38;
	[tilespmem:$0x1EE80] =	vst v63  }
0x596: {  	_ =	swait.ge [sflag:s28], $0x3E8  }
0x597: {  	[sflag:s28] =	ssyncset.done $0x0  }
0x598: {  	[sflag:s28] =	ssyncadd.s32 $0xFFFFFC18  }
0x599: {  	v8 =	vld [tilespmem:s22+$0x640]  }
0x59a: {  	s14 =	sand.u32 $0x3F0, s21;
	v9 =	vld [tilespmem:s22+$0x0]  }
0x59b: {  	v10 =	vld [tilespmem:s14+$0x1E180]  }
0x59c: {  	v11 =	vld [tilespmem:s22+$0x12C0];
	_ =	sdelay $0x4  }
0x59d: {  	v8 =	vmax.f32 v9, v8;
	v9 =	vmax.f32 v10, v11  }
0x59e: {  	v8 =	vmax.f32 v8, v9  }
0x59f: {  	s14 =	simm.s32 $0x1D510;
	[tilespmem:s13+$0x0] =	vst v8  }
0x5a0: {  	s26 =	simm.s32 $0x10;
	v8 =	vld [tilespmem:s14+$0x640]  }
0x5a1: {  	s15 =	sand.u32 $0x3F0, s26;
	v9 =	vld [tilespmem:s14+$0x0]  }
0x5a2: {  	v10 =	vld [tilespmem:s15+$0x1E180];
	s15 =	simm.s32 $0x20  }
.LBB2_79:
0x5a3: {  	p0 =	sne.s32 s15, $0x3D0;
	v11 =	vld [tilespmem:s14+$0x12C0];
	_ =	sdelay $0x4  }
0x5a4: {  	v8 =	vmax.f32 v9, v8;
	v9 =	vmax.f32 v10, v11  }
.Ltmp60:
0x5a5: {  	s13 =	sadd.s32 $0x10, s13;
	v8 =	vmax.f32 v8, v9;
	(pc) =	sbr.rel @p0 .LBB2_79-.Ltmp60, $4  }
0x5a6: {  	s14 =	sadd.s32 $0x10, s14;
	[tilespmem:s13+$0x0] =	vst v8  }
0x5a7: {  	v8 =	vld [tilespmem:s14+$0x640]  }
0x5a8: {  	s16 =	sand.u32 $0x3F0, s15;
	v9 =	vld [tilespmem:s14+$0x0]  }
0x5a9: {  	s15 =	sadd.s32 $0x10, s15;
	v10 =	vld [tilespmem:s16+$0x1E180]  }
0x5aa: {  	v11 =	vld [tilespmem:s14+$0x12C0];
	_ =	sdelay $0x4  }
0x5ab: {  	v8 =	vmax.f32 v9, v8;
	v59 =	vmax.f32 v10, v11  }
0x5ac: {  	s13 =	sadd.s32 $0x10, s13;
	v8 =	vmax.f32 v8, v59  }
0x5ad: {  	[tilespmem:s13+$0x0] =	vst v8  }
0x5ae: {  	v8 =	vld [tilespmem:$0x1D8D8]  }
0x5af: {  	v60 =	vld [tilespmem:$0x1DF18]  }
0x5b0: {  	v61 =	vld [tilespmem:$0x1E558]  }
0x5b1: {  	v62 =	vld [tilespmem:$0x1EB98];
	_ =	sdelay $0x4  }
0x5b2: {  	v8 =	vmax.f32 v8, v60;
	v63 =	vmax.f32 v61, v62  }
0x5b3: {  	v8 =	vmax.f32 v8, v63  }
0x5b4: {  	s24 =	rddreg [dreg:$0x1a];
	s25 =	simm.s32 $0x1CE80;
	[tilespmem:$0x1D258] =	vst v8  }
0x5b5: {  	[hbm4b:s24+s5] =	stream.linear.scatter [tilespmem:s25], [sflag:$0x3], $0x3E8, $0x38;
	[tilespmem:$0x1EE80] =	vst v63  }
0x5b6: {  	_ =	swait.ge [sflag:s28], $0x3E8  }
0x5b7: {  	s12 =	sadd.s32 $0x1, s12;
	s26 =	rddreg [dreg:$0x1b]  }
0x5b8: {  	p0 =	sne.s32 s12, s26  }
.Ltmp61:
0x5b9: {  	_ = 	snop;
	(pc) =	sbr.rel @p0 .LBB2_1-.Ltmp61, $3  }
0x5ba: {  	_ =	sdelay $0x1  }
0x5bb: {  	[sflag:s28] =	ssyncset.done $0x0  }
0x5bc: {  	[sflag:s28] =	ssyncadd.s32 $0xFFFFFC18  }
0x5bd: {  	_ =	sfence.sel $0x180000  }
0x5be: {  	[bflag:$0x0] =	sbarrier.arrive $0xFFFF  }
0x5bf: {  	_ =	strace $0x90000047  }
0x5c0: {  	s0 =	stileid.u32;
	[bflag:$0x2] =	sbarrier.arrive $0xFFFF  }
0x5c1: {  	p0 =	sne.s32 s0, $0x0;
	s0 =	rddreg [dreg:$0x4]  }
0x5c2: {  	s0 =	sadd.s32 @!p0 $0x100000, s0  }
0x5c3: {  	[sflag:s0] =	ssyncadd.tile.s32 @!p0 $0x1;
	_ =	shalt  }
.Lfunc_end2:
_tile_overlayer_lowered:
.L_overlay_start_2:
0x5c4: {  	(tag) =	ssettag $0x2  }
0x5c5: {  	s0 =	rddreg [dreg:$0x0];
	s2 =	stileid.u32  }
0x5c6: {  	s1 =	rddreg [dreg:$0x1];
	p0 =	sne.s32 s2, $0x0  }
0x5c7: {  	s3 =	rddreg [dreg:$0x2];
	[bflag:$0x3] =	sbarrier.arrive $0xFFFF;
	s2 =	simm.s32 @!p0 $0x1C03  }
0x5c8: {  	[timem:s3], [sflag:s2] =	dma.local @!p0 [hbm:s0], s1  }
0x5c9: {  	s0 =	simm.s32 @!p0 $0x3  }
0x5ca: {  	_ =	swait.ge @!p0 [sflag:s0], s1  }
0x5cb: {  	s1 =	ssub.s32 @!p0 $0x0, s1;
	[sflag:s0] =	ssyncset.done @!p0 $0x0  }
0x5cc: {  	[sflag:s0] =	ssyncadd.s32 @!p0 s1  }
0x5cd: {  	[bflag:$0x3] =	sbarrier.arrive $0xFFFF  }
0x5ce: {  	_ =	shalt  }

</sc_bundles>
